<compile_context>
chip_gen: v7x
topology: tpu7x:2x2x1
jax: 0.10.2.dev20260603
libtpu: 0.0.44.dev20260713+nightly
codegen_flags: <defaults>
</compile_context>

<pallas_src>
import functools

import jax
import jax.numpy as jnp
from jax import lax
from jax.experimental import pallas as pl
from jax.experimental.pallas import tpu as pltpu
from jax.experimental.pallas import tpu_sc as plsc

FEATURE_DIM = 2048
NHID = 512
K = 64
B = 256
ROWS = B * K
AB = 8
M = AB * K
NW = 32
CH = 16
CHUNKS = (5120, 11264)


def _make_gather_body(nchunk):
    def _gather_body(table_hbm, idx_hbm, out_hbm, idx_v, rows_v, sem0, sem1):
        wid = lax.axis_index("s") * 2 + lax.axis_index("c")
        pltpu.sync_copy(idx_hbm.at[wid], idx_v)
        base = wid * (nchunk * CH)
        sems = (sem0, sem1)

        def gather(j, buf):
            return pltpu.async_copy(table_hbm.at[idx_v.at[j]], rows_v.at[buf],
                                    sems[buf])

        cp = gather(0, 0)
        for j in range(nchunk):
            nxt = gather(j + 1, (j + 1) % 2) if j + 1 < nchunk else None
            cp.wait()
            pltpu.sync_copy(rows_v.at[j % 2],
                            out_hbm.at[pl.ds(base + j * CH, CH)])
            cp = nxt
    return _gather_body


def _sc_gather(features, idx3):
    nw, nchunk, ch = idx3.shape
    mesh = plsc.VectorSubcoreMesh(core_axis_name="c", subcore_axis_name="s")
    return pl.kernel(
        _make_gather_body(nchunk),
        out_type=jax.ShapeDtypeStruct((nw * nchunk * ch, FEATURE_DIM),
                                      jnp.float32),
        mesh=mesh,
        scratch_types=[
            pltpu.VMEM((nchunk, CH), jnp.int32),
            pltpu.VMEM((2, CH, FEATURE_DIM), jnp.float32),
            pltpu.SemaphoreType.DMA,
            pltpu.SemaphoreType.DMA,
        ],
    )(features, idx3)


def _tc_body(xg_ref, w1t_ref, w1b_ref, wc1_ref, b1_ref, bc1_ref, pa_ref,
             wd_ref, sgn_ref, bd_ref, out_ref):
    i = pl.program_id(0)
    x = xg_ref[...]
    xb = x.astype(jnp.bfloat16)
    a = lax.dot_general(xb, xb, (((1,), (1,)), ((), ())),
                        preferred_element_type=jnp.float32)
    row_i = lax.broadcasted_iota(jnp.int32, (M, M), 0)
    col_i = lax.broadcasted_iota(jnp.int32, (M, M), 1)
    blk_r = row_i // K
    e = jnp.where(blk_r == col_i // K, jnp.exp(a), 0.0)
    recip = 1.0 / jnp.sum(e, axis=1, keepdims=True)

    sel = (col_i == blk_r * K).astype(jnp.float32)
    attn_s = (e * recip - sel).astype(jnp.bfloat16)
    p = jnp.dot(xb, w1t_ref[...], preferred_element_type=jnp.float32)
    q = jnp.dot(xb, w1b_ref[...], preferred_element_type=jnp.float32)
    aq = jnp.dot(attn_s, q.astype(jnp.bfloat16),
                 preferred_element_type=jnp.float32)
    p0 = jnp.concatenate(
        [jnp.broadcast_to(p[a0 * K:a0 * K + 1], (K, NHID))
         for a0 in range(AB)], axis=0)
    h = jnp.maximum(p - p0 + aq + b1_ref[...], 0.0)

    z = jnp.dot(h.astype(jnp.bfloat16), wc1_ref[...],
                preferred_element_type=jnp.float32) + bc1_ref[...]
    z = jnp.maximum(z, 0.0) + pa_ref[...] * jnp.minimum(z, 0.0)

    d = jnp.sum(z * wd_ref[...], axis=1, keepdims=True) + bd_ref[0, 0]
    t = sgn_ref[...] * d
    row_loss = jnp.maximum(t, 0.0) + jnp.log(1.0 + jnp.exp(-jnp.abs(t)))
    partial = jnp.sum(row_loss)

    @pl.when(i == 0)
    def _init():
        out_ref[0, 0] = partial

    @pl.when(i != 0)
    def _acc():
        out_ref[0, 0] += partial


def _tc_compute(xg, w1t, w1b, wc1, b1, bc1, pa, wd, sgn, bd):
    grid = xg.shape[0] // M
    const2 = lambda shape: pl.BlockSpec(shape, lambda i: (0, 0))
    return pl.pallas_call(
        _tc_body,
        grid=(grid,),
        in_specs=[
            pl.BlockSpec((M, FEATURE_DIM), lambda i: (i, 0)),
            const2((FEATURE_DIM, NHID)),
            const2((FEATURE_DIM, NHID)),
            const2((NHID, NHID)),
            const2((1, NHID)),
            const2((1, NHID)),
            const2((1, NHID)),
            const2((1, NHID)),
            pl.BlockSpec((M, 1), lambda i: (i, 0)),
            pl.BlockSpec(memory_space=pltpu.SMEM),
        ],
        out_specs=pl.BlockSpec((1, 1), lambda i: (0, 0),
                               memory_space=pltpu.SMEM),
        out_shape=jax.ShapeDtypeStruct((1, 1), jnp.float32),
        compiler_params=pltpu.CompilerParams(
            dimension_semantics=("arbitrary",)),
    )(xg, w1t, w1b, wc1, b1, bc1, pa, wd, sgn, bd)


def kernel(indexes, features, labels, train, ori_knn_neighbor, gt,
           W1, b1, Wc1, bc1, prelu_a, Wc2, bc2):
    flat_idx = ori_knn_neighbor.reshape(-1)

    w1t = W1[:FEATURE_DIM].astype(jnp.bfloat16)
    w1b = W1[FEATURE_DIM:].astype(jnp.bfloat16)
    wc1 = Wc1.astype(jnp.bfloat16)
    wd = (Wc2[:, 1] - Wc2[:, 0]).reshape(1, NHID)
    bd = (bc2[1] - bc2[0]).reshape(1, 1)
    sgn = 1.0 - 2.0 * gt.reshape(-1, 1).astype(jnp.float32)
    b1r = b1.reshape(1, NHID)
    bc1r = bc1.reshape(1, NHID)
    par = prelu_a.reshape(1, NHID)

    loss_sum = jnp.float32(0.0)
    off = 0
    for rc in CHUNKS:
        idx3 = lax.slice_in_dim(flat_idx, off, off + rc).reshape(
            NW, rc // (NW * CH), CH)
        xg = _sc_gather(features, idx3)
        part = _tc_compute(xg, w1t, w1b, wc1, b1r, bc1r, par, wd,
                           lax.slice_in_dim(sgn, off, off + rc), bd)
        loss_sum = loss_sum + part[0, 0]
        off += rc
    return loss_sum / jnp.float32(ROWS)

# --- scband reference (transcript-rebuilt; emitter-appended) ---
"""Pipeline reference for scband-split-gcn-63745904607638 (READ-ONLY COPY).

The authoritative reference and input builder live on the scoring server;
editing this copy changes nothing except your own understanding.
"""

import jax, jax.numpy as jnp
import numpy as np

FEATURE_DIM = 2048
NHID = 512
N_NODES = 20000
B = 256
K = 64
NCLASS = 2


def setup_inputs(seed: int = 0) -> dict:
    key = jax.random.key(seed)
    ks = jax.random.split(key, 16)
    features = jax.random.normal(ks[0], (N_NODES, FEATURE_DIM), dtype=jnp.float32) * 0.05
    indexes = jax.random.randint(ks[1], (B,), 0, N_NODES, dtype=jnp.int32)
    labels = jax.random.randint(ks[2], (N_NODES,), 0, 100, dtype=jnp.int32)
    ori_knn_neighbor = jax.random.randint(ks[3], (B, K), 0, N_NODES, dtype=jnp.int32)
    gt = jax.random.randint(ks[4], (B, K), 0, NCLASS, dtype=jnp.int32)
    # GraphConv (linkage-GCN style): weight [2*in_dim, nhid], bias [nhid]
    W1 = jax.random.normal(ks[5], (2 * FEATURE_DIM, NHID), dtype=jnp.float32) * 0.02
    b1 = jnp.zeros((NHID,), dtype=jnp.float32)
    # classifier: Linear(nhid,nhid) -> PReLU(nhid) -> Linear(nhid,2)
    Wc1 = jax.random.normal(ks[6], (NHID, NHID), dtype=jnp.float32) * 0.02
    bc1 = jnp.zeros((NHID,), dtype=jnp.float32)
    prelu_a = jnp.full((NHID,), 0.25, dtype=jnp.float32)
    Wc2 = jax.random.normal(ks[7], (NHID, NCLASS), dtype=jnp.float32) * 0.02
    bc2 = jnp.zeros((NCLASS,), dtype=jnp.float32)
    return {
        'indexes': indexes, 'features': features, 'labels': labels, 'train': 1,
        'ori_knn_neighbor': ori_knn_neighbor, 'gt': gt,
        'W1': W1, 'b1': b1, 'Wc1': Wc1, 'bc1': bc1, 'prelu_a': prelu_a,
        'Wc2': Wc2, 'bc2': bc2,
    }


def reference(indexes, features, labels, train, ori_knn_neighbor, gt,
              W1, b1, Wc1, bc1, prelu_a, Wc2, bc2):
    # train-branch of Split_GCN.forward
    b = ori_knn_neighbor.shape[0]
    X = jnp.take(features, ori_knn_neighbor.reshape(-1), axis=0).reshape(b, -1, FEATURE_DIM)
    A = jnp.einsum('bnd,bmd->bnm', X, X)
    A = jax.nn.softmax(A, axis=2)
    X = X - X[:, 0:1, :]
    # GraphConv with MeanAggregator: agg = A @ X, concat, linear, relu
    agg = jnp.einsum('bnm,bmd->bnd', A, X)
    cat = jnp.concatenate([X, agg], axis=2)
    h = jax.nn.relu(jnp.einsum('bnd,df->bnf', cat, W1) + b1)
    x0 = h.reshape(-1, NHID)
    z = x0 @ Wc1 + bc1
    z = jnp.maximum(z, 0.0) + prelu_a * jnp.minimum(z, 0.0)  # PReLU(nhid)
    logits = z @ Wc2 + bc2
    g = gt.reshape(-1)
    logp = jax.nn.log_softmax(logits, axis=1)
    loss = -jnp.mean(jnp.take_along_axis(logp, g[:, None], axis=1))
    return loss

if __name__ == "__main__":
    import jax
    _d = setup_inputs()
    print(jax.jit(kernel)(*tuple(_d.values())))

</pallas_src>

<mosaic_0001>
#map = affine_map<(d0, d1) -> (0, 0)>
#map1 = affine_map<(d0, d1) -> (0, 0, 0)>
module attributes {stable_mosaic.version = 14 : i64} {
  func.func @_gather_body(%arg0: i32, %arg1: i32, %arg2: memref<20000x2048xf32, #tpu.memory_space<hbm>>, %arg3: memref<32x10x16xi32, #tpu.memory_space<hbm>>, %arg4: memref<5120x2048xf32, #tpu.memory_space<hbm>>, %arg5: memref<10x16xi32, #tpu.memory_space<vmem>>, %arg6: memref<2x16x2048xf32, #tpu.memory_space<vmem>>, %arg7: memref<!tpu.dma_semaphore, #tpu.memory_space<semaphore_mem>>, %arg8: memref<!tpu.dma_semaphore, #tpu.memory_space<semaphore_mem>>) attributes {dimension_semantics = [#tpu.dimension_semantics<core_parallel>, #tpu.dimension_semantics<subcore_parallel>], iteration_bounds = array<i64: 2, 16>, scalar_prefetch = 0 : i64, scratch_operands = 4 : i64, tpu.core_type = #tpu.core_type<sc_vector_subcore>, window_params = [{transform_indices = #map}, {transform_indices = #map1}, {transform_indices = #map}]} {
    %mul3A = arith.constant 2 : i32
    %mul3A_0 = arith.muli %arg1, %mul3A : i32
    %add3A = arith.addi %mul3A_0, %arg0 : i32
    "tpu.region"() ({
      %run_scoped3A_270 = tpu.sem_alloc : memref<!tpu.dma_semaphore, #tpu.memory_space<semaphore_mem>>
      %dma_start3A_271 = arith.constant 0 : i32
      %dma_start3A_272 = arith.constant 0 : i32
      %dma_start3A_273 = tpu.memref_slice %arg3[%add3A, %dma_start3A_271, %dma_start3A_272] : memref<32x10x16xi32, #tpu.memory_space<hbm>> -> memref<1x10x16xi32, #tpu.memory_space<hbm>>
      %dma_start3A_274 = tpu.memref_squeeze %dma_start3A_273 : memref<1x10x16xi32, #tpu.memory_space<hbm>> -> memref<10x16xi32, #tpu.memory_space<hbm>>
      %dma_start3A_275 = arith.constant 0 : i32
      %dma_start3A_276 = arith.constant 0 : i32
      %dma_start3A_277 = tpu.memref_slice %arg3[%add3A, %dma_start3A_275, %dma_start3A_276] : memref<32x10x16xi32, #tpu.memory_space<hbm>> -> memref<1x10x16xi32, #tpu.memory_space<hbm>>
      %dma_start3A_278 = tpu.memref_squeeze %dma_start3A_277 : memref<1x10x16xi32, #tpu.memory_space<hbm>> -> memref<10x16xi32, #tpu.memory_space<hbm>>
      tpu.enqueue_dma source(%dma_start3A_278 : memref<10x16xi32, #tpu.memory_space<hbm>>) target(%arg5 : memref<10x16xi32, #tpu.memory_space<vmem>>) target_semaphore(%run_scoped3A_270 : memref<!tpu.dma_semaphore, #tpu.memory_space<semaphore_mem>>)
      %dma_wait3A_279 = arith.constant 0 : i32
      %dma_wait3A_280 = arith.constant 0 : i32
      %dma_wait3A_281 = tpu.memref_slice %arg3[%add3A, %dma_wait3A_279, %dma_wait3A_280] : memref<32x10x16xi32, #tpu.memory_space<hbm>> -> memref<1x10x16xi32, #tpu.memory_space<hbm>>
      %dma_wait3A_282 = tpu.memref_squeeze %dma_wait3A_281 : memref<1x10x16xi32, #tpu.memory_space<hbm>> -> memref<10x16xi32, #tpu.memory_space<hbm>>
      %dma_wait3A_283 = arith.constant 0 : i32
      %dma_wait3A_284 = arith.constant 0 : i32
      %dma_wait3A_285 = tpu.memref_slice %arg3[%add3A, %dma_wait3A_283, %dma_wait3A_284] : memref<32x10x16xi32, #tpu.memory_space<hbm>> -> memref<1x10x16xi32, #tpu.memory_space<hbm>>
      %dma_wait3A_286 = tpu.memref_squeeze %dma_wait3A_285 : memref<1x10x16xi32, #tpu.memory_space<hbm>> -> memref<10x16xi32, #tpu.memory_space<hbm>>
      tpu.wait_dma2 semaphore(%run_scoped3A_270 : memref<!tpu.dma_semaphore, #tpu.memory_space<semaphore_mem>>) src(%dma_wait3A_286 : memref<10x16xi32, #tpu.memory_space<hbm>>) dst(%arg5 : memref<10x16xi32, #tpu.memory_space<vmem>>)
      tpu.yield
    }) : () -> ()
    %mul3A_1 = arith.constant 160 : i32
    %mul3A_2 = arith.muli %add3A, %mul3A_1 : i32
    %dma_start3A = arith.constant 0 : i32
    %dma_start3A_3 = arith.constant 0 : i32
    %dma_start3A_4 = arith.constant 0 : i32
    %dma_start3A_5 = arith.constant 0 : i32
    %dma_start3A_6 = tpu.memref_slice %arg6[%dma_start3A_3, %dma_start3A_4, %dma_start3A_5] : memref<2x16x2048xf32, #tpu.memory_space<vmem>> -> memref<1x16x2048xf32, #tpu.memory_space<vmem>>
    %dma_start3A_7 = tpu.memref_squeeze %dma_start3A_6 : memref<1x16x2048xf32, #tpu.memory_space<vmem>> -> memref<16x2048xf32, #tpu.memory_space<vmem>>
    %dma_start3A_8 = arith.constant 0 : i32
    %dma_start3A_9 = tpu.memref_slice %arg5[%dma_start3A, %dma_start3A_8] : memref<10x16xi32, #tpu.memory_space<vmem>> -> memref<1x16xi32, #tpu.memory_space<vmem>>
    %dma_start3A_10 = tpu.memref_squeeze %dma_start3A_9 : memref<1x16xi32, #tpu.memory_space<vmem>> -> memref<16xi32, #tpu.memory_space<vmem>>
    %dma_start3A_11 = arith.constant 0 : i32
    %dma_start3A_12 = arith.constant 0 : i32
    %dma_start3A_13 = tpu.memref_slice %arg2[%dma_start3A_11, %dma_start3A_12] : memref<20000x2048xf32, #tpu.memory_space<hbm>> -> memref<20000x2048xf32, #tpu.memory_space<hbm>>
    tpu.enqueue_indirect_dma source(%dma_start3A_13 : memref<20000x2048xf32, #tpu.memory_space<hbm>>) target(%dma_start3A_7 : memref<16x2048xf32, #tpu.memory_space<vmem>>) offsets(%dma_start3A_10 : memref<16xi32, #tpu.memory_space<vmem>>) semaphore(%arg7 : memref<!tpu.dma_semaphore, #tpu.memory_space<semaphore_mem>>)
    %dma_start3A_14 = arith.constant 1 : i32
    %dma_start3A_15 = arith.constant 1 : i32
    %dma_start3A_16 = arith.constant 0 : i32
    %dma_start3A_17 = arith.constant 0 : i32
    %dma_start3A_18 = tpu.memref_slice %arg6[%dma_start3A_15, %dma_start3A_16, %dma_start3A_17] : memref<2x16x2048xf32, #tpu.memory_space<vmem>> -> memref<1x16x2048xf32, #tpu.memory_space<vmem>>
    %dma_start3A_19 = tpu.memref_squeeze %dma_start3A_18 : memref<1x16x2048xf32, #tpu.memory_space<vmem>> -> memref<16x2048xf32, #tpu.memory_space<vmem>>
    %dma_start3A_20 = arith.constant 0 : i32
    %dma_start3A_21 = tpu.memref_slice %arg5[%dma_start3A_14, %dma_start3A_20] : memref<10x16xi32, #tpu.memory_space<vmem>> -> memref<1x16xi32, #tpu.memory_space<vmem>>
    %dma_start3A_22 = tpu.memref_squeeze %dma_start3A_21 : memref<1x16xi32, #tpu.memory_space<vmem>> -> memref<16xi32, #tpu.memory_space<vmem>>
    %dma_start3A_23 = arith.constant 0 : i32
    %dma_start3A_24 = arith.constant 0 : i32
    %dma_start3A_25 = tpu.memref_slice %arg2[%dma_start3A_23, %dma_start3A_24] : memref<20000x2048xf32, #tpu.memory_space<hbm>> -> memref<20000x2048xf32, #tpu.memory_space<hbm>>
    tpu.enqueue_indirect_dma source(%dma_start3A_25 : memref<20000x2048xf32, #tpu.memory_space<hbm>>) target(%dma_start3A_19 : memref<16x2048xf32, #tpu.memory_space<vmem>>) offsets(%dma_start3A_22 : memref<16xi32, #tpu.memory_space<vmem>>) semaphore(%arg8 : memref<!tpu.dma_semaphore, #tpu.memory_space<semaphore_mem>>)
    %dma_wait3A = arith.constant 0 : i32
    %dma_wait3A_26 = arith.constant 0 : i32
    %dma_wait3A_27 = arith.constant 0 : i32
    %dma_wait3A_28 = arith.constant 0 : i32
    %dma_wait3A_29 = tpu.memref_slice %arg6[%dma_wait3A_26, %dma_wait3A_27, %dma_wait3A_28] : memref<2x16x2048xf32, #tpu.memory_space<vmem>> -> memref<1x16x2048xf32, #tpu.memory_space<vmem>>
    %dma_wait3A_30 = tpu.memref_squeeze %dma_wait3A_29 : memref<1x16x2048xf32, #tpu.memory_space<vmem>> -> memref<16x2048xf32, #tpu.memory_space<vmem>>
    %dma_wait3A_31 = arith.constant 0 : i32
    %dma_wait3A_32 = tpu.memref_slice %arg5[%dma_wait3A, %dma_wait3A_31] : memref<10x16xi32, #tpu.memory_space<vmem>> -> memref<1x16xi32, #tpu.memory_space<vmem>>
    %dma_wait3A_33 = tpu.memref_squeeze %dma_wait3A_32 : memref<1x16xi32, #tpu.memory_space<vmem>> -> memref<16xi32, #tpu.memory_space<vmem>>
    %dma_wait3A_34 = arith.constant 0 : i32
    %dma_wait3A_35 = arith.constant 0 : i32
    %dma_wait3A_36 = tpu.memref_slice %arg2[%dma_wait3A_34, %dma_wait3A_35] : memref<20000x2048xf32, #tpu.memory_space<hbm>> -> memref<20000x2048xf32, #tpu.memory_space<hbm>>
    tpu.wait_indirect_dma semaphore(%arg7 : memref<!tpu.dma_semaphore, #tpu.memory_space<semaphore_mem>>) src(%dma_wait3A_36 : memref<20000x2048xf32, #tpu.memory_space<hbm>>) dst(%dma_wait3A_30 : memref<16x2048xf32, #tpu.memory_space<vmem>>)
    %add3A_37 = arith.constant 0 : i32
    %add3A_38 = arith.addi %mul3A_2, %add3A_37 : i32
    %run_scoped3A = arith.constant 0 : i32
    "tpu.region"() ({
      %run_scoped3A_270 = tpu.sem_alloc : memref<!tpu.dma_semaphore, #tpu.memory_space<semaphore_mem>>
      %dma_start3A_271 = arith.constant 0 : i32
      %dma_start3A_272 = arith.constant 0 : i32
      %dma_start3A_273 = tpu.memref_slice %arg6[%run_scoped3A, %dma_start3A_271, %dma_start3A_272] : memref<2x16x2048xf32, #tpu.memory_space<vmem>> -> memref<1x16x2048xf32, #tpu.memory_space<vmem>>
      %dma_start3A_274 = tpu.memref_squeeze %dma_start3A_273 : memref<1x16x2048xf32, #tpu.memory_space<vmem>> -> memref<16x2048xf32, #tpu.memory_space<vmem>>
      %dma_start3A_275 = arith.constant 0 : i32
      %dma_start3A_276 = tpu.memref_slice %arg4[%add3A_38, %dma_start3A_275] : memref<5120x2048xf32, #tpu.memory_space<hbm>> -> memref<16x2048xf32, #tpu.memory_space<hbm>>
      %dma_start3A_277 = arith.constant 0 : i32
      %dma_start3A_278 = tpu.memref_slice %arg4[%add3A_38, %dma_start3A_277] : memref<5120x2048xf32, #tpu.memory_space<hbm>> -> memref<16x2048xf32, #tpu.memory_space<hbm>>
      %dma_start3A_279 = arith.constant 0 : i32
      %dma_start3A_280 = arith.constant 0 : i32
      %dma_start3A_281 = tpu.memref_slice %arg6[%run_scoped3A, %dma_start3A_279, %dma_start3A_280] : memref<2x16x2048xf32, #tpu.memory_space<vmem>> -> memref<1x16x2048xf32, #tpu.memory_space<vmem>>
      %dma_start3A_282 = tpu.memref_squeeze %dma_start3A_281 : memref<1x16x2048xf32, #tpu.memory_space<vmem>> -> memref<16x2048xf32, #tpu.memory_space<vmem>>
      tpu.enqueue_dma source(%dma_start3A_282 : memref<16x2048xf32, #tpu.memory_space<vmem>>) target(%dma_start3A_278 : memref<16x2048xf32, #tpu.memory_space<hbm>>) target_semaphore(%run_scoped3A_270 : memref<!tpu.dma_semaphore, #tpu.memory_space<semaphore_mem>>)
      %dma_wait3A_283 = arith.constant 0 : i32
      %dma_wait3A_284 = arith.constant 0 : i32
      %dma_wait3A_285 = tpu.memref_slice %arg6[%run_scoped3A, %dma_wait3A_283, %dma_wait3A_284] : memref<2x16x2048xf32, #tpu.memory_space<vmem>> -> memref<1x16x2048xf32, #tpu.memory_space<vmem>>
      %dma_wait3A_286 = tpu.memref_squeeze %dma_wait3A_285 : memref<1x16x2048xf32, #tpu.memory_space<vmem>> -> memref<16x2048xf32, #tpu.memory_space<vmem>>
      %dma_wait3A_287 = arith.constant 0 : i32
      %dma_wait3A_288 = tpu.memref_slice %arg4[%add3A_38, %dma_wait3A_287] : memref<5120x2048xf32, #tpu.memory_space<hbm>> -> memref<16x2048xf32, #tpu.memory_space<hbm>>
      %dma_wait3A_289 = arith.constant 0 : i32
      %dma_wait3A_290 = tpu.memref_slice %arg4[%add3A_38, %dma_wait3A_289] : memref<5120x2048xf32, #tpu.memory_space<hbm>> -> memref<16x2048xf32, #tpu.memory_space<hbm>>
      %dma_wait3A_291 = arith.constant 0 : i32
      %dma_wait3A_292 = arith.constant 0 : i32
      %dma_wait3A_293 = tpu.memref_slice %arg6[%run_scoped3A, %dma_wait3A_291, %dma_wait3A_292] : memref<2x16x2048xf32, #tpu.memory_space<vmem>> -> memref<1x16x2048xf32, #tpu.memory_space<vmem>>
      %dma_wait3A_294 = tpu.memref_squeeze %dma_wait3A_293 : memref<1x16x2048xf32, #tpu.memory_space<vmem>> -> memref<16x2048xf32, #tpu.memory_space<vmem>>
      tpu.wait_dma2 semaphore(%run_scoped3A_270 : memref<!tpu.dma_semaphore, #tpu.memory_space<semaphore_mem>>) src(%dma_wait3A_294 : memref<16x2048xf32, #tpu.memory_space<vmem>>) dst(%dma_wait3A_290 : memref<16x2048xf32, #tpu.memory_space<hbm>>)
      tpu.yield
    }) : () -> ()
    %dma_start3A_39 = arith.constant 2 : i32
    %dma_start3A_40 = arith.constant 0 : i32
    %dma_start3A_41 = arith.constant 0 : i32
    %dma_start3A_42 = arith.constant 0 : i32
    %dma_start3A_43 = tpu.memref_slice %arg6[%dma_start3A_40, %dma_start3A_41, %dma_start3A_42] : memref<2x16x2048xf32, #tpu.memory_space<vmem>> -> memref<1x16x2048xf32, #tpu.memory_space<vmem>>
    %dma_start3A_44 = tpu.memref_squeeze %dma_start3A_43 : memref<1x16x2048xf32, #tpu.memory_space<vmem>> -> memref<16x2048xf32, #tpu.memory_space<vmem>>
    %dma_start3A_45 = arith.constant 0 : i32
    %dma_start3A_46 = tpu.memref_slice %arg5[%dma_start3A_39, %dma_start3A_45] : memref<10x16xi32, #tpu.memory_space<vmem>> -> memref<1x16xi32, #tpu.memory_space<vmem>>
    %dma_start3A_47 = tpu.memref_squeeze %dma_start3A_46 : memref<1x16xi32, #tpu.memory_space<vmem>> -> memref<16xi32, #tpu.memory_space<vmem>>
    %dma_start3A_48 = arith.constant 0 : i32
    %dma_start3A_49 = arith.constant 0 : i32
    %dma_start3A_50 = tpu.memref_slice %arg2[%dma_start3A_48, %dma_start3A_49] : memref<20000x2048xf32, #tpu.memory_space<hbm>> -> memref<20000x2048xf32, #tpu.memory_space<hbm>>
    tpu.enqueue_indirect_dma source(%dma_start3A_50 : memref<20000x2048xf32, #tpu.memory_space<hbm>>) target(%dma_start3A_44 : memref<16x2048xf32, #tpu.memory_space<vmem>>) offsets(%dma_start3A_47 : memref<16xi32, #tpu.memory_space<vmem>>) semaphore(%arg7 : memref<!tpu.dma_semaphore, #tpu.memory_space<semaphore_mem>>)
    %dma_wait3A_51 = arith.constant 1 : i32
    %dma_wait3A_52 = arith.constant 1 : i32
    %dma_wait3A_53 = arith.constant 0 : i32
    %dma_wait3A_54 = arith.constant 0 : i32
    %dma_wait3A_55 = tpu.memref_slice %arg6[%dma_wait3A_52, %dma_wait3A_53, %dma_wait3A_54] : memref<2x16x2048xf32, #tpu.memory_space<vmem>> -> memref<1x16x2048xf32, #tpu.memory_space<vmem>>
    %dma_wait3A_56 = tpu.memref_squeeze %dma_wait3A_55 : memref<1x16x2048xf32, #tpu.memory_space<vmem>> -> memref<16x2048xf32, #tpu.memory_space<vmem>>
    %dma_wait3A_57 = arith.constant 0 : i32
    %dma_wait3A_58 = tpu.memref_slice %arg5[%dma_wait3A_51, %dma_wait3A_57] : memref<10x16xi32, #tpu.memory_space<vmem>> -> memref<1x16xi32, #tpu.memory_space<vmem>>
    %dma_wait3A_59 = tpu.memref_squeeze %dma_wait3A_58 : memref<1x16xi32, #tpu.memory_space<vmem>> -> memref<16xi32, #tpu.memory_space<vmem>>
    %dma_wait3A_60 = arith.constant 0 : i32
    %dma_wait3A_61 = arith.constant 0 : i32
    %dma_wait3A_62 = tpu.memref_slice %arg2[%dma_wait3A_60, %dma_wait3A_61] : memref<20000x2048xf32, #tpu.memory_space<hbm>> -> memref<20000x2048xf32, #tpu.memory_space<hbm>>
    tpu.wait_indirect_dma semaphore(%arg8 : memref<!tpu.dma_semaphore, #tpu.memory_space<semaphore_mem>>) src(%dma_wait3A_62 : memref<20000x2048xf32, #tpu.memory_space<hbm>>) dst(%dma_wait3A_56 : memref<16x2048xf32, #tpu.memory_space<vmem>>)
    %add3A_63 = arith.constant 16 : i32
    %add3A_64 = arith.addi %mul3A_2, %add3A_63 : i32
    %run_scoped3A_65 = arith.constant 1 : i32
    "tpu.region"() ({
      %run_scoped3A_270 = tpu.sem_alloc : memref<!tpu.dma_semaphore, #tpu.memory_space<semaphore_mem>>
      %dma_start3A_271 = arith.constant 0 : i32
      %dma_start3A_272 = arith.constant 0 : i32
      %dma_start3A_273 = tpu.memref_slice %arg6[%run_scoped3A_65, %dma_start3A_271, %dma_start3A_272] : memref<2x16x2048xf32, #tpu.memory_space<vmem>> -> memref<1x16x2048xf32, #tpu.memory_space<vmem>>
      %dma_start3A_274 = tpu.memref_squeeze %dma_start3A_273 : memref<1x16x2048xf32, #tpu.memory_space<vmem>> -> memref<16x2048xf32, #tpu.memory_space<vmem>>
      %dma_start3A_275 = arith.constant 0 : i32
      %dma_start3A_276 = tpu.memref_slice %arg4[%add3A_64, %dma_start3A_275] : memref<5120x2048xf32, #tpu.memory_space<hbm>> -> memref<16x2048xf32, #tpu.memory_space<hbm>>
      %dma_start3A_277 = arith.constant 0 : i32
      %dma_start3A_278 = tpu.memref_slice %arg4[%add3A_64, %dma_start3A_277] : memref<5120x2048xf32, #tpu.memory_space<hbm>> -> memref<16x2048xf32, #tpu.memory_space<hbm>>
      %dma_start3A_279 = arith.constant 0 : i32
      %dma_start3A_280 = arith.constant 0 : i32
      %dma_start3A_281 = tpu.memref_slice %arg6[%run_scoped3A_65, %dma_start3A_279, %dma_start3A_280] : memref<2x16x2048xf32, #tpu.memory_space<vmem>> -> memref<1x16x2048xf32, #tpu.memory_space<vmem>>
      %dma_start3A_282 = tpu.memref_squeeze %dma_start3A_281 : memref<1x16x2048xf32, #tpu.memory_space<vmem>> -> memref<16x2048xf32, #tpu.memory_space<vmem>>
      tpu.enqueue_dma source(%dma_start3A_282 : memref<16x2048xf32, #tpu.memory_space<vmem>>) target(%dma_start3A_278 : memref<16x2048xf32, #tpu.memory_space<hbm>>) target_semaphore(%run_scoped3A_270 : memref<!tpu.dma_semaphore, #tpu.memory_space<semaphore_mem>>)
      %dma_wait3A_283 = arith.constant 0 : i32
      %dma_wait3A_284 = arith.constant 0 : i32
      %dma_wait3A_285 = tpu.memref_slice %arg6[%run_scoped3A_65, %dma_wait3A_283, %dma_wait3A_284] : memref<2x16x2048xf32, #tpu.memory_space<vmem>> -> memref<1x16x2048xf32, #tpu.memory_space<vmem>>
      %dma_wait3A_286 = tpu.memref_squeeze %dma_wait3A_285 : memref<1x16x2048xf32, #tpu.memory_space<vmem>> -> memref<16x2048xf32, #tpu.memory_space<vmem>>
      %dma_wait3A_287 = arith.constant 0 : i32
      %dma_wait3A_288 = tpu.memref_slice %arg4[%add3A_64, %dma_wait3A_287] : memref<5120x2048xf32, #tpu.memory_space<hbm>> -> memref<16x2048xf32, #tpu.memory_space<hbm>>
      %dma_wait3A_289 = arith.constant 0 : i32
      %dma_wait3A_290 = tpu.memref_slice %arg4[%add3A_64, %dma_wait3A_289] : memref<5120x2048xf32, #tpu.memory_space<hbm>> -> memref<16x2048xf32, #tpu.memory_space<hbm>>
      %dma_wait3A_291 = arith.constant 0 : i32
      %dma_wait3A_292 = arith.constant 0 : i32
      %dma_wait3A_293 = tpu.memref_slice %arg6[%run_scoped3A_65, %dma_wait3A_291, %dma_wait3A_292] : memref<2x16x2048xf32, #tpu.memory_space<vmem>> -> memref<1x16x2048xf32, #tpu.memory_space<vmem>>
      %dma_wait3A_294 = tpu.memref_squeeze %dma_wait3A_293 : memref<1x16x2048xf32, #tpu.memory_space<vmem>> -> memref<16x2048xf32, #tpu.memory_space<vmem>>
      tpu.wait_dma2 semaphore(%run_scoped3A_270 : memref<!tpu.dma_semaphore, #tpu.memory_space<semaphore_mem>>) src(%dma_wait3A_294 : memref<16x2048xf32, #tpu.memory_space<vmem>>) dst(%dma_wait3A_290 : memref<16x2048xf32, #tpu.memory_space<hbm>>)
      tpu.yield
    }) : () -> ()
    %dma_start3A_66 = arith.constant 3 : i32
    %dma_start3A_67 = arith.constant 1 : i32
    %dma_start3A_68 = arith.constant 0 : i32
    %dma_start3A_69 = arith.constant 0 : i32
    %dma_start3A_70 = tpu.memref_slice %arg6[%dma_start3A_67, %dma_start3A_68, %dma_start3A_69] : memref<2x16x2048xf32, #tpu.memory_space<vmem>> -> memref<1x16x2048xf32, #tpu.memory_space<vmem>>
    %dma_start3A_71 = tpu.memref_squeeze %dma_start3A_70 : memref<1x16x2048xf32, #tpu.memory_space<vmem>> -> memref<16x2048xf32, #tpu.memory_space<vmem>>
    %dma_start3A_72 = arith.constant 0 : i32
    %dma_start3A_73 = tpu.memref_slice %arg5[%dma_start3A_66, %dma_start3A_72] : memref<10x16xi32, #tpu.memory_space<vmem>> -> memref<1x16xi32, #tpu.memory_space<vmem>>
    %dma_start3A_74 = tpu.memref_squeeze %dma_start3A_73 : memref<1x16xi32, #tpu.memory_space<vmem>> -> memref<16xi32, #tpu.memory_space<vmem>>
    %dma_start3A_75 = arith.constant 0 : i32
    %dma_start3A_76 = arith.constant 0 : i32
    %dma_start3A_77 = tpu.memref_slice %arg2[%dma_start3A_75, %dma_start3A_76] : memref<20000x2048xf32, #tpu.memory_space<hbm>> -> memref<20000x2048xf32, #tpu.memory_space<hbm>>
    tpu.enqueue_indirect_dma source(%dma_start3A_77 : memref<20000x2048xf32, #tpu.memory_space<hbm>>) target(%dma_start3A_71 : memref<16x2048xf32, #tpu.memory_space<vmem>>) offsets(%dma_start3A_74 : memref<16xi32, #tpu.memory_space<vmem>>) semaphore(%arg8 : memref<!tpu.dma_semaphore, #tpu.memory_space<semaphore_mem>>)
    %dma_wait3A_78 = arith.constant 2 : i32
    %dma_wait3A_79 = arith.constant 0 : i32
    %dma_wait3A_80 = arith.constant 0 : i32
    %dma_wait3A_81 = arith.constant 0 : i32
    %dma_wait3A_82 = tpu.memref_slice %arg6[%dma_wait3A_79, %dma_wait3A_80, %dma_wait3A_81] : memref<2x16x2048xf32, #tpu.memory_space<vmem>> -> memref<1x16x2048xf32, #tpu.memory_space<vmem>>
    %dma_wait3A_83 = tpu.memref_squeeze %dma_wait3A_82 : memref<1x16x2048xf32, #tpu.memory_space<vmem>> -> memref<16x2048xf32, #tpu.memory_space<vmem>>
    %dma_wait3A_84 = arith.constant 0 : i32
    %dma_wait3A_85 = tpu.memref_slice %arg5[%dma_wait3A_78, %dma_wait3A_84] : memref<10x16xi32, #tpu.memory_space<vmem>> -> memref<1x16xi32, #tpu.memory_space<vmem>>
    %dma_wait3A_86 = tpu.memref_squeeze %dma_wait3A_85 : memref<1x16xi32, #tpu.memory_space<vmem>> -> memref<16xi32, #tpu.memory_space<vmem>>
    %dma_wait3A_87 = arith.constant 0 : i32
    %dma_wait3A_88 = arith.constant 0 : i32
    %dma_wait3A_89 = tpu.memref_slice %arg2[%dma_wait3A_87, %dma_wait3A_88] : memref<20000x2048xf32, #tpu.memory_space<hbm>> -> memref<20000x2048xf32, #tpu.memory_space<hbm>>
    tpu.wait_indirect_dma semaphore(%arg7 : memref<!tpu.dma_semaphore, #tpu.memory_space<semaphore_mem>>) src(%dma_wait3A_89 : memref<20000x2048xf32, #tpu.memory_space<hbm>>) dst(%dma_wait3A_83 : memref<16x2048xf32, #tpu.memory_space<vmem>>)
    %add3A_90 = arith.constant 32 : i32
    %add3A_91 = arith.addi %mul3A_2, %add3A_90 : i32
    %run_scoped3A_92 = arith.constant 0 : i32
    "tpu.region"() ({
      %run_scoped3A_270 = tpu.sem_alloc : memref<!tpu.dma_semaphore, #tpu.memory_space<semaphore_mem>>
      %dma_start3A_271 = arith.constant 0 : i32
      %dma_start3A_272 = arith.constant 0 : i32
      %dma_start3A_273 = tpu.memref_slice %arg6[%run_scoped3A_92, %dma_start3A_271, %dma_start3A_272] : memref<2x16x2048xf32, #tpu.memory_space<vmem>> -> memref<1x16x2048xf32, #tpu.memory_space<vmem>>
      %dma_start3A_274 = tpu.memref_squeeze %dma_start3A_273 : memref<1x16x2048xf32, #tpu.memory_space<vmem>> -> memref<16x2048xf32, #tpu.memory_space<vmem>>
      %dma_start3A_275 = arith.constant 0 : i32
      %dma_start3A_276 = tpu.memref_slice %arg4[%add3A_91, %dma_start3A_275] : memref<5120x2048xf32, #tpu.memory_space<hbm>> -> memref<16x2048xf32, #tpu.memory_space<hbm>>
      %dma_start3A_277 = arith.constant 0 : i32
      %dma_start3A_278 = tpu.memref_slice %arg4[%add3A_91, %dma_start3A_277] : memref<5120x2048xf32, #tpu.memory_space<hbm>> -> memref<16x2048xf32, #tpu.memory_space<hbm>>
      %dma_start3A_279 = arith.constant 0 : i32
      %dma_start3A_280 = arith.constant 0 : i32
      %dma_start3A_281 = tpu.memref_slice %arg6[%run_scoped3A_92, %dma_start3A_279, %dma_start3A_280] : memref<2x16x2048xf32, #tpu.memory_space<vmem>> -> memref<1x16x2048xf32, #tpu.memory_space<vmem>>
      %dma_start3A_282 = tpu.memref_squeeze %dma_start3A_281 : memref<1x16x2048xf32, #tpu.memory_space<vmem>> -> memref<16x2048xf32, #tpu.memory_space<vmem>>
      tpu.enqueue_dma source(%dma_start3A_282 : memref<16x2048xf32, #tpu.memory_space<vmem>>) target(%dma_start3A_278 : memref<16x2048xf32, #tpu.memory_space<hbm>>) target_semaphore(%run_scoped3A_270 : memref<!tpu.dma_semaphore, #tpu.memory_space<semaphore_mem>>)
      %dma_wait3A_283 = arith.constant 0 : i32
      %dma_wait3A_284 = arith.constant 0 : i32
      %dma_wait3A_285 = tpu.memref_slice %arg6[%run_scoped3A_92, %dma_wait3A_283, %dma_wait3A_284] : memref<2x16x2048xf32, #tpu.memory_space<vmem>> -> memref<1x16x2048xf32, #tpu.memory_space<vmem>>
      %dma_wait3A_286 = tpu.memref_squeeze %dma_wait3A_285 : memref<1x16x2048xf32, #tpu.memory_space<vmem>> -> memref<16x2048xf32, #tpu.memory_space<vmem>>
      %dma_wait3A_287 = arith.constant 0 : i32
      %dma_wait3A_288 = tpu.memref_slice %arg4[%add3A_91, %dma_wait3A_287] : memref<5120x2048xf32, #tpu.memory_space<hbm>> -> memref<16x2048xf32, #tpu.memory_space<hbm>>
      %dma_wait3A_289 = arith.constant 0 : i32
      %dma_wait3A_290 = tpu.memref_slice %arg4[%add3A_91, %dma_wait3A_289] : memref<5120x2048xf32, #tpu.memory_space<hbm>> -> memref<16x2048xf32, #tpu.memory_space<hbm>>
      %dma_wait3A_291 = arith.constant 0 : i32
      %dma_wait3A_292 = arith.constant 0 : i32
      %dma_wait3A_293 = tpu.memref_slice %arg6[%run_scoped3A_92, %dma_wait3A_291, %dma_wait3A_292] : memref<2x16x2048xf32, #tpu.memory_space<vmem>> -> memref<1x16x2048xf32, #tpu.memory_space<vmem>>
      %dma_wait3A_294 = tpu.memref_squeeze %dma_wait3A_293 : memref<1x16x2048xf32, #tpu.memory_space<vmem>> -> memref<16x2048xf32, #tpu.memory_space<vmem>>
      tpu.wait_dma2 semaphore(%run_scoped3A_270 : memref<!tpu.dma_semaphore, #tpu.memory_space<semaphore_mem>>) src(%dma_wait3A_294 : memref<16x2048xf32, #tpu.memory_space<vmem>>) dst(%dma_wait3A_290 : memref<16x2048xf32, #tpu.memory_space<hbm>>)
      tpu.yield
    }) : () -> ()
    %dma_start3A_93 = arith.constant 4 : i32
    %dma_start3A_94 = arith.constant 0 : i32
    %dma_start3A_95 = arith.constant 0 : i32
    %dma_start3A_96 = arith.constant 0 : i32
    %dma_start3A_97 = tpu.memref_slice %arg6[%dma_start3A_94, %dma_start3A_95, %dma_start3A_96] : memref<2x16x2048xf32, #tpu.memory_space<vmem>> -> memref<1x16x2048xf32, #tpu.memory_space<vmem>>
    %dma_start3A_98 = tpu.memref_squeeze %dma_start3A_97 : memref<1x16x2048xf32, #tpu.memory_space<vmem>> -> memref<16x2048xf32, #tpu.memory_space<vmem>>
    %dma_start3A_99 = arith.constant 0 : i32
    %dma_start3A_100 = tpu.memref_slice %arg5[%dma_start3A_93, %dma_start3A_99] : memref<10x16xi32, #tpu.memory_space<vmem>> -> memref<1x16xi32, #tpu.memory_space<vmem>>
    %dma_start3A_101 = tpu.memref_squeeze %dma_start3A_100 : memref<1x16xi32, #tpu.memory_space<vmem>> -> memref<16xi32, #tpu.memory_space<vmem>>
    %dma_start3A_102 = arith.constant 0 : i32
    %dma_start3A_103 = arith.constant 0 : i32
    %dma_start3A_104 = tpu.memref_slice %arg2[%dma_start3A_102, %dma_start3A_103] : memref<20000x2048xf32, #tpu.memory_space<hbm>> -> memref<20000x2048xf32, #tpu.memory_space<hbm>>
    tpu.enqueue_indirect_dma source(%dma_start3A_104 : memref<20000x2048xf32, #tpu.memory_space<hbm>>) target(%dma_start3A_98 : memref<16x2048xf32, #tpu.memory_space<vmem>>) offsets(%dma_start3A_101 : memref<16xi32, #tpu.memory_space<vmem>>) semaphore(%arg7 : memref<!tpu.dma_semaphore, #tpu.memory_space<semaphore_mem>>)
    %dma_wait3A_105 = arith.constant 3 : i32
    %dma_wait3A_106 = arith.constant 1 : i32
    %dma_wait3A_107 = arith.constant 0 : i32
    %dma_wait3A_108 = arith.constant 0 : i32
    %dma_wait3A_109 = tpu.memref_slice %arg6[%dma_wait3A_106, %dma_wait3A_107, %dma_wait3A_108] : memref<2x16x2048xf32, #tpu.memory_space<vmem>> -> memref<1x16x2048xf32, #tpu.memory_space<vmem>>
    %dma_wait3A_110 = tpu.memref_squeeze %dma_wait3A_109 : memref<1x16x2048xf32, #tpu.memory_space<vmem>> -> memref<16x2048xf32, #tpu.memory_space<vmem>>
    %dma_wait3A_111 = arith.constant 0 : i32
    %dma_wait3A_112 = tpu.memref_slice %arg5[%dma_wait3A_105, %dma_wait3A_111] : memref<10x16xi32, #tpu.memory_space<vmem>> -> memref<1x16xi32, #tpu.memory_space<vmem>>
    %dma_wait3A_113 = tpu.memref_squeeze %dma_wait3A_112 : memref<1x16xi32, #tpu.memory_space<vmem>> -> memref<16xi32, #tpu.memory_space<vmem>>
    %dma_wait3A_114 = arith.constant 0 : i32
    %dma_wait3A_115 = arith.constant 0 : i32
    %dma_wait3A_116 = tpu.memref_slice %arg2[%dma_wait3A_114, %dma_wait3A_115] : memref<20000x2048xf32, #tpu.memory_space<hbm>> -> memref<20000x2048xf32, #tpu.memory_space<hbm>>
    tpu.wait_indirect_dma semaphore(%arg8 : memref<!tpu.dma_semaphore, #tpu.memory_space<semaphore_mem>>) src(%dma_wait3A_116 : memref<20000x2048xf32, #tpu.memory_space<hbm>>) dst(%dma_wait3A_110 : memref<16x2048xf32, #tpu.memory_space<vmem>>)
    %add3A_117 = arith.constant 48 : i32
    %add3A_118 = arith.addi %mul3A_2, %add3A_117 : i32
    %run_scoped3A_119 = arith.constant 1 : i32
    "tpu.region"() ({
      %run_scoped3A_270 = tpu.sem_alloc : memref<!tpu.dma_semaphore, #tpu.memory_space<semaphore_mem>>
      %dma_start3A_271 = arith.constant 0 : i32
      %dma_start3A_272 = arith.constant 0 : i32
      %dma_start3A_273 = tpu.memref_slice %arg6[%run_scoped3A_119, %dma_start3A_271, %dma_start3A_272] : memref<2x16x2048xf32, #tpu.memory_space<vmem>> -> memref<1x16x2048xf32, #tpu.memory_space<vmem>>
      %dma_start3A_274 = tpu.memref_squeeze %dma_start3A_273 : memref<1x16x2048xf32, #tpu.memory_space<vmem>> -> memref<16x2048xf32, #tpu.memory_space<vmem>>
      %dma_start3A_275 = arith.constant 0 : i32
      %dma_start3A_276 = tpu.memref_slice %arg4[%add3A_118, %dma_start3A_275] : memref<5120x2048xf32, #tpu.memory_space<hbm>> -> memref<16x2048xf32, #tpu.memory_space<hbm>>
      %dma_start3A_277 = arith.constant 0 : i32
      %dma_start3A_278 = tpu.memref_slice %arg4[%add3A_118, %dma_start3A_277] : memref<5120x2048xf32, #tpu.memory_space<hbm>> -> memref<16x2048xf32, #tpu.memory_space<hbm>>
      %dma_start3A_279 = arith.constant 0 : i32
      %dma_start3A_280 = arith.constant 0 : i32
      %dma_start3A_281 = tpu.memref_slice %arg6[%run_scoped3A_119, %dma_start3A_279, %dma_start3A_280] : memref<2x16x2048xf32, #tpu.memory_space<vmem>> -> memref<1x16x2048xf32, #tpu.memory_space<vmem>>
      %dma_start3A_282 = tpu.memref_squeeze %dma_start3A_281 : memref<1x16x2048xf32, #tpu.memory_space<vmem>> -> memref<16x2048xf32, #tpu.memory_space<vmem>>
      tpu.enqueue_dma source(%dma_start3A_282 : memref<16x2048xf32, #tpu.memory_space<vmem>>) target(%dma_start3A_278 : memref<16x2048xf32, #tpu.memory_space<hbm>>) target_semaphore(%run_scoped3A_270 : memref<!tpu.dma_semaphore, #tpu.memory_space<semaphore_mem>>)
      %dma_wait3A_283 = arith.constant 0 : i32
      %dma_wait3A_284 = arith.constant 0 : i32
      %dma_wait3A_285 = tpu.memref_slice %arg6[%run_scoped3A_119, %dma_wait3A_283, %dma_wait3A_284] : memref<2x16x2048xf32, #tpu.memory_space<vmem>> -> memref<1x16x2048xf32, #tpu.memory_space<vmem>>
      %dma_wait3A_286 = tpu.memref_squeeze %dma_wait3A_285 : memref<1x16x2048xf32, #tpu.memory_space<vmem>> -> memref<16x2048xf32, #tpu.memory_space<vmem>>
      %dma_wait3A_287 = arith.constant 0 : i32
      %dma_wait3A_288 = tpu.memref_slice %arg4[%add3A_118, %dma_wait3A_287] : memref<5120x2048xf32, #tpu.memory_space<hbm>> -> memref<16x2048xf32, #tpu.memory_space<hbm>>
      %dma_wait3A_289 = arith.constant 0 : i32
      %dma_wait3A_290 = tpu.memref_slice %arg4[%add3A_118, %dma_wait3A_289] : memref<5120x2048xf32, #tpu.memory_space<hbm>> -> memref<16x2048xf32, #tpu.memory_space<hbm>>
      %dma_wait3A_291 = arith.constant 0 : i32
      %dma_wait3A_292 = arith.constant 0 : i32
      %dma_wait3A_293 = tpu.memref_slice %arg6[%run_scoped3A_119, %dma_wait3A_291, %dma_wait3A_292] : memref<2x16x2048xf32, #tpu.memory_space<vmem>> -> memref<1x16x2048xf32, #tpu.memory_space<vmem>>
      %dma_wait3A_294 = tpu.memref_squeeze %dma_wait3A_293 : memref<1x16x2048xf32, #tpu.memory_space<vmem>> -> memref<16x2048xf32, #tpu.memory_space<vmem>>
      tpu.wait_dma2 semaphore(%run_scoped3A_270 : memref<!tpu.dma_semaphore, #tpu.memory_space<semaphore_mem>>) src(%dma_wait3A_294 : memref<16x2048xf32, #tpu.memory_space<vmem>>) dst(%dma_wait3A_290 : memref<16x2048xf32, #tpu.memory_space<hbm>>)
      tpu.yield
    }) : () -> ()
    %dma_start3A_120 = arith.constant 5 : i32
    %dma_start3A_121 = arith.constant 1 : i32
    %dma_start3A_122 = arith.constant 0 : i32
    %dma_start3A_123 = arith.constant 0 : i32
    %dma_start3A_124 = tpu.memref_slice %arg6[%dma_start3A_121, %dma_start3A_122, %dma_start3A_123] : memref<2x16x2048xf32, #tpu.memory_space<vmem>> -> memref<1x16x2048xf32, #tpu.memory_space<vmem>>
    %dma_start3A_125 = tpu.memref_squeeze %dma_start3A_124 : memref<1x16x2048xf32, #tpu.memory_space<vmem>> -> memref<16x2048xf32, #tpu.memory_space<vmem>>
    %dma_start3A_126 = arith.constant 0 : i32
    %dma_start3A_127 = tpu.memref_slice %arg5[%dma_start3A_120, %dma_start3A_126] : memref<10x16xi32, #tpu.memory_space<vmem>> -> memref<1x16xi32, #tpu.memory_space<vmem>>
    %dma_start3A_128 = tpu.memref_squeeze %dma_start3A_127 : memref<1x16xi32, #tpu.memory_space<vmem>> -> memref<16xi32, #tpu.memory_space<vmem>>
    %dma_start3A_129 = arith.constant 0 : i32
    %dma_start3A_130 = arith.constant 0 : i32
    %dma_start3A_131 = tpu.memref_slice %arg2[%dma_start3A_129, %dma_start3A_130] : memref<20000x2048xf32, #tpu.memory_space<hbm>> -> memref<20000x2048xf32, #tpu.memory_space<hbm>>
    tpu.enqueue_indirect_dma source(%dma_start3A_131 : memref<20000x2048xf32, #tpu.memory_space<hbm>>) target(%dma_start3A_125 : memref<16x2048xf32, #tpu.memory_space<vmem>>) offsets(%dma_start3A_128 : memref<16xi32, #tpu.memory_space<vmem>>) semaphore(%arg8 : memref<!tpu.dma_semaphore, #tpu.memory_space<semaphore_mem>>)
    %dma_wait3A_132 = arith.constant 4 : i32
    %dma_wait3A_133 = arith.constant 0 : i32
    %dma_wait3A_134 = arith.constant 0 : i32
    %dma_wait3A_135 = arith.constant 0 : i32
    %dma_wait3A_136 = tpu.memref_slice %arg6[%dma_wait3A_133, %dma_wait3A_134, %dma_wait3A_135] : memref<2x16x2048xf32, #tpu.memory_space<vmem>> -> memref<1x16x2048xf32, #tpu.memory_space<vmem>>
    %dma_wait3A_137 = tpu.memref_squeeze %dma_wait3A_136 : memref<1x16x2048xf32, #tpu.memory_space<vmem>> -> memref<16x2048xf32, #tpu.memory_space<vmem>>
    %dma_wait3A_138 = arith.constant 0 : i32
    %dma_wait3A_139 = tpu.memref_slice %arg5[%dma_wait3A_132, %dma_wait3A_138] : memref<10x16xi32, #tpu.memory_space<vmem>> -> memref<1x16xi32, #tpu.memory_space<vmem>>
    %dma_wait3A_140 = tpu.memref_squeeze %dma_wait3A_139 : memref<1x16xi32, #tpu.memory_space<vmem>> -> memref<16xi32, #tpu.memory_space<vmem>>
    %dma_wait3A_141 = arith.constant 0 : i32
    %dma_wait3A_142 = arith.constant 0 : i32
    %dma_wait3A_143 = tpu.memref_slice %arg2[%dma_wait3A_141, %dma_wait3A_142] : memref<20000x2048xf32, #tpu.memory_space<hbm>> -> memref<20000x2048xf32, #tpu.memory_space<hbm>>
    tpu.wait_indirect_dma semaphore(%arg7 : memref<!tpu.dma_semaphore, #tpu.memory_space<semaphore_mem>>) src(%dma_wait3A_143 : memref<20000x2048xf32, #tpu.memory_space<hbm>>) dst(%dma_wait3A_137 : memref<16x2048xf32, #tpu.memory_space<vmem>>)
    %add3A_144 = arith.constant 64 : i32
    %add3A_145 = arith.addi %mul3A_2, %add3A_144 : i32
    %run_scoped3A_146 = arith.constant 0 : i32
    "tpu.region"() ({
      %run_scoped3A_270 = tpu.sem_alloc : memref<!tpu.dma_semaphore, #tpu.memory_space<semaphore_mem>>
      %dma_start3A_271 = arith.constant 0 : i32
      %dma_start3A_272 = arith.constant 0 : i32
      %dma_start3A_273 = tpu.memref_slice %arg6[%run_scoped3A_146, %dma_start3A_271, %dma_start3A_272] : memref<2x16x2048xf32, #tpu.memory_space<vmem>> -> memref<1x16x2048xf32, #tpu.memory_space<vmem>>
      %dma_start3A_274 = tpu.memref_squeeze %dma_start3A_273 : memref<1x16x2048xf32, #tpu.memory_space<vmem>> -> memref<16x2048xf32, #tpu.memory_space<vmem>>
      %dma_start3A_275 = arith.constant 0 : i32
      %dma_start3A_276 = tpu.memref_slice %arg4[%add3A_145, %dma_start3A_275] : memref<5120x2048xf32, #tpu.memory_space<hbm>> -> memref<16x2048xf32, #tpu.memory_space<hbm>>
      %dma_start3A_277 = arith.constant 0 : i32
      %dma_start3A_278 = tpu.memref_slice %arg4[%add3A_145, %dma_start3A_277] : memref<5120x2048xf32, #tpu.memory_space<hbm>> -> memref<16x2048xf32, #tpu.memory_space<hbm>>
      %dma_start3A_279 = arith.constant 0 : i32
      %dma_start3A_280 = arith.constant 0 : i32
      %dma_start3A_281 = tpu.memref_slice %arg6[%run_scoped3A_146, %dma_start3A_279, %dma_start3A_280] : memref<2x16x2048xf32, #tpu.memory_space<vmem>> -> memref<1x16x2048xf32, #tpu.memory_space<vmem>>
      %dma_start3A_282 = tpu.memref_squeeze %dma_start3A_281 : memref<1x16x2048xf32, #tpu.memory_space<vmem>> -> memref<16x2048xf32, #tpu.memory_space<vmem>>
      tpu.enqueue_dma source(%dma_start3A_282 : memref<16x2048xf32, #tpu.memory_space<vmem>>) target(%dma_start3A_278 : memref<16x2048xf32, #tpu.memory_space<hbm>>) target_semaphore(%run_scoped3A_270 : memref<!tpu.dma_semaphore, #tpu.memory_space<semaphore_mem>>)
      %dma_wait3A_283 = arith.constant 0 : i32
      %dma_wait3A_284 = arith.constant 0 : i32
      %dma_wait3A_285 = tpu.memref_slice %arg6[%run_scoped3A_146, %dma_wait3A_283, %dma_wait3A_284] : memref<2x16x2048xf32, #tpu.memory_space<vmem>> -> memref<1x16x2048xf32, #tpu.memory_space<vmem>>
      %dma_wait3A_286 = tpu.memref_squeeze %dma_wait3A_285 : memref<1x16x2048xf32, #tpu.memory_space<vmem>> -> memref<16x2048xf32, #tpu.memory_space<vmem>>
      %dma_wait3A_287 = arith.constant 0 : i32
      %dma_wait3A_288 = tpu.memref_slice %arg4[%add3A_145, %dma_wait3A_287] : memref<5120x2048xf32, #tpu.memory_space<hbm>> -> memref<16x2048xf32, #tpu.memory_space<hbm>>
      %dma_wait3A_289 = arith.constant 0 : i32
      %dma_wait3A_290 = tpu.memref_slice %arg4[%add3A_145, %dma_wait3A_289] : memref<5120x2048xf32, #tpu.memory_space<hbm>> -> memref<16x2048xf32, #tpu.memory_space<hbm>>
      %dma_wait3A_291 = arith.constant 0 : i32
      %dma_wait3A_292 = arith.constant 0 : i32
      %dma_wait3A_293 = tpu.memref_slice %arg6[%run_scoped3A_146, %dma_wait3A_291, %dma_wait3A_292] : memref<2x16x2048xf32, #tpu.memory_space<vmem>> -> memref<1x16x2048xf32, #tpu.memory_space<vmem>>
      %dma_wait3A_294 = tpu.memref_squeeze %dma_wait3A_293 : memref<1x16x2048xf32, #tpu.memory_space<vmem>> -> memref<16x2048xf32, #tpu.memory_space<vmem>>
      tpu.wait_dma2 semaphore(%run_scoped3A_270 : memref<!tpu.dma_semaphore, #tpu.memory_space<semaphore_mem>>) src(%dma_wait3A_294 : memref<16x2048xf32, #tpu.memory_space<vmem>>) dst(%dma_wait3A_290 : memref<16x2048xf32, #tpu.memory_space<hbm>>)
      tpu.yield
    }) : () -> ()
    %dma_start3A_147 = arith.constant 6 : i32
    %dma_start3A_148 = arith.constant 0 : i32
    %dma_start3A_149 = arith.constant 0 : i32
    %dma_start3A_150 = arith.constant 0 : i32
    %dma_start3A_151 = tpu.memref_slice %arg6[%dma_start3A_148, %dma_start3A_149, %dma_start3A_150] : memref<2x16x2048xf32, #tpu.memory_space<vmem>> -> memref<1x16x2048xf32, #tpu.memory_space<vmem>>
    %dma_start3A_152 = tpu.memref_squeeze %dma_start3A_151 : memref<1x16x2048xf32, #tpu.memory_space<vmem>> -> memref<16x2048xf32, #tpu.memory_space<vmem>>
    %dma_start3A_153 = arith.constant 0 : i32
    %dma_start3A_154 = tpu.memref_slice %arg5[%dma_start3A_147, %dma_start3A_153] : memref<10x16xi32, #tpu.memory_space<vmem>> -> memref<1x16xi32, #tpu.memory_space<vmem>>
    %dma_start3A_155 = tpu.memref_squeeze %dma_start3A_154 : memref<1x16xi32, #tpu.memory_space<vmem>> -> memref<16xi32, #tpu.memory_space<vmem>>
    %dma_start3A_156 = arith.constant 0 : i32
    %dma_start3A_157 = arith.constant 0 : i32
    %dma_start3A_158 = tpu.memref_slice %arg2[%dma_start3A_156, %dma_start3A_157] : memref<20000x2048xf32, #tpu.memory_space<hbm>> -> memref<20000x2048xf32, #tpu.memory_space<hbm>>
    tpu.enqueue_indirect_dma source(%dma_start3A_158 : memref<20000x2048xf32, #tpu.memory_space<hbm>>) target(%dma_start3A_152 : memref<16x2048xf32, #tpu.memory_space<vmem>>) offsets(%dma_start3A_155 : memref<16xi32, #tpu.memory_space<vmem>>) semaphore(%arg7 : memref<!tpu.dma_semaphore, #tpu.memory_space<semaphore_mem>>)
    %dma_wait3A_159 = arith.constant 5 : i32
    %dma_wait3A_160 = arith.constant 1 : i32
    %dma_wait3A_161 = arith.constant 0 : i32
    %dma_wait3A_162 = arith.constant 0 : i32
    %dma_wait3A_163 = tpu.memref_slice %arg6[%dma_wait3A_160, %dma_wait3A_161, %dma_wait3A_162] : memref<2x16x2048xf32, #tpu.memory_space<vmem>> -> memref<1x16x2048xf32, #tpu.memory_space<vmem>>
    %dma_wait3A_164 = tpu.memref_squeeze %dma_wait3A_163 : memref<1x16x2048xf32, #tpu.memory_space<vmem>> -> memref<16x2048xf32, #tpu.memory_space<vmem>>
    %dma_wait3A_165 = arith.constant 0 : i32
    %dma_wait3A_166 = tpu.memref_slice %arg5[%dma_wait3A_159, %dma_wait3A_165] : memref<10x16xi32, #tpu.memory_space<vmem>> -> memref<1x16xi32, #tpu.memory_space<vmem>>
    %dma_wait3A_167 = tpu.memref_squeeze %dma_wait3A_166 : memref<1x16xi32, #tpu.memory_space<vmem>> -> memref<16xi32, #tpu.memory_space<vmem>>
    %dma_wait3A_168 = arith.constant 0 : i32
    %dma_wait3A_169 = arith.constant 0 : i32
    %dma_wait3A_170 = tpu.memref_slice %arg2[%dma_wait3A_168, %dma_wait3A_169] : memref<20000x2048xf32, #tpu.memory_space<hbm>> -> memref<20000x2048xf32, #tpu.memory_space<hbm>>
    tpu.wait_indirect_dma semaphore(%arg8 : memref<!tpu.dma_semaphore, #tpu.memory_space<semaphore_mem>>) src(%dma_wait3A_170 : memref<20000x2048xf32, #tpu.memory_space<hbm>>) dst(%dma_wait3A_164 : memref<16x2048xf32, #tpu.memory_space<vmem>>)
    %add3A_171 = arith.constant 80 : i32
    %add3A_172 = arith.addi %mul3A_2, %add3A_171 : i32
    %run_scoped3A_173 = arith.constant 1 : i32
    "tpu.region"() ({
      %run_scoped3A_270 = tpu.sem_alloc : memref<!tpu.dma_semaphore, #tpu.memory_space<semaphore_mem>>
      %dma_start3A_271 = arith.constant 0 : i32
      %dma_start3A_272 = arith.constant 0 : i32
      %dma_start3A_273 = tpu.memref_slice %arg6[%run_scoped3A_173, %dma_start3A_271, %dma_start3A_272] : memref<2x16x2048xf32, #tpu.memory_space<vmem>> -> memref<1x16x2048xf32, #tpu.memory_space<vmem>>
      %dma_start3A_274 = tpu.memref_squeeze %dma_start3A_273 : memref<1x16x2048xf32, #tpu.memory_space<vmem>> -> memref<16x2048xf32, #tpu.memory_space<vmem>>
      %dma_start3A_275 = arith.constant 0 : i32
      %dma_start3A_276 = tpu.memref_slice %arg4[%add3A_172, %dma_start3A_275] : memref<5120x2048xf32, #tpu.memory_space<hbm>> -> memref<16x2048xf32, #tpu.memory_space<hbm>>
      %dma_start3A_277 = arith.constant 0 : i32
      %dma_start3A_278 = tpu.memref_slice %arg4[%add3A_172, %dma_start3A_277] : memref<5120x2048xf32, #tpu.memory_space<hbm>> -> memref<16x2048xf32, #tpu.memory_space<hbm>>
      %dma_start3A_279 = arith.constant 0 : i32
      %dma_start3A_280 = arith.constant 0 : i32
      %dma_start3A_281 = tpu.memref_slice %arg6[%run_scoped3A_173, %dma_start3A_279, %dma_start3A_280] : memref<2x16x2048xf32, #tpu.memory_space<vmem>> -> memref<1x16x2048xf32, #tpu.memory_space<vmem>>
      %dma_start3A_282 = tpu.memref_squeeze %dma_start3A_281 : memref<1x16x2048xf32, #tpu.memory_space<vmem>> -> memref<16x2048xf32, #tpu.memory_space<vmem>>
      tpu.enqueue_dma source(%dma_start3A_282 : memref<16x2048xf32, #tpu.memory_space<vmem>>) target(%dma_start3A_278 : memref<16x2048xf32, #tpu.memory_space<hbm>>) target_semaphore(%run_scoped3A_270 : memref<!tpu.dma_semaphore, #tpu.memory_space<semaphore_mem>>)
      %dma_wait3A_283 = arith.constant 0 : i32
      %dma_wait3A_284 = arith.constant 0 : i32
      %dma_wait3A_285 = tpu.memref_slice %arg6[%run_scoped3A_173, %dma_wait3A_283, %dma_wait3A_284] : memref<2x16x2048xf32, #tpu.memory_space<vmem>> -> memref<1x16x2048xf32, #tpu.memory_space<vmem>>
      %dma_wait3A_286 = tpu.memref_squeeze %dma_wait3A_285 : memref<1x16x2048xf32, #tpu.memory_space<vmem>> -> memref<16x2048xf32, #tpu.memory_space<vmem>>
      %dma_wait3A_287 = arith.constant 0 : i32
      %dma_wait3A_288 = tpu.memref_slice %arg4[%add3A_172, %dma_wait3A_287] : memref<5120x2048xf32, #tpu.memory_space<hbm>> -> memref<16x2048xf32, #tpu.memory_space<hbm>>
      %dma_wait3A_289 = arith.constant 0 : i32
      %dma_wait3A_290 = tpu.memref_slice %arg4[%add3A_172, %dma_wait3A_289] : memref<5120x2048xf32, #tpu.memory_space<hbm>> -> memref<16x2048xf32, #tpu.memory_space<hbm>>
      %dma_wait3A_291 = arith.constant 0 : i32
      %dma_wait3A_292 = arith.constant 0 : i32
      %dma_wait3A_293 = tpu.memref_slice %arg6[%run_scoped3A_173, %dma_wait3A_291, %dma_wait3A_292] : memref<2x16x2048xf32, #tpu.memory_space<vmem>> -> memref<1x16x2048xf32, #tpu.memory_space<vmem>>
      %dma_wait3A_294 = tpu.memref_squeeze %dma_wait3A_293 : memref<1x16x2048xf32, #tpu.memory_space<vmem>> -> memref<16x2048xf32, #tpu.memory_space<vmem>>
      tpu.wait_dma2 semaphore(%run_scoped3A_270 : memref<!tpu.dma_semaphore, #tpu.memory_space<semaphore_mem>>) src(%dma_wait3A_294 : memref<16x2048xf32, #tpu.memory_space<vmem>>) dst(%dma_wait3A_290 : memref<16x2048xf32, #tpu.memory_space<hbm>>)
      tpu.yield
    }) : () -> ()
    %dma_start3A_174 = arith.constant 7 : i32
    %dma_start3A_175 = arith.constant 1 : i32
    %dma_start3A_176 = arith.constant 0 : i32
    %dma_start3A_177 = arith.constant 0 : i32
    %dma_start3A_178 = tpu.memref_slice %arg6[%dma_start3A_175, %dma_start3A_176, %dma_start3A_177] : memref<2x16x2048xf32, #tpu.memory_space<vmem>> -> memref<1x16x2048xf32, #tpu.memory_space<vmem>>
    %dma_start3A_179 = tpu.memref_squeeze %dma_start3A_178 : memref<1x16x2048xf32, #tpu.memory_space<vmem>> -> memref<16x2048xf32, #tpu.memory_space<vmem>>
    %dma_start3A_180 = arith.constant 0 : i32
    %dma_start3A_181 = tpu.memref_slice %arg5[%dma_start3A_174, %dma_start3A_180] : memref<10x16xi32, #tpu.memory_space<vmem>> -> memref<1x16xi32, #tpu.memory_space<vmem>>
    %dma_start3A_182 = tpu.memref_squeeze %dma_start3A_181 : memref<1x16xi32, #tpu.memory_space<vmem>> -> memref<16xi32, #tpu.memory_space<vmem>>
    %dma_start3A_183 = arith.constant 0 : i32
    %dma_start3A_184 = arith.constant 0 : i32
    %dma_start3A_185 = tpu.memref_slice %arg2[%dma_start3A_183, %dma_start3A_184] : memref<20000x2048xf32, #tpu.memory_space<hbm>> -> memref<20000x2048xf32, #tpu.memory_space<hbm>>
    tpu.enqueue_indirect_dma source(%dma_start3A_185 : memref<20000x2048xf32, #tpu.memory_space<hbm>>) target(%dma_start3A_179 : memref<16x2048xf32, #tpu.memory_space<vmem>>) offsets(%dma_start3A_182 : memref<16xi32, #tpu.memory_space<vmem>>) semaphore(%arg8 : memref<!tpu.dma_semaphore, #tpu.memory_space<semaphore_mem>>)
    %dma_wait3A_186 = arith.constant 6 : i32
    %dma_wait3A_187 = arith.constant 0 : i32
    %dma_wait3A_188 = arith.constant 0 : i32
    %dma_wait3A_189 = arith.constant 0 : i32
    %dma_wait3A_190 = tpu.memref_slice %arg6[%dma_wait3A_187, %dma_wait3A_188, %dma_wait3A_189] : memref<2x16x2048xf32, #tpu.memory_space<vmem>> -> memref<1x16x2048xf32, #tpu.memory_space<vmem>>
    %dma_wait3A_191 = tpu.memref_squeeze %dma_wait3A_190 : memref<1x16x2048xf32, #tpu.memory_space<vmem>> -> memref<16x2048xf32, #tpu.memory_space<vmem>>
    %dma_wait3A_192 = arith.constant 0 : i32
    %dma_wait3A_193 = tpu.memref_slice %arg5[%dma_wait3A_186, %dma_wait3A_192] : memref<10x16xi32, #tpu.memory_space<vmem>> -> memref<1x16xi32, #tpu.memory_space<vmem>>
    %dma_wait3A_194 = tpu.memref_squeeze %dma_wait3A_193 : memref<1x16xi32, #tpu.memory_space<vmem>> -> memref<16xi32, #tpu.memory_space<vmem>>
    %dma_wait3A_195 = arith.constant 0 : i32
    %dma_wait3A_196 = arith.constant 0 : i32
    %dma_wait3A_197 = tpu.memref_slice %arg2[%dma_wait3A_195, %dma_wait3A_196] : memref<20000x2048xf32, #tpu.memory_space<hbm>> -> memref<20000x2048xf32, #tpu.memory_space<hbm>>
    tpu.wait_indirect_dma semaphore(%arg7 : memref<!tpu.dma_semaphore, #tpu.memory_space<semaphore_mem>>) src(%dma_wait3A_197 : memref<20000x2048xf32, #tpu.memory_space<hbm>>) dst(%dma_wait3A_191 : memref<16x2048xf32, #tpu.memory_space<vmem>>)
    %add3A_198 = arith.constant 96 : i32
    %add3A_199 = arith.addi %mul3A_2, %add3A_198 : i32
    %run_scoped3A_200 = arith.constant 0 : i32
    "tpu.region"() ({
      %run_scoped3A_270 = tpu.sem_alloc : memref<!tpu.dma_semaphore, #tpu.memory_space<semaphore_mem>>
      %dma_start3A_271 = arith.constant 0 : i32
      %dma_start3A_272 = arith.constant 0 : i32
      %dma_start3A_273 = tpu.memref_slice %arg6[%run_scoped3A_200, %dma_start3A_271, %dma_start3A_272] : memref<2x16x2048xf32, #tpu.memory_space<vmem>> -> memref<1x16x2048xf32, #tpu.memory_space<vmem>>
      %dma_start3A_274 = tpu.memref_squeeze %dma_start3A_273 : memref<1x16x2048xf32, #tpu.memory_space<vmem>> -> memref<16x2048xf32, #tpu.memory_space<vmem>>
      %dma_start3A_275 = arith.constant 0 : i32
      %dma_start3A_276 = tpu.memref_slice %arg4[%add3A_199, %dma_start3A_275] : memref<5120x2048xf32, #tpu.memory_space<hbm>> -> memref<16x2048xf32, #tpu.memory_space<hbm>>
      %dma_start3A_277 = arith.constant 0 : i32
      %dma_start3A_278 = tpu.memref_slice %arg4[%add3A_199, %dma_start3A_277] : memref<5120x2048xf32, #tpu.memory_space<hbm>> -> memref<16x2048xf32, #tpu.memory_space<hbm>>
      %dma_start3A_279 = arith.constant 0 : i32
      %dma_start3A_280 = arith.constant 0 : i32
      %dma_start3A_281 = tpu.memref_slice %arg6[%run_scoped3A_200, %dma_start3A_279, %dma_start3A_280] : memref<2x16x2048xf32, #tpu.memory_space<vmem>> -> memref<1x16x2048xf32, #tpu.memory_space<vmem>>
      %dma_start3A_282 = tpu.memref_squeeze %dma_start3A_281 : memref<1x16x2048xf32, #tpu.memory_space<vmem>> -> memref<16x2048xf32, #tpu.memory_space<vmem>>
      tpu.enqueue_dma source(%dma_start3A_282 : memref<16x2048xf32, #tpu.memory_space<vmem>>) target(%dma_start3A_278 : memref<16x2048xf32, #tpu.memory_space<hbm>>) target_semaphore(%run_scoped3A_270 : memref<!tpu.dma_semaphore, #tpu.memory_space<semaphore_mem>>)
      %dma_wait3A_283 = arith.constant 0 : i32
      %dma_wait3A_284 = arith.constant 0 : i32
      %dma_wait3A_285 = tpu.memref_slice %arg6[%run_scoped3A_200, %dma_wait3A_283, %dma_wait3A_284] : memref<2x16x2048xf32, #tpu.memory_space<vmem>> -> memref<1x16x2048xf32, #tpu.memory_space<vmem>>
      %dma_wait3A_286 = tpu.memref_squeeze %dma_wait3A_285 : memref<1x16x2048xf32, #tpu.memory_space<vmem>> -> memref<16x2048xf32, #tpu.memory_space<vmem>>
      %dma_wait3A_287 = arith.constant 0 : i32
      %dma_wait3A_288 = tpu.memref_slice %arg4[%add3A_199, %dma_wait3A_287] : memref<5120x2048xf32, #tpu.memory_space<hbm>> -> memref<16x2048xf32, #tpu.memory_space<hbm>>
      %dma_wait3A_289 = arith.constant 0 : i32
      %dma_wait3A_290 = tpu.memref_slice %arg4[%add3A_199, %dma_wait3A_289] : memref<5120x2048xf32, #tpu.memory_space<hbm>> -> memref<16x2048xf32, #tpu.memory_space<hbm>>
      %dma_wait3A_291 = arith.constant 0 : i32
      %dma_wait3A_292 = arith.constant 0 : i32
      %dma_wait3A_293 = tpu.memref_slice %arg6[%run_scoped3A_200, %dma_wait3A_291, %dma_wait3A_292] : memref<2x16x2048xf32, #tpu.memory_space<vmem>> -> memref<1x16x2048xf32, #tpu.memory_space<vmem>>
      %dma_wait3A_294 = tpu.memref_squeeze %dma_wait3A_293 : memref<1x16x2048xf32, #tpu.memory_space<vmem>> -> memref<16x2048xf32, #tpu.memory_space<vmem>>
      tpu.wait_dma2 semaphore(%run_scoped3A_270 : memref<!tpu.dma_semaphore, #tpu.memory_space<semaphore_mem>>) src(%dma_wait3A_294 : memref<16x2048xf32, #tpu.memory_space<vmem>>) dst(%dma_wait3A_290 : memref<16x2048xf32, #tpu.memory_space<hbm>>)
      tpu.yield
    }) : () -> ()
    %dma_start3A_201 = arith.constant 8 : i32
    %dma_start3A_202 = arith.constant 0 : i32
    %dma_start3A_203 = arith.constant 0 : i32
    %dma_start3A_204 = arith.constant 0 : i32
    %dma_start3A_205 = tpu.memref_slice %arg6[%dma_start3A_202, %dma_start3A_203, %dma_start3A_204] : memref<2x16x2048xf32, #tpu.memory_space<vmem>> -> memref<1x16x2048xf32, #tpu.memory_space<vmem>>
    %dma_start3A_206 = tpu.memref_squeeze %dma_start3A_205 : memref<1x16x2048xf32, #tpu.memory_space<vmem>> -> memref<16x2048xf32, #tpu.memory_space<vmem>>
    %dma_start3A_207 = arith.constant 0 : i32
    %dma_start3A_208 = tpu.memref_slice %arg5[%dma_start3A_201, %dma_start3A_207] : memref<10x16xi32, #tpu.memory_space<vmem>> -> memref<1x16xi32, #tpu.memory_space<vmem>>
    %dma_start3A_209 = tpu.memref_squeeze %dma_start3A_208 : memref<1x16xi32, #tpu.memory_space<vmem>> -> memref<16xi32, #tpu.memory_space<vmem>>
    %dma_start3A_210 = arith.constant 0 : i32
    %dma_start3A_211 = arith.constant 0 : i32
    %dma_start3A_212 = tpu.memref_slice %arg2[%dma_start3A_210, %dma_start3A_211] : memref<20000x2048xf32, #tpu.memory_space<hbm>> -> memref<20000x2048xf32, #tpu.memory_space<hbm>>
    tpu.enqueue_indirect_dma source(%dma_start3A_212 : memref<20000x2048xf32, #tpu.memory_space<hbm>>) target(%dma_start3A_206 : memref<16x2048xf32, #tpu.memory_space<vmem>>) offsets(%dma_start3A_209 : memref<16xi32, #tpu.memory_space<vmem>>) semaphore(%arg7 : memref<!tpu.dma_semaphore, #tpu.memory_space<semaphore_mem>>)
    %dma_wait3A_213 = arith.constant 7 : i32
    %dma_wait3A_214 = arith.constant 1 : i32
    %dma_wait3A_215 = arith.constant 0 : i32
    %dma_wait3A_216 = arith.constant 0 : i32
    %dma_wait3A_217 = tpu.memref_slice %arg6[%dma_wait3A_214, %dma_wait3A_215, %dma_wait3A_216] : memref<2x16x2048xf32, #tpu.memory_space<vmem>> -> memref<1x16x2048xf32, #tpu.memory_space<vmem>>
    %dma_wait3A_218 = tpu.memref_squeeze %dma_wait3A_217 : memref<1x16x2048xf32, #tpu.memory_space<vmem>> -> memref<16x2048xf32, #tpu.memory_space<vmem>>
    %dma_wait3A_219 = arith.constant 0 : i32
    %dma_wait3A_220 = tpu.memref_slice %arg5[%dma_wait3A_213, %dma_wait3A_219] : memref<10x16xi32, #tpu.memory_space<vmem>> -> memref<1x16xi32, #tpu.memory_space<vmem>>
    %dma_wait3A_221 = tpu.memref_squeeze %dma_wait3A_220 : memref<1x16xi32, #tpu.memory_space<vmem>> -> memref<16xi32, #tpu.memory_space<vmem>>
    %dma_wait3A_222 = arith.constant 0 : i32
    %dma_wait3A_223 = arith.constant 0 : i32
    %dma_wait3A_224 = tpu.memref_slice %arg2[%dma_wait3A_222, %dma_wait3A_223] : memref<20000x2048xf32, #tpu.memory_space<hbm>> -> memref<20000x2048xf32, #tpu.memory_space<hbm>>
    tpu.wait_indirect_dma semaphore(%arg8 : memref<!tpu.dma_semaphore, #tpu.memory_space<semaphore_mem>>) src(%dma_wait3A_224 : memref<20000x2048xf32, #tpu.memory_space<hbm>>) dst(%dma_wait3A_218 : memref<16x2048xf32, #tpu.memory_space<vmem>>)
    %add3A_225 = arith.constant 112 : i32
    %add3A_226 = arith.addi %mul3A_2, %add3A_225 : i32
    %run_scoped3A_227 = arith.constant 1 : i32
    "tpu.region"() ({
      %run_scoped3A_270 = tpu.sem_alloc : memref<!tpu.dma_semaphore, #tpu.memory_space<semaphore_mem>>
      %dma_start3A_271 = arith.constant 0 : i32
      %dma_start3A_272 = arith.constant 0 : i32
      %dma_start3A_273 = tpu.memref_slice %arg6[%run_scoped3A_227, %dma_start3A_271, %dma_start3A_272] : memref<2x16x2048xf32, #tpu.memory_space<vmem>> -> memref<1x16x2048xf32, #tpu.memory_space<vmem>>
      %dma_start3A_274 = tpu.memref_squeeze %dma_start3A_273 : memref<1x16x2048xf32, #tpu.memory_space<vmem>> -> memref<16x2048xf32, #tpu.memory_space<vmem>>
      %dma_start3A_275 = arith.constant 0 : i32
      %dma_start3A_276 = tpu.memref_slice %arg4[%add3A_226, %dma_start3A_275] : memref<5120x2048xf32, #tpu.memory_space<hbm>> -> memref<16x2048xf32, #tpu.memory_space<hbm>>
      %dma_start3A_277 = arith.constant 0 : i32
      %dma_start3A_278 = tpu.memref_slice %arg4[%add3A_226, %dma_start3A_277] : memref<5120x2048xf32, #tpu.memory_space<hbm>> -> memref<16x2048xf32, #tpu.memory_space<hbm>>
      %dma_start3A_279 = arith.constant 0 : i32
      %dma_start3A_280 = arith.constant 0 : i32
      %dma_start3A_281 = tpu.memref_slice %arg6[%run_scoped3A_227, %dma_start3A_279, %dma_start3A_280] : memref<2x16x2048xf32, #tpu.memory_space<vmem>> -> memref<1x16x2048xf32, #tpu.memory_space<vmem>>
      %dma_start3A_282 = tpu.memref_squeeze %dma_start3A_281 : memref<1x16x2048xf32, #tpu.memory_space<vmem>> -> memref<16x2048xf32, #tpu.memory_space<vmem>>
      tpu.enqueue_dma source(%dma_start3A_282 : memref<16x2048xf32, #tpu.memory_space<vmem>>) target(%dma_start3A_278 : memref<16x2048xf32, #tpu.memory_space<hbm>>) target_semaphore(%run_scoped3A_270 : memref<!tpu.dma_semaphore, #tpu.memory_space<semaphore_mem>>)
      %dma_wait3A_283 = arith.constant 0 : i32
      %dma_wait3A_284 = arith.constant 0 : i32
      %dma_wait3A_285 = tpu.memref_slice %arg6[%run_scoped3A_227, %dma_wait3A_283, %dma_wait3A_284] : memref<2x16x2048xf32, #tpu.memory_space<vmem>> -> memref<1x16x2048xf32, #tpu.memory_space<vmem>>
      %dma_wait3A_286 = tpu.memref_squeeze %dma_wait3A_285 : memref<1x16x2048xf32, #tpu.memory_space<vmem>> -> memref<16x2048xf32, #tpu.memory_space<vmem>>
      %dma_wait3A_287 = arith.constant 0 : i32
      %dma_wait3A_288 = tpu.memref_slice %arg4[%add3A_226, %dma_wait3A_287] : memref<5120x2048xf32, #tpu.memory_space<hbm>> -> memref<16x2048xf32, #tpu.memory_space<hbm>>
      %dma_wait3A_289 = arith.constant 0 : i32
      %dma_wait3A_290 = tpu.memref_slice %arg4[%add3A_226, %dma_wait3A_289] : memref<5120x2048xf32, #tpu.memory_space<hbm>> -> memref<16x2048xf32, #tpu.memory_space<hbm>>
      %dma_wait3A_291 = arith.constant 0 : i32
      %dma_wait3A_292 = arith.constant 0 : i32
      %dma_wait3A_293 = tpu.memref_slice %arg6[%run_scoped3A_227, %dma_wait3A_291, %dma_wait3A_292] : memref<2x16x2048xf32, #tpu.memory_space<vmem>> -> memref<1x16x2048xf32, #tpu.memory_space<vmem>>
      %dma_wait3A_294 = tpu.memref_squeeze %dma_wait3A_293 : memref<1x16x2048xf32, #tpu.memory_space<vmem>> -> memref<16x2048xf32, #tpu.memory_space<vmem>>
      tpu.wait_dma2 semaphore(%run_scoped3A_270 : memref<!tpu.dma_semaphore, #tpu.memory_space<semaphore_mem>>) src(%dma_wait3A_294 : memref<16x2048xf32, #tpu.memory_space<vmem>>) dst(%dma_wait3A_290 : memref<16x2048xf32, #tpu.memory_space<hbm>>)
      tpu.yield
    }) : () -> ()
    %dma_start3A_228 = arith.constant 9 : i32
    %dma_start3A_229 = arith.constant 1 : i32
    %dma_start3A_230 = arith.constant 0 : i32
    %dma_start3A_231 = arith.constant 0 : i32
    %dma_start3A_232 = tpu.memref_slice %arg6[%dma_start3A_229, %dma_start3A_230, %dma_start3A_231] : memref<2x16x2048xf32, #tpu.memory_space<vmem>> -> memref<1x16x2048xf32, #tpu.memory_space<vmem>>
    %dma_start3A_233 = tpu.memref_squeeze %dma_start3A_232 : memref<1x16x2048xf32, #tpu.memory_space<vmem>> -> memref<16x2048xf32, #tpu.memory_space<vmem>>
    %dma_start3A_234 = arith.constant 0 : i32
    %dma_start3A_235 = tpu.memref_slice %arg5[%dma_start3A_228, %dma_start3A_234] : memref<10x16xi32, #tpu.memory_space<vmem>> -> memref<1x16xi32, #tpu.memory_space<vmem>>
    %dma_start3A_236 = tpu.memref_squeeze %dma_start3A_235 : memref<1x16xi32, #tpu.memory_space<vmem>> -> memref<16xi32, #tpu.memory_space<vmem>>
    %dma_start3A_237 = arith.constant 0 : i32
    %dma_start3A_238 = arith.constant 0 : i32
    %dma_start3A_239 = tpu.memref_slice %arg2[%dma_start3A_237, %dma_start3A_238] : memref<20000x2048xf32, #tpu.memory_space<hbm>> -> memref<20000x2048xf32, #tpu.memory_space<hbm>>
    tpu.enqueue_indirect_dma source(%dma_start3A_239 : memref<20000x2048xf32, #tpu.memory_space<hbm>>) target(%dma_start3A_233 : memref<16x2048xf32, #tpu.memory_space<vmem>>) offsets(%dma_start3A_236 : memref<16xi32, #tpu.memory_space<vmem>>) semaphore(%arg8 : memref<!tpu.dma_semaphore, #tpu.memory_space<semaphore_mem>>)
    %dma_wait3A_240 = arith.constant 8 : i32
    %dma_wait3A_241 = arith.constant 0 : i32
    %dma_wait3A_242 = arith.constant 0 : i32
    %dma_wait3A_243 = arith.constant 0 : i32
    %dma_wait3A_244 = tpu.memref_slice %arg6[%dma_wait3A_241, %dma_wait3A_242, %dma_wait3A_243] : memref<2x16x2048xf32, #tpu.memory_space<vmem>> -> memref<1x16x2048xf32, #tpu.memory_space<vmem>>
    %dma_wait3A_245 = tpu.memref_squeeze %dma_wait3A_244 : memref<1x16x2048xf32, #tpu.memory_space<vmem>> -> memref<16x2048xf32, #tpu.memory_space<vmem>>
    %dma_wait3A_246 = arith.constant 0 : i32
    %dma_wait3A_247 = tpu.memref_slice %arg5[%dma_wait3A_240, %dma_wait3A_246] : memref<10x16xi32, #tpu.memory_space<vmem>> -> memref<1x16xi32, #tpu.memory_space<vmem>>
    %dma_wait3A_248 = tpu.memref_squeeze %dma_wait3A_247 : memref<1x16xi32, #tpu.memory_space<vmem>> -> memref<16xi32, #tpu.memory_space<vmem>>
    %dma_wait3A_249 = arith.constant 0 : i32
    %dma_wait3A_250 = arith.constant 0 : i32
    %dma_wait3A_251 = tpu.memref_slice %arg2[%dma_wait3A_249, %dma_wait3A_250] : memref<20000x2048xf32, #tpu.memory_space<hbm>> -> memref<20000x2048xf32, #tpu.memory_space<hbm>>
    tpu.wait_indirect_dma semaphore(%arg7 : memref<!tpu.dma_semaphore, #tpu.memory_space<semaphore_mem>>) src(%dma_wait3A_251 : memref<20000x2048xf32, #tpu.memory_space<hbm>>) dst(%dma_wait3A_245 : memref<16x2048xf32, #tpu.memory_space<vmem>>)
    %add3A_252 = arith.constant 128 : i32
    %add3A_253 = arith.addi %mul3A_2, %add3A_252 : i32
    %run_scoped3A_254 = arith.constant 0 : i32
    "tpu.region"() ({
      %run_scoped3A_270 = tpu.sem_alloc : memref<!tpu.dma_semaphore, #tpu.memory_space<semaphore_mem>>
      %dma_start3A_271 = arith.constant 0 : i32
      %dma_start3A_272 = arith.constant 0 : i32
      %dma_start3A_273 = tpu.memref_slice %arg6[%run_scoped3A_254, %dma_start3A_271, %dma_start3A_272] : memref<2x16x2048xf32, #tpu.memory_space<vmem>> -> memref<1x16x2048xf32, #tpu.memory_space<vmem>>
      %dma_start3A_274 = tpu.memref_squeeze %dma_start3A_273 : memref<1x16x2048xf32, #tpu.memory_space<vmem>> -> memref<16x2048xf32, #tpu.memory_space<vmem>>
      %dma_start3A_275 = arith.constant 0 : i32
      %dma_start3A_276 = tpu.memref_slice %arg4[%add3A_253, %dma_start3A_275] : memref<5120x2048xf32, #tpu.memory_space<hbm>> -> memref<16x2048xf32, #tpu.memory_space<hbm>>
      %dma_start3A_277 = arith.constant 0 : i32
      %dma_start3A_278 = tpu.memref_slice %arg4[%add3A_253, %dma_start3A_277] : memref<5120x2048xf32, #tpu.memory_space<hbm>> -> memref<16x2048xf32, #tpu.memory_space<hbm>>
      %dma_start3A_279 = arith.constant 0 : i32
      %dma_start3A_280 = arith.constant 0 : i32
      %dma_start3A_281 = tpu.memref_slice %arg6[%run_scoped3A_254, %dma_start3A_279, %dma_start3A_280] : memref<2x16x2048xf32, #tpu.memory_space<vmem>> -> memref<1x16x2048xf32, #tpu.memory_space<vmem>>
      %dma_start3A_282 = tpu.memref_squeeze %dma_start3A_281 : memref<1x16x2048xf32, #tpu.memory_space<vmem>> -> memref<16x2048xf32, #tpu.memory_space<vmem>>
      tpu.enqueue_dma source(%dma_start3A_282 : memref<16x2048xf32, #tpu.memory_space<vmem>>) target(%dma_start3A_278 : memref<16x2048xf32, #tpu.memory_space<hbm>>) target_semaphore(%run_scoped3A_270 : memref<!tpu.dma_semaphore, #tpu.memory_space<semaphore_mem>>)
      %dma_wait3A_283 = arith.constant 0 : i32
      %dma_wait3A_284 = arith.constant 0 : i32
      %dma_wait3A_285 = tpu.memref_slice %arg6[%run_scoped3A_254, %dma_wait3A_283, %dma_wait3A_284] : memref<2x16x2048xf32, #tpu.memory_space<vmem>> -> memref<1x16x2048xf32, #tpu.memory_space<vmem>>
      %dma_wait3A_286 = tpu.memref_squeeze %dma_wait3A_285 : memref<1x16x2048xf32, #tpu.memory_space<vmem>> -> memref<16x2048xf32, #tpu.memory_space<vmem>>
      %dma_wait3A_287 = arith.constant 0 : i32
      %dma_wait3A_288 = tpu.memref_slice %arg4[%add3A_253, %dma_wait3A_287] : memref<5120x2048xf32, #tpu.memory_space<hbm>> -> memref<16x2048xf32, #tpu.memory_space<hbm>>
      %dma_wait3A_289 = arith.constant 0 : i32
      %dma_wait3A_290 = tpu.memref_slice %arg4[%add3A_253, %dma_wait3A_289] : memref<5120x2048xf32, #tpu.memory_space<hbm>> -> memref<16x2048xf32, #tpu.memory_space<hbm>>
      %dma_wait3A_291 = arith.constant 0 : i32
      %dma_wait3A_292 = arith.constant 0 : i32
      %dma_wait3A_293 = tpu.memref_slice %arg6[%run_scoped3A_254, %dma_wait3A_291, %dma_wait3A_292] : memref<2x16x2048xf32, #tpu.memory_space<vmem>> -> memref<1x16x2048xf32, #tpu.memory_space<vmem>>
      %dma_wait3A_294 = tpu.memref_squeeze %dma_wait3A_293 : memref<1x16x2048xf32, #tpu.memory_space<vmem>> -> memref<16x2048xf32, #tpu.memory_space<vmem>>
      tpu.wait_dma2 semaphore(%run_scoped3A_270 : memref<!tpu.dma_semaphore, #tpu.memory_space<semaphore_mem>>) src(%dma_wait3A_294 : memref<16x2048xf32, #tpu.memory_space<vmem>>) dst(%dma_wait3A_290 : memref<16x2048xf32, #tpu.memory_space<hbm>>)
      tpu.yield
    }) : () -> ()
    %dma_wait3A_255 = arith.constant 9 : i32
    %dma_wait3A_256 = arith.constant 1 : i32
    %dma_wait3A_257 = arith.constant 0 : i32
    %dma_wait3A_258 = arith.constant 0 : i32
    %dma_wait3A_259 = tpu.memref_slice %arg6[%dma_wait3A_256, %dma_wait3A_257, %dma_wait3A_258] : memref<2x16x2048xf32, #tpu.memory_space<vmem>> -> memref<1x16x2048xf32, #tpu.memory_space<vmem>>
    %dma_wait3A_260 = tpu.memref_squeeze %dma_wait3A_259 : memref<1x16x2048xf32, #tpu.memory_space<vmem>> -> memref<16x2048xf32, #tpu.memory_space<vmem>>
    %dma_wait3A_261 = arith.constant 0 : i32
    %dma_wait3A_262 = tpu.memref_slice %arg5[%dma_wait3A_255, %dma_wait3A_261] : memref<10x16xi32, #tpu.memory_space<vmem>> -> memref<1x16xi32, #tpu.memory_space<vmem>>
    %dma_wait3A_263 = tpu.memref_squeeze %dma_wait3A_262 : memref<1x16xi32, #tpu.memory_space<vmem>> -> memref<16xi32, #tpu.memory_space<vmem>>
    %dma_wait3A_264 = arith.constant 0 : i32
    %dma_wait3A_265 = arith.constant 0 : i32
    %dma_wait3A_266 = tpu.memref_slice %arg2[%dma_wait3A_264, %dma_wait3A_265] : memref<20000x2048xf32, #tpu.memory_space<hbm>> -> memref<20000x2048xf32, #tpu.memory_space<hbm>>
    tpu.wait_indirect_dma semaphore(%arg8 : memref<!tpu.dma_semaphore, #tpu.memory_space<semaphore_mem>>) src(%dma_wait3A_266 : memref<20000x2048xf32, #tpu.memory_space<hbm>>) dst(%dma_wait3A_260 : memref<16x2048xf32, #tpu.memory_space<vmem>>)
    %add3A_267 = arith.constant 144 : i32
    %add3A_268 = arith.addi %mul3A_2, %add3A_267 : i32
    %run_scoped3A_269 = arith.constant 1 : i32
    "tpu.region"() ({
      %run_scoped3A_270 = tpu.sem_alloc : memref<!tpu.dma_semaphore, #tpu.memory_space<semaphore_mem>>
      %dma_start3A_271 = arith.constant 0 : i32
      %dma_start3A_272 = arith.constant 0 : i32
      %dma_start3A_273 = tpu.memref_slice %arg6[%run_scoped3A_269, %dma_start3A_271, %dma_start3A_272] : memref<2x16x2048xf32, #tpu.memory_space<vmem>> -> memref<1x16x2048xf32, #tpu.memory_space<vmem>>
      %dma_start3A_274 = tpu.memref_squeeze %dma_start3A_273 : memref<1x16x2048xf32, #tpu.memory_space<vmem>> -> memref<16x2048xf32, #tpu.memory_space<vmem>>
      %dma_start3A_275 = arith.constant 0 : i32
      %dma_start3A_276 = tpu.memref_slice %arg4[%add3A_268, %dma_start3A_275] : memref<5120x2048xf32, #tpu.memory_space<hbm>> -> memref<16x2048xf32, #tpu.memory_space<hbm>>
      %dma_start3A_277 = arith.constant 0 : i32
      %dma_start3A_278 = tpu.memref_slice %arg4[%add3A_268, %dma_start3A_277] : memref<5120x2048xf32, #tpu.memory_space<hbm>> -> memref<16x2048xf32, #tpu.memory_space<hbm>>
      %dma_start3A_279 = arith.constant 0 : i32
      %dma_start3A_280 = arith.constant 0 : i32
      %dma_start3A_281 = tpu.memref_slice %arg6[%run_scoped3A_269, %dma_start3A_279, %dma_start3A_280] : memref<2x16x2048xf32, #tpu.memory_space<vmem>> -> memref<1x16x2048xf32, #tpu.memory_space<vmem>>
      %dma_start3A_282 = tpu.memref_squeeze %dma_start3A_281 : memref<1x16x2048xf32, #tpu.memory_space<vmem>> -> memref<16x2048xf32, #tpu.memory_space<vmem>>
      tpu.enqueue_dma source(%dma_start3A_282 : memref<16x2048xf32, #tpu.memory_space<vmem>>) target(%dma_start3A_278 : memref<16x2048xf32, #tpu.memory_space<hbm>>) target_semaphore(%run_scoped3A_270 : memref<!tpu.dma_semaphore, #tpu.memory_space<semaphore_mem>>)
      %dma_wait3A_283 = arith.constant 0 : i32
      %dma_wait3A_284 = arith.constant 0 : i32
      %dma_wait3A_285 = tpu.memref_slice %arg6[%run_scoped3A_269, %dma_wait3A_283, %dma_wait3A_284] : memref<2x16x2048xf32, #tpu.memory_space<vmem>> -> memref<1x16x2048xf32, #tpu.memory_space<vmem>>
      %dma_wait3A_286 = tpu.memref_squeeze %dma_wait3A_285 : memref<1x16x2048xf32, #tpu.memory_space<vmem>> -> memref<16x2048xf32, #tpu.memory_space<vmem>>
      %dma_wait3A_287 = arith.constant 0 : i32
      %dma_wait3A_288 = tpu.memref_slice %arg4[%add3A_268, %dma_wait3A_287] : memref<5120x2048xf32, #tpu.memory_space<hbm>> -> memref<16x2048xf32, #tpu.memory_space<hbm>>
      %dma_wait3A_289 = arith.constant 0 : i32
      %dma_wait3A_290 = tpu.memref_slice %arg4[%add3A_268, %dma_wait3A_289] : memref<5120x2048xf32, #tpu.memory_space<hbm>> -> memref<16x2048xf32, #tpu.memory_space<hbm>>
      %dma_wait3A_291 = arith.constant 0 : i32
      %dma_wait3A_292 = arith.constant 0 : i32
      %dma_wait3A_293 = tpu.memref_slice %arg6[%run_scoped3A_269, %dma_wait3A_291, %dma_wait3A_292] : memref<2x16x2048xf32, #tpu.memory_space<vmem>> -> memref<1x16x2048xf32, #tpu.memory_space<vmem>>
      %dma_wait3A_294 = tpu.memref_squeeze %dma_wait3A_293 : memref<1x16x2048xf32, #tpu.memory_space<vmem>> -> memref<16x2048xf32, #tpu.memory_space<vmem>>
      tpu.wait_dma2 semaphore(%run_scoped3A_270 : memref<!tpu.dma_semaphore, #tpu.memory_space<semaphore_mem>>) src(%dma_wait3A_294 : memref<16x2048xf32, #tpu.memory_space<vmem>>) dst(%dma_wait3A_290 : memref<16x2048xf32, #tpu.memory_space<hbm>>)
      tpu.yield
    }) : () -> ()
    return
  }
}

#map = affine_map<(d0, d1) -> (0, 0)>
#map1 = affine_map<(d0, d1) -> (0, 0, 0)>
module attributes {stable_mosaic.version = 14 : i64} {
  func.func @_gather_body(%arg0: i32, %arg1: i32, %arg2: memref<20000x2048xf32, #tpu.memory_space<hbm>>, %arg3: memref<32x22x16xi32, #tpu.memory_space<hbm>>, %arg4: memref<11264x2048xf32, #tpu.memory_space<hbm>>, %arg5: memref<22x16xi32, #tpu.memory_space<vmem>>, %arg6: memref<2x16x2048xf32, #tpu.memory_space<vmem>>, %arg7: memref<!tpu.dma_semaphore, #tpu.memory_space<semaphore_mem>>, %arg8: memref<!tpu.dma_semaphore, #tpu.memory_space<semaphore_mem>>) attributes {dimension_semantics = [#tpu.dimension_semantics<core_parallel>, #tpu.dimension_semantics<subcore_parallel>], iteration_bounds = array<i64: 2, 16>, scalar_prefetch = 0 : i64, scratch_operands = 4 : i64, tpu.core_type = #tpu.core_type<sc_vector_subcore>, window_params = [{transform_indices = #map}, {transform_indices = #map1}, {transform_indices = #map}]} {
    %mul3A = arith.constant 2 : i32
    %mul3A_0 = arith.muli %arg1, %mul3A : i32
    %add3A = arith.addi %mul3A_0, %arg0 : i32
    "tpu.region"() ({
      %run_scoped3A_594 = tpu.sem_alloc : memref<!tpu.dma_semaphore, #tpu.memory_space<semaphore_mem>>
      %dma_start3A_595 = arith.constant 0 : i32
      %dma_start3A_596 = arith.constant 0 : i32
      %dma_start3A_597 = tpu.memref_slice %arg3[%add3A, %dma_start3A_595, %dma_start3A_596] : memref<32x22x16xi32, #tpu.memory_space<hbm>> -> memref<1x22x16xi32, #tpu.memory_space<hbm>>
      %dma_start3A_598 = tpu.memref_squeeze %dma_start3A_597 : memref<1x22x16xi32, #tpu.memory_space<hbm>> -> memref<22x16xi32, #tpu.memory_space<hbm>>
      %dma_start3A_599 = arith.constant 0 : i32
      %dma_start3A_600 = arith.constant 0 : i32
      %dma_start3A_601 = tpu.memref_slice %arg3[%add3A, %dma_start3A_599, %dma_start3A_600] : memref<32x22x16xi32, #tpu.memory_space<hbm>> -> memref<1x22x16xi32, #tpu.memory_space<hbm>>
      %dma_start3A_602 = tpu.memref_squeeze %dma_start3A_601 : memref<1x22x16xi32, #tpu.memory_space<hbm>> -> memref<22x16xi32, #tpu.memory_space<hbm>>
      tpu.enqueue_dma source(%dma_start3A_602 : memref<22x16xi32, #tpu.memory_space<hbm>>) target(%arg5 : memref<22x16xi32, #tpu.memory_space<vmem>>) target_semaphore(%run_scoped3A_594 : memref<!tpu.dma_semaphore, #tpu.memory_space<semaphore_mem>>)
      %dma_wait3A_603 = arith.constant 0 : i32
      %dma_wait3A_604 = arith.constant 0 : i32
      %dma_wait3A_605 = tpu.memref_slice %arg3[%add3A, %dma_wait3A_603, %dma_wait3A_604] : memref<32x22x16xi32, #tpu.memory_space<hbm>> -> memref<1x22x16xi32, #tpu.memory_space<hbm>>
      %dma_wait3A_606 = tpu.memref_squeeze %dma_wait3A_605 : memref<1x22x16xi32, #tpu.memory_space<hbm>> -> memref<22x16xi32, #tpu.memory_space<hbm>>
      %dma_wait3A_607 = arith.constant 0 : i32
      %dma_wait3A_608 = arith.constant 0 : i32
      %dma_wait3A_609 = tpu.memref_slice %arg3[%add3A, %dma_wait3A_607, %dma_wait3A_608] : memref<32x22x16xi32, #tpu.memory_space<hbm>> -> memref<1x22x16xi32, #tpu.memory_space<hbm>>
      %dma_wait3A_610 = tpu.memref_squeeze %dma_wait3A_609 : memref<1x22x16xi32, #tpu.memory_space<hbm>> -> memref<22x16xi32, #tpu.memory_space<hbm>>
      tpu.wait_dma2 semaphore(%run_scoped3A_594 : memref<!tpu.dma_semaphore, #tpu.memory_space<semaphore_mem>>) src(%dma_wait3A_610 : memref<22x16xi32, #tpu.memory_space<hbm>>) dst(%arg5 : memref<22x16xi32, #tpu.memory_space<vmem>>)
      tpu.yield
    }) : () -> ()
    %mul3A_1 = arith.constant 352 : i32
    %mul3A_2 = arith.muli %add3A, %mul3A_1 : i32
    %dma_start3A = arith.constant 0 : i32
    %dma_start3A_3 = arith.constant 0 : i32
    %dma_start3A_4 = arith.constant 0 : i32
    %dma_start3A_5 = arith.constant 0 : i32
    %dma_start3A_6 = tpu.memref_slice %arg6[%dma_start3A_3, %dma_start3A_4, %dma_start3A_5] : memref<2x16x2048xf32, #tpu.memory_space<vmem>> -> memref<1x16x2048xf32, #tpu.memory_space<vmem>>
    %dma_start3A_7 = tpu.memref_squeeze %dma_start3A_6 : memref<1x16x2048xf32, #tpu.memory_space<vmem>> -> memref<16x2048xf32, #tpu.memory_space<vmem>>
    %dma_start3A_8 = arith.constant 0 : i32
    %dma_start3A_9 = tpu.memref_slice %arg5[%dma_start3A, %dma_start3A_8] : memref<22x16xi32, #tpu.memory_space<vmem>> -> memref<1x16xi32, #tpu.memory_space<vmem>>
    %dma_start3A_10 = tpu.memref_squeeze %dma_start3A_9 : memref<1x16xi32, #tpu.memory_space<vmem>> -> memref<16xi32, #tpu.memory_space<vmem>>
    %dma_start3A_11 = arith.constant 0 : i32
    %dma_start3A_12 = arith.constant 0 : i32
    %dma_start3A_13 = tpu.memref_slice %arg2[%dma_start3A_11, %dma_start3A_12] : memref<20000x2048xf32, #tpu.memory_space<hbm>> -> memref<20000x2048xf32, #tpu.memory_space<hbm>>
    tpu.enqueue_indirect_dma source(%dma_start3A_13 : memref<20000x2048xf32, #tpu.memory_space<hbm>>) target(%dma_start3A_7 : memref<16x2048xf32, #tpu.memory_space<vmem>>) offsets(%dma_start3A_10 : memref<16xi32, #tpu.memory_space<vmem>>) semaphore(%arg7 : memref<!tpu.dma_semaphore, #tpu.memory_space<semaphore_mem>>)
    %dma_start3A_14 = arith.constant 1 : i32
    %dma_start3A_15 = arith.constant 1 : i32
    %dma_start3A_16 = arith.constant 0 : i32
    %dma_start3A_17 = arith.constant 0 : i32
    %dma_start3A_18 = tpu.memref_slice %arg6[%dma_start3A_15, %dma_start3A_16, %dma_start3A_17] : memref<2x16x2048xf32, #tpu.memory_space<vmem>> -> memref<1x16x2048xf32, #tpu.memory_space<vmem>>
    %dma_start3A_19 = tpu.memref_squeeze %dma_start3A_18 : memref<1x16x2048xf32, #tpu.memory_space<vmem>> -> memref<16x2048xf32, #tpu.memory_space<vmem>>
    %dma_start3A_20 = arith.constant 0 : i32
    %dma_start3A_21 = tpu.memref_slice %arg5[%dma_start3A_14, %dma_start3A_20] : memref<22x16xi32, #tpu.memory_space<vmem>> -> memref<1x16xi32, #tpu.memory_space<vmem>>
    %dma_start3A_22 = tpu.memref_squeeze %dma_start3A_21 : memref<1x16xi32, #tpu.memory_space<vmem>> -> memref<16xi32, #tpu.memory_space<vmem>>
    %dma_start3A_23 = arith.constant 0 : i32
    %dma_start3A_24 = arith.constant 0 : i32
    %dma_start3A_25 = tpu.memref_slice %arg2[%dma_start3A_23, %dma_start3A_24] : memref<20000x2048xf32, #tpu.memory_space<hbm>> -> memref<20000x2048xf32, #tpu.memory_space<hbm>>
    tpu.enqueue_indirect_dma source(%dma_start3A_25 : memref<20000x2048xf32, #tpu.memory_space<hbm>>) target(%dma_start3A_19 : memref<16x2048xf32, #tpu.memory_space<vmem>>) offsets(%dma_start3A_22 : memref<16xi32, #tpu.memory_space<vmem>>) semaphore(%arg8 : memref<!tpu.dma_semaphore, #tpu.memory_space<semaphore_mem>>)
    %dma_wait3A = arith.constant 0 : i32
    %dma_wait3A_26 = arith.constant 0 : i32
    %dma_wait3A_27 = arith.constant 0 : i32
    %dma_wait3A_28 = arith.constant 0 : i32
    %dma_wait3A_29 = tpu.memref_slice %arg6[%dma_wait3A_26, %dma_wait3A_27, %dma_wait3A_28] : memref<2x16x2048xf32, #tpu.memory_space<vmem>> -> memref<1x16x2048xf32, #tpu.memory_space<vmem>>
    %dma_wait3A_30 = tpu.memref_squeeze %dma_wait3A_29 : memref<1x16x2048xf32, #tpu.memory_space<vmem>> -> memref<16x2048xf32, #tpu.memory_space<vmem>>
    %dma_wait3A_31 = arith.constant 0 : i32
    %dma_wait3A_32 = tpu.memref_slice %arg5[%dma_wait3A, %dma_wait3A_31] : memref<22x16xi32, #tpu.memory_space<vmem>> -> memref<1x16xi32, #tpu.memory_space<vmem>>
    %dma_wait3A_33 = tpu.memref_squeeze %dma_wait3A_32 : memref<1x16xi32, #tpu.memory_space<vmem>> -> memref<16xi32, #tpu.memory_space<vmem>>
    %dma_wait3A_34 = arith.constant 0 : i32
    %dma_wait3A_35 = arith.constant 0 : i32
    %dma_wait3A_36 = tpu.memref_slice %arg2[%dma_wait3A_34, %dma_wait3A_35] : memref<20000x2048xf32, #tpu.memory_space<hbm>> -> memref<20000x2048xf32, #tpu.memory_space<hbm>>
    tpu.wait_indirect_dma semaphore(%arg7 : memref<!tpu.dma_semaphore, #tpu.memory_space<semaphore_mem>>) src(%dma_wait3A_36 : memref<20000x2048xf32, #tpu.memory_space<hbm>>) dst(%dma_wait3A_30 : memref<16x2048xf32, #tpu.memory_space<vmem>>)
    %add3A_37 = arith.constant 0 : i32
    %add3A_38 = arith.addi %mul3A_2, %add3A_37 : i32
    %run_scoped3A = arith.constant 0 : i32
    "tpu.region"() ({
      %run_scoped3A_594 = tpu.sem_alloc : memref<!tpu.dma_semaphore, #tpu.memory_space<semaphore_mem>>
      %dma_start3A_595 = arith.constant 0 : i32
      %dma_start3A_596 = arith.constant 0 : i32
      %dma_start3A_597 = tpu.memref_slice %arg6[%run_scoped3A, %dma_start3A_595, %dma_start3A_596] : memref<2x16x2048xf32, #tpu.memory_space<vmem>> -> memref<1x16x2048xf32, #tpu.memory_space<vmem>>
      %dma_start3A_598 = tpu.memref_squeeze %dma_start3A_597 : memref<1x16x2048xf32, #tpu.memory_space<vmem>> -> memref<16x2048xf32, #tpu.memory_space<vmem>>
      %dma_start3A_599 = arith.constant 0 : i32
      %dma_start3A_600 = tpu.memref_slice %arg4[%add3A_38, %dma_start3A_599] : memref<11264x2048xf32, #tpu.memory_space<hbm>> -> memref<16x2048xf32, #tpu.memory_space<hbm>>
      %dma_start3A_601 = arith.constant 0 : i32
      %dma_start3A_602 = tpu.memref_slice %arg4[%add3A_38, %dma_start3A_601] : memref<11264x2048xf32, #tpu.memory_space<hbm>> -> memref<16x2048xf32, #tpu.memory_space<hbm>>
      %dma_start3A_603 = arith.constant 0 : i32
      %dma_start3A_604 = arith.constant 0 : i32
      %dma_start3A_605 = tpu.memref_slice %arg6[%run_scoped3A, %dma_start3A_603, %dma_start3A_604] : memref<2x16x2048xf32, #tpu.memory_space<vmem>> -> memref<1x16x2048xf32, #tpu.memory_space<vmem>>
      %dma_start3A_606 = tpu.memref_squeeze %dma_start3A_605 : memref<1x16x2048xf32, #tpu.memory_space<vmem>> -> memref<16x2048xf32, #tpu.memory_space<vmem>>
      tpu.enqueue_dma source(%dma_start3A_606 : memref<16x2048xf32, #tpu.memory_space<vmem>>) target(%dma_start3A_602 : memref<16x2048xf32, #tpu.memory_space<hbm>>) target_semaphore(%run_scoped3A_594 : memref<!tpu.dma_semaphore, #tpu.memory_space<semaphore_mem>>)
      %dma_wait3A_607 = arith.constant 0 : i32
      %dma_wait3A_608 = arith.constant 0 : i32
      %dma_wait3A_609 = tpu.memref_slice %arg6[%run_scoped3A, %dma_wait3A_607, %dma_wait3A_608] : memref<2x16x2048xf32, #tpu.memory_space<vmem>> -> memref<1x16x2048xf32, #tpu.memory_space<vmem>>
      %dma_wait3A_610 = tpu.memref_squeeze %dma_wait3A_609 : memref<1x16x2048xf32, #tpu.memory_space<vmem>> -> memref<16x2048xf32, #tpu.memory_space<vmem>>
      %dma_wait3A_611 = arith.constant 0 : i32
      %dma_wait3A_612 = tpu.memref_slice %arg4[%add3A_38, %dma_wait3A_611] : memref<11264x2048xf32, #tpu.memory_space<hbm>> -> memref<16x2048xf32, #tpu.memory_space<hbm>>
      %dma_wait3A_613 = arith.constant 0 : i32
      %dma_wait3A_614 = tpu.memref_slice %arg4[%add3A_38, %dma_wait3A_613] : memref<11264x2048xf32, #tpu.memory_space<hbm>> -> memref<16x2048xf32, #tpu.memory_space<hbm>>
      %dma_wait3A_615 = arith.constant 0 : i32
      %dma_wait3A_616 = arith.constant 0 : i32
      %dma_wait3A_617 = tpu.memref_slice %arg6[%run_scoped3A, %dma_wait3A_615, %dma_wait3A_616] : memref<2x16x2048xf32, #tpu.memory_space<vmem>> -> memref<1x16x2048xf32, #tpu.memory_space<vmem>>
      %dma_wait3A_618 = tpu.memref_squeeze %dma_wait3A_617 : memref<1x16x2048xf32, #tpu.memory_space<vmem>> -> memref<16x2048xf32, #tpu.memory_space<vmem>>
      tpu.wait_dma2 semaphore(%run_scoped3A_594 : memref<!tpu.dma_semaphore, #tpu.memory_space<semaphore_mem>>) src(%dma_wait3A_618 : memref<16x2048xf32, #tpu.memory_space<vmem>>) dst(%dma_wait3A_614 : memref<16x2048xf32, #tpu.memory_space<hbm>>)
      tpu.yield
    }) : () -> ()
    %dma_start3A_39 = arith.constant 2 : i32
    %dma_start3A_40 = arith.constant 0 : i32
    %dma_start3A_41 = arith.constant 0 : i32
    %dma_start3A_42 = arith.constant 0 : i32
    %dma_start3A_43 = tpu.memref_slice %arg6[%dma_start3A_40, %dma_start3A_41, %dma_start3A_42] : memref<2x16x2048xf32, #tpu.memory_space<vmem>> -> memref<1x16x2048xf32, #tpu.memory_space<vmem>>
    %dma_start3A_44 = tpu.memref_squeeze %dma_start3A_43 : memref<1x16x2048xf32, #tpu.memory_space<vmem>> -> memref<16x2048xf32, #tpu.memory_space<vmem>>
    %dma_start3A_45 = arith.constant 0 : i32
    %dma_start3A_46 = tpu.memref_slice %arg5[%dma_start3A_39, %dma_start3A_45] : memref<22x16xi32, #tpu.memory_space<vmem>> -> memref<1x16xi32, #tpu.memory_space<vmem>>
    %dma_start3A_47 = tpu.memref_squeeze %dma_start3A_46 : memref<1x16xi32, #tpu.memory_space<vmem>> -> memref<16xi32, #tpu.memory_space<vmem>>
    %dma_start3A_48 = arith.constant 0 : i32
    %dma_start3A_49 = arith.constant 0 : i32
    %dma_start3A_50 = tpu.memref_slice %arg2[%dma_start3A_48, %dma_start3A_49] : memref<20000x2048xf32, #tpu.memory_space<hbm>> -> memref<20000x2048xf32, #tpu.memory_space<hbm>>
    tpu.enqueue_indirect_dma source(%dma_start3A_50 : memref<20000x2048xf32, #tpu.memory_space<hbm>>) target(%dma_start3A_44 : memref<16x2048xf32, #tpu.memory_space<vmem>>) offsets(%dma_start3A_47 : memref<16xi32, #tpu.memory_space<vmem>>) semaphore(%arg7 : memref<!tpu.dma_semaphore, #tpu.memory_space<semaphore_mem>>)
    %dma_wait3A_51 = arith.constant 1 : i32
    %dma_wait3A_52 = arith.constant 1 : i32
    %dma_wait3A_53 = arith.constant 0 : i32
    %dma_wait3A_54 = arith.constant 0 : i32
    %dma_wait3A_55 = tpu.memref_slice %arg6[%dma_wait3A_52, %dma_wait3A_53, %dma_wait3A_54] : memref<2x16x2048xf32, #tpu.memory_space<vmem>> -> memref<1x16x2048xf32, #tpu.memory_space<vmem>>
    %dma_wait3A_56 = tpu.memref_squeeze %dma_wait3A_55 : memref<1x16x2048xf32, #tpu.memory_space<vmem>> -> memref<16x2048xf32, #tpu.memory_space<vmem>>
    %dma_wait3A_57 = arith.constant 0 : i32
    %dma_wait3A_58 = tpu.memref_slice %arg5[%dma_wait3A_51, %dma_wait3A_57] : memref<22x16xi32, #tpu.memory_space<vmem>> -> memref<1x16xi32, #tpu.memory_space<vmem>>
    %dma_wait3A_59 = tpu.memref_squeeze %dma_wait3A_58 : memref<1x16xi32, #tpu.memory_space<vmem>> -> memref<16xi32, #tpu.memory_space<vmem>>
    %dma_wait3A_60 = arith.constant 0 : i32
    %dma_wait3A_61 = arith.constant 0 : i32
    %dma_wait3A_62 = tpu.memref_slice %arg2[%dma_wait3A_60, %dma_wait3A_61] : memref<20000x2048xf32, #tpu.memory_space<hbm>> -> memref<20000x2048xf32, #tpu.memory_space<hbm>>
    tpu.wait_indirect_dma semaphore(%arg8 : memref<!tpu.dma_semaphore, #tpu.memory_space<semaphore_mem>>) src(%dma_wait3A_62 : memref<20000x2048xf32, #tpu.memory_space<hbm>>) dst(%dma_wait3A_56 : memref<16x2048xf32, #tpu.memory_space<vmem>>)
    %add3A_63 = arith.constant 16 : i32
    %add3A_64 = arith.addi %mul3A_2, %add3A_63 : i32
    %run_scoped3A_65 = arith.constant 1 : i32
    "tpu.region"() ({
      %run_scoped3A_594 = tpu.sem_alloc : memref<!tpu.dma_semaphore, #tpu.memory_space<semaphore_mem>>
      %dma_start3A_595 = arith.constant 0 : i32
      %dma_start3A_596 = arith.constant 0 : i32
      %dma_start3A_597 = tpu.memref_slice %arg6[%run_scoped3A_65, %dma_start3A_595, %dma_start3A_596] : memref<2x16x2048xf32, #tpu.memory_space<vmem>> -> memref<1x16x2048xf32, #tpu.memory_space<vmem>>
      %dma_start3A_598 = tpu.memref_squeeze %dma_start3A_597 : memref<1x16x2048xf32, #tpu.memory_space<vmem>> -> memref<16x2048xf32, #tpu.memory_space<vmem>>
      %dma_start3A_599 = arith.constant 0 : i32
      %dma_start3A_600 = tpu.memref_slice %arg4[%add3A_64, %dma_start3A_599] : memref<11264x2048xf32, #tpu.memory_space<hbm>> -> memref<16x2048xf32, #tpu.memory_space<hbm>>
      %dma_start3A_601 = arith.constant 0 : i32
      %dma_start3A_602 = tpu.memref_slice %arg4[%add3A_64, %dma_start3A_601] : memref<11264x2048xf32, #tpu.memory_space<hbm>> -> memref<16x2048xf32, #tpu.memory_space<hbm>>
      %dma_start3A_603 = arith.constant 0 : i32
      %dma_start3A_604 = arith.constant 0 : i32
      %dma_start3A_605 = tpu.memref_slice %arg6[%run_scoped3A_65, %dma_start3A_603, %dma_start3A_604] : memref<2x16x2048xf32, #tpu.memory_space<vmem>> -> memref<1x16x2048xf32, #tpu.memory_space<vmem>>
      %dma_start3A_606 = tpu.memref_squeeze %dma_start3A_605 : memref<1x16x2048xf32, #tpu.memory_space<vmem>> -> memref<16x2048xf32, #tpu.memory_space<vmem>>
      tpu.enqueue_dma source(%dma_start3A_606 : memref<16x2048xf32, #tpu.memory_space<vmem>>) target(%dma_start3A_602 : memref<16x2048xf32, #tpu.memory_space<hbm>>) target_semaphore(%run_scoped3A_594 : memref<!tpu.dma_semaphore, #tpu.memory_space<semaphore_mem>>)
      %dma_wait3A_607 = arith.constant 0 : i32
      %dma_wait3A_608 = arith.constant 0 : i32
      %dma_wait3A_609 = tpu.memref_slice %arg6[%run_scoped3A_65, %dma_wait3A_607, %dma_wait3A_608] : memref<2x16x2048xf32, #tpu.memory_space<vmem>> -> memref<1x16x2048xf32, #tpu.memory_space<vmem>>
      %dma_wait3A_610 = tpu.memref_squeeze %dma_wait3A_609 : memref<1x16x2048xf32, #tpu.memory_space<vmem>> -> memref<16x2048xf32, #tpu.memory_space<vmem>>
      %dma_wait3A_611 = arith.constant 0 : i32
      %dma_wait3A_612 = tpu.memref_slice %arg4[%add3A_64, %dma_wait3A_611] : memref<11264x2048xf32, #tpu.memory_space<hbm>> -> memref<16x2048xf32, #tpu.memory_space<hbm>>
      %dma_wait3A_613 = arith.constant 0 : i32
      %dma_wait3A_614 = tpu.memref_slice %arg4[%add3A_64, %dma_wait3A_613] : memref<11264x2048xf32, #tpu.memory_space<hbm>> -> memref<16x2048xf32, #tpu.memory_space<hbm>>
      %dma_wait3A_615 = arith.constant 0 : i32
      %dma_wait3A_616 = arith.constant 0 : i32
      %dma_wait3A_617 = tpu.memref_slice %arg6[%run_scoped3A_65, %dma_wait3A_615, %dma_wait3A_616] : memref<2x16x2048xf32, #tpu.memory_space<vmem>> -> memref<1x16x2048xf32, #tpu.memory_space<vmem>>
      %dma_wait3A_618 = tpu.memref_squeeze %dma_wait3A_617 : memref<1x16x2048xf32, #tpu.memory_space<vmem>> -> memref<16x2048xf32, #tpu.memory_space<vmem>>
      tpu.wait_dma2 semaphore(%run_scoped3A_594 : memref<!tpu.dma_semaphore, #tpu.memory_space<semaphore_mem>>) src(%dma_wait3A_618 : memref<16x2048xf32, #tpu.memory_space<vmem>>) dst(%dma_wait3A_614 : memref<16x2048xf32, #tpu.memory_space<hbm>>)
      tpu.yield
    }) : () -> ()
    %dma_start3A_66 = arith.constant 3 : i32
    %dma_start3A_67 = arith.constant 1 : i32
    %dma_start3A_68 = arith.constant 0 : i32
    %dma_start3A_69 = arith.constant 0 : i32
    %dma_start3A_70 = tpu.memref_slice %arg6[%dma_start3A_67, %dma_start3A_68, %dma_start3A_69] : memref<2x16x2048xf32, #tpu.memory_space<vmem>> -> memref<1x16x2048xf32, #tpu.memory_space<vmem>>
    %dma_start3A_71 = tpu.memref_squeeze %dma_start3A_70 : memref<1x16x2048xf32, #tpu.memory_space<vmem>> -> memref<16x2048xf32, #tpu.memory_space<vmem>>
    %dma_start3A_72 = arith.constant 0 : i32
    %dma_start3A_73 = tpu.memref_slice %arg5[%dma_start3A_66, %dma_start3A_72] : memref<22x16xi32, #tpu.memory_space<vmem>> -> memref<1x16xi32, #tpu.memory_space<vmem>>
    %dma_start3A_74 = tpu.memref_squeeze %dma_start3A_73 : memref<1x16xi32, #tpu.memory_space<vmem>> -> memref<16xi32, #tpu.memory_space<vmem>>
    %dma_start3A_75 = arith.constant 0 : i32
    %dma_start3A_76 = arith.constant 0 : i32
    %dma_start3A_77 = tpu.memref_slice %arg2[%dma_start3A_75, %dma_start3A_76] : memref<20000x2048xf32, #tpu.memory_space<hbm>> -> memref<20000x2048xf32, #tpu.memory_space<hbm>>
    tpu.enqueue_indirect_dma source(%dma_start3A_77 : memref<20000x2048xf32, #tpu.memory_space<hbm>>) target(%dma_start3A_71 : memref<16x2048xf32, #tpu.memory_space<vmem>>) offsets(%dma_start3A_74 : memref<16xi32, #tpu.memory_space<vmem>>) semaphore(%arg8 : memref<!tpu.dma_semaphore, #tpu.memory_space<semaphore_mem>>)
    %dma_wait3A_78 = arith.constant 2 : i32
    %dma_wait3A_79 = arith.constant 0 : i32
    %dma_wait3A_80 = arith.constant 0 : i32
    %dma_wait3A_81 = arith.constant 0 : i32
    %dma_wait3A_82 = tpu.memref_slice %arg6[%dma_wait3A_79, %dma_wait3A_80, %dma_wait3A_81] : memref<2x16x2048xf32, #tpu.memory_space<vmem>> -> memref<1x16x2048xf32, #tpu.memory_space<vmem>>
    %dma_wait3A_83 = tpu.memref_squeeze %dma_wait3A_82 : memref<1x16x2048xf32, #tpu.memory_space<vmem>> -> memref<16x2048xf32, #tpu.memory_space<vmem>>
    %dma_wait3A_84 = arith.constant 0 : i32
    %dma_wait3A_85 = tpu.memref_slice %arg5[%dma_wait3A_78, %dma_wait3A_84] : memref<22x16xi32, #tpu.memory_space<vmem>> -> memref<1x16xi32, #tpu.memory_space<vmem>>
    %dma_wait3A_86 = tpu.memref_squeeze %dma_wait3A_85 : memref<1x16xi32, #tpu.memory_space<vmem>> -> memref<16xi32, #tpu.memory_space<vmem>>
    %dma_wait3A_87 = arith.constant 0 : i32
    %dma_wait3A_88 = arith.constant 0 : i32
    %dma_wait3A_89 = tpu.memref_slice %arg2[%dma_wait3A_87, %dma_wait3A_88] : memref<20000x2048xf32, #tpu.memory_space<hbm>> -> memref<20000x2048xf32, #tpu.memory_space<hbm>>
    tpu.wait_indirect_dma semaphore(%arg7 : memref<!tpu.dma_semaphore, #tpu.memory_space<semaphore_mem>>) src(%dma_wait3A_89 : memref<20000x2048xf32, #tpu.memory_space<hbm>>) dst(%dma_wait3A_83 : memref<16x2048xf32, #tpu.memory_space<vmem>>)
    %add3A_90 = arith.constant 32 : i32
    %add3A_91 = arith.addi %mul3A_2, %add3A_90 : i32
    %run_scoped3A_92 = arith.constant 0 : i32
    "tpu.region"() ({
      %run_scoped3A_594 = tpu.sem_alloc : memref<!tpu.dma_semaphore, #tpu.memory_space<semaphore_mem>>
      %dma_start3A_595 = arith.constant 0 : i32
      %dma_start3A_596 = arith.constant 0 : i32
      %dma_start3A_597 = tpu.memref_slice %arg6[%run_scoped3A_92, %dma_start3A_595, %dma_start3A_596] : memref<2x16x2048xf32, #tpu.memory_space<vmem>> -> memref<1x16x2048xf32, #tpu.memory_space<vmem>>
      %dma_start3A_598 = tpu.memref_squeeze %dma_start3A_597 : memref<1x16x2048xf32, #tpu.memory_space<vmem>> -> memref<16x2048xf32, #tpu.memory_space<vmem>>
      %dma_start3A_599 = arith.constant 0 : i32
      %dma_start3A_600 = tpu.memref_slice %arg4[%add3A_91, %dma_start3A_599] : memref<11264x2048xf32, #tpu.memory_space<hbm>> -> memref<16x2048xf32, #tpu.memory_space<hbm>>
      %dma_start3A_601 = arith.constant 0 : i32
      %dma_start3A_602 = tpu.memref_slice %arg4[%add3A_91, %dma_start3A_601] : memref<11264x2048xf32, #tpu.memory_space<hbm>> -> memref<16x2048xf32, #tpu.memory_space<hbm>>
      %dma_start3A_603 = arith.constant 0 : i32
      %dma_start3A_604 = arith.constant 0 : i32
      %dma_start3A_605 = tpu.memref_slice %arg6[%run_scoped3A_92, %dma_start3A_603, %dma_start3A_604] : memref<2x16x2048xf32, #tpu.memory_space<vmem>> -> memref<1x16x2048xf32, #tpu.memory_space<vmem>>
      %dma_start3A_606 = tpu.memref_squeeze %dma_start3A_605 : memref<1x16x2048xf32, #tpu.memory_space<vmem>> -> memref<16x2048xf32, #tpu.memory_space<vmem>>
      tpu.enqueue_dma source(%dma_start3A_606 : memref<16x2048xf32, #tpu.memory_space<vmem>>) target(%dma_start3A_602 : memref<16x2048xf32, #tpu.memory_space<hbm>>) target_semaphore(%run_scoped3A_594 : memref<!tpu.dma_semaphore, #tpu.memory_space<semaphore_mem>>)
      %dma_wait3A_607 = arith.constant 0 : i32
      %dma_wait3A_608 = arith.constant 0 : i32
      %dma_wait3A_609 = tpu.memref_slice %arg6[%run_scoped3A_92, %dma_wait3A_607, %dma_wait3A_608] : memref<2x16x2048xf32, #tpu.memory_space<vmem>> -> memref<1x16x2048xf32, #tpu.memory_space<vmem>>
      %dma_wait3A_610 = tpu.memref_squeeze %dma_wait3A_609 : memref<1x16x2048xf32, #tpu.memory_space<vmem>> -> memref<16x2048xf32, #tpu.memory_space<vmem>>
      %dma_wait3A_611 = arith.constant 0 : i32
      %dma_wait3A_612 = tpu.memref_slice %arg4[%add3A_91, %dma_wait3A_611] : memref<11264x2048xf32, #tpu.memory_space<hbm>> -> memref<16x2048xf32, #tpu.memory_space<hbm>>
      %dma_wait3A_613 = arith.constant 0 : i32
      %dma_wait3A_614 = tpu.memref_slice %arg4[%add3A_91, %dma_wait3A_613] : memref<11264x2048xf32, #tpu.memory_space<hbm>> -> memref<16x2048xf32, #tpu.memory_space<hbm>>
      %dma_wait3A_615 = arith.constant 0 : i32
      %dma_wait3A_616 = arith.constant 0 : i32
      %dma_wait3A_617 = tpu.memref_slice %arg6[%run_scoped3A_92, %dma_wait3A_615, %dma_wait3A_616] : memref<2x16x2048xf32, #tpu.memory_space<vmem>> -> memref<1x16x2048xf32, #tpu.memory_space<vmem>>
      %dma_wait3A_618 = tpu.memref_squeeze %dma_wait3A_617 : memref<1x16x2048xf32, #tpu.memory_space<vmem>> -> memref<16x2048xf32, #tpu.memory_space<vmem>>
      tpu.wait_dma2 semaphore(%run_scoped3A_594 : memref<!tpu.dma_semaphore, #tpu.memory_space<semaphore_mem>>) src(%dma_wait3A_618 : memref<16x2048xf32, #tpu.memory_space<vmem>>) dst(%dma_wait3A_614 : memref<16x2048xf32, #tpu.memory_space<hbm>>)
      tpu.yield
    }) : () -> ()
    %dma_start3A_93 = arith.constant 4 : i32
    %dma_start3A_94 = arith.constant 0 : i32
    %dma_start3A_95 = arith.constant 0 : i32
    %dma_start3A_96 = arith.constant 0 : i32
    %dma_start3A_97 = tpu.memref_slice %arg6[%dma_start3A_94, %dma_start3A_95, %dma_start3A_96] : memref<2x16x2048xf32, #tpu.memory_space<vmem>> -> memref<1x16x2048xf32, #tpu.memory_space<vmem>>
    %dma_start3A_98 = tpu.memref_squeeze %dma_start3A_97 : memref<1x16x2048xf32, #tpu.memory_space<vmem>> -> memref<16x2048xf32, #tpu.memory_space<vmem>>
    %dma_start3A_99 = arith.constant 0 : i32
    %dma_start3A_100 = tpu.memref_slice %arg5[%dma_start3A_93, %dma_start3A_99] : memref<22x16xi32, #tpu.memory_space<vmem>> -> memref<1x16xi32, #tpu.memory_space<vmem>>
    %dma_start3A_101 = tpu.memref_squeeze %dma_start3A_100 : memref<1x16xi32, #tpu.memory_space<vmem>> -> memref<16xi32, #tpu.memory_space<vmem>>
    %dma_start3A_102 = arith.constant 0 : i32
    %dma_start3A_103 = arith.constant 0 : i32
    %dma_start3A_104 = tpu.memref_slice %arg2[%dma_start3A_102, %dma_start3A_103] : memref<20000x2048xf32, #tpu.memory_space<hbm>> -> memref<20000x2048xf32, #tpu.memory_space<hbm>>
    tpu.enqueue_indirect_dma source(%dma_start3A_104 : memref<20000x2048xf32, #tpu.memory_space<hbm>>) target(%dma_start3A_98 : memref<16x2048xf32, #tpu.memory_space<vmem>>) offsets(%dma_start3A_101 : memref<16xi32, #tpu.memory_space<vmem>>) semaphore(%arg7 : memref<!tpu.dma_semaphore, #tpu.memory_space<semaphore_mem>>)
    %dma_wait3A_105 = arith.constant 3 : i32
    %dma_wait3A_106 = arith.constant 1 : i32
    %dma_wait3A_107 = arith.constant 0 : i32
    %dma_wait3A_108 = arith.constant 0 : i32
    %dma_wait3A_109 = tpu.memref_slice %arg6[%dma_wait3A_106, %dma_wait3A_107, %dma_wait3A_108] : memref<2x16x2048xf32, #tpu.memory_space<vmem>> -> memref<1x16x2048xf32, #tpu.memory_space<vmem>>
    %dma_wait3A_110 = tpu.memref_squeeze %dma_wait3A_109 : memref<1x16x2048xf32, #tpu.memory_space<vmem>> -> memref<16x2048xf32, #tpu.memory_space<vmem>>
    %dma_wait3A_111 = arith.constant 0 : i32
    %dma_wait3A_112 = tpu.memref_slice %arg5[%dma_wait3A_105, %dma_wait3A_111] : memref<22x16xi32, #tpu.memory_space<vmem>> -> memref<1x16xi32, #tpu.memory_space<vmem>>
    %dma_wait3A_113 = tpu.memref_squeeze %dma_wait3A_112 : memref<1x16xi32, #tpu.memory_space<vmem>> -> memref<16xi32, #tpu.memory_space<vmem>>
    %dma_wait3A_114 = arith.constant 0 : i32
    %dma_wait3A_115 = arith.constant 0 : i32
    %dma_wait3A_116 = tpu.memref_slice %arg2[%dma_wait3A_114, %dma_wait3A_115] : memref<20000x2048xf32, #tpu.memory_space<hbm>> -> memref<20000x2048xf32, #tpu.memory_space<hbm>>
    tpu.wait_indirect_dma semaphore(%arg8 : memref<!tpu.dma_semaphore, #tpu.memory_space<semaphore_mem>>) src(%dma_wait3A_116 : memref<20000x2048xf32, #tpu.memory_space<hbm>>) dst(%dma_wait3A_110 : memref<16x2048xf32, #tpu.memory_space<vmem>>)
    %add3A_117 = arith.constant 48 : i32
    %add3A_118 = arith.addi %mul3A_2, %add3A_117 : i32
    %run_scoped3A_119 = arith.constant 1 : i32
    "tpu.region"() ({
      %run_scoped3A_594 = tpu.sem_alloc : memref<!tpu.dma_semaphore, #tpu.memory_space<semaphore_mem>>
      %dma_start3A_595 = arith.constant 0 : i32
      %dma_start3A_596 = arith.constant 0 : i32
      %dma_start3A_597 = tpu.memref_slice %arg6[%run_scoped3A_119, %dma_start3A_595, %dma_start3A_596] : memref<2x16x2048xf32, #tpu.memory_space<vmem>> -> memref<1x16x2048xf32, #tpu.memory_space<vmem>>
      %dma_start3A_598 = tpu.memref_squeeze %dma_start3A_597 : memref<1x16x2048xf32, #tpu.memory_space<vmem>> -> memref<16x2048xf32, #tpu.memory_space<vmem>>
      %dma_start3A_599 = arith.constant 0 : i32
      %dma_start3A_600 = tpu.memref_slice %arg4[%add3A_118, %dma_start3A_599] : memref<11264x2048xf32, #tpu.memory_space<hbm>> -> memref<16x2048xf32, #tpu.memory_space<hbm>>
      %dma_start3A_601 = arith.constant 0 : i32
      %dma_start3A_602 = tpu.memref_slice %arg4[%add3A_118, %dma_start3A_601] : memref<11264x2048xf32, #tpu.memory_space<hbm>> -> memref<16x2048xf32, #tpu.memory_space<hbm>>
      %dma_start3A_603 = arith.constant 0 : i32
      %dma_start3A_604 = arith.constant 0 : i32
      %dma_start3A_605 = tpu.memref_slice %arg6[%run_scoped3A_119, %dma_start3A_603, %dma_start3A_604] : memref<2x16x2048xf32, #tpu.memory_space<vmem>> -> memref<1x16x2048xf32, #tpu.memory_space<vmem>>
      %dma_start3A_606 = tpu.memref_squeeze %dma_start3A_605 : memref<1x16x2048xf32, #tpu.memory_space<vmem>> -> memref<16x2048xf32, #tpu.memory_space<vmem>>
      tpu.enqueue_dma source(%dma_start3A_606 : memref<16x2048xf32, #tpu.memory_space<vmem>>) target(%dma_start3A_602 : memref<16x2048xf32, #tpu.memory_space<hbm>>) target_semaphore(%run_scoped3A_594 : memref<!tpu.dma_semaphore, #tpu.memory_space<semaphore_mem>>)
      %dma_wait3A_607 = arith.constant 0 : i32
      %dma_wait3A_608 = arith.constant 0 : i32
      %dma_wait3A_609 = tpu.memref_slice %arg6[%run_scoped3A_119, %dma_wait3A_607, %dma_wait3A_608] : memref<2x16x2048xf32, #tpu.memory_space<vmem>> -> memref<1x16x2048xf32, #tpu.memory_space<vmem>>
      %dma_wait3A_610 = tpu.memref_squeeze %dma_wait3A_609 : memref<1x16x2048xf32, #tpu.memory_space<vmem>> -> memref<16x2048xf32, #tpu.memory_space<vmem>>
      %dma_wait3A_611 = arith.constant 0 : i32
      %dma_wait3A_612 = tpu.memref_slice %arg4[%add3A_118, %dma_wait3A_611] : memref<11264x2048xf32, #tpu.memory_space<hbm>> -> memref<16x2048xf32, #tpu.memory_space<hbm>>
      %dma_wait3A_613 = arith.constant 0 : i32
      %dma_wait3A_614 = tpu.memref_slice %arg4[%add3A_118, %dma_wait3A_613] : memref<11264x2048xf32, #tpu.memory_space<hbm>> -> memref<16x2048xf32, #tpu.memory_space<hbm>>
      %dma_wait3A_615 = arith.constant 0 : i32
      %dma_wait3A_616 = arith.constant 0 : i32
      %dma_wait3A_617 = tpu.memref_slice %arg6[%run_scoped3A_119, %dma_wait3A_615, %dma_wait3A_616] : memref<2x16x2048xf32, #tpu.memory_space<vmem>> -> memref<1x16x2048xf32, #tpu.memory_space<vmem>>
      %dma_wait3A_618 = tpu.memref_squeeze %dma_wait3A_617 : memref<1x16x2048xf32, #tpu.memory_space<vmem>> -> memref<16x2048xf32, #tpu.memory_space<vmem>>
      tpu.wait_dma2 semaphore(%run_scoped3A_594 : memref<!tpu.dma_semaphore, #tpu.memory_space<semaphore_mem>>) src(%dma_wait3A_618 : memref<16x2048xf32, #tpu.memory_space<vmem>>) dst(%dma_wait3A_614 : memref<16x2048xf32, #tpu.memory_space<hbm>>)
      tpu.yield
    }) : () -> ()
    %dma_start3A_120 = arith.constant 5 : i32
    %dma_start3A_121 = arith.constant 1 : i32
    %dma_start3A_122 = arith.constant 0 : i32
    %dma_start3A_123 = arith.constant 0 : i32
    %dma_start3A_124 = tpu.memref_slice %arg6[%dma_start3A_121, %dma_start3A_122, %dma_start3A_123] : memref<2x16x2048xf32, #tpu.memory_space<vmem>> -> memref<1x16x2048xf32, #tpu.memory_space<vmem>>
    %dma_start3A_125 = tpu.memref_squeeze %dma_start3A_124 : memref<1x16x2048xf32, #tpu.memory_space<vmem>> -> memref<16x2048xf32, #tpu.memory_space<vmem>>
    %dma_start3A_126 = arith.constant 0 : i32
    %dma_start3A_127 = tpu.memref_slice %arg5[%dma_start3A_120, %dma_start3A_126] : memref<22x16xi32, #tpu.memory_space<vmem>> -> memref<1x16xi32, #tpu.memory_space<vmem>>
    %dma_start3A_128 = tpu.memref_squeeze %dma_start3A_127 : memref<1x16xi32, #tpu.memory_space<vmem>> -> memref<16xi32, #tpu.memory_space<vmem>>
    %dma_start3A_129 = arith.constant 0 : i32
    %dma_start3A_130 = arith.constant 0 : i32
    %dma_start3A_131 = tpu.memref_slice %arg2[%dma_start3A_129, %dma_start3A_130] : memref<20000x2048xf32, #tpu.memory_space<hbm>> -> memref<20000x2048xf32, #tpu.memory_space<hbm>>
    tpu.enqueue_indirect_dma source(%dma_start3A_131 : memref<20000x2048xf32, #tpu.memory_space<hbm>>) target(%dma_start3A_125 : memref<16x2048xf32, #tpu.memory_space<vmem>>) offsets(%dma_start3A_128 : memref<16xi32, #tpu.memory_space<vmem>>) semaphore(%arg8 : memref<!tpu.dma_semaphore, #tpu.memory_space<semaphore_mem>>)
    %dma_wait3A_132 = arith.constant 4 : i32
    %dma_wait3A_133 = arith.constant 0 : i32
    %dma_wait3A_134 = arith.constant 0 : i32
    %dma_wait3A_135 = arith.constant 0 : i32
    %dma_wait3A_136 = tpu.memref_slice %arg6[%dma_wait3A_133, %dma_wait3A_134, %dma_wait3A_135] : memref<2x16x2048xf32, #tpu.memory_space<vmem>> -> memref<1x16x2048xf32, #tpu.memory_space<vmem>>
    %dma_wait3A_137 = tpu.memref_squeeze %dma_wait3A_136 : memref<1x16x2048xf32, #tpu.memory_space<vmem>> -> memref<16x2048xf32, #tpu.memory_space<vmem>>
    %dma_wait3A_138 = arith.constant 0 : i32
    %dma_wait3A_139 = tpu.memref_slice %arg5[%dma_wait3A_132, %dma_wait3A_138] : memref<22x16xi32, #tpu.memory_space<vmem>> -> memref<1x16xi32, #tpu.memory_space<vmem>>
    %dma_wait3A_140 = tpu.memref_squeeze %dma_wait3A_139 : memref<1x16xi32, #tpu.memory_space<vmem>> -> memref<16xi32, #tpu.memory_space<vmem>>
    %dma_wait3A_141 = arith.constant 0 : i32
    %dma_wait3A_142 = arith.constant 0 : i32
    %dma_wait3A_143 = tpu.memref_slice %arg2[%dma_wait3A_141, %dma_wait3A_142] : memref<20000x2048xf32, #tpu.memory_space<hbm>> -> memref<20000x2048xf32, #tpu.memory_space<hbm>>
    tpu.wait_indirect_dma semaphore(%arg7 : memref<!tpu.dma_semaphore, #tpu.memory_space<semaphore_mem>>) src(%dma_wait3A_143 : memref<20000x2048xf32, #tpu.memory_space<hbm>>) dst(%dma_wait3A_137 : memref<16x2048xf32, #tpu.memory_space<vmem>>)
    %add3A_144 = arith.constant 64 : i32
    %add3A_145 = arith.addi %mul3A_2, %add3A_144 : i32
    %run_scoped3A_146 = arith.constant 0 : i32
    "tpu.region"() ({
      %run_scoped3A_594 = tpu.sem_alloc : memref<!tpu.dma_semaphore, #tpu.memory_space<semaphore_mem>>
      %dma_start3A_595 = arith.constant 0 : i32
      %dma_start3A_596 = arith.constant 0 : i32
      %dma_start3A_597 = tpu.memref_slice %arg6[%run_scoped3A_146, %dma_start3A_595, %dma_start3A_596] : memref<2x16x2048xf32, #tpu.memory_space<vmem>> -> memref<1x16x2048xf32, #tpu.memory_space<vmem>>
      %dma_start3A_598 = tpu.memref_squeeze %dma_start3A_597 : memref<1x16x2048xf32, #tpu.memory_space<vmem>> -> memref<16x2048xf32, #tpu.memory_space<vmem>>
      %dma_start3A_599 = arith.constant 0 : i32
      %dma_start3A_600 = tpu.memref_slice %arg4[%add3A_145, %dma_start3A_599] : memref<11264x2048xf32, #tpu.memory_space<hbm>> -> memref<16x2048xf32, #tpu.memory_space<hbm>>
      %dma_start3A_601 = arith.constant 0 : i32
      %dma_start3A_602 = tpu.memref_slice %arg4[%add3A_145, %dma_start3A_601] : memref<11264x2048xf32, #tpu.memory_space<hbm>> -> memref<16x2048xf32, #tpu.memory_space<hbm>>
      %dma_start3A_603 = arith.constant 0 : i32
      %dma_start3A_604 = arith.constant 0 : i32
      %dma_start3A_605 = tpu.memref_slice %arg6[%run_scoped3A_146, %dma_start3A_603, %dma_start3A_604] : memref<2x16x2048xf32, #tpu.memory_space<vmem>> -> memref<1x16x2048xf32, #tpu.memory_space<vmem>>
      %dma_start3A_606 = tpu.memref_squeeze %dma_start3A_605 : memref<1x16x2048xf32, #tpu.memory_space<vmem>> -> memref<16x2048xf32, #tpu.memory_space<vmem>>
      tpu.enqueue_dma source(%dma_start3A_606 : memref<16x2048xf32, #tpu.memory_space<vmem>>) target(%dma_start3A_602 : memref<16x2048xf32, #tpu.memory_space<hbm>>) target_semaphore(%run_scoped3A_594 : memref<!tpu.dma_semaphore, #tpu.memory_space<semaphore_mem>>)
      %dma_wait3A_607 = arith.constant 0 : i32
      %dma_wait3A_608 = arith.constant 0 : i32
      %dma_wait3A_609 = tpu.memref_slice %arg6[%run_scoped3A_146, %dma_wait3A_607, %dma_wait3A_608] : memref<2x16x2048xf32, #tpu.memory_space<vmem>> -> memref<1x16x2048xf32, #tpu.memory_space<vmem>>
      %dma_wait3A_610 = tpu.memref_squeeze %dma_wait3A_609 : memref<1x16x2048xf32, #tpu.memory_space<vmem>> -> memref<16x2048xf32, #tpu.memory_space<vmem>>
      %dma_wait3A_611 = arith.constant 0 : i32
      %dma_wait3A_612 = tpu.memref_slice %arg4[%add3A_145, %dma_wait3A_611] : memref<11264x2048xf32, #tpu.memory_space<hbm>> -> memref<16x2048xf32, #tpu.memory_space<hbm>>
      %dma_wait3A_613 = arith.constant 0 : i32
      %dma_wait3A_614 = tpu.memref_slice %arg4[%add3A_145, %dma_wait3A_613] : memref<11264x2048xf32, #tpu.memory_space<hbm>> -> memref<16x2048xf32, #tpu.memory_space<hbm>>
      %dma_wait3A_615 = arith.constant 0 : i32
      %dma_wait3A_616 = arith.constant 0 : i32
      %dma_wait3A_617 = tpu.memref_slice %arg6[%run_scoped3A_146, %dma_wait3A_615, %dma_wait3A_616] : memref<2x16x2048xf32, #tpu.memory_space<vmem>> -> memref<1x16x2048xf32, #tpu.memory_space<vmem>>
      %dma_wait3A_618 = tpu.memref_squeeze %dma_wait3A_617 : memref<1x16x2048xf32, #tpu.memory_space<vmem>> -> memref<16x2048xf32, #tpu.memory_space<vmem>>
      tpu.wait_dma2 semaphore(%run_scoped3A_594 : memref<!tpu.dma_semaphore, #tpu.memory_space<semaphore_mem>>) src(%dma_wait3A_618 : memref<16x2048xf32, #tpu.memory_space<vmem>>) dst(%dma_wait3A_614 : memref<16x2048xf32, #tpu.memory_space<hbm>>)
      tpu.yield
    }) : () -> ()
    %dma_start3A_147 = arith.constant 6 : i32
    %dma_start3A_148 = arith.constant 0 : i32
    %dma_start3A_149 = arith.constant 0 : i32
    %dma_start3A_150 = arith.constant 0 : i32
    %dma_start3A_151 = tpu.memref_slice %arg6[%dma_start3A_148, %dma_start3A_149, %dma_start3A_150] : memref<2x16x2048xf32, #tpu.memory_space<vmem>> -> memref<1x16x2048xf32, #tpu.memory_space<vmem>>
    %dma_start3A_152 = tpu.memref_squeeze %dma_start3A_151 : memref<1x16x2048xf32, #tpu.memory_space<vmem>> -> memref<16x2048xf32, #tpu.memory_space<vmem>>
    %dma_start3A_153 = arith.constant 0 : i32
    %dma_start3A_154 = tpu.memref_slice %arg5[%dma_start3A_147, %dma_start3A_153] : memref<22x16xi32, #tpu.memory_space<vmem>> -> memref<1x16xi32, #tpu.memory_space<vmem>>
    %dma_start3A_155 = tpu.memref_squeeze %dma_start3A_154 : memref<1x16xi32, #tpu.memory_space<vmem>> -> memref<16xi32, #tpu.memory_space<vmem>>
    %dma_start3A_156 = arith.constant 0 : i32
    %dma_start3A_157 = arith.constant 0 : i32
    %dma_start3A_158 = tpu.memref_slice %arg2[%dma_start3A_156, %dma_start3A_157] : memref<20000x2048xf32, #tpu.memory_space<hbm>> -> memref<20000x2048xf32, #tpu.memory_space<hbm>>
    tpu.enqueue_indirect_dma source(%dma_start3A_158 : memref<20000x2048xf32, #tpu.memory_space<hbm>>) target(%dma_start3A_152 : memref<16x2048xf32, #tpu.memory_space<vmem>>) offsets(%dma_start3A_155 : memref<16xi32, #tpu.memory_space<vmem>>) semaphore(%arg7 : memref<!tpu.dma_semaphore, #tpu.memory_space<semaphore_mem>>)
    %dma_wait3A_159 = arith.constant 5 : i32
    %dma_wait3A_160 = arith.constant 1 : i32
    %dma_wait3A_161 = arith.constant 0 : i32
    %dma_wait3A_162 = arith.constant 0 : i32
    %dma_wait3A_163 = tpu.memref_slice %arg6[%dma_wait3A_160, %dma_wait3A_161, %dma_wait3A_162] : memref<2x16x2048xf32, #tpu.memory_space<vmem>> -> memref<1x16x2048xf32, #tpu.memory_space<vmem>>
    %dma_wait3A_164 = tpu.memref_squeeze %dma_wait3A_163 : memref<1x16x2048xf32, #tpu.memory_space<vmem>> -> memref<16x2048xf32, #tpu.memory_space<vmem>>
    %dma_wait3A_165 = arith.constant 0 : i32
    %dma_wait3A_166 = tpu.memref_slice %arg5[%dma_wait3A_159, %dma_wait3A_165] : memref<22x16xi32, #tpu.memory_space<vmem>> -> memref<1x16xi32, #tpu.memory_space<vmem>>
    %dma_wait3A_167 = tpu.memref_squeeze %dma_wait3A_166 : memref<1x16xi32, #tpu.memory_space<vmem>> -> memref<16xi32, #tpu.memory_space<vmem>>
    %dma_wait3A_168 = arith.constant 0 : i32
    %dma_wait3A_169 = arith.constant 0 : i32
    %dma_wait3A_170 = tpu.memref_slice %arg2[%dma_wait3A_168, %dma_wait3A_169] : memref<20000x2048xf32, #tpu.memory_space<hbm>> -> memref<20000x2048xf32, #tpu.memory_space<hbm>>
    tpu.wait_indirect_dma semaphore(%arg8 : memref<!tpu.dma_semaphore, #tpu.memory_space<semaphore_mem>>) src(%dma_wait3A_170 : memref<20000x2048xf32, #tpu.memory_space<hbm>>) dst(%dma_wait3A_164 : memref<16x2048xf32, #tpu.memory_space<vmem>>)
    %add3A_171 = arith.constant 80 : i32
    %add3A_172 = arith.addi %mul3A_2, %add3A_171 : i32
    %run_scoped3A_173 = arith.constant 1 : i32
    "tpu.region"() ({
      %run_scoped3A_594 = tpu.sem_alloc : memref<!tpu.dma_semaphore, #tpu.memory_space<semaphore_mem>>
      %dma_start3A_595 = arith.constant 0 : i32
      %dma_start3A_596 = arith.constant 0 : i32
      %dma_start3A_597 = tpu.memref_slice %arg6[%run_scoped3A_173, %dma_start3A_595, %dma_start3A_596] : memref<2x16x2048xf32, #tpu.memory_space<vmem>> -> memref<1x16x2048xf32, #tpu.memory_space<vmem>>
      %dma_start3A_598 = tpu.memref_squeeze %dma_start3A_597 : memref<1x16x2048xf32, #tpu.memory_space<vmem>> -> memref<16x2048xf32, #tpu.memory_space<vmem>>
      %dma_start3A_599 = arith.constant 0 : i32
      %dma_start3A_600 = tpu.memref_slice %arg4[%add3A_172, %dma_start3A_599] : memref<11264x2048xf32, #tpu.memory_space<hbm>> -> memref<16x2048xf32, #tpu.memory_space<hbm>>
      %dma_start3A_601 = arith.constant 0 : i32
      %dma_start3A_602 = tpu.memref_slice %arg4[%add3A_172, %dma_start3A_601] : memref<11264x2048xf32, #tpu.memory_space<hbm>> -> memref<16x2048xf32, #tpu.memory_space<hbm>>
      %dma_start3A_603 = arith.constant 0 : i32
      %dma_start3A_604 = arith.constant 0 : i32
      %dma_start3A_605 = tpu.memref_slice %arg6[%run_scoped3A_173, %dma_start3A_603, %dma_start3A_604] : memref<2x16x2048xf32, #tpu.memory_space<vmem>> -> memref<1x16x2048xf32, #tpu.memory_space<vmem>>
      %dma_start3A_606 = tpu.memref_squeeze %dma_start3A_605 : memref<1x16x2048xf32, #tpu.memory_space<vmem>> -> memref<16x2048xf32, #tpu.memory_space<vmem>>
      tpu.enqueue_dma source(%dma_start3A_606 : memref<16x2048xf32, #tpu.memory_space<vmem>>) target(%dma_start3A_602 : memref<16x2048xf32, #tpu.memory_space<hbm>>) target_semaphore(%run_scoped3A_594 : memref<!tpu.dma_semaphore, #tpu.memory_space<semaphore_mem>>)
      %dma_wait3A_607 = arith.constant 0 : i32
      %dma_wait3A_608 = arith.constant 0 : i32
      %dma_wait3A_609 = tpu.memref_slice %arg6[%run_scoped3A_173, %dma_wait3A_607, %dma_wait3A_608] : memref<2x16x2048xf32, #tpu.memory_space<vmem>> -> memref<1x16x2048xf32, #tpu.memory_space<vmem>>
      %dma_wait3A_610 = tpu.memref_squeeze %dma_wait3A_609 : memref<1x16x2048xf32, #tpu.memory_space<vmem>> -> memref<16x2048xf32, #tpu.memory_space<vmem>>
      %dma_wait3A_611 = arith.constant 0 : i32
      %dma_wait3A_612 = tpu.memref_slice %arg4[%add3A_172, %dma_wait3A_611] : memref<11264x2048xf32, #tpu.memory_space<hbm>> -> memref<16x2048xf32, #tpu.memory_space<hbm>>
      %dma_wait3A_613 = arith.constant 0 : i32
      %dma_wait3A_614 = tpu.memref_slice %arg4[%add3A_172, %dma_wait3A_613] : memref<11264x2048xf32, #tpu.memory_space<hbm>> -> memref<16x2048xf32, #tpu.memory_space<hbm>>
      %dma_wait3A_615 = arith.constant 0 : i32
      %dma_wait3A_616 = arith.constant 0 : i32
      %dma_wait3A_617 = tpu.memref_slice %arg6[%run_scoped3A_173, %dma_wait3A_615, %dma_wait3A_616] : memref<2x16x2048xf32, #tpu.memory_space<vmem>> -> memref<1x16x2048xf32, #tpu.memory_space<vmem>>
      %dma_wait3A_618 = tpu.memref_squeeze %dma_wait3A_617 : memref<1x16x2048xf32, #tpu.memory_space<vmem>> -> memref<16x2048xf32, #tpu.memory_space<vmem>>
      tpu.wait_dma2 semaphore(%run_scoped3A_594 : memref<!tpu.dma_semaphore, #tpu.memory_space<semaphore_mem>>) src(%dma_wait3A_618 : memref<16x2048xf32, #tpu.memory_space<vmem>>) dst(%dma_wait3A_614 : memref<16x2048xf32, #tpu.memory_space<hbm>>)
      tpu.yield
    }) : () -> ()
    %dma_start3A_174 = arith.constant 7 : i32
    %dma_start3A_175 = arith.constant 1 : i32
    %dma_start3A_176 = arith.constant 0 : i32
    %dma_start3A_177 = arith.constant 0 : i32
    %dma_start3A_178 = tpu.memref_slice %arg6[%dma_start3A_175, %dma_start3A_176, %dma_start3A_177] : memref<2x16x2048xf32, #tpu.memory_space<vmem>> -> memref<1x16x2048xf32, #tpu.memory_space<vmem>>
    %dma_start3A_179 = tpu.memref_squeeze %dma_start3A_178 : memref<1x16x2048xf32, #tpu.memory_space<vmem>> -> memref<16x2048xf32, #tpu.memory_space<vmem>>
    %dma_start3A_180 = arith.constant 0 : i32
    %dma_start3A_181 = tpu.memref_slice %arg5[%dma_start3A_174, %dma_start3A_180] : memref<22x16xi32, #tpu.memory_space<vmem>> -> memref<1x16xi32, #tpu.memory_space<vmem>>
    %dma_start3A_182 = tpu.memref_squeeze %dma_start3A_181 : memref<1x16xi32, #tpu.memory_space<vmem>> -> memref<16xi32, #tpu.memory_space<vmem>>
    %dma_start3A_183 = arith.constant 0 : i32
    %dma_start3A_184 = arith.constant 0 : i32
    %dma_start3A_185 = tpu.memref_slice %arg2[%dma_start3A_183, %dma_start3A_184] : memref<20000x2048xf32, #tpu.memory_space<hbm>> -> memref<20000x2048xf32, #tpu.memory_space<hbm>>
    tpu.enqueue_indirect_dma source(%dma_start3A_185 : memref<20000x2048xf32, #tpu.memory_space<hbm>>) target(%dma_start3A_179 : memref<16x2048xf32, #tpu.memory_space<vmem>>) offsets(%dma_start3A_182 : memref<16xi32, #tpu.memory_space<vmem>>) semaphore(%arg8 : memref<!tpu.dma_semaphore, #tpu.memory_space<semaphore_mem>>)
    %dma_wait3A_186 = arith.constant 6 : i32
    %dma_wait3A_187 = arith.constant 0 : i32
    %dma_wait3A_188 = arith.constant 0 : i32
    %dma_wait3A_189 = arith.constant 0 : i32
    %dma_wait3A_190 = tpu.memref_slice %arg6[%dma_wait3A_187, %dma_wait3A_188, %dma_wait3A_189] : memref<2x16x2048xf32, #tpu.memory_space<vmem>> -> memref<1x16x2048xf32, #tpu.memory_space<vmem>>
    %dma_wait3A_191 = tpu.memref_squeeze %dma_wait3A_190 : memref<1x16x2048xf32, #tpu.memory_space<vmem>> -> memref<16x2048xf32, #tpu.memory_space<vmem>>
    %dma_wait3A_192 = arith.constant 0 : i32
    %dma_wait3A_193 = tpu.memref_slice %arg5[%dma_wait3A_186, %dma_wait3A_192] : memref<22x16xi32, #tpu.memory_space<vmem>> -> memref<1x16xi32, #tpu.memory_space<vmem>>
    %dma_wait3A_194 = tpu.memref_squeeze %dma_wait3A_193 : memref<1x16xi32, #tpu.memory_space<vmem>> -> memref<16xi32, #tpu.memory_space<vmem>>
    %dma_wait3A_195 = arith.constant 0 : i32
    %dma_wait3A_196 = arith.constant 0 : i32
    %dma_wait3A_197 = tpu.memref_slice %arg2[%dma_wait3A_195, %dma_wait3A_196] : memref<20000x2048xf32, #tpu.memory_space<hbm>> -> memref<20000x2048xf32, #tpu.memory_space<hbm>>
    tpu.wait_indirect_dma semaphore(%arg7 : memref<!tpu.dma_semaphore, #tpu.memory_space<semaphore_mem>>) src(%dma_wait3A_197 : memref<20000x2048xf32, #tpu.memory_space<hbm>>) dst(%dma_wait3A_191 : memref<16x2048xf32, #tpu.memory_space<vmem>>)
    %add3A_198 = arith.constant 96 : i32
    %add3A_199 = arith.addi %mul3A_2, %add3A_198 : i32
    %run_scoped3A_200 = arith.constant 0 : i32
    "tpu.region"() ({
      %run_scoped3A_594 = tpu.sem_alloc : memref<!tpu.dma_semaphore, #tpu.memory_space<semaphore_mem>>
      %dma_start3A_595 = arith.constant 0 : i32
      %dma_start3A_596 = arith.constant 0 : i32
      %dma_start3A_597 = tpu.memref_slice %arg6[%run_scoped3A_200, %dma_start3A_595, %dma_start3A_596] : memref<2x16x2048xf32, #tpu.memory_space<vmem>> -> memref<1x16x2048xf32, #tpu.memory_space<vmem>>
      %dma_start3A_598 = tpu.memref_squeeze %dma_start3A_597 : memref<1x16x2048xf32, #tpu.memory_space<vmem>> -> memref<16x2048xf32, #tpu.memory_space<vmem>>
      %dma_start3A_599 = arith.constant 0 : i32
      %dma_start3A_600 = tpu.memref_slice %arg4[%add3A_199, %dma_start3A_599] : memref<11264x2048xf32, #tpu.memory_space<hbm>> -> memref<16x2048xf32, #tpu.memory_space<hbm>>
      %dma_start3A_601 = arith.constant 0 : i32
      %dma_start3A_602 = tpu.memref_slice %arg4[%add3A_199, %dma_start3A_601] : memref<11264x2048xf32, #tpu.memory_space<hbm>> -> memref<16x2048xf32, #tpu.memory_space<hbm>>
      %dma_start3A_603 = arith.constant 0 : i32
      %dma_start3A_604 = arith.constant 0 : i32
      %dma_start3A_605 = tpu.memref_slice %arg6[%run_scoped3A_200, %dma_start3A_603, %dma_start3A_604] : memref<2x16x2048xf32, #tpu.memory_space<vmem>> -> memref<1x16x2048xf32, #tpu.memory_space<vmem>>
      %dma_start3A_606 = tpu.memref_squeeze %dma_start3A_605 : memref<1x16x2048xf32, #tpu.memory_space<vmem>> -> memref<16x2048xf32, #tpu.memory_space<vmem>>
      tpu.enqueue_dma source(%dma_start3A_606 : memref<16x2048xf32, #tpu.memory_space<vmem>>) target(%dma_start3A_602 : memref<16x2048xf32, #tpu.memory_space<hbm>>) target_semaphore(%run_scoped3A_594 : memref<!tpu.dma_semaphore, #tpu.memory_space<semaphore_mem>>)
      %dma_wait3A_607 = arith.constant 0 : i32
      %dma_wait3A_608 = arith.constant 0 : i32
      %dma_wait3A_609 = tpu.memref_slice %arg6[%run_scoped3A_200, %dma_wait3A_607, %dma_wait3A_608] : memref<2x16x2048xf32, #tpu.memory_space<vmem>> -> memref<1x16x2048xf32, #tpu.memory_space<vmem>>
      %dma_wait3A_610 = tpu.memref_squeeze %dma_wait3A_609 : memref<1x16x2048xf32, #tpu.memory_space<vmem>> -> memref<16x2048xf32, #tpu.memory_space<vmem>>
      %dma_wait3A_611 = arith.constant 0 : i32
      %dma_wait3A_612 = tpu.memref_slice %arg4[%add3A_199, %dma_wait3A_611] : memref<11264x2048xf32, #tpu.memory_space<hbm>> -> memref<16x2048xf32, #tpu.memory_space<hbm>>
      %dma_wait3A_613 = arith.constant 0 : i32
      %dma_wait3A_614 = tpu.memref_slice %arg4[%add3A_199, %dma_wait3A_613] : memref<11264x2048xf32, #tpu.memory_space<hbm>> -> memref<16x2048xf32, #tpu.memory_space<hbm>>
      %dma_wait3A_615 = arith.constant 0 : i32
      %dma_wait3A_616 = arith.constant 0 : i32
      %dma_wait3A_617 = tpu.memref_slice %arg6[%run_scoped3A_200, %dma_wait3A_615, %dma_wait3A_616] : memref<2x16x2048xf32, #tpu.memory_space<vmem>> -> memref<1x16x2048xf32, #tpu.memory_space<vmem>>
      %dma_wait3A_618 = tpu.memref_squeeze %dma_wait3A_617 : memref<1x16x2048xf32, #tpu.memory_space<vmem>> -> memref<16x2048xf32, #tpu.memory_space<vmem>>
      tpu.wait_dma2 semaphore(%run_scoped3A_594 : memref<!tpu.dma_semaphore, #tpu.memory_space<semaphore_mem>>) src(%dma_wait3A_618 : memref<16x2048xf32, #tpu.memory_space<vmem>>) dst(%dma_wait3A_614 : memref<16x2048xf32, #tpu.memory_space<hbm>>)
      tpu.yield
    }) : () -> ()
    %dma_start3A_201 = arith.constant 8 : i32
    %dma_start3A_202 = arith.constant 0 : i32
    %dma_start3A_203 = arith.constant 0 : i32
    %dma_start3A_204 = arith.constant 0 : i32
    %dma_start3A_205 = tpu.memref_slice %arg6[%dma_start3A_202, %dma_start3A_203, %dma_start3A_204] : memref<2x16x2048xf32, #tpu.memory_space<vmem>> -> memref<1x16x2048xf32, #tpu.memory_space<vmem>>
    %dma_start3A_206 = tpu.memref_squeeze %dma_start3A_205 : memref<1x16x2048xf32, #tpu.memory_space<vmem>> -> memref<16x2048xf32, #tpu.memory_space<vmem>>
    %dma_start3A_207 = arith.constant 0 : i32
    %dma_start3A_208 = tpu.memref_slice %arg5[%dma_start3A_201, %dma_start3A_207] : memref<22x16xi32, #tpu.memory_space<vmem>> -> memref<1x16xi32, #tpu.memory_space<vmem>>
    %dma_start3A_209 = tpu.memref_squeeze %dma_start3A_208 : memref<1x16xi32, #tpu.memory_space<vmem>> -> memref<16xi32, #tpu.memory_space<vmem>>
    %dma_start3A_210 = arith.constant 0 : i32
    %dma_start3A_211 = arith.constant 0 : i32
    %dma_start3A_212 = tpu.memref_slice %arg2[%dma_start3A_210, %dma_start3A_211] : memref<20000x2048xf32, #tpu.memory_space<hbm>> -> memref<20000x2048xf32, #tpu.memory_space<hbm>>
    tpu.enqueue_indirect_dma source(%dma_start3A_212 : memref<20000x2048xf32, #tpu.memory_space<hbm>>) target(%dma_start3A_206 : memref<16x2048xf32, #tpu.memory_space<vmem>>) offsets(%dma_start3A_209 : memref<16xi32, #tpu.memory_space<vmem>>) semaphore(%arg7 : memref<!tpu.dma_semaphore, #tpu.memory_space<semaphore_mem>>)
    %dma_wait3A_213 = arith.constant 7 : i32
    %dma_wait3A_214 = arith.constant 1 : i32
    %dma_wait3A_215 = arith.constant 0 : i32
    %dma_wait3A_216 = arith.constant 0 : i32
    %dma_wait3A_217 = tpu.memref_slice %arg6[%dma_wait3A_214, %dma_wait3A_215, %dma_wait3A_216] : memref<2x16x2048xf32, #tpu.memory_space<vmem>> -> memref<1x16x2048xf32, #tpu.memory_space<vmem>>
    %dma_wait3A_218 = tpu.memref_squeeze %dma_wait3A_217 : memref<1x16x2048xf32, #tpu.memory_space<vmem>> -> memref<16x2048xf32, #tpu.memory_space<vmem>>
    %dma_wait3A_219 = arith.constant 0 : i32
    %dma_wait3A_220 = tpu.memref_slice %arg5[%dma_wait3A_213, %dma_wait3A_219] : memref<22x16xi32, #tpu.memory_space<vmem>> -> memref<1x16xi32, #tpu.memory_space<vmem>>
    %dma_wait3A_221 = tpu.memref_squeeze %dma_wait3A_220 : memref<1x16xi32, #tpu.memory_space<vmem>> -> memref<16xi32, #tpu.memory_space<vmem>>
    %dma_wait3A_222 = arith.constant 0 : i32
    %dma_wait3A_223 = arith.constant 0 : i32
    %dma_wait3A_224 = tpu.memref_slice %arg2[%dma_wait3A_222, %dma_wait3A_223] : memref<20000x2048xf32, #tpu.memory_space<hbm>> -> memref<20000x2048xf32, #tpu.memory_space<hbm>>
    tpu.wait_indirect_dma semaphore(%arg8 : memref<!tpu.dma_semaphore, #tpu.memory_space<semaphore_mem>>) src(%dma_wait3A_224 : memref<20000x2048xf32, #tpu.memory_space<hbm>>) dst(%dma_wait3A_218 : memref<16x2048xf32, #tpu.memory_space<vmem>>)
    %add3A_225 = arith.constant 112 : i32
    %add3A_226 = arith.addi %mul3A_2, %add3A_225 : i32
    %run_scoped3A_227 = arith.constant 1 : i32
    "tpu.region"() ({
      %run_scoped3A_594 = tpu.sem_alloc : memref<!tpu.dma_semaphore, #tpu.memory_space<semaphore_mem>>
      %dma_start3A_595 = arith.constant 0 : i32
      %dma_start3A_596 = arith.constant 0 : i32
      %dma_start3A_597 = tpu.memref_slice %arg6[%run_scoped3A_227, %dma_start3A_595, %dma_start3A_596] : memref<2x16x2048xf32, #tpu.memory_space<vmem>> -> memref<1x16x2048xf32, #tpu.memory_space<vmem>>
      %dma_start3A_598 = tpu.memref_squeeze %dma_start3A_597 : memref<1x16x2048xf32, #tpu.memory_space<vmem>> -> memref<16x2048xf32, #tpu.memory_space<vmem>>
      %dma_start3A_599 = arith.constant 0 : i32
      %dma_start3A_600 = tpu.memref_slice %arg4[%add3A_226, %dma_start3A_599] : memref<11264x2048xf32, #tpu.memory_space<hbm>> -> memref<16x2048xf32, #tpu.memory_space<hbm>>
      %dma_start3A_601 = arith.constant 0 : i32
      %dma_start3A_602 = tpu.memref_slice %arg4[%add3A_226, %dma_start3A_601] : memref<11264x2048xf32, #tpu.memory_space<hbm>> -> memref<16x2048xf32, #tpu.memory_space<hbm>>
      %dma_start3A_603 = arith.constant 0 : i32
      %dma_start3A_604 = arith.constant 0 : i32
      %dma_start3A_605 = tpu.memref_slice %arg6[%run_scoped3A_227, %dma_start3A_603, %dma_start3A_604] : memref<2x16x2048xf32, #tpu.memory_space<vmem>> -> memref<1x16x2048xf32, #tpu.memory_space<vmem>>
      %dma_start3A_606 = tpu.memref_squeeze %dma_start3A_605 : memref<1x16x2048xf32, #tpu.memory_space<vmem>> -> memref<16x2048xf32, #tpu.memory_space<vmem>>
      tpu.enqueue_dma source(%dma_start3A_606 : memref<16x2048xf32, #tpu.memory_space<vmem>>) target(%dma_start3A_602 : memref<16x2048xf32, #tpu.memory_space<hbm>>) target_semaphore(%run_scoped3A_594 : memref<!tpu.dma_semaphore, #tpu.memory_space<semaphore_mem>>)
      %dma_wait3A_607 = arith.constant 0 : i32
      %dma_wait3A_608 = arith.constant 0 : i32
      %dma_wait3A_609 = tpu.memref_slice %arg6[%run_scoped3A_227, %dma_wait3A_607, %dma_wait3A_608] : memref<2x16x2048xf32, #tpu.memory_space<vmem>> -> memref<1x16x2048xf32, #tpu.memory_space<vmem>>
      %dma_wait3A_610 = tpu.memref_squeeze %dma_wait3A_609 : memref<1x16x2048xf32, #tpu.memory_space<vmem>> -> memref<16x2048xf32, #tpu.memory_space<vmem>>
      %dma_wait3A_611 = arith.constant 0 : i32
      %dma_wait3A_612 = tpu.memref_slice %arg4[%add3A_226, %dma_wait3A_611] : memref<11264x2048xf32, #tpu.memory_space<hbm>> -> memref<16x2048xf32, #tpu.memory_space<hbm>>
      %dma_wait3A_613 = arith.constant 0 : i32
      %dma_wait3A_614 = tpu.memref_slice %arg4[%add3A_226, %dma_wait3A_613] : memref<11264x2048xf32, #tpu.memory_space<hbm>> -> memref<16x2048xf32, #tpu.memory_space<hbm>>
      %dma_wait3A_615 = arith.constant 0 : i32
      %dma_wait3A_616 = arith.constant 0 : i32
      %dma_wait3A_617 = tpu.memref_slice %arg6[%run_scoped3A_227, %dma_wait3A_615, %dma_wait3A_616] : memref<2x16x2048xf32, #tpu.memory_space<vmem>> -> memref<1x16x2048xf32, #tpu.memory_space<vmem>>
      %dma_wait3A_618 = tpu.memref_squeeze %dma_wait3A_617 : memref<1x16x2048xf32, #tpu.memory_space<vmem>> -> memref<16x2048xf32, #tpu.memory_space<vmem>>
      tpu.wait_dma2 semaphore(%run_scoped3A_594 : memref<!tpu.dma_semaphore, #tpu.memory_space<semaphore_mem>>) src(%dma_wait3A_618 : memref<16x2048xf32, #tpu.memory_space<vmem>>) dst(%dma_wait3A_614 : memref<16x2048xf32, #tpu.memory_space<hbm>>)
      tpu.yield
    }) : () -> ()
    %dma_start3A_228 = arith.constant 9 : i32
    %dma_start3A_229 = arith.constant 1 : i32
    %dma_start3A_230 = arith.constant 0 : i32
    %dma_start3A_231 = arith.constant 0 : i32
    %dma_start3A_232 = tpu.memref_slice %arg6[%dma_start3A_229, %dma_start3A_230, %dma_start3A_231] : memref<2x16x2048xf32, #tpu.memory_space<vmem>> -> memref<1x16x2048xf32, #tpu.memory_space<vmem>>
    %dma_start3A_233 = tpu.memref_squeeze %dma_start3A_232 : memref<1x16x2048xf32, #tpu.memory_space<vmem>> -> memref<16x2048xf32, #tpu.memory_space<vmem>>
    %dma_start3A_234 = arith.constant 0 : i32
    %dma_start3A_235 = tpu.memref_slice %arg5[%dma_start3A_228, %dma_start3A_234] : memref<22x16xi32, #tpu.memory_space<vmem>> -> memref<1x16xi32, #tpu.memory_space<vmem>>
    %dma_start3A_236 = tpu.memref_squeeze %dma_start3A_235 : memref<1x16xi32, #tpu.memory_space<vmem>> -> memref<16xi32, #tpu.memory_space<vmem>>
    %dma_start3A_237 = arith.constant 0 : i32
    %dma_start3A_238 = arith.constant 0 : i32
    %dma_start3A_239 = tpu.memref_slice %arg2[%dma_start3A_237, %dma_start3A_238] : memref<20000x2048xf32, #tpu.memory_space<hbm>> -> memref<20000x2048xf32, #tpu.memory_space<hbm>>
    tpu.enqueue_indirect_dma source(%dma_start3A_239 : memref<20000x2048xf32, #tpu.memory_space<hbm>>) target(%dma_start3A_233 : memref<16x2048xf32, #tpu.memory_space<vmem>>) offsets(%dma_start3A_236 : memref<16xi32, #tpu.memory_space<vmem>>) semaphore(%arg8 : memref<!tpu.dma_semaphore, #tpu.memory_space<semaphore_mem>>)
    %dma_wait3A_240 = arith.constant 8 : i32
    %dma_wait3A_241 = arith.constant 0 : i32
    %dma_wait3A_242 = arith.constant 0 : i32
    %dma_wait3A_243 = arith.constant 0 : i32
    %dma_wait3A_244 = tpu.memref_slice %arg6[%dma_wait3A_241, %dma_wait3A_242, %dma_wait3A_243] : memref<2x16x2048xf32, #tpu.memory_space<vmem>> -> memref<1x16x2048xf32, #tpu.memory_space<vmem>>
    %dma_wait3A_245 = tpu.memref_squeeze %dma_wait3A_244 : memref<1x16x2048xf32, #tpu.memory_space<vmem>> -> memref<16x2048xf32, #tpu.memory_space<vmem>>
    %dma_wait3A_246 = arith.constant 0 : i32
    %dma_wait3A_247 = tpu.memref_slice %arg5[%dma_wait3A_240, %dma_wait3A_246] : memref<22x16xi32, #tpu.memory_space<vmem>> -> memref<1x16xi32, #tpu.memory_space<vmem>>
    %dma_wait3A_248 = tpu.memref_squeeze %dma_wait3A_247 : memref<1x16xi32, #tpu.memory_space<vmem>> -> memref<16xi32, #tpu.memory_space<vmem>>
    %dma_wait3A_249 = arith.constant 0 : i32
    %dma_wait3A_250 = arith.constant 0 : i32
    %dma_wait3A_251 = tpu.memref_slice %arg2[%dma_wait3A_249, %dma_wait3A_250] : memref<20000x2048xf32, #tpu.memory_space<hbm>> -> memref<20000x2048xf32, #tpu.memory_space<hbm>>
    tpu.wait_indirect_dma semaphore(%arg7 : memref<!tpu.dma_semaphore, #tpu.memory_space<semaphore_mem>>) src(%dma_wait3A_251 : memref<20000x2048xf32, #tpu.memory_space<hbm>>) dst(%dma_wait3A_245 : memref<16x2048xf32, #tpu.memory_space<vmem>>)
    %add3A_252 = arith.constant 128 : i32
    %add3A_253 = arith.addi %mul3A_2, %add3A_252 : i32
    %run_scoped3A_254 = arith.constant 0 : i32
    "tpu.region"() ({
      %run_scoped3A_594 = tpu.sem_alloc : memref<!tpu.dma_semaphore, #tpu.memory_space<semaphore_mem>>
      %dma_start3A_595 = arith.constant 0 : i32
      %dma_start3A_596 = arith.constant 0 : i32
      %dma_start3A_597 = tpu.memref_slice %arg6[%run_scoped3A_254, %dma_start3A_595, %dma_start3A_596] : memref<2x16x2048xf32, #tpu.memory_space<vmem>> -> memref<1x16x2048xf32, #tpu.memory_space<vmem>>
      %dma_start3A_598 = tpu.memref_squeeze %dma_start3A_597 : memref<1x16x2048xf32, #tpu.memory_space<vmem>> -> memref<16x2048xf32, #tpu.memory_space<vmem>>
      %dma_start3A_599 = arith.constant 0 : i32
      %dma_start3A_600 = tpu.memref_slice %arg4[%add3A_253, %dma_start3A_599] : memref<11264x2048xf32, #tpu.memory_space<hbm>> -> memref<16x2048xf32, #tpu.memory_space<hbm>>
      %dma_start3A_601 = arith.constant 0 : i32
      %dma_start3A_602 = tpu.memref_slice %arg4[%add3A_253, %dma_start3A_601] : memref<11264x2048xf32, #tpu.memory_space<hbm>> -> memref<16x2048xf32, #tpu.memory_space<hbm>>
      %dma_start3A_603 = arith.constant 0 : i32
      %dma_start3A_604 = arith.constant 0 : i32
      %dma_start3A_605 = tpu.memref_slice %arg6[%run_scoped3A_254, %dma_start3A_603, %dma_start3A_604] : memref<2x16x2048xf32, #tpu.memory_space<vmem>> -> memref<1x16x2048xf32, #tpu.memory_space<vmem>>
      %dma_start3A_606 = tpu.memref_squeeze %dma_start3A_605 : memref<1x16x2048xf32, #tpu.memory_space<vmem>> -> memref<16x2048xf32, #tpu.memory_space<vmem>>
      tpu.enqueue_dma source(%dma_start3A_606 : memref<16x2048xf32, #tpu.memory_space<vmem>>) target(%dma_start3A_602 : memref<16x2048xf32, #tpu.memory_space<hbm>>) target_semaphore(%run_scoped3A_594 : memref<!tpu.dma_semaphore, #tpu.memory_space<semaphore_mem>>)
      %dma_wait3A_607 = arith.constant 0 : i32
      %dma_wait3A_608 = arith.constant 0 : i32
      %dma_wait3A_609 = tpu.memref_slice %arg6[%run_scoped3A_254, %dma_wait3A_607, %dma_wait3A_608] : memref<2x16x2048xf32, #tpu.memory_space<vmem>> -> memref<1x16x2048xf32, #tpu.memory_space<vmem>>
      %dma_wait3A_610 = tpu.memref_squeeze %dma_wait3A_609 : memref<1x16x2048xf32, #tpu.memory_space<vmem>> -> memref<16x2048xf32, #tpu.memory_space<vmem>>
      %dma_wait3A_611 = arith.constant 0 : i32
      %dma_wait3A_612 = tpu.memref_slice %arg4[%add3A_253, %dma_wait3A_611] : memref<11264x2048xf32, #tpu.memory_space<hbm>> -> memref<16x2048xf32, #tpu.memory_space<hbm>>
      %dma_wait3A_613 = arith.constant 0 : i32
      %dma_wait3A_614 = tpu.memref_slice %arg4[%add3A_253, %dma_wait3A_613] : memref<11264x2048xf32, #tpu.memory_space<hbm>> -> memref<16x2048xf32, #tpu.memory_space<hbm>>
      %dma_wait3A_615 = arith.constant 0 : i32
      %dma_wait3A_616 = arith.constant 0 : i32
      %dma_wait3A_617 = tpu.memref_slice %arg6[%run_scoped3A_254, %dma_wait3A_615, %dma_wait3A_616] : memref<2x16x2048xf32, #tpu.memory_space<vmem>> -> memref<1x16x2048xf32, #tpu.memory_space<vmem>>
      %dma_wait3A_618 = tpu.memref_squeeze %dma_wait3A_617 : memref<1x16x2048xf32, #tpu.memory_space<vmem>> -> memref<16x2048xf32, #tpu.memory_space<vmem>>
      tpu.wait_dma2 semaphore(%run_scoped3A_594 : memref<!tpu.dma_semaphore, #tpu.memory_space<semaphore_mem>>) src(%dma_wait3A_618 : memref<16x2048xf32, #tpu.memory_space<vmem>>) dst(%dma_wait3A_614 : memref<16x2048xf32, #tpu.memory_space<hbm>>)
      tpu.yield
    }) : () -> ()
    %dma_start3A_255 = arith.constant 10 : i32
    %dma_start3A_256 = arith.constant 0 : i32
    %dma_start3A_257 = arith.constant 0 : i32
    %dma_start3A_258 = arith.constant 0 : i32
    %dma_start3A_259 = tpu.memref_slice %arg6[%dma_start3A_256, %dma_start3A_257, %dma_start3A_258] : memref<2x16x2048xf32, #tpu.memory_space<vmem>> -> memref<1x16x2048xf32, #tpu.memory_space<vmem>>
    %dma_start3A_260 = tpu.memref_squeeze %dma_start3A_259 : memref<1x16x2048xf32, #tpu.memory_space<vmem>> -> memref<16x2048xf32, #tpu.memory_space<vmem>>
    %dma_start3A_261 = arith.constant 0 : i32
    %dma_start3A_262 = tpu.memref_slice %arg5[%dma_start3A_255, %dma_start3A_261] : memref<22x16xi32, #tpu.memory_space<vmem>> -> memref<1x16xi32, #tpu.memory_space<vmem>>
    %dma_start3A_263 = tpu.memref_squeeze %dma_start3A_262 : memref<1x16xi32, #tpu.memory_space<vmem>> -> memref<16xi32, #tpu.memory_space<vmem>>
    %dma_start3A_264 = arith.constant 0 : i32
    %dma_start3A_265 = arith.constant 0 : i32
    %dma_start3A_266 = tpu.memref_slice %arg2[%dma_start3A_264, %dma_start3A_265] : memref<20000x2048xf32, #tpu.memory_space<hbm>> -> memref<20000x2048xf32, #tpu.memory_space<hbm>>
    tpu.enqueue_indirect_dma source(%dma_start3A_266 : memref<20000x2048xf32, #tpu.memory_space<hbm>>) target(%dma_start3A_260 : memref<16x2048xf32, #tpu.memory_space<vmem>>) offsets(%dma_start3A_263 : memref<16xi32, #tpu.memory_space<vmem>>) semaphore(%arg7 : memref<!tpu.dma_semaphore, #tpu.memory_space<semaphore_mem>>)
    %dma_wait3A_267 = arith.constant 9 : i32
    %dma_wait3A_268 = arith.constant 1 : i32
    %dma_wait3A_269 = arith.constant 0 : i32
    %dma_wait3A_270 = arith.constant 0 : i32
    %dma_wait3A_271 = tpu.memref_slice %arg6[%dma_wait3A_268, %dma_wait3A_269, %dma_wait3A_270] : memref<2x16x2048xf32, #tpu.memory_space<vmem>> -> memref<1x16x2048xf32, #tpu.memory_space<vmem>>
    %dma_wait3A_272 = tpu.memref_squeeze %dma_wait3A_271 : memref<1x16x2048xf32, #tpu.memory_space<vmem>> -> memref<16x2048xf32, #tpu.memory_space<vmem>>
    %dma_wait3A_273 = arith.constant 0 : i32
    %dma_wait3A_274 = tpu.memref_slice %arg5[%dma_wait3A_267, %dma_wait3A_273] : memref<22x16xi32, #tpu.memory_space<vmem>> -> memref<1x16xi32, #tpu.memory_space<vmem>>
    %dma_wait3A_275 = tpu.memref_squeeze %dma_wait3A_274 : memref<1x16xi32, #tpu.memory_space<vmem>> -> memref<16xi32, #tpu.memory_space<vmem>>
    %dma_wait3A_276 = arith.constant 0 : i32
    %dma_wait3A_277 = arith.constant 0 : i32
    %dma_wait3A_278 = tpu.memref_slice %arg2[%dma_wait3A_276, %dma_wait3A_277] : memref<20000x2048xf32, #tpu.memory_space<hbm>> -> memref<20000x2048xf32, #tpu.memory_space<hbm>>
    tpu.wait_indirect_dma semaphore(%arg8 : memref<!tpu.dma_semaphore, #tpu.memory_space<semaphore_mem>>) src(%dma_wait3A_278 : memref<20000x2048xf32, #tpu.memory_space<hbm>>) dst(%dma_wait3A_272 : memref<16x2048xf32, #tpu.memory_space<vmem>>)
    %add3A_279 = arith.constant 144 : i32
    %add3A_280 = arith.addi %mul3A_2, %add3A_279 : i32
    %run_scoped3A_281 = arith.constant 1 : i32
    "tpu.region"() ({
      %run_scoped3A_594 = tpu.sem_alloc : memref<!tpu.dma_semaphore, #tpu.memory_space<semaphore_mem>>
      %dma_start3A_595 = arith.constant 0 : i32
      %dma_start3A_596 = arith.constant 0 : i32
      %dma_start3A_597 = tpu.memref_slice %arg6[%run_scoped3A_281, %dma_start3A_595, %dma_start3A_596] : memref<2x16x2048xf32, #tpu.memory_space<vmem>> -> memref<1x16x2048xf32, #tpu.memory_space<vmem>>
      %dma_start3A_598 = tpu.memref_squeeze %dma_start3A_597 : memref<1x16x2048xf32, #tpu.memory_space<vmem>> -> memref<16x2048xf32, #tpu.memory_space<vmem>>
      %dma_start3A_599 = arith.constant 0 : i32
      %dma_start3A_600 = tpu.memref_slice %arg4[%add3A_280, %dma_start3A_599] : memref<11264x2048xf32, #tpu.memory_space<hbm>> -> memref<16x2048xf32, #tpu.memory_space<hbm>>
      %dma_start3A_601 = arith.constant 0 : i32
      %dma_start3A_602 = tpu.memref_slice %arg4[%add3A_280, %dma_start3A_601] : memref<11264x2048xf32, #tpu.memory_space<hbm>> -> memref<16x2048xf32, #tpu.memory_space<hbm>>
      %dma_start3A_603 = arith.constant 0 : i32
      %dma_start3A_604 = arith.constant 0 : i32
      %dma_start3A_605 = tpu.memref_slice %arg6[%run_scoped3A_281, %dma_start3A_603, %dma_start3A_604] : memref<2x16x2048xf32, #tpu.memory_space<vmem>> -> memref<1x16x2048xf32, #tpu.memory_space<vmem>>
      %dma_start3A_606 = tpu.memref_squeeze %dma_start3A_605 : memref<1x16x2048xf32, #tpu.memory_space<vmem>> -> memref<16x2048xf32, #tpu.memory_space<vmem>>
      tpu.enqueue_dma source(%dma_start3A_606 : memref<16x2048xf32, #tpu.memory_space<vmem>>) target(%dma_start3A_602 : memref<16x2048xf32, #tpu.memory_space<hbm>>) target_semaphore(%run_scoped3A_594 : memref<!tpu.dma_semaphore, #tpu.memory_space<semaphore_mem>>)
      %dma_wait3A_607 = arith.constant 0 : i32
      %dma_wait3A_608 = arith.constant 0 : i32
      %dma_wait3A_609 = tpu.memref_slice %arg6[%run_scoped3A_281, %dma_wait3A_607, %dma_wait3A_608] : memref<2x16x2048xf32, #tpu.memory_space<vmem>> -> memref<1x16x2048xf32, #tpu.memory_space<vmem>>
      %dma_wait3A_610 = tpu.memref_squeeze %dma_wait3A_609 : memref<1x16x2048xf32, #tpu.memory_space<vmem>> -> memref<16x2048xf32, #tpu.memory_space<vmem>>
      %dma_wait3A_611 = arith.constant 0 : i32
      %dma_wait3A_612 = tpu.memref_slice %arg4[%add3A_280, %dma_wait3A_611] : memref<11264x2048xf32, #tpu.memory_space<hbm>> -> memref<16x2048xf32, #tpu.memory_space<hbm>>
      %dma_wait3A_613 = arith.constant 0 : i32
      %dma_wait3A_614 = tpu.memref_slice %arg4[%add3A_280, %dma_wait3A_613] : memref<11264x2048xf32, #tpu.memory_space<hbm>> -> memref<16x2048xf32, #tpu.memory_space<hbm>>
      %dma_wait3A_615 = arith.constant 0 : i32
      %dma_wait3A_616 = arith.constant 0 : i32
      %dma_wait3A_617 = tpu.memref_slice %arg6[%run_scoped3A_281, %dma_wait3A_615, %dma_wait3A_616] : memref<2x16x2048xf32, #tpu.memory_space<vmem>> -> memref<1x16x2048xf32, #tpu.memory_space<vmem>>
      %dma_wait3A_618 = tpu.memref_squeeze %dma_wait3A_617 : memref<1x16x2048xf32, #tpu.memory_space<vmem>> -> memref<16x2048xf32, #tpu.memory_space<vmem>>
      tpu.wait_dma2 semaphore(%run_scoped3A_594 : memref<!tpu.dma_semaphore, #tpu.memory_space<semaphore_mem>>) src(%dma_wait3A_618 : memref<16x2048xf32, #tpu.memory_space<vmem>>) dst(%dma_wait3A_614 : memref<16x2048xf32, #tpu.memory_space<hbm>>)
      tpu.yield
    }) : () -> ()
    %dma_start3A_282 = arith.constant 11 : i32
    %dma_start3A_283 = arith.constant 1 : i32
    %dma_start3A_284 = arith.constant 0 : i32
    %dma_start3A_285 = arith.constant 0 : i32
    %dma_start3A_286 = tpu.memref_slice %arg6[%dma_start3A_283, %dma_start3A_284, %dma_start3A_285] : memref<2x16x2048xf32, #tpu.memory_space<vmem>> -> memref<1x16x2048xf32, #tpu.memory_space<vmem>>
    %dma_start3A_287 = tpu.memref_squeeze %dma_start3A_286 : memref<1x16x2048xf32, #tpu.memory_space<vmem>> -> memref<16x2048xf32, #tpu.memory_space<vmem>>
    %dma_start3A_288 = arith.constant 0 : i32
    %dma_start3A_289 = tpu.memref_slice %arg5[%dma_start3A_282, %dma_start3A_288] : memref<22x16xi32, #tpu.memory_space<vmem>> -> memref<1x16xi32, #tpu.memory_space<vmem>>
    %dma_start3A_290 = tpu.memref_squeeze %dma_start3A_289 : memref<1x16xi32, #tpu.memory_space<vmem>> -> memref<16xi32, #tpu.memory_space<vmem>>
    %dma_start3A_291 = arith.constant 0 : i32
    %dma_start3A_292 = arith.constant 0 : i32
    %dma_start3A_293 = tpu.memref_slice %arg2[%dma_start3A_291, %dma_start3A_292] : memref<20000x2048xf32, #tpu.memory_space<hbm>> -> memref<20000x2048xf32, #tpu.memory_space<hbm>>
    tpu.enqueue_indirect_dma source(%dma_start3A_293 : memref<20000x2048xf32, #tpu.memory_space<hbm>>) target(%dma_start3A_287 : memref<16x2048xf32, #tpu.memory_space<vmem>>) offsets(%dma_start3A_290 : memref<16xi32, #tpu.memory_space<vmem>>) semaphore(%arg8 : memref<!tpu.dma_semaphore, #tpu.memory_space<semaphore_mem>>)
    %dma_wait3A_294 = arith.constant 10 : i32
    %dma_wait3A_295 = arith.constant 0 : i32
    %dma_wait3A_296 = arith.constant 0 : i32
    %dma_wait3A_297 = arith.constant 0 : i32
    %dma_wait3A_298 = tpu.memref_slice %arg6[%dma_wait3A_295, %dma_wait3A_296, %dma_wait3A_297] : memref<2x16x2048xf32, #tpu.memory_space<vmem>> -> memref<1x16x2048xf32, #tpu.memory_space<vmem>>
    %dma_wait3A_299 = tpu.memref_squeeze %dma_wait3A_298 : memref<1x16x2048xf32, #tpu.memory_space<vmem>> -> memref<16x2048xf32, #tpu.memory_space<vmem>>
    %dma_wait3A_300 = arith.constant 0 : i32
    %dma_wait3A_301 = tpu.memref_slice %arg5[%dma_wait3A_294, %dma_wait3A_300] : memref<22x16xi32, #tpu.memory_space<vmem>> -> memref<1x16xi32, #tpu.memory_space<vmem>>
    %dma_wait3A_302 = tpu.memref_squeeze %dma_wait3A_301 : memref<1x16xi32, #tpu.memory_space<vmem>> -> memref<16xi32, #tpu.memory_space<vmem>>
    %dma_wait3A_303 = arith.constant 0 : i32
    %dma_wait3A_304 = arith.constant 0 : i32
    %dma_wait3A_305 = tpu.memref_slice %arg2[%dma_wait3A_303, %dma_wait3A_304] : memref<20000x2048xf32, #tpu.memory_space<hbm>> -> memref<20000x2048xf32, #tpu.memory_space<hbm>>
    tpu.wait_indirect_dma semaphore(%arg7 : memref<!tpu.dma_semaphore, #tpu.memory_space<semaphore_mem>>) src(%dma_wait3A_305 : memref<20000x2048xf32, #tpu.memory_space<hbm>>) dst(%dma_wait3A_299 : memref<16x2048xf32, #tpu.memory_space<vmem>>)
    %add3A_306 = arith.constant 160 : i32
    %add3A_307 = arith.addi %mul3A_2, %add3A_306 : i32
    %run_scoped3A_308 = arith.constant 0 : i32
    "tpu.region"() ({
      %run_scoped3A_594 = tpu.sem_alloc : memref<!tpu.dma_semaphore, #tpu.memory_space<semaphore_mem>>
      %dma_start3A_595 = arith.constant 0 : i32
      %dma_start3A_596 = arith.constant 0 : i32
      %dma_start3A_597 = tpu.memref_slice %arg6[%run_scoped3A_308, %dma_start3A_595, %dma_start3A_596] : memref<2x16x2048xf32, #tpu.memory_space<vmem>> -> memref<1x16x2048xf32, #tpu.memory_space<vmem>>
      %dma_start3A_598 = tpu.memref_squeeze %dma_start3A_597 : memref<1x16x2048xf32, #tpu.memory_space<vmem>> -> memref<16x2048xf32, #tpu.memory_space<vmem>>
      %dma_start3A_599 = arith.constant 0 : i32
      %dma_start3A_600 = tpu.memref_slice %arg4[%add3A_307, %dma_start3A_599] : memref<11264x2048xf32, #tpu.memory_space<hbm>> -> memref<16x2048xf32, #tpu.memory_space<hbm>>
      %dma_start3A_601 = arith.constant 0 : i32
      %dma_start3A_602 = tpu.memref_slice %arg4[%add3A_307, %dma_start3A_601] : memref<11264x2048xf32, #tpu.memory_space<hbm>> -> memref<16x2048xf32, #tpu.memory_space<hbm>>
      %dma_start3A_603 = arith.constant 0 : i32
      %dma_start3A_604 = arith.constant 0 : i32
      %dma_start3A_605 = tpu.memref_slice %arg6[%run_scoped3A_308, %dma_start3A_603, %dma_start3A_604] : memref<2x16x2048xf32, #tpu.memory_space<vmem>> -> memref<1x16x2048xf32, #tpu.memory_space<vmem>>
      %dma_start3A_606 = tpu.memref_squeeze %dma_start3A_605 : memref<1x16x2048xf32, #tpu.memory_space<vmem>> -> memref<16x2048xf32, #tpu.memory_space<vmem>>
      tpu.enqueue_dma source(%dma_start3A_606 : memref<16x2048xf32, #tpu.memory_space<vmem>>) target(%dma_start3A_602 : memref<16x2048xf32, #tpu.memory_space<hbm>>) target_semaphore(%run_scoped3A_594 : memref<!tpu.dma_semaphore, #tpu.memory_space<semaphore_mem>>)
      %dma_wait3A_607 = arith.constant 0 : i32
      %dma_wait3A_608 = arith.constant 0 : i32
      %dma_wait3A_609 = tpu.memref_slice %arg6[%run_scoped3A_308, %dma_wait3A_607, %dma_wait3A_608] : memref<2x16x2048xf32, #tpu.memory_space<vmem>> -> memref<1x16x2048xf32, #tpu.memory_space<vmem>>
      %dma_wait3A_610 = tpu.memref_squeeze %dma_wait3A_609 : memref<1x16x2048xf32, #tpu.memory_space<vmem>> -> memref<16x2048xf32, #tpu.memory_space<vmem>>
      %dma_wait3A_611 = arith.constant 0 : i32
      %dma_wait3A_612 = tpu.memref_slice %arg4[%add3A_307, %dma_wait3A_611] : memref<11264x2048xf32, #tpu.memory_space<hbm>> -> memref<16x2048xf32, #tpu.memory_space<hbm>>
      %dma_wait3A_613 = arith.constant 0 : i32
      %dma_wait3A_614 = tpu.memref_slice %arg4[%add3A_307, %dma_wait3A_613] : memref<11264x2048xf32, #tpu.memory_space<hbm>> -> memref<16x2048xf32, #tpu.memory_space<hbm>>
      %dma_wait3A_615 = arith.constant 0 : i32
      %dma_wait3A_616 = arith.constant 0 : i32
      %dma_wait3A_617 = tpu.memref_slice %arg6[%run_scoped3A_308, %dma_wait3A_615, %dma_wait3A_616] : memref<2x16x2048xf32, #tpu.memory_space<vmem>> -> memref<1x16x2048xf32, #tpu.memory_space<vmem>>
      %dma_wait3A_618 = tpu.memref_squeeze %dma_wait3A_617 : memref<1x16x2048xf32, #tpu.memory_space<vmem>> -> memref<16x2048xf32, #tpu.memory_space<vmem>>
      tpu.wait_dma2 semaphore(%run_scoped3A_594 : memref<!tpu.dma_semaphore, #tpu.memory_space<semaphore_mem>>) src(%dma_wait3A_618 : memref<16x2048xf32, #tpu.memory_space<vmem>>) dst(%dma_wait3A_614 : memref<16x2048xf32, #tpu.memory_space<hbm>>)
      tpu.yield
    }) : () -> ()
    %dma_start3A_309 = arith.constant 12 : i32
    %dma_start3A_310 = arith.constant 0 : i32
    %dma_start3A_311 = arith.constant 0 : i32
    %dma_start3A_312 = arith.constant 0 : i32
    %dma_start3A_313 = tpu.memref_slice %arg6[%dma_start3A_310, %dma_start3A_311, %dma_start3A_312] : memref<2x16x2048xf32, #tpu.memory_space<vmem>> -> memref<1x16x2048xf32, #tpu.memory_space<vmem>>
    %dma_start3A_314 = tpu.memref_squeeze %dma_start3A_313 : memref<1x16x2048xf32, #tpu.memory_space<vmem>> -> memref<16x2048xf32, #tpu.memory_space<vmem>>
    %dma_start3A_315 = arith.constant 0 : i32
    %dma_start3A_316 = tpu.memref_slice %arg5[%dma_start3A_309, %dma_start3A_315] : memref<22x16xi32, #tpu.memory_space<vmem>> -> memref<1x16xi32, #tpu.memory_space<vmem>>
    %dma_start3A_317 = tpu.memref_squeeze %dma_start3A_316 : memref<1x16xi32, #tpu.memory_space<vmem>> -> memref<16xi32, #tpu.memory_space<vmem>>
    %dma_start3A_318 = arith.constant 0 : i32
    %dma_start3A_319 = arith.constant 0 : i32
    %dma_start3A_320 = tpu.memref_slice %arg2[%dma_start3A_318, %dma_start3A_319] : memref<20000x2048xf32, #tpu.memory_space<hbm>> -> memref<20000x2048xf32, #tpu.memory_space<hbm>>
    tpu.enqueue_indirect_dma source(%dma_start3A_320 : memref<20000x2048xf32, #tpu.memory_space<hbm>>) target(%dma_start3A_314 : memref<16x2048xf32, #tpu.memory_space<vmem>>) offsets(%dma_start3A_317 : memref<16xi32, #tpu.memory_space<vmem>>) semaphore(%arg7 : memref<!tpu.dma_semaphore, #tpu.memory_space<semaphore_mem>>)
    %dma_wait3A_321 = arith.constant 11 : i32
    %dma_wait3A_322 = arith.constant 1 : i32
    %dma_wait3A_323 = arith.constant 0 : i32
    %dma_wait3A_324 = arith.constant 0 : i32
    %dma_wait3A_325 = tpu.memref_slice %arg6[%dma_wait3A_322, %dma_wait3A_323, %dma_wait3A_324] : memref<2x16x2048xf32, #tpu.memory_space<vmem>> -> memref<1x16x2048xf32, #tpu.memory_space<vmem>>
    %dma_wait3A_326 = tpu.memref_squeeze %dma_wait3A_325 : memref<1x16x2048xf32, #tpu.memory_space<vmem>> -> memref<16x2048xf32, #tpu.memory_space<vmem>>
    %dma_wait3A_327 = arith.constant 0 : i32
    %dma_wait3A_328 = tpu.memref_slice %arg5[%dma_wait3A_321, %dma_wait3A_327] : memref<22x16xi32, #tpu.memory_space<vmem>> -> memref<1x16xi32, #tpu.memory_space<vmem>>
    %dma_wait3A_329 = tpu.memref_squeeze %dma_wait3A_328 : memref<1x16xi32, #tpu.memory_space<vmem>> -> memref<16xi32, #tpu.memory_space<vmem>>
    %dma_wait3A_330 = arith.constant 0 : i32
    %dma_wait3A_331 = arith.constant 0 : i32
    %dma_wait3A_332 = tpu.memref_slice %arg2[%dma_wait3A_330, %dma_wait3A_331] : memref<20000x2048xf32, #tpu.memory_space<hbm>> -> memref<20000x2048xf32, #tpu.memory_space<hbm>>
    tpu.wait_indirect_dma semaphore(%arg8 : memref<!tpu.dma_semaphore, #tpu.memory_space<semaphore_mem>>) src(%dma_wait3A_332 : memref<20000x2048xf32, #tpu.memory_space<hbm>>) dst(%dma_wait3A_326 : memref<16x2048xf32, #tpu.memory_space<vmem>>)
    %add3A_333 = arith.constant 176 : i32
    %add3A_334 = arith.addi %mul3A_2, %add3A_333 : i32
    %run_scoped3A_335 = arith.constant 1 : i32
    "tpu.region"() ({
      %run_scoped3A_594 = tpu.sem_alloc : memref<!tpu.dma_semaphore, #tpu.memory_space<semaphore_mem>>
      %dma_start3A_595 = arith.constant 0 : i32
      %dma_start3A_596 = arith.constant 0 : i32
      %dma_start3A_597 = tpu.memref_slice %arg6[%run_scoped3A_335, %dma_start3A_595, %dma_start3A_596] : memref<2x16x2048xf32, #tpu.memory_space<vmem>> -> memref<1x16x2048xf32, #tpu.memory_space<vmem>>
      %dma_start3A_598 = tpu.memref_squeeze %dma_start3A_597 : memref<1x16x2048xf32, #tpu.memory_space<vmem>> -> memref<16x2048xf32, #tpu.memory_space<vmem>>
      %dma_start3A_599 = arith.constant 0 : i32
      %dma_start3A_600 = tpu.memref_slice %arg4[%add3A_334, %dma_start3A_599] : memref<11264x2048xf32, #tpu.memory_space<hbm>> -> memref<16x2048xf32, #tpu.memory_space<hbm>>
      %dma_start3A_601 = arith.constant 0 : i32
      %dma_start3A_602 = tpu.memref_slice %arg4[%add3A_334, %dma_start3A_601] : memref<11264x2048xf32, #tpu.memory_space<hbm>> -> memref<16x2048xf32, #tpu.memory_space<hbm>>
      %dma_start3A_603 = arith.constant 0 : i32
      %dma_start3A_604 = arith.constant 0 : i32
      %dma_start3A_605 = tpu.memref_slice %arg6[%run_scoped3A_335, %dma_start3A_603, %dma_start3A_604] : memref<2x16x2048xf32, #tpu.memory_space<vmem>> -> memref<1x16x2048xf32, #tpu.memory_space<vmem>>
      %dma_start3A_606 = tpu.memref_squeeze %dma_start3A_605 : memref<1x16x2048xf32, #tpu.memory_space<vmem>> -> memref<16x2048xf32, #tpu.memory_space<vmem>>
      tpu.enqueue_dma source(%dma_start3A_606 : memref<16x2048xf32, #tpu.memory_space<vmem>>) target(%dma_start3A_602 : memref<16x2048xf32, #tpu.memory_space<hbm>>) target_semaphore(%run_scoped3A_594 : memref<!tpu.dma_semaphore, #tpu.memory_space<semaphore_mem>>)
      %dma_wait3A_607 = arith.constant 0 : i32
      %dma_wait3A_608 = arith.constant 0 : i32
      %dma_wait3A_609 = tpu.memref_slice %arg6[%run_scoped3A_335, %dma_wait3A_607, %dma_wait3A_608] : memref<2x16x2048xf32, #tpu.memory_space<vmem>> -> memref<1x16x2048xf32, #tpu.memory_space<vmem>>
      %dma_wait3A_610 = tpu.memref_squeeze %dma_wait3A_609 : memref<1x16x2048xf32, #tpu.memory_space<vmem>> -> memref<16x2048xf32, #tpu.memory_space<vmem>>
      %dma_wait3A_611 = arith.constant 0 : i32
      %dma_wait3A_612 = tpu.memref_slice %arg4[%add3A_334, %dma_wait3A_611] : memref<11264x2048xf32, #tpu.memory_space<hbm>> -> memref<16x2048xf32, #tpu.memory_space<hbm>>
      %dma_wait3A_613 = arith.constant 0 : i32
      %dma_wait3A_614 = tpu.memref_slice %arg4[%add3A_334, %dma_wait3A_613] : memref<11264x2048xf32, #tpu.memory_space<hbm>> -> memref<16x2048xf32, #tpu.memory_space<hbm>>
      %dma_wait3A_615 = arith.constant 0 : i32
      %dma_wait3A_616 = arith.constant 0 : i32
      %dma_wait3A_617 = tpu.memref_slice %arg6[%run_scoped3A_335, %dma_wait3A_615, %dma_wait3A_616] : memref<2x16x2048xf32, #tpu.memory_space<vmem>> -> memref<1x16x2048xf32, #tpu.memory_space<vmem>>
      %dma_wait3A_618 = tpu.memref_squeeze %dma_wait3A_617 : memref<1x16x2048xf32, #tpu.memory_space<vmem>> -> memref<16x2048xf32, #tpu.memory_space<vmem>>
      tpu.wait_dma2 semaphore(%run_scoped3A_594 : memref<!tpu.dma_semaphore, #tpu.memory_space<semaphore_mem>>) src(%dma_wait3A_618 : memref<16x2048xf32, #tpu.memory_space<vmem>>) dst(%dma_wait3A_614 : memref<16x2048xf32, #tpu.memory_space<hbm>>)
      tpu.yield
    }) : () -> ()
    %dma_start3A_336 = arith.constant 13 : i32
    %dma_start3A_337 = arith.constant 1 : i32
    %dma_start3A_338 = arith.constant 0 : i32
    %dma_start3A_339 = arith.constant 0 : i32
    %dma_start3A_340 = tpu.memref_slice %arg6[%dma_start3A_337, %dma_start3A_338, %dma_start3A_339] : memref<2x16x2048xf32, #tpu.memory_space<vmem>> -> memref<1x16x2048xf32, #tpu.memory_space<vmem>>
    %dma_start3A_341 = tpu.memref_squeeze %dma_start3A_340 : memref<1x16x2048xf32, #tpu.memory_space<vmem>> -> memref<16x2048xf32, #tpu.memory_space<vmem>>
    %dma_start3A_342 = arith.constant 0 : i32
    %dma_start3A_343 = tpu.memref_slice %arg5[%dma_start3A_336, %dma_start3A_342] : memref<22x16xi32, #tpu.memory_space<vmem>> -> memref<1x16xi32, #tpu.memory_space<vmem>>
    %dma_start3A_344 = tpu.memref_squeeze %dma_start3A_343 : memref<1x16xi32, #tpu.memory_space<vmem>> -> memref<16xi32, #tpu.memory_space<vmem>>
    %dma_start3A_345 = arith.constant 0 : i32
    %dma_start3A_346 = arith.constant 0 : i32
    %dma_start3A_347 = tpu.memref_slice %arg2[%dma_start3A_345, %dma_start3A_346] : memref<20000x2048xf32, #tpu.memory_space<hbm>> -> memref<20000x2048xf32, #tpu.memory_space<hbm>>
    tpu.enqueue_indirect_dma source(%dma_start3A_347 : memref<20000x2048xf32, #tpu.memory_space<hbm>>) target(%dma_start3A_341 : memref<16x2048xf32, #tpu.memory_space<vmem>>) offsets(%dma_start3A_344 : memref<16xi32, #tpu.memory_space<vmem>>) semaphore(%arg8 : memref<!tpu.dma_semaphore, #tpu.memory_space<semaphore_mem>>)
    %dma_wait3A_348 = arith.constant 12 : i32
    %dma_wait3A_349 = arith.constant 0 : i32
    %dma_wait3A_350 = arith.constant 0 : i32
    %dma_wait3A_351 = arith.constant 0 : i32
    %dma_wait3A_352 = tpu.memref_slice %arg6[%dma_wait3A_349, %dma_wait3A_350, %dma_wait3A_351] : memref<2x16x2048xf32, #tpu.memory_space<vmem>> -> memref<1x16x2048xf32, #tpu.memory_space<vmem>>
    %dma_wait3A_353 = tpu.memref_squeeze %dma_wait3A_352 : memref<1x16x2048xf32, #tpu.memory_space<vmem>> -> memref<16x2048xf32, #tpu.memory_space<vmem>>
    %dma_wait3A_354 = arith.constant 0 : i32
    %dma_wait3A_355 = tpu.memref_slice %arg5[%dma_wait3A_348, %dma_wait3A_354] : memref<22x16xi32, #tpu.memory_space<vmem>> -> memref<1x16xi32, #tpu.memory_space<vmem>>
    %dma_wait3A_356 = tpu.memref_squeeze %dma_wait3A_355 : memref<1x16xi32, #tpu.memory_space<vmem>> -> memref<16xi32, #tpu.memory_space<vmem>>
    %dma_wait3A_357 = arith.constant 0 : i32
    %dma_wait3A_358 = arith.constant 0 : i32
    %dma_wait3A_359 = tpu.memref_slice %arg2[%dma_wait3A_357, %dma_wait3A_358] : memref<20000x2048xf32, #tpu.memory_space<hbm>> -> memref<20000x2048xf32, #tpu.memory_space<hbm>>
    tpu.wait_indirect_dma semaphore(%arg7 : memref<!tpu.dma_semaphore, #tpu.memory_space<semaphore_mem>>) src(%dma_wait3A_359 : memref<20000x2048xf32, #tpu.memory_space<hbm>>) dst(%dma_wait3A_353 : memref<16x2048xf32, #tpu.memory_space<vmem>>)
    %add3A_360 = arith.constant 192 : i32
    %add3A_361 = arith.addi %mul3A_2, %add3A_360 : i32
    %run_scoped3A_362 = arith.constant 0 : i32
    "tpu.region"() ({
      %run_scoped3A_594 = tpu.sem_alloc : memref<!tpu.dma_semaphore, #tpu.memory_space<semaphore_mem>>
      %dma_start3A_595 = arith.constant 0 : i32
      %dma_start3A_596 = arith.constant 0 : i32
      %dma_start3A_597 = tpu.memref_slice %arg6[%run_scoped3A_362, %dma_start3A_595, %dma_start3A_596] : memref<2x16x2048xf32, #tpu.memory_space<vmem>> -> memref<1x16x2048xf32, #tpu.memory_space<vmem>>
      %dma_start3A_598 = tpu.memref_squeeze %dma_start3A_597 : memref<1x16x2048xf32, #tpu.memory_space<vmem>> -> memref<16x2048xf32, #tpu.memory_space<vmem>>
      %dma_start3A_599 = arith.constant 0 : i32
      %dma_start3A_600 = tpu.memref_slice %arg4[%add3A_361, %dma_start3A_599] : memref<11264x2048xf32, #tpu.memory_space<hbm>> -> memref<16x2048xf32, #tpu.memory_space<hbm>>
      %dma_start3A_601 = arith.constant 0 : i32
      %dma_start3A_602 = tpu.memref_slice %arg4[%add3A_361, %dma_start3A_601] : memref<11264x2048xf32, #tpu.memory_space<hbm>> -> memref<16x2048xf32, #tpu.memory_space<hbm>>
      %dma_start3A_603 = arith.constant 0 : i32
      %dma_start3A_604 = arith.constant 0 : i32
      %dma_start3A_605 = tpu.memref_slice %arg6[%run_scoped3A_362, %dma_start3A_603, %dma_start3A_604] : memref<2x16x2048xf32, #tpu.memory_space<vmem>> -> memref<1x16x2048xf32, #tpu.memory_space<vmem>>
      %dma_start3A_606 = tpu.memref_squeeze %dma_start3A_605 : memref<1x16x2048xf32, #tpu.memory_space<vmem>> -> memref<16x2048xf32, #tpu.memory_space<vmem>>
      tpu.enqueue_dma source(%dma_start3A_606 : memref<16x2048xf32, #tpu.memory_space<vmem>>) target(%dma_start3A_602 : memref<16x2048xf32, #tpu.memory_space<hbm>>) target_semaphore(%run_scoped3A_594 : memref<!tpu.dma_semaphore, #tpu.memory_space<semaphore_mem>>)
      %dma_wait3A_607 = arith.constant 0 : i32
      %dma_wait3A_608 = arith.constant 0 : i32
      %dma_wait3A_609 = tpu.memref_slice %arg6[%run_scoped3A_362, %dma_wait3A_607, %dma_wait3A_608] : memref<2x16x2048xf32, #tpu.memory_space<vmem>> -> memref<1x16x2048xf32, #tpu.memory_space<vmem>>
      %dma_wait3A_610 = tpu.memref_squeeze %dma_wait3A_609 : memref<1x16x2048xf32, #tpu.memory_space<vmem>> -> memref<16x2048xf32, #tpu.memory_space<vmem>>
      %dma_wait3A_611 = arith.constant 0 : i32
      %dma_wait3A_612 = tpu.memref_slice %arg4[%add3A_361, %dma_wait3A_611] : memref<11264x2048xf32, #tpu.memory_space<hbm>> -> memref<16x2048xf32, #tpu.memory_space<hbm>>
      %dma_wait3A_613 = arith.constant 0 : i32
      %dma_wait3A_614 = tpu.memref_slice %arg4[%add3A_361, %dma_wait3A_613] : memref<11264x2048xf32, #tpu.memory_space<hbm>> -> memref<16x2048xf32, #tpu.memory_space<hbm>>
      %dma_wait3A_615 = arith.constant 0 : i32
      %dma_wait3A_616 = arith.constant 0 : i32
      %dma_wait3A_617 = tpu.memref_slice %arg6[%run_scoped3A_362, %dma_wait3A_615, %dma_wait3A_616] : memref<2x16x2048xf32, #tpu.memory_space<vmem>> -> memref<1x16x2048xf32, #tpu.memory_space<vmem>>
      %dma_wait3A_618 = tpu.memref_squeeze %dma_wait3A_617 : memref<1x16x2048xf32, #tpu.memory_space<vmem>> -> memref<16x2048xf32, #tpu.memory_space<vmem>>
      tpu.wait_dma2 semaphore(%run_scoped3A_594 : memref<!tpu.dma_semaphore, #tpu.memory_space<semaphore_mem>>) src(%dma_wait3A_618 : memref<16x2048xf32, #tpu.memory_space<vmem>>) dst(%dma_wait3A_614 : memref<16x2048xf32, #tpu.memory_space<hbm>>)
      tpu.yield
    }) : () -> ()
    %dma_start3A_363 = arith.constant 14 : i32
    %dma_start3A_364 = arith.constant 0 : i32
    %dma_start3A_365 = arith.constant 0 : i32
    %dma_start3A_366 = arith.constant 0 : i32
    %dma_start3A_367 = tpu.memref_slice %arg6[%dma_start3A_364, %dma_start3A_365, %dma_start3A_366] : memref<2x16x2048xf32, #tpu.memory_space<vmem>> -> memref<1x16x2048xf32, #tpu.memory_space<vmem>>
    %dma_start3A_368 = tpu.memref_squeeze %dma_start3A_367 : memref<1x16x2048xf32, #tpu.memory_space<vmem>> -> memref<16x2048xf32, #tpu.memory_space<vmem>>
    %dma_start3A_369 = arith.constant 0 : i32
    %dma_start3A_370 = tpu.memref_slice %arg5[%dma_start3A_363, %dma_start3A_369] : memref<22x16xi32, #tpu.memory_space<vmem>> -> memref<1x16xi32, #tpu.memory_space<vmem>>
    %dma_start3A_371 = tpu.memref_squeeze %dma_start3A_370 : memref<1x16xi32, #tpu.memory_space<vmem>> -> memref<16xi32, #tpu.memory_space<vmem>>
    %dma_start3A_372 = arith.constant 0 : i32
    %dma_start3A_373 = arith.constant 0 : i32
    %dma_start3A_374 = tpu.memref_slice %arg2[%dma_start3A_372, %dma_start3A_373] : memref<20000x2048xf32, #tpu.memory_space<hbm>> -> memref<20000x2048xf32, #tpu.memory_space<hbm>>
    tpu.enqueue_indirect_dma source(%dma_start3A_374 : memref<20000x2048xf32, #tpu.memory_space<hbm>>) target(%dma_start3A_368 : memref<16x2048xf32, #tpu.memory_space<vmem>>) offsets(%dma_start3A_371 : memref<16xi32, #tpu.memory_space<vmem>>) semaphore(%arg7 : memref<!tpu.dma_semaphore, #tpu.memory_space<semaphore_mem>>)
    %dma_wait3A_375 = arith.constant 13 : i32
    %dma_wait3A_376 = arith.constant 1 : i32
    %dma_wait3A_377 = arith.constant 0 : i32
    %dma_wait3A_378 = arith.constant 0 : i32
    %dma_wait3A_379 = tpu.memref_slice %arg6[%dma_wait3A_376, %dma_wait3A_377, %dma_wait3A_378] : memref<2x16x2048xf32, #tpu.memory_space<vmem>> -> memref<1x16x2048xf32, #tpu.memory_space<vmem>>
    %dma_wait3A_380 = tpu.memref_squeeze %dma_wait3A_379 : memref<1x16x2048xf32, #tpu.memory_space<vmem>> -> memref<16x2048xf32, #tpu.memory_space<vmem>>
    %dma_wait3A_381 = arith.constant 0 : i32
    %dma_wait3A_382 = tpu.memref_slice %arg5[%dma_wait3A_375, %dma_wait3A_381] : memref<22x16xi32, #tpu.memory_space<vmem>> -> memref<1x16xi32, #tpu.memory_space<vmem>>
    %dma_wait3A_383 = tpu.memref_squeeze %dma_wait3A_382 : memref<1x16xi32, #tpu.memory_space<vmem>> -> memref<16xi32, #tpu.memory_space<vmem>>
    %dma_wait3A_384 = arith.constant 0 : i32
    %dma_wait3A_385 = arith.constant 0 : i32
    %dma_wait3A_386 = tpu.memref_slice %arg2[%dma_wait3A_384, %dma_wait3A_385] : memref<20000x2048xf32, #tpu.memory_space<hbm>> -> memref<20000x2048xf32, #tpu.memory_space<hbm>>
    tpu.wait_indirect_dma semaphore(%arg8 : memref<!tpu.dma_semaphore, #tpu.memory_space<semaphore_mem>>) src(%dma_wait3A_386 : memref<20000x2048xf32, #tpu.memory_space<hbm>>) dst(%dma_wait3A_380 : memref<16x2048xf32, #tpu.memory_space<vmem>>)
    %add3A_387 = arith.constant 208 : i32
    %add3A_388 = arith.addi %mul3A_2, %add3A_387 : i32
    %run_scoped3A_389 = arith.constant 1 : i32
    "tpu.region"() ({
      %run_scoped3A_594 = tpu.sem_alloc : memref<!tpu.dma_semaphore, #tpu.memory_space<semaphore_mem>>
      %dma_start3A_595 = arith.constant 0 : i32
      %dma_start3A_596 = arith.constant 0 : i32
      %dma_start3A_597 = tpu.memref_slice %arg6[%run_scoped3A_389, %dma_start3A_595, %dma_start3A_596] : memref<2x16x2048xf32, #tpu.memory_space<vmem>> -> memref<1x16x2048xf32, #tpu.memory_space<vmem>>
      %dma_start3A_598 = tpu.memref_squeeze %dma_start3A_597 : memref<1x16x2048xf32, #tpu.memory_space<vmem>> -> memref<16x2048xf32, #tpu.memory_space<vmem>>
      %dma_start3A_599 = arith.constant 0 : i32
      %dma_start3A_600 = tpu.memref_slice %arg4[%add3A_388, %dma_start3A_599] : memref<11264x2048xf32, #tpu.memory_space<hbm>> -> memref<16x2048xf32, #tpu.memory_space<hbm>>
      %dma_start3A_601 = arith.constant 0 : i32
      %dma_start3A_602 = tpu.memref_slice %arg4[%add3A_388, %dma_start3A_601] : memref<11264x2048xf32, #tpu.memory_space<hbm>> -> memref<16x2048xf32, #tpu.memory_space<hbm>>
      %dma_start3A_603 = arith.constant 0 : i32
      %dma_start3A_604 = arith.constant 0 : i32
      %dma_start3A_605 = tpu.memref_slice %arg6[%run_scoped3A_389, %dma_start3A_603, %dma_start3A_604] : memref<2x16x2048xf32, #tpu.memory_space<vmem>> -> memref<1x16x2048xf32, #tpu.memory_space<vmem>>
      %dma_start3A_606 = tpu.memref_squeeze %dma_start3A_605 : memref<1x16x2048xf32, #tpu.memory_space<vmem>> -> memref<16x2048xf32, #tpu.memory_space<vmem>>
      tpu.enqueue_dma source(%dma_start3A_606 : memref<16x2048xf32, #tpu.memory_space<vmem>>) target(%dma_start3A_602 : memref<16x2048xf32, #tpu.memory_space<hbm>>) target_semaphore(%run_scoped3A_594 : memref<!tpu.dma_semaphore, #tpu.memory_space<semaphore_mem>>)
      %dma_wait3A_607 = arith.constant 0 : i32
      %dma_wait3A_608 = arith.constant 0 : i32
      %dma_wait3A_609 = tpu.memref_slice %arg6[%run_scoped3A_389, %dma_wait3A_607, %dma_wait3A_608] : memref<2x16x2048xf32, #tpu.memory_space<vmem>> -> memref<1x16x2048xf32, #tpu.memory_space<vmem>>
      %dma_wait3A_610 = tpu.memref_squeeze %dma_wait3A_609 : memref<1x16x2048xf32, #tpu.memory_space<vmem>> -> memref<16x2048xf32, #tpu.memory_space<vmem>>
      %dma_wait3A_611 = arith.constant 0 : i32
      %dma_wait3A_612 = tpu.memref_slice %arg4[%add3A_388, %dma_wait3A_611] : memref<11264x2048xf32, #tpu.memory_space<hbm>> -> memref<16x2048xf32, #tpu.memory_space<hbm>>
      %dma_wait3A_613 = arith.constant 0 : i32
      %dma_wait3A_614 = tpu.memref_slice %arg4[%add3A_388, %dma_wait3A_613] : memref<11264x2048xf32, #tpu.memory_space<hbm>> -> memref<16x2048xf32, #tpu.memory_space<hbm>>
      %dma_wait3A_615 = arith.constant 0 : i32
      %dma_wait3A_616 = arith.constant 0 : i32
      %dma_wait3A_617 = tpu.memref_slice %arg6[%run_scoped3A_389, %dma_wait3A_615, %dma_wait3A_616] : memref<2x16x2048xf32, #tpu.memory_space<vmem>> -> memref<1x16x2048xf32, #tpu.memory_space<vmem>>
      %dma_wait3A_618 = tpu.memref_squeeze %dma_wait3A_617 : memref<1x16x2048xf32, #tpu.memory_space<vmem>> -> memref<16x2048xf32, #tpu.memory_space<vmem>>
      tpu.wait_dma2 semaphore(%run_scoped3A_594 : memref<!tpu.dma_semaphore, #tpu.memory_space<semaphore_mem>>) src(%dma_wait3A_618 : memref<16x2048xf32, #tpu.memory_space<vmem>>) dst(%dma_wait3A_614 : memref<16x2048xf32, #tpu.memory_space<hbm>>)
      tpu.yield
    }) : () -> ()
    %dma_start3A_390 = arith.constant 15 : i32
    %dma_start3A_391 = arith.constant 1 : i32
    %dma_start3A_392 = arith.constant 0 : i32
    %dma_start3A_393 = arith.constant 0 : i32
    %dma_start3A_394 = tpu.memref_slice %arg6[%dma_start3A_391, %dma_start3A_392, %dma_start3A_393] : memref<2x16x2048xf32, #tpu.memory_space<vmem>> -> memref<1x16x2048xf32, #tpu.memory_space<vmem>>
    %dma_start3A_395 = tpu.memref_squeeze %dma_start3A_394 : memref<1x16x2048xf32, #tpu.memory_space<vmem>> -> memref<16x2048xf32, #tpu.memory_space<vmem>>
    %dma_start3A_396 = arith.constant 0 : i32
    %dma_start3A_397 = tpu.memref_slice %arg5[%dma_start3A_390, %dma_start3A_396] : memref<22x16xi32, #tpu.memory_space<vmem>> -> memref<1x16xi32, #tpu.memory_space<vmem>>
    %dma_start3A_398 = tpu.memref_squeeze %dma_start3A_397 : memref<1x16xi32, #tpu.memory_space<vmem>> -> memref<16xi32, #tpu.memory_space<vmem>>
    %dma_start3A_399 = arith.constant 0 : i32
    %dma_start3A_400 = arith.constant 0 : i32
    %dma_start3A_401 = tpu.memref_slice %arg2[%dma_start3A_399, %dma_start3A_400] : memref<20000x2048xf32, #tpu.memory_space<hbm>> -> memref<20000x2048xf32, #tpu.memory_space<hbm>>
    tpu.enqueue_indirect_dma source(%dma_start3A_401 : memref<20000x2048xf32, #tpu.memory_space<hbm>>) target(%dma_start3A_395 : memref<16x2048xf32, #tpu.memory_space<vmem>>) offsets(%dma_start3A_398 : memref<16xi32, #tpu.memory_space<vmem>>) semaphore(%arg8 : memref<!tpu.dma_semaphore, #tpu.memory_space<semaphore_mem>>)
    %dma_wait3A_402 = arith.constant 14 : i32
    %dma_wait3A_403 = arith.constant 0 : i32
    %dma_wait3A_404 = arith.constant 0 : i32
    %dma_wait3A_405 = arith.constant 0 : i32
    %dma_wait3A_406 = tpu.memref_slice %arg6[%dma_wait3A_403, %dma_wait3A_404, %dma_wait3A_405] : memref<2x16x2048xf32, #tpu.memory_space<vmem>> -> memref<1x16x2048xf32, #tpu.memory_space<vmem>>
    %dma_wait3A_407 = tpu.memref_squeeze %dma_wait3A_406 : memref<1x16x2048xf32, #tpu.memory_space<vmem>> -> memref<16x2048xf32, #tpu.memory_space<vmem>>
    %dma_wait3A_408 = arith.constant 0 : i32
    %dma_wait3A_409 = tpu.memref_slice %arg5[%dma_wait3A_402, %dma_wait3A_408] : memref<22x16xi32, #tpu.memory_space<vmem>> -> memref<1x16xi32, #tpu.memory_space<vmem>>
    %dma_wait3A_410 = tpu.memref_squeeze %dma_wait3A_409 : memref<1x16xi32, #tpu.memory_space<vmem>> -> memref<16xi32, #tpu.memory_space<vmem>>
    %dma_wait3A_411 = arith.constant 0 : i32
    %dma_wait3A_412 = arith.constant 0 : i32
    %dma_wait3A_413 = tpu.memref_slice %arg2[%dma_wait3A_411, %dma_wait3A_412] : memref<20000x2048xf32, #tpu.memory_space<hbm>> -> memref<20000x2048xf32, #tpu.memory_space<hbm>>
    tpu.wait_indirect_dma semaphore(%arg7 : memref<!tpu.dma_semaphore, #tpu.memory_space<semaphore_mem>>) src(%dma_wait3A_413 : memref<20000x2048xf32, #tpu.memory_space<hbm>>) dst(%dma_wait3A_407 : memref<16x2048xf32, #tpu.memory_space<vmem>>)
    %add3A_414 = arith.constant 224 : i32
    %add3A_415 = arith.addi %mul3A_2, %add3A_414 : i32
    %run_scoped3A_416 = arith.constant 0 : i32
    "tpu.region"() ({
      %run_scoped3A_594 = tpu.sem_alloc : memref<!tpu.dma_semaphore, #tpu.memory_space<semaphore_mem>>
      %dma_start3A_595 = arith.constant 0 : i32
      %dma_start3A_596 = arith.constant 0 : i32
      %dma_start3A_597 = tpu.memref_slice %arg6[%run_scoped3A_416, %dma_start3A_595, %dma_start3A_596] : memref<2x16x2048xf32, #tpu.memory_space<vmem>> -> memref<1x16x2048xf32, #tpu.memory_space<vmem>>
      %dma_start3A_598 = tpu.memref_squeeze %dma_start3A_597 : memref<1x16x2048xf32, #tpu.memory_space<vmem>> -> memref<16x2048xf32, #tpu.memory_space<vmem>>
      %dma_start3A_599 = arith.constant 0 : i32
      %dma_start3A_600 = tpu.memref_slice %arg4[%add3A_415, %dma_start3A_599] : memref<11264x2048xf32, #tpu.memory_space<hbm>> -> memref<16x2048xf32, #tpu.memory_space<hbm>>
      %dma_start3A_601 = arith.constant 0 : i32
      %dma_start3A_602 = tpu.memref_slice %arg4[%add3A_415, %dma_start3A_601] : memref<11264x2048xf32, #tpu.memory_space<hbm>> -> memref<16x2048xf32, #tpu.memory_space<hbm>>
      %dma_start3A_603 = arith.constant 0 : i32
      %dma_start3A_604 = arith.constant 0 : i32
      %dma_start3A_605 = tpu.memref_slice %arg6[%run_scoped3A_416, %dma_start3A_603, %dma_start3A_604] : memref<2x16x2048xf32, #tpu.memory_space<vmem>> -> memref<1x16x2048xf32, #tpu.memory_space<vmem>>
      %dma_start3A_606 = tpu.memref_squeeze %dma_start3A_605 : memref<1x16x2048xf32, #tpu.memory_space<vmem>> -> memref<16x2048xf32, #tpu.memory_space<vmem>>
      tpu.enqueue_dma source(%dma_start3A_606 : memref<16x2048xf32, #tpu.memory_space<vmem>>) target(%dma_start3A_602 : memref<16x2048xf32, #tpu.memory_space<hbm>>) target_semaphore(%run_scoped3A_594 : memref<!tpu.dma_semaphore, #tpu.memory_space<semaphore_mem>>)
      %dma_wait3A_607 = arith.constant 0 : i32
      %dma_wait3A_608 = arith.constant 0 : i32
      %dma_wait3A_609 = tpu.memref_slice %arg6[%run_scoped3A_416, %dma_wait3A_607, %dma_wait3A_608] : memref<2x16x2048xf32, #tpu.memory_space<vmem>> -> memref<1x16x2048xf32, #tpu.memory_space<vmem>>
      %dma_wait3A_610 = tpu.memref_squeeze %dma_wait3A_609 : memref<1x16x2048xf32, #tpu.memory_space<vmem>> -> memref<16x2048xf32, #tpu.memory_space<vmem>>
      %dma_wait3A_611 = arith.constant 0 : i32
      %dma_wait3A_612 = tpu.memref_slice %arg4[%add3A_415, %dma_wait3A_611] : memref<11264x2048xf32, #tpu.memory_space<hbm>> -> memref<16x2048xf32, #tpu.memory_space<hbm>>
      %dma_wait3A_613 = arith.constant 0 : i32
      %dma_wait3A_614 = tpu.memref_slice %arg4[%add3A_415, %dma_wait3A_613] : memref<11264x2048xf32, #tpu.memory_space<hbm>> -> memref<16x2048xf32, #tpu.memory_space<hbm>>
      %dma_wait3A_615 = arith.constant 0 : i32
      %dma_wait3A_616 = arith.constant 0 : i32
      %dma_wait3A_617 = tpu.memref_slice %arg6[%run_scoped3A_416, %dma_wait3A_615, %dma_wait3A_616] : memref<2x16x2048xf32, #tpu.memory_space<vmem>> -> memref<1x16x2048xf32, #tpu.memory_space<vmem>>
      %dma_wait3A_618 = tpu.memref_squeeze %dma_wait3A_617 : memref<1x16x2048xf32, #tpu.memory_space<vmem>> -> memref<16x2048xf32, #tpu.memory_space<vmem>>
      tpu.wait_dma2 semaphore(%run_scoped3A_594 : memref<!tpu.dma_semaphore, #tpu.memory_space<semaphore_mem>>) src(%dma_wait3A_618 : memref<16x2048xf32, #tpu.memory_space<vmem>>) dst(%dma_wait3A_614 : memref<16x2048xf32, #tpu.memory_space<hbm>>)
      tpu.yield
    }) : () -> ()
    %dma_start3A_417 = arith.constant 16 : i32
    %dma_start3A_418 = arith.constant 0 : i32
    %dma_start3A_419 = arith.constant 0 : i32
    %dma_start3A_420 = arith.constant 0 : i32
    %dma_start3A_421 = tpu.memref_slice %arg6[%dma_start3A_418, %dma_start3A_419, %dma_start3A_420] : memref<2x16x2048xf32, #tpu.memory_space<vmem>> -> memref<1x16x2048xf32, #tpu.memory_space<vmem>>
    %dma_start3A_422 = tpu.memref_squeeze %dma_start3A_421 : memref<1x16x2048xf32, #tpu.memory_space<vmem>> -> memref<16x2048xf32, #tpu.memory_space<vmem>>
    %dma_start3A_423 = arith.constant 0 : i32
    %dma_start3A_424 = tpu.memref_slice %arg5[%dma_start3A_417, %dma_start3A_423] : memref<22x16xi32, #tpu.memory_space<vmem>> -> memref<1x16xi32, #tpu.memory_space<vmem>>
    %dma_start3A_425 = tpu.memref_squeeze %dma_start3A_424 : memref<1x16xi32, #tpu.memory_space<vmem>> -> memref<16xi32, #tpu.memory_space<vmem>>
    %dma_start3A_426 = arith.constant 0 : i32
    %dma_start3A_427 = arith.constant 0 : i32
    %dma_start3A_428 = tpu.memref_slice %arg2[%dma_start3A_426, %dma_start3A_427] : memref<20000x2048xf32, #tpu.memory_space<hbm>> -> memref<20000x2048xf32, #tpu.memory_space<hbm>>
    tpu.enqueue_indirect_dma source(%dma_start3A_428 : memref<20000x2048xf32, #tpu.memory_space<hbm>>) target(%dma_start3A_422 : memref<16x2048xf32, #tpu.memory_space<vmem>>) offsets(%dma_start3A_425 : memref<16xi32, #tpu.memory_space<vmem>>) semaphore(%arg7 : memref<!tpu.dma_semaphore, #tpu.memory_space<semaphore_mem>>)
    %dma_wait3A_429 = arith.constant 15 : i32
    %dma_wait3A_430 = arith.constant 1 : i32
    %dma_wait3A_431 = arith.constant 0 : i32
    %dma_wait3A_432 = arith.constant 0 : i32
    %dma_wait3A_433 = tpu.memref_slice %arg6[%dma_wait3A_430, %dma_wait3A_431, %dma_wait3A_432] : memref<2x16x2048xf32, #tpu.memory_space<vmem>> -> memref<1x16x2048xf32, #tpu.memory_space<vmem>>
    %dma_wait3A_434 = tpu.memref_squeeze %dma_wait3A_433 : memref<1x16x2048xf32, #tpu.memory_space<vmem>> -> memref<16x2048xf32, #tpu.memory_space<vmem>>
    %dma_wait3A_435 = arith.constant 0 : i32
    %dma_wait3A_436 = tpu.memref_slice %arg5[%dma_wait3A_429, %dma_wait3A_435] : memref<22x16xi32, #tpu.memory_space<vmem>> -> memref<1x16xi32, #tpu.memory_space<vmem>>
    %dma_wait3A_437 = tpu.memref_squeeze %dma_wait3A_436 : memref<1x16xi32, #tpu.memory_space<vmem>> -> memref<16xi32, #tpu.memory_space<vmem>>
    %dma_wait3A_438 = arith.constant 0 : i32
    %dma_wait3A_439 = arith.constant 0 : i32
    %dma_wait3A_440 = tpu.memref_slice %arg2[%dma_wait3A_438, %dma_wait3A_439] : memref<20000x2048xf32, #tpu.memory_space<hbm>> -> memref<20000x2048xf32, #tpu.memory_space<hbm>>
    tpu.wait_indirect_dma semaphore(%arg8 : memref<!tpu.dma_semaphore, #tpu.memory_space<semaphore_mem>>) src(%dma_wait3A_440 : memref<20000x2048xf32, #tpu.memory_space<hbm>>) dst(%dma_wait3A_434 : memref<16x2048xf32, #tpu.memory_space<vmem>>)
    %add3A_441 = arith.constant 240 : i32
    %add3A_442 = arith.addi %mul3A_2, %add3A_441 : i32
    %run_scoped3A_443 = arith.constant 1 : i32
    "tpu.region"() ({
      %run_scoped3A_594 = tpu.sem_alloc : memref<!tpu.dma_semaphore, #tpu.memory_space<semaphore_mem>>
      %dma_start3A_595 = arith.constant 0 : i32
      %dma_start3A_596 = arith.constant 0 : i32
      %dma_start3A_597 = tpu.memref_slice %arg6[%run_scoped3A_443, %dma_start3A_595, %dma_start3A_596] : memref<2x16x2048xf32, #tpu.memory_space<vmem>> -> memref<1x16x2048xf32, #tpu.memory_space<vmem>>
      %dma_start3A_598 = tpu.memref_squeeze %dma_start3A_597 : memref<1x16x2048xf32, #tpu.memory_space<vmem>> -> memref<16x2048xf32, #tpu.memory_space<vmem>>
      %dma_start3A_599 = arith.constant 0 : i32
      %dma_start3A_600 = tpu.memref_slice %arg4[%add3A_442, %dma_start3A_599] : memref<11264x2048xf32, #tpu.memory_space<hbm>> -> memref<16x2048xf32, #tpu.memory_space<hbm>>
      %dma_start3A_601 = arith.constant 0 : i32
      %dma_start3A_602 = tpu.memref_slice %arg4[%add3A_442, %dma_start3A_601] : memref<11264x2048xf32, #tpu.memory_space<hbm>> -> memref<16x2048xf32, #tpu.memory_space<hbm>>
      %dma_start3A_603 = arith.constant 0 : i32
      %dma_start3A_604 = arith.constant 0 : i32
      %dma_start3A_605 = tpu.memref_slice %arg6[%run_scoped3A_443, %dma_start3A_603, %dma_start3A_604] : memref<2x16x2048xf32, #tpu.memory_space<vmem>> -> memref<1x16x2048xf32, #tpu.memory_space<vmem>>
      %dma_start3A_606 = tpu.memref_squeeze %dma_start3A_605 : memref<1x16x2048xf32, #tpu.memory_space<vmem>> -> memref<16x2048xf32, #tpu.memory_space<vmem>>
      tpu.enqueue_dma source(%dma_start3A_606 : memref<16x2048xf32, #tpu.memory_space<vmem>>) target(%dma_start3A_602 : memref<16x2048xf32, #tpu.memory_space<hbm>>) target_semaphore(%run_scoped3A_594 : memref<!tpu.dma_semaphore, #tpu.memory_space<semaphore_mem>>)
      %dma_wait3A_607 = arith.constant 0 : i32
      %dma_wait3A_608 = arith.constant 0 : i32
      %dma_wait3A_609 = tpu.memref_slice %arg6[%run_scoped3A_443, %dma_wait3A_607, %dma_wait3A_608] : memref<2x16x2048xf32, #tpu.memory_space<vmem>> -> memref<1x16x2048xf32, #tpu.memory_space<vmem>>
      %dma_wait3A_610 = tpu.memref_squeeze %dma_wait3A_609 : memref<1x16x2048xf32, #tpu.memory_space<vmem>> -> memref<16x2048xf32, #tpu.memory_space<vmem>>
      %dma_wait3A_611 = arith.constant 0 : i32
      %dma_wait3A_612 = tpu.memref_slice %arg4[%add3A_442, %dma_wait3A_611] : memref<11264x2048xf32, #tpu.memory_space<hbm>> -> memref<16x2048xf32, #tpu.memory_space<hbm>>
      %dma_wait3A_613 = arith.constant 0 : i32
      %dma_wait3A_614 = tpu.memref_slice %arg4[%add3A_442, %dma_wait3A_613] : memref<11264x2048xf32, #tpu.memory_space<hbm>> -> memref<16x2048xf32, #tpu.memory_space<hbm>>
      %dma_wait3A_615 = arith.constant 0 : i32
      %dma_wait3A_616 = arith.constant 0 : i32
      %dma_wait3A_617 = tpu.memref_slice %arg6[%run_scoped3A_443, %dma_wait3A_615, %dma_wait3A_616] : memref<2x16x2048xf32, #tpu.memory_space<vmem>> -> memref<1x16x2048xf32, #tpu.memory_space<vmem>>
      %dma_wait3A_618 = tpu.memref_squeeze %dma_wait3A_617 : memref<1x16x2048xf32, #tpu.memory_space<vmem>> -> memref<16x2048xf32, #tpu.memory_space<vmem>>
      tpu.wait_dma2 semaphore(%run_scoped3A_594 : memref<!tpu.dma_semaphore, #tpu.memory_space<semaphore_mem>>) src(%dma_wait3A_618 : memref<16x2048xf32, #tpu.memory_space<vmem>>) dst(%dma_wait3A_614 : memref<16x2048xf32, #tpu.memory_space<hbm>>)
      tpu.yield
    }) : () -> ()
    %dma_start3A_444 = arith.constant 17 : i32
    %dma_start3A_445 = arith.constant 1 : i32
    %dma_start3A_446 = arith.constant 0 : i32
    %dma_start3A_447 = arith.constant 0 : i32
    %dma_start3A_448 = tpu.memref_slice %arg6[%dma_start3A_445, %dma_start3A_446, %dma_start3A_447] : memref<2x16x2048xf32, #tpu.memory_space<vmem>> -> memref<1x16x2048xf32, #tpu.memory_space<vmem>>
    %dma_start3A_449 = tpu.memref_squeeze %dma_start3A_448 : memref<1x16x2048xf32, #tpu.memory_space<vmem>> -> memref<16x2048xf32, #tpu.memory_space<vmem>>
    %dma_start3A_450 = arith.constant 0 : i32
    %dma_start3A_451 = tpu.memref_slice %arg5[%dma_start3A_444, %dma_start3A_450] : memref<22x16xi32, #tpu.memory_space<vmem>> -> memref<1x16xi32, #tpu.memory_space<vmem>>
    %dma_start3A_452 = tpu.memref_squeeze %dma_start3A_451 : memref<1x16xi32, #tpu.memory_space<vmem>> -> memref<16xi32, #tpu.memory_space<vmem>>
    %dma_start3A_453 = arith.constant 0 : i32
    %dma_start3A_454 = arith.constant 0 : i32
    %dma_start3A_455 = tpu.memref_slice %arg2[%dma_start3A_453, %dma_start3A_454] : memref<20000x2048xf32, #tpu.memory_space<hbm>> -> memref<20000x2048xf32, #tpu.memory_space<hbm>>
    tpu.enqueue_indirect_dma source(%dma_start3A_455 : memref<20000x2048xf32, #tpu.memory_space<hbm>>) target(%dma_start3A_449 : memref<16x2048xf32, #tpu.memory_space<vmem>>) offsets(%dma_start3A_452 : memref<16xi32, #tpu.memory_space<vmem>>) semaphore(%arg8 : memref<!tpu.dma_semaphore, #tpu.memory_space<semaphore_mem>>)
    %dma_wait3A_456 = arith.constant 16 : i32
    %dma_wait3A_457 = arith.constant 0 : i32
    %dma_wait3A_458 = arith.constant 0 : i32
    %dma_wait3A_459 = arith.constant 0 : i32
    %dma_wait3A_460 = tpu.memref_slice %arg6[%dma_wait3A_457, %dma_wait3A_458, %dma_wait3A_459] : memref<2x16x2048xf32, #tpu.memory_space<vmem>> -> memref<1x16x2048xf32, #tpu.memory_space<vmem>>
    %dma_wait3A_461 = tpu.memref_squeeze %dma_wait3A_460 : memref<1x16x2048xf32, #tpu.memory_space<vmem>> -> memref<16x2048xf32, #tpu.memory_space<vmem>>
    %dma_wait3A_462 = arith.constant 0 : i32
    %dma_wait3A_463 = tpu.memref_slice %arg5[%dma_wait3A_456, %dma_wait3A_462] : memref<22x16xi32, #tpu.memory_space<vmem>> -> memref<1x16xi32, #tpu.memory_space<vmem>>
    %dma_wait3A_464 = tpu.memref_squeeze %dma_wait3A_463 : memref<1x16xi32, #tpu.memory_space<vmem>> -> memref<16xi32, #tpu.memory_space<vmem>>
    %dma_wait3A_465 = arith.constant 0 : i32
    %dma_wait3A_466 = arith.constant 0 : i32
    %dma_wait3A_467 = tpu.memref_slice %arg2[%dma_wait3A_465, %dma_wait3A_466] : memref<20000x2048xf32, #tpu.memory_space<hbm>> -> memref<20000x2048xf32, #tpu.memory_space<hbm>>
    tpu.wait_indirect_dma semaphore(%arg7 : memref<!tpu.dma_semaphore, #tpu.memory_space<semaphore_mem>>) src(%dma_wait3A_467 : memref<20000x2048xf32, #tpu.memory_space<hbm>>) dst(%dma_wait3A_461 : memref<16x2048xf32, #tpu.memory_space<vmem>>)
    %add3A_468 = arith.constant 256 : i32
    %add3A_469 = arith.addi %mul3A_2, %add3A_468 : i32
    %run_scoped3A_470 = arith.constant 0 : i32
    "tpu.region"() ({
      %run_scoped3A_594 = tpu.sem_alloc : memref<!tpu.dma_semaphore, #tpu.memory_space<semaphore_mem>>
      %dma_start3A_595 = arith.constant 0 : i32
      %dma_start3A_596 = arith.constant 0 : i32
      %dma_start3A_597 = tpu.memref_slice %arg6[%run_scoped3A_470, %dma_start3A_595, %dma_start3A_596] : memref<2x16x2048xf32, #tpu.memory_space<vmem>> -> memref<1x16x2048xf32, #tpu.memory_space<vmem>>
      %dma_start3A_598 = tpu.memref_squeeze %dma_start3A_597 : memref<1x16x2048xf32, #tpu.memory_space<vmem>> -> memref<16x2048xf32, #tpu.memory_space<vmem>>
      %dma_start3A_599 = arith.constant 0 : i32
      %dma_start3A_600 = tpu.memref_slice %arg4[%add3A_469, %dma_start3A_599] : memref<11264x2048xf32, #tpu.memory_space<hbm>> -> memref<16x2048xf32, #tpu.memory_space<hbm>>
      %dma_start3A_601 = arith.constant 0 : i32
      %dma_start3A_602 = tpu.memref_slice %arg4[%add3A_469, %dma_start3A_601] : memref<11264x2048xf32, #tpu.memory_space<hbm>> -> memref<16x2048xf32, #tpu.memory_space<hbm>>
      %dma_start3A_603 = arith.constant 0 : i32
      %dma_start3A_604 = arith.constant 0 : i32
      %dma_start3A_605 = tpu.memref_slice %arg6[%run_scoped3A_470, %dma_start3A_603, %dma_start3A_604] : memref<2x16x2048xf32, #tpu.memory_space<vmem>> -> memref<1x16x2048xf32, #tpu.memory_space<vmem>>
      %dma_start3A_606 = tpu.memref_squeeze %dma_start3A_605 : memref<1x16x2048xf32, #tpu.memory_space<vmem>> -> memref<16x2048xf32, #tpu.memory_space<vmem>>
      tpu.enqueue_dma source(%dma_start3A_606 : memref<16x2048xf32, #tpu.memory_space<vmem>>) target(%dma_start3A_602 : memref<16x2048xf32, #tpu.memory_space<hbm>>) target_semaphore(%run_scoped3A_594 : memref<!tpu.dma_semaphore, #tpu.memory_space<semaphore_mem>>)
      %dma_wait3A_607 = arith.constant 0 : i32
      %dma_wait3A_608 = arith.constant 0 : i32
      %dma_wait3A_609 = tpu.memref_slice %arg6[%run_scoped3A_470, %dma_wait3A_607, %dma_wait3A_608] : memref<2x16x2048xf32, #tpu.memory_space<vmem>> -> memref<1x16x2048xf32, #tpu.memory_space<vmem>>
      %dma_wait3A_610 = tpu.memref_squeeze %dma_wait3A_609 : memref<1x16x2048xf32, #tpu.memory_space<vmem>> -> memref<16x2048xf32, #tpu.memory_space<vmem>>
      %dma_wait3A_611 = arith.constant 0 : i32
      %dma_wait3A_612 = tpu.memref_slice %arg4[%add3A_469, %dma_wait3A_611] : memref<11264x2048xf32, #tpu.memory_space<hbm>> -> memref<16x2048xf32, #tpu.memory_space<hbm>>
      %dma_wait3A_613 = arith.constant 0 : i32
      %dma_wait3A_614 = tpu.memref_slice %arg4[%add3A_469, %dma_wait3A_613] : memref<11264x2048xf32, #tpu.memory_space<hbm>> -> memref<16x2048xf32, #tpu.memory_space<hbm>>
      %dma_wait3A_615 = arith.constant 0 : i32
      %dma_wait3A_616 = arith.constant 0 : i32
      %dma_wait3A_617 = tpu.memref_slice %arg6[%run_scoped3A_470, %dma_wait3A_615, %dma_wait3A_616] : memref<2x16x2048xf32, #tpu.memory_space<vmem>> -> memref<1x16x2048xf32, #tpu.memory_space<vmem>>
      %dma_wait3A_618 = tpu.memref_squeeze %dma_wait3A_617 : memref<1x16x2048xf32, #tpu.memory_space<vmem>> -> memref<16x2048xf32, #tpu.memory_space<vmem>>
      tpu.wait_dma2 semaphore(%run_scoped3A_594 : memref<!tpu.dma_semaphore, #tpu.memory_space<semaphore_mem>>) src(%dma_wait3A_618 : memref<16x2048xf32, #tpu.memory_space<vmem>>) dst(%dma_wait3A_614 : memref<16x2048xf32, #tpu.memory_space<hbm>>)
      tpu.yield
    }) : () -> ()
    %dma_start3A_471 = arith.constant 18 : i32
    %dma_start3A_472 = arith.constant 0 : i32
    %dma_start3A_473 = arith.constant 0 : i32
    %dma_start3A_474 = arith.constant 0 : i32
    %dma_start3A_475 = tpu.memref_slice %arg6[%dma_start3A_472, %dma_start3A_473, %dma_start3A_474] : memref<2x16x2048xf32, #tpu.memory_space<vmem>> -> memref<1x16x2048xf32, #tpu.memory_space<vmem>>
    %dma_start3A_476 = tpu.memref_squeeze %dma_start3A_475 : memref<1x16x2048xf32, #tpu.memory_space<vmem>> -> memref<16x2048xf32, #tpu.memory_space<vmem>>
    %dma_start3A_477 = arith.constant 0 : i32
    %dma_start3A_478 = tpu.memref_slice %arg5[%dma_start3A_471, %dma_start3A_477] : memref<22x16xi32, #tpu.memory_space<vmem>> -> memref<1x16xi32, #tpu.memory_space<vmem>>
    %dma_start3A_479 = tpu.memref_squeeze %dma_start3A_478 : memref<1x16xi32, #tpu.memory_space<vmem>> -> memref<16xi32, #tpu.memory_space<vmem>>
    %dma_start3A_480 = arith.constant 0 : i32
    %dma_start3A_481 = arith.constant 0 : i32
    %dma_start3A_482 = tpu.memref_slice %arg2[%dma_start3A_480, %dma_start3A_481] : memref<20000x2048xf32, #tpu.memory_space<hbm>> -> memref<20000x2048xf32, #tpu.memory_space<hbm>>
    tpu.enqueue_indirect_dma source(%dma_start3A_482 : memref<20000x2048xf32, #tpu.memory_space<hbm>>) target(%dma_start3A_476 : memref<16x2048xf32, #tpu.memory_space<vmem>>) offsets(%dma_start3A_479 : memref<16xi32, #tpu.memory_space<vmem>>) semaphore(%arg7 : memref<!tpu.dma_semaphore, #tpu.memory_space<semaphore_mem>>)
    %dma_wait3A_483 = arith.constant 17 : i32
    %dma_wait3A_484 = arith.constant 1 : i32
    %dma_wait3A_485 = arith.constant 0 : i32
    %dma_wait3A_486 = arith.constant 0 : i32
    %dma_wait3A_487 = tpu.memref_slice %arg6[%dma_wait3A_484, %dma_wait3A_485, %dma_wait3A_486] : memref<2x16x2048xf32, #tpu.memory_space<vmem>> -> memref<1x16x2048xf32, #tpu.memory_space<vmem>>
    %dma_wait3A_488 = tpu.memref_squeeze %dma_wait3A_487 : memref<1x16x2048xf32, #tpu.memory_space<vmem>> -> memref<16x2048xf32, #tpu.memory_space<vmem>>
    %dma_wait3A_489 = arith.constant 0 : i32
    %dma_wait3A_490 = tpu.memref_slice %arg5[%dma_wait3A_483, %dma_wait3A_489] : memref<22x16xi32, #tpu.memory_space<vmem>> -> memref<1x16xi32, #tpu.memory_space<vmem>>
    %dma_wait3A_491 = tpu.memref_squeeze %dma_wait3A_490 : memref<1x16xi32, #tpu.memory_space<vmem>> -> memref<16xi32, #tpu.memory_space<vmem>>
    %dma_wait3A_492 = arith.constant 0 : i32
    %dma_wait3A_493 = arith.constant 0 : i32
    %dma_wait3A_494 = tpu.memref_slice %arg2[%dma_wait3A_492, %dma_wait3A_493] : memref<20000x2048xf32, #tpu.memory_space<hbm>> -> memref<20000x2048xf32, #tpu.memory_space<hbm>>
    tpu.wait_indirect_dma semaphore(%arg8 : memref<!tpu.dma_semaphore, #tpu.memory_space<semaphore_mem>>) src(%dma_wait3A_494 : memref<20000x2048xf32, #tpu.memory_space<hbm>>) dst(%dma_wait3A_488 : memref<16x2048xf32, #tpu.memory_space<vmem>>)
    %add3A_495 = arith.constant 272 : i32
    %add3A_496 = arith.addi %mul3A_2, %add3A_495 : i32
    %run_scoped3A_497 = arith.constant 1 : i32
    "tpu.region"() ({
      %run_scoped3A_594 = tpu.sem_alloc : memref<!tpu.dma_semaphore, #tpu.memory_space<semaphore_mem>>
      %dma_start3A_595 = arith.constant 0 : i32
      %dma_start3A_596 = arith.constant 0 : i32
      %dma_start3A_597 = tpu.memref_slice %arg6[%run_scoped3A_497, %dma_start3A_595, %dma_start3A_596] : memref<2x16x2048xf32, #tpu.memory_space<vmem>> -> memref<1x16x2048xf32, #tpu.memory_space<vmem>>
      %dma_start3A_598 = tpu.memref_squeeze %dma_start3A_597 : memref<1x16x2048xf32, #tpu.memory_space<vmem>> -> memref<16x2048xf32, #tpu.memory_space<vmem>>
      %dma_start3A_599 = arith.constant 0 : i32
      %dma_start3A_600 = tpu.memref_slice %arg4[%add3A_496, %dma_start3A_599] : memref<11264x2048xf32, #tpu.memory_space<hbm>> -> memref<16x2048xf32, #tpu.memory_space<hbm>>
      %dma_start3A_601 = arith.constant 0 : i32
      %dma_start3A_602 = tpu.memref_slice %arg4[%add3A_496, %dma_start3A_601] : memref<11264x2048xf32, #tpu.memory_space<hbm>> -> memref<16x2048xf32, #tpu.memory_space<hbm>>
      %dma_start3A_603 = arith.constant 0 : i32
      %dma_start3A_604 = arith.constant 0 : i32
      %dma_start3A_605 = tpu.memref_slice %arg6[%run_scoped3A_497, %dma_start3A_603, %dma_start3A_604] : memref<2x16x2048xf32, #tpu.memory_space<vmem>> -> memref<1x16x2048xf32, #tpu.memory_space<vmem>>
      %dma_start3A_606 = tpu.memref_squeeze %dma_start3A_605 : memref<1x16x2048xf32, #tpu.memory_space<vmem>> -> memref<16x2048xf32, #tpu.memory_space<vmem>>
      tpu.enqueue_dma source(%dma_start3A_606 : memref<16x2048xf32, #tpu.memory_space<vmem>>) target(%dma_start3A_602 : memref<16x2048xf32, #tpu.memory_space<hbm>>) target_semaphore(%run_scoped3A_594 : memref<!tpu.dma_semaphore, #tpu.memory_space<semaphore_mem>>)
      %dma_wait3A_607 = arith.constant 0 : i32
      %dma_wait3A_608 = arith.constant 0 : i32
      %dma_wait3A_609 = tpu.memref_slice %arg6[%run_scoped3A_497, %dma_wait3A_607, %dma_wait3A_608] : memref<2x16x2048xf32, #tpu.memory_space<vmem>> -> memref<1x16x2048xf32, #tpu.memory_space<vmem>>
      %dma_wait3A_610 = tpu.memref_squeeze %dma_wait3A_609 : memref<1x16x2048xf32, #tpu.memory_space<vmem>> -> memref<16x2048xf32, #tpu.memory_space<vmem>>
      %dma_wait3A_611 = arith.constant 0 : i32
      %dma_wait3A_612 = tpu.memref_slice %arg4[%add3A_496, %dma_wait3A_611] : memref<11264x2048xf32, #tpu.memory_space<hbm>> -> memref<16x2048xf32, #tpu.memory_space<hbm>>
      %dma_wait3A_613 = arith.constant 0 : i32
      %dma_wait3A_614 = tpu.memref_slice %arg4[%add3A_496, %dma_wait3A_613] : memref<11264x2048xf32, #tpu.memory_space<hbm>> -> memref<16x2048xf32, #tpu.memory_space<hbm>>
      %dma_wait3A_615 = arith.constant 0 : i32
      %dma_wait3A_616 = arith.constant 0 : i32
      %dma_wait3A_617 = tpu.memref_slice %arg6[%run_scoped3A_497, %dma_wait3A_615, %dma_wait3A_616] : memref<2x16x2048xf32, #tpu.memory_space<vmem>> -> memref<1x16x2048xf32, #tpu.memory_space<vmem>>
      %dma_wait3A_618 = tpu.memref_squeeze %dma_wait3A_617 : memref<1x16x2048xf32, #tpu.memory_space<vmem>> -> memref<16x2048xf32, #tpu.memory_space<vmem>>
      tpu.wait_dma2 semaphore(%run_scoped3A_594 : memref<!tpu.dma_semaphore, #tpu.memory_space<semaphore_mem>>) src(%dma_wait3A_618 : memref<16x2048xf32, #tpu.memory_space<vmem>>) dst(%dma_wait3A_614 : memref<16x2048xf32, #tpu.memory_space<hbm>>)
      tpu.yield
    }) : () -> ()
    %dma_start3A_498 = arith.constant 19 : i32
    %dma_start3A_499 = arith.constant 1 : i32
    %dma_start3A_500 = arith.constant 0 : i32
    %dma_start3A_501 = arith.constant 0 : i32
    %dma_start3A_502 = tpu.memref_slice %arg6[%dma_start3A_499, %dma_start3A_500, %dma_start3A_501] : memref<2x16x2048xf32, #tpu.memory_space<vmem>> -> memref<1x16x2048xf32, #tpu.memory_space<vmem>>
    %dma_start3A_503 = tpu.memref_squeeze %dma_start3A_502 : memref<1x16x2048xf32, #tpu.memory_space<vmem>> -> memref<16x2048xf32, #tpu.memory_space<vmem>>
    %dma_start3A_504 = arith.constant 0 : i32
    %dma_start3A_505 = tpu.memref_slice %arg5[%dma_start3A_498, %dma_start3A_504] : memref<22x16xi32, #tpu.memory_space<vmem>> -> memref<1x16xi32, #tpu.memory_space<vmem>>
    %dma_start3A_506 = tpu.memref_squeeze %dma_start3A_505 : memref<1x16xi32, #tpu.memory_space<vmem>> -> memref<16xi32, #tpu.memory_space<vmem>>
    %dma_start3A_507 = arith.constant 0 : i32
    %dma_start3A_508 = arith.constant 0 : i32
    %dma_start3A_509 = tpu.memref_slice %arg2[%dma_start3A_507, %dma_start3A_508] : memref<20000x2048xf32, #tpu.memory_space<hbm>> -> memref<20000x2048xf32, #tpu.memory_space<hbm>>
    tpu.enqueue_indirect_dma source(%dma_start3A_509 : memref<20000x2048xf32, #tpu.memory_space<hbm>>) target(%dma_start3A_503 : memref<16x2048xf32, #tpu.memory_space<vmem>>) offsets(%dma_start3A_506 : memref<16xi32, #tpu.memory_space<vmem>>) semaphore(%arg8 : memref<!tpu.dma_semaphore, #tpu.memory_space<semaphore_mem>>)
    %dma_wait3A_510 = arith.constant 18 : i32
    %dma_wait3A_511 = arith.constant 0 : i32
    %dma_wait3A_512 = arith.constant 0 : i32
    %dma_wait3A_513 = arith.constant 0 : i32
    %dma_wait3A_514 = tpu.memref_slice %arg6[%dma_wait3A_511, %dma_wait3A_512, %dma_wait3A_513] : memref<2x16x2048xf32, #tpu.memory_space<vmem>> -> memref<1x16x2048xf32, #tpu.memory_space<vmem>>
    %dma_wait3A_515 = tpu.memref_squeeze %dma_wait3A_514 : memref<1x16x2048xf32, #tpu.memory_space<vmem>> -> memref<16x2048xf32, #tpu.memory_space<vmem>>
    %dma_wait3A_516 = arith.constant 0 : i32
    %dma_wait3A_517 = tpu.memref_slice %arg5[%dma_wait3A_510, %dma_wait3A_516] : memref<22x16xi32, #tpu.memory_space<vmem>> -> memref<1x16xi32, #tpu.memory_space<vmem>>
    %dma_wait3A_518 = tpu.memref_squeeze %dma_wait3A_517 : memref<1x16xi32, #tpu.memory_space<vmem>> -> memref<16xi32, #tpu.memory_space<vmem>>
    %dma_wait3A_519 = arith.constant 0 : i32
    %dma_wait3A_520 = arith.constant 0 : i32
    %dma_wait3A_521 = tpu.memref_slice %arg2[%dma_wait3A_519, %dma_wait3A_520] : memref<20000x2048xf32, #tpu.memory_space<hbm>> -> memref<20000x2048xf32, #tpu.memory_space<hbm>>
    tpu.wait_indirect_dma semaphore(%arg7 : memref<!tpu.dma_semaphore, #tpu.memory_space<semaphore_mem>>) src(%dma_wait3A_521 : memref<20000x2048xf32, #tpu.memory_space<hbm>>) dst(%dma_wait3A_515 : memref<16x2048xf32, #tpu.memory_space<vmem>>)
    %add3A_522 = arith.constant 288 : i32
    %add3A_523 = arith.addi %mul3A_2, %add3A_522 : i32
    %run_scoped3A_524 = arith.constant 0 : i32
    "tpu.region"() ({
      %run_scoped3A_594 = tpu.sem_alloc : memref<!tpu.dma_semaphore, #tpu.memory_space<semaphore_mem>>
      %dma_start3A_595 = arith.constant 0 : i32
      %dma_start3A_596 = arith.constant 0 : i32
      %dma_start3A_597 = tpu.memref_slice %arg6[%run_scoped3A_524, %dma_start3A_595, %dma_start3A_596] : memref<2x16x2048xf32, #tpu.memory_space<vmem>> -> memref<1x16x2048xf32, #tpu.memory_space<vmem>>
      %dma_start3A_598 = tpu.memref_squeeze %dma_start3A_597 : memref<1x16x2048xf32, #tpu.memory_space<vmem>> -> memref<16x2048xf32, #tpu.memory_space<vmem>>
      %dma_start3A_599 = arith.constant 0 : i32
      %dma_start3A_600 = tpu.memref_slice %arg4[%add3A_523, %dma_start3A_599] : memref<11264x2048xf32, #tpu.memory_space<hbm>> -> memref<16x2048xf32, #tpu.memory_space<hbm>>
      %dma_start3A_601 = arith.constant 0 : i32
      %dma_start3A_602 = tpu.memref_slice %arg4[%add3A_523, %dma_start3A_601] : memref<11264x2048xf32, #tpu.memory_space<hbm>> -> memref<16x2048xf32, #tpu.memory_space<hbm>>
      %dma_start3A_603 = arith.constant 0 : i32
      %dma_start3A_604 = arith.constant 0 : i32
      %dma_start3A_605 = tpu.memref_slice %arg6[%run_scoped3A_524, %dma_start3A_603, %dma_start3A_604] : memref<2x16x2048xf32, #tpu.memory_space<vmem>> -> memref<1x16x2048xf32, #tpu.memory_space<vmem>>
      %dma_start3A_606 = tpu.memref_squeeze %dma_start3A_605 : memref<1x16x2048xf32, #tpu.memory_space<vmem>> -> memref<16x2048xf32, #tpu.memory_space<vmem>>
      tpu.enqueue_dma source(%dma_start3A_606 : memref<16x2048xf32, #tpu.memory_space<vmem>>) target(%dma_start3A_602 : memref<16x2048xf32, #tpu.memory_space<hbm>>) target_semaphore(%run_scoped3A_594 : memref<!tpu.dma_semaphore, #tpu.memory_space<semaphore_mem>>)
      %dma_wait3A_607 = arith.constant 0 : i32
      %dma_wait3A_608 = arith.constant 0 : i32
      %dma_wait3A_609 = tpu.memref_slice %arg6[%run_scoped3A_524, %dma_wait3A_607, %dma_wait3A_608] : memref<2x16x2048xf32, #tpu.memory_space<vmem>> -> memref<1x16x2048xf32, #tpu.memory_space<vmem>>
      %dma_wait3A_610 = tpu.memref_squeeze %dma_wait3A_609 : memref<1x16x2048xf32, #tpu.memory_space<vmem>> -> memref<16x2048xf32, #tpu.memory_space<vmem>>
      %dma_wait3A_611 = arith.constant 0 : i32
      %dma_wait3A_612 = tpu.memref_slice %arg4[%add3A_523, %dma_wait3A_611] : memref<11264x2048xf32, #tpu.memory_space<hbm>> -> memref<16x2048xf32, #tpu.memory_space<hbm>>
      %dma_wait3A_613 = arith.constant 0 : i32
      %dma_wait3A_614 = tpu.memref_slice %arg4[%add3A_523, %dma_wait3A_613] : memref<11264x2048xf32, #tpu.memory_space<hbm>> -> memref<16x2048xf32, #tpu.memory_space<hbm>>
      %dma_wait3A_615 = arith.constant 0 : i32
      %dma_wait3A_616 = arith.constant 0 : i32
      %dma_wait3A_617 = tpu.memref_slice %arg6[%run_scoped3A_524, %dma_wait3A_615, %dma_wait3A_616] : memref<2x16x2048xf32, #tpu.memory_space<vmem>> -> memref<1x16x2048xf32, #tpu.memory_space<vmem>>
      %dma_wait3A_618 = tpu.memref_squeeze %dma_wait3A_617 : memref<1x16x2048xf32, #tpu.memory_space<vmem>> -> memref<16x2048xf32, #tpu.memory_space<vmem>>
      tpu.wait_dma2 semaphore(%run_scoped3A_594 : memref<!tpu.dma_semaphore, #tpu.memory_space<semaphore_mem>>) src(%dma_wait3A_618 : memref<16x2048xf32, #tpu.memory_space<vmem>>) dst(%dma_wait3A_614 : memref<16x2048xf32, #tpu.memory_space<hbm>>)
      tpu.yield
    }) : () -> ()
    %dma_start3A_525 = arith.constant 20 : i32
    %dma_start3A_526 = arith.constant 0 : i32
    %dma_start3A_527 = arith.constant 0 : i32
    %dma_start3A_528 = arith.constant 0 : i32
    %dma_start3A_529 = tpu.memref_slice %arg6[%dma_start3A_526, %dma_start3A_527, %dma_start3A_528] : memref<2x16x2048xf32, #tpu.memory_space<vmem>> -> memref<1x16x2048xf32, #tpu.memory_space<vmem>>
    %dma_start3A_530 = tpu.memref_squeeze %dma_start3A_529 : memref<1x16x2048xf32, #tpu.memory_space<vmem>> -> memref<16x2048xf32, #tpu.memory_space<vmem>>
    %dma_start3A_531 = arith.constant 0 : i32
    %dma_start3A_532 = tpu.memref_slice %arg5[%dma_start3A_525, %dma_start3A_531] : memref<22x16xi32, #tpu.memory_space<vmem>> -> memref<1x16xi32, #tpu.memory_space<vmem>>
    %dma_start3A_533 = tpu.memref_squeeze %dma_start3A_532 : memref<1x16xi32, #tpu.memory_space<vmem>> -> memref<16xi32, #tpu.memory_space<vmem>>
    %dma_start3A_534 = arith.constant 0 : i32
    %dma_start3A_535 = arith.constant 0 : i32
    %dma_start3A_536 = tpu.memref_slice %arg2[%dma_start3A_534, %dma_start3A_535] : memref<20000x2048xf32, #tpu.memory_space<hbm>> -> memref<20000x2048xf32, #tpu.memory_space<hbm>>
    tpu.enqueue_indirect_dma source(%dma_start3A_536 : memref<20000x2048xf32, #tpu.memory_space<hbm>>) target(%dma_start3A_530 : memref<16x2048xf32, #tpu.memory_space<vmem>>) offsets(%dma_start3A_533 : memref<16xi32, #tpu.memory_space<vmem>>) semaphore(%arg7 : memref<!tpu.dma_semaphore, #tpu.memory_space<semaphore_mem>>)
    %dma_wait3A_537 = arith.constant 19 : i32
    %dma_wait3A_538 = arith.constant 1 : i32
    %dma_wait3A_539 = arith.constant 0 : i32
    %dma_wait3A_540 = arith.constant 0 : i32
    %dma_wait3A_541 = tpu.memref_slice %arg6[%dma_wait3A_538, %dma_wait3A_539, %dma_wait3A_540] : memref<2x16x2048xf32, #tpu.memory_space<vmem>> -> memref<1x16x2048xf32, #tpu.memory_space<vmem>>
    %dma_wait3A_542 = tpu.memref_squeeze %dma_wait3A_541 : memref<1x16x2048xf32, #tpu.memory_space<vmem>> -> memref<16x2048xf32, #tpu.memory_space<vmem>>
    %dma_wait3A_543 = arith.constant 0 : i32
    %dma_wait3A_544 = tpu.memref_slice %arg5[%dma_wait3A_537, %dma_wait3A_543] : memref<22x16xi32, #tpu.memory_space<vmem>> -> memref<1x16xi32, #tpu.memory_space<vmem>>
    %dma_wait3A_545 = tpu.memref_squeeze %dma_wait3A_544 : memref<1x16xi32, #tpu.memory_space<vmem>> -> memref<16xi32, #tpu.memory_space<vmem>>
    %dma_wait3A_546 = arith.constant 0 : i32
    %dma_wait3A_547 = arith.constant 0 : i32
    %dma_wait3A_548 = tpu.memref_slice %arg2[%dma_wait3A_546, %dma_wait3A_547] : memref<20000x2048xf32, #tpu.memory_space<hbm>> -> memref<20000x2048xf32, #tpu.memory_space<hbm>>
    tpu.wait_indirect_dma semaphore(%arg8 : memref<!tpu.dma_semaphore, #tpu.memory_space<semaphore_mem>>) src(%dma_wait3A_548 : memref<20000x2048xf32, #tpu.memory_space<hbm>>) dst(%dma_wait3A_542 : memref<16x2048xf32, #tpu.memory_space<vmem>>)
    %add3A_549 = arith.constant 304 : i32
    %add3A_550 = arith.addi %mul3A_2, %add3A_549 : i32
    %run_scoped3A_551 = arith.constant 1 : i32
    "tpu.region"() ({
      %run_scoped3A_594 = tpu.sem_alloc : memref<!tpu.dma_semaphore, #tpu.memory_space<semaphore_mem>>
      %dma_start3A_595 = arith.constant 0 : i32
      %dma_start3A_596 = arith.constant 0 : i32
      %dma_start3A_597 = tpu.memref_slice %arg6[%run_scoped3A_551, %dma_start3A_595, %dma_start3A_596] : memref<2x16x2048xf32, #tpu.memory_space<vmem>> -> memref<1x16x2048xf32, #tpu.memory_space<vmem>>
      %dma_start3A_598 = tpu.memref_squeeze %dma_start3A_597 : memref<1x16x2048xf32, #tpu.memory_space<vmem>> -> memref<16x2048xf32, #tpu.memory_space<vmem>>
      %dma_start3A_599 = arith.constant 0 : i32
      %dma_start3A_600 = tpu.memref_slice %arg4[%add3A_550, %dma_start3A_599] : memref<11264x2048xf32, #tpu.memory_space<hbm>> -> memref<16x2048xf32, #tpu.memory_space<hbm>>
      %dma_start3A_601 = arith.constant 0 : i32
      %dma_start3A_602 = tpu.memref_slice %arg4[%add3A_550, %dma_start3A_601] : memref<11264x2048xf32, #tpu.memory_space<hbm>> -> memref<16x2048xf32, #tpu.memory_space<hbm>>
      %dma_start3A_603 = arith.constant 0 : i32
      %dma_start3A_604 = arith.constant 0 : i32
      %dma_start3A_605 = tpu.memref_slice %arg6[%run_scoped3A_551, %dma_start3A_603, %dma_start3A_604] : memref<2x16x2048xf32, #tpu.memory_space<vmem>> -> memref<1x16x2048xf32, #tpu.memory_space<vmem>>
      %dma_start3A_606 = tpu.memref_squeeze %dma_start3A_605 : memref<1x16x2048xf32, #tpu.memory_space<vmem>> -> memref<16x2048xf32, #tpu.memory_space<vmem>>
      tpu.enqueue_dma source(%dma_start3A_606 : memref<16x2048xf32, #tpu.memory_space<vmem>>) target(%dma_start3A_602 : memref<16x2048xf32, #tpu.memory_space<hbm>>) target_semaphore(%run_scoped3A_594 : memref<!tpu.dma_semaphore, #tpu.memory_space<semaphore_mem>>)
      %dma_wait3A_607 = arith.constant 0 : i32
      %dma_wait3A_608 = arith.constant 0 : i32
      %dma_wait3A_609 = tpu.memref_slice %arg6[%run_scoped3A_551, %dma_wait3A_607, %dma_wait3A_608] : memref<2x16x2048xf32, #tpu.memory_space<vmem>> -> memref<1x16x2048xf32, #tpu.memory_space<vmem>>
      %dma_wait3A_610 = tpu.memref_squeeze %dma_wait3A_609 : memref<1x16x2048xf32, #tpu.memory_space<vmem>> -> memref<16x2048xf32, #tpu.memory_space<vmem>>
      %dma_wait3A_611 = arith.constant 0 : i32
      %dma_wait3A_612 = tpu.memref_slice %arg4[%add3A_550, %dma_wait3A_611] : memref<11264x2048xf32, #tpu.memory_space<hbm>> -> memref<16x2048xf32, #tpu.memory_space<hbm>>
      %dma_wait3A_613 = arith.constant 0 : i32
      %dma_wait3A_614 = tpu.memref_slice %arg4[%add3A_550, %dma_wait3A_613] : memref<11264x2048xf32, #tpu.memory_space<hbm>> -> memref<16x2048xf32, #tpu.memory_space<hbm>>
      %dma_wait3A_615 = arith.constant 0 : i32
      %dma_wait3A_616 = arith.constant 0 : i32
      %dma_wait3A_617 = tpu.memref_slice %arg6[%run_scoped3A_551, %dma_wait3A_615, %dma_wait3A_616] : memref<2x16x2048xf32, #tpu.memory_space<vmem>> -> memref<1x16x2048xf32, #tpu.memory_space<vmem>>
      %dma_wait3A_618 = tpu.memref_squeeze %dma_wait3A_617 : memref<1x16x2048xf32, #tpu.memory_space<vmem>> -> memref<16x2048xf32, #tpu.memory_space<vmem>>
      tpu.wait_dma2 semaphore(%run_scoped3A_594 : memref<!tpu.dma_semaphore, #tpu.memory_space<semaphore_mem>>) src(%dma_wait3A_618 : memref<16x2048xf32, #tpu.memory_space<vmem>>) dst(%dma_wait3A_614 : memref<16x2048xf32, #tpu.memory_space<hbm>>)
      tpu.yield
    }) : () -> ()
    %dma_start3A_552 = arith.constant 21 : i32
    %dma_start3A_553 = arith.constant 1 : i32
    %dma_start3A_554 = arith.constant 0 : i32
    %dma_start3A_555 = arith.constant 0 : i32
    %dma_start3A_556 = tpu.memref_slice %arg6[%dma_start3A_553, %dma_start3A_554, %dma_start3A_555] : memref<2x16x2048xf32, #tpu.memory_space<vmem>> -> memref<1x16x2048xf32, #tpu.memory_space<vmem>>
    %dma_start3A_557 = tpu.memref_squeeze %dma_start3A_556 : memref<1x16x2048xf32, #tpu.memory_space<vmem>> -> memref<16x2048xf32, #tpu.memory_space<vmem>>
    %dma_start3A_558 = arith.constant 0 : i32
    %dma_start3A_559 = tpu.memref_slice %arg5[%dma_start3A_552, %dma_start3A_558] : memref<22x16xi32, #tpu.memory_space<vmem>> -> memref<1x16xi32, #tpu.memory_space<vmem>>
    %dma_start3A_560 = tpu.memref_squeeze %dma_start3A_559 : memref<1x16xi32, #tpu.memory_space<vmem>> -> memref<16xi32, #tpu.memory_space<vmem>>
    %dma_start3A_561 = arith.constant 0 : i32
    %dma_start3A_562 = arith.constant 0 : i32
    %dma_start3A_563 = tpu.memref_slice %arg2[%dma_start3A_561, %dma_start3A_562] : memref<20000x2048xf32, #tpu.memory_space<hbm>> -> memref<20000x2048xf32, #tpu.memory_space<hbm>>
    tpu.enqueue_indirect_dma source(%dma_start3A_563 : memref<20000x2048xf32, #tpu.memory_space<hbm>>) target(%dma_start3A_557 : memref<16x2048xf32, #tpu.memory_space<vmem>>) offsets(%dma_start3A_560 : memref<16xi32, #tpu.memory_space<vmem>>) semaphore(%arg8 : memref<!tpu.dma_semaphore, #tpu.memory_space<semaphore_mem>>)
    %dma_wait3A_564 = arith.constant 20 : i32
    %dma_wait3A_565 = arith.constant 0 : i32
    %dma_wait3A_566 = arith.constant 0 : i32
    %dma_wait3A_567 = arith.constant 0 : i32
    %dma_wait3A_568 = tpu.memref_slice %arg6[%dma_wait3A_565, %dma_wait3A_566, %dma_wait3A_567] : memref<2x16x2048xf32, #tpu.memory_space<vmem>> -> memref<1x16x2048xf32, #tpu.memory_space<vmem>>
    %dma_wait3A_569 = tpu.memref_squeeze %dma_wait3A_568 : memref<1x16x2048xf32, #tpu.memory_space<vmem>> -> memref<16x2048xf32, #tpu.memory_space<vmem>>
    %dma_wait3A_570 = arith.constant 0 : i32
    %dma_wait3A_571 = tpu.memref_slice %arg5[%dma_wait3A_564, %dma_wait3A_570] : memref<22x16xi32, #tpu.memory_space<vmem>> -> memref<1x16xi32, #tpu.memory_space<vmem>>
    %dma_wait3A_572 = tpu.memref_squeeze %dma_wait3A_571 : memref<1x16xi32, #tpu.memory_space<vmem>> -> memref<16xi32, #tpu.memory_space<vmem>>
    %dma_wait3A_573 = arith.constant 0 : i32
    %dma_wait3A_574 = arith.constant 0 : i32
    %dma_wait3A_575 = tpu.memref_slice %arg2[%dma_wait3A_573, %dma_wait3A_574] : memref<20000x2048xf32, #tpu.memory_space<hbm>> -> memref<20000x2048xf32, #tpu.memory_space<hbm>>
    tpu.wait_indirect_dma semaphore(%arg7 : memref<!tpu.dma_semaphore, #tpu.memory_space<semaphore_mem>>) src(%dma_wait3A_575 : memref<20000x2048xf32, #tpu.memory_space<hbm>>) dst(%dma_wait3A_569 : memref<16x2048xf32, #tpu.memory_space<vmem>>)
    %add3A_576 = arith.constant 320 : i32
    %add3A_577 = arith.addi %mul3A_2, %add3A_576 : i32
    %run_scoped3A_578 = arith.constant 0 : i32
    "tpu.region"() ({
      %run_scoped3A_594 = tpu.sem_alloc : memref<!tpu.dma_semaphore, #tpu.memory_space<semaphore_mem>>
      %dma_start3A_595 = arith.constant 0 : i32
      %dma_start3A_596 = arith.constant 0 : i32
      %dma_start3A_597 = tpu.memref_slice %arg6[%run_scoped3A_578, %dma_start3A_595, %dma_start3A_596] : memref<2x16x2048xf32, #tpu.memory_space<vmem>> -> memref<1x16x2048xf32, #tpu.memory_space<vmem>>
      %dma_start3A_598 = tpu.memref_squeeze %dma_start3A_597 : memref<1x16x2048xf32, #tpu.memory_space<vmem>> -> memref<16x2048xf32, #tpu.memory_space<vmem>>
      %dma_start3A_599 = arith.constant 0 : i32
      %dma_start3A_600 = tpu.memref_slice %arg4[%add3A_577, %dma_start3A_599] : memref<11264x2048xf32, #tpu.memory_space<hbm>> -> memref<16x2048xf32, #tpu.memory_space<hbm>>
      %dma_start3A_601 = arith.constant 0 : i32
      %dma_start3A_602 = tpu.memref_slice %arg4[%add3A_577, %dma_start3A_601] : memref<11264x2048xf32, #tpu.memory_space<hbm>> -> memref<16x2048xf32, #tpu.memory_space<hbm>>
      %dma_start3A_603 = arith.constant 0 : i32
      %dma_start3A_604 = arith.constant 0 : i32
      %dma_start3A_605 = tpu.memref_slice %arg6[%run_scoped3A_578, %dma_start3A_603, %dma_start3A_604] : memref<2x16x2048xf32, #tpu.memory_space<vmem>> -> memref<1x16x2048xf32, #tpu.memory_space<vmem>>
      %dma_start3A_606 = tpu.memref_squeeze %dma_start3A_605 : memref<1x16x2048xf32, #tpu.memory_space<vmem>> -> memref<16x2048xf32, #tpu.memory_space<vmem>>
      tpu.enqueue_dma source(%dma_start3A_606 : memref<16x2048xf32, #tpu.memory_space<vmem>>) target(%dma_start3A_602 : memref<16x2048xf32, #tpu.memory_space<hbm>>) target_semaphore(%run_scoped3A_594 : memref<!tpu.dma_semaphore, #tpu.memory_space<semaphore_mem>>)
      %dma_wait3A_607 = arith.constant 0 : i32
      %dma_wait3A_608 = arith.constant 0 : i32
      %dma_wait3A_609 = tpu.memref_slice %arg6[%run_scoped3A_578, %dma_wait3A_607, %dma_wait3A_608] : memref<2x16x2048xf32, #tpu.memory_space<vmem>> -> memref<1x16x2048xf32, #tpu.memory_space<vmem>>
      %dma_wait3A_610 = tpu.memref_squeeze %dma_wait3A_609 : memref<1x16x2048xf32, #tpu.memory_space<vmem>> -> memref<16x2048xf32, #tpu.memory_space<vmem>>
      %dma_wait3A_611 = arith.constant 0 : i32
      %dma_wait3A_612 = tpu.memref_slice %arg4[%add3A_577, %dma_wait3A_611] : memref<11264x2048xf32, #tpu.memory_space<hbm>> -> memref<16x2048xf32, #tpu.memory_space<hbm>>
      %dma_wait3A_613 = arith.constant 0 : i32
      %dma_wait3A_614 = tpu.memref_slice %arg4[%add3A_577, %dma_wait3A_613] : memref<11264x2048xf32, #tpu.memory_space<hbm>> -> memref<16x2048xf32, #tpu.memory_space<hbm>>
      %dma_wait3A_615 = arith.constant 0 : i32
      %dma_wait3A_616 = arith.constant 0 : i32
      %dma_wait3A_617 = tpu.memref_slice %arg6[%run_scoped3A_578, %dma_wait3A_615, %dma_wait3A_616] : memref<2x16x2048xf32, #tpu.memory_space<vmem>> -> memref<1x16x2048xf32, #tpu.memory_space<vmem>>
      %dma_wait3A_618 = tpu.memref_squeeze %dma_wait3A_617 : memref<1x16x2048xf32, #tpu.memory_space<vmem>> -> memref<16x2048xf32, #tpu.memory_space<vmem>>
      tpu.wait_dma2 semaphore(%run_scoped3A_594 : memref<!tpu.dma_semaphore, #tpu.memory_space<semaphore_mem>>) src(%dma_wait3A_618 : memref<16x2048xf32, #tpu.memory_space<vmem>>) dst(%dma_wait3A_614 : memref<16x2048xf32, #tpu.memory_space<hbm>>)
      tpu.yield
    }) : () -> ()
    %dma_wait3A_579 = arith.constant 21 : i32
    %dma_wait3A_580 = arith.constant 1 : i32
    %dma_wait3A_581 = arith.constant 0 : i32
    %dma_wait3A_582 = arith.constant 0 : i32
    %dma_wait3A_583 = tpu.memref_slice %arg6[%dma_wait3A_580, %dma_wait3A_581, %dma_wait3A_582] : memref<2x16x2048xf32, #tpu.memory_space<vmem>> -> memref<1x16x2048xf32, #tpu.memory_space<vmem>>
    %dma_wait3A_584 = tpu.memref_squeeze %dma_wait3A_583 : memref<1x16x2048xf32, #tpu.memory_space<vmem>> -> memref<16x2048xf32, #tpu.memory_space<vmem>>
    %dma_wait3A_585 = arith.constant 0 : i32
    %dma_wait3A_586 = tpu.memref_slice %arg5[%dma_wait3A_579, %dma_wait3A_585] : memref<22x16xi32, #tpu.memory_space<vmem>> -> memref<1x16xi32, #tpu.memory_space<vmem>>
    %dma_wait3A_587 = tpu.memref_squeeze %dma_wait3A_586 : memref<1x16xi32, #tpu.memory_space<vmem>> -> memref<16xi32, #tpu.memory_space<vmem>>
    %dma_wait3A_588 = arith.constant 0 : i32
    %dma_wait3A_589 = arith.constant 0 : i32
    %dma_wait3A_590 = tpu.memref_slice %arg2[%dma_wait3A_588, %dma_wait3A_589] : memref<20000x2048xf32, #tpu.memory_space<hbm>> -> memref<20000x2048xf32, #tpu.memory_space<hbm>>
    tpu.wait_indirect_dma semaphore(%arg8 : memref<!tpu.dma_semaphore, #tpu.memory_space<semaphore_mem>>) src(%dma_wait3A_590 : memref<20000x2048xf32, #tpu.memory_space<hbm>>) dst(%dma_wait3A_584 : memref<16x2048xf32, #tpu.memory_space<vmem>>)
    %add3A_591 = arith.constant 336 : i32
    %add3A_592 = arith.addi %mul3A_2, %add3A_591 : i32
    %run_scoped3A_593 = arith.constant 1 : i32
    "tpu.region"() ({
      %run_scoped3A_594 = tpu.sem_alloc : memref<!tpu.dma_semaphore, #tpu.memory_space<semaphore_mem>>
      %dma_start3A_595 = arith.constant 0 : i32
      %dma_start3A_596 = arith.constant 0 : i32
      %dma_start3A_597 = tpu.memref_slice %arg6[%run_scoped3A_593, %dma_start3A_595, %dma_start3A_596] : memref<2x16x2048xf32, #tpu.memory_space<vmem>> -> memref<1x16x2048xf32, #tpu.memory_space<vmem>>
      %dma_start3A_598 = tpu.memref_squeeze %dma_start3A_597 : memref<1x16x2048xf32, #tpu.memory_space<vmem>> -> memref<16x2048xf32, #tpu.memory_space<vmem>>
      %dma_start3A_599 = arith.constant 0 : i32
      %dma_start3A_600 = tpu.memref_slice %arg4[%add3A_592, %dma_start3A_599] : memref<11264x2048xf32, #tpu.memory_space<hbm>> -> memref<16x2048xf32, #tpu.memory_space<hbm>>
      %dma_start3A_601 = arith.constant 0 : i32
      %dma_start3A_602 = tpu.memref_slice %arg4[%add3A_592, %dma_start3A_601] : memref<11264x2048xf32, #tpu.memory_space<hbm>> -> memref<16x2048xf32, #tpu.memory_space<hbm>>
      %dma_start3A_603 = arith.constant 0 : i32
      %dma_start3A_604 = arith.constant 0 : i32
      %dma_start3A_605 = tpu.memref_slice %arg6[%run_scoped3A_593, %dma_start3A_603, %dma_start3A_604] : memref<2x16x2048xf32, #tpu.memory_space<vmem>> -> memref<1x16x2048xf32, #tpu.memory_space<vmem>>
      %dma_start3A_606 = tpu.memref_squeeze %dma_start3A_605 : memref<1x16x2048xf32, #tpu.memory_space<vmem>> -> memref<16x2048xf32, #tpu.memory_space<vmem>>
      tpu.enqueue_dma source(%dma_start3A_606 : memref<16x2048xf32, #tpu.memory_space<vmem>>) target(%dma_start3A_602 : memref<16x2048xf32, #tpu.memory_space<hbm>>) target_semaphore(%run_scoped3A_594 : memref<!tpu.dma_semaphore, #tpu.memory_space<semaphore_mem>>)
      %dma_wait3A_607 = arith.constant 0 : i32
      %dma_wait3A_608 = arith.constant 0 : i32
      %dma_wait3A_609 = tpu.memref_slice %arg6[%run_scoped3A_593, %dma_wait3A_607, %dma_wait3A_608] : memref<2x16x2048xf32, #tpu.memory_space<vmem>> -> memref<1x16x2048xf32, #tpu.memory_space<vmem>>
      %dma_wait3A_610 = tpu.memref_squeeze %dma_wait3A_609 : memref<1x16x2048xf32, #tpu.memory_space<vmem>> -> memref<16x2048xf32, #tpu.memory_space<vmem>>
      %dma_wait3A_611 = arith.constant 0 : i32
      %dma_wait3A_612 = tpu.memref_slice %arg4[%add3A_592, %dma_wait3A_611] : memref<11264x2048xf32, #tpu.memory_space<hbm>> -> memref<16x2048xf32, #tpu.memory_space<hbm>>
      %dma_wait3A_613 = arith.constant 0 : i32
      %dma_wait3A_614 = tpu.memref_slice %arg4[%add3A_592, %dma_wait3A_613] : memref<11264x2048xf32, #tpu.memory_space<hbm>> -> memref<16x2048xf32, #tpu.memory_space<hbm>>
      %dma_wait3A_615 = arith.constant 0 : i32
      %dma_wait3A_616 = arith.constant 0 : i32
      %dma_wait3A_617 = tpu.memref_slice %arg6[%run_scoped3A_593, %dma_wait3A_615, %dma_wait3A_616] : memref<2x16x2048xf32, #tpu.memory_space<vmem>> -> memref<1x16x2048xf32, #tpu.memory_space<vmem>>
      %dma_wait3A_618 = tpu.memref_squeeze %dma_wait3A_617 : memref<1x16x2048xf32, #tpu.memory_space<vmem>> -> memref<16x2048xf32, #tpu.memory_space<vmem>>
      tpu.wait_dma2 semaphore(%run_scoped3A_594 : memref<!tpu.dma_semaphore, #tpu.memory_space<semaphore_mem>>) src(%dma_wait3A_618 : memref<16x2048xf32, #tpu.memory_space<vmem>>) dst(%dma_wait3A_614 : memref<16x2048xf32, #tpu.memory_space<hbm>>)
      tpu.yield
    }) : () -> ()
    return
  }
}

module attributes {stable_mosaic.version = 14 : i64} {
  func.func @_tc_body(%arg0: i32, %arg1: memref<512x2048xf32, #tpu.memory_space<vmem>>, %arg2: memref<2048x512xbf16, #tpu.memory_space<vmem>>, %arg3: memref<2048x512xbf16, #tpu.memory_space<vmem>>, %arg4: memref<512x512xbf16, #tpu.memory_space<vmem>>, %arg5: memref<1x512xf32, #tpu.memory_space<vmem>>, %arg6: memref<1x512xf32, #tpu.memory_space<vmem>>, %arg7: memref<1x512xf32, #tpu.memory_space<vmem>>, %arg8: memref<1x512xf32, #tpu.memory_space<vmem>>, %arg9: memref<512x1xf32, #tpu.memory_space<vmem>>, %arg10: memref<1x1xf32, #tpu.memory_space<smem>>, %arg11: memref<1x1xf32, #tpu.memory_space<smem>>) attributes {dimension_semantics = [#tpu.dimension_semantics<arbitrary>], iteration_bounds = array<i64: 10>, scalar_prefetch = 0 : i64, scratch_operands = 0 : i64, tpu.core_type = #tpu.core_type<tc>, window_params = [{transform_indices = @transform_0, window_bounds = array<i64: 512, 2048>}, {pipeline_mode = #tpu.pipeline_mode<synchronous>, transform_indices = @transform_1, window_bounds = array<i64: 2048, 512>}, {pipeline_mode = #tpu.pipeline_mode<synchronous>, transform_indices = @transform_2, window_bounds = array<i64: 2048, 512>}, {pipeline_mode = #tpu.pipeline_mode<synchronous>, transform_indices = @transform_3, window_bounds = array<i64: 512, 512>}, {pipeline_mode = #tpu.pipeline_mode<synchronous>, transform_indices = @transform_4, window_bounds = array<i64: 1, 512>}, {pipeline_mode = #tpu.pipeline_mode<synchronous>, transform_indices = @transform_5, window_bounds = array<i64: 1, 512>}, {pipeline_mode = #tpu.pipeline_mode<synchronous>, transform_indices = @transform_6, window_bounds = array<i64: 1, 512>}, {pipeline_mode = #tpu.pipeline_mode<synchronous>, transform_indices = @transform_7, window_bounds = array<i64: 1, 512>}, {transform_indices = @transform_8, window_bounds = array<i64: 512, 1>}, {transform_indices = @transform_9, window_bounds = array<i64: 1, 1>}, {transform_indices = @transform_10, window_bounds = array<i64: 1, 1>}]} {
    %get3A = arith.constant 0 : index
    %get3A_0 = arith.constant 0 : index
    %get3A_1 = vector.load %arg1[%get3A, %get3A_0] : memref<512x2048xf32, #tpu.memory_space<vmem>>, vector<512x2048xf32>
    %convert_element_type3A = arith.truncf %get3A_1 : vector<512x2048xf32> to vector<512x2048xbf16>
    %dot_general3A = arith.constant dense<0.000000e+00> : vector<512x512xf32>
    %dot_general3A_2 = tpu.matmul %convert_element_type3A, %convert_element_type3A, %dot_general3A {dimension_numbers = #tpu.dot_dimension_numbers<[1], [1], [0], [0], [0, 0, 1, 0], [], []>, transpose_lhs_hint = false} : vector<512x2048xbf16>, vector<512x2048xbf16>, vector<512x512xf32> -> vector<512x512xf32>
    %iota3A = tpu.iota {dimensions = array<i32: 0>} : vector<512x512xi32>
    %iota3A_3 = tpu.iota {dimensions = array<i32: 1>} : vector<512x512xi32>
    %jit3A = arith.constant 64 : i32
    %div3A = vector.broadcast %jit3A : i32 to vector<512x512xi32>
    %div3A_4 = arith.divsi %iota3A, %div3A : vector<512x512xi32>
    %sign3A = arith.constant 0 : i32
    %sign3A_5 = vector.broadcast %sign3A : i32 to vector<512x512xi32>
    %sign3A_6 = arith.cmpi sgt, %iota3A, %sign3A_5 : vector<512x512xi32>
    %sign3A_7 = arith.extui %sign3A_6 : vector<512x512xi1> to vector<512x512xi32>
    %sign3A_8 = arith.constant 0 : i32
    %sign3A_9 = vector.broadcast %sign3A_8 : i32 to vector<512x512xi32>
    %sign3A_10 = arith.cmpi slt, %iota3A, %sign3A_9 : vector<512x512xi32>
    %sign3A_11 = arith.extui %sign3A_10 : vector<512x512xi1> to vector<512x512xi32>
    %sign3A_12 = arith.subi %sign3A_7, %sign3A_11 : vector<512x512xi32>
    %sign3A_13 = arith.constant 0 : i32
    %sign3A_14 = arith.cmpi sgt, %jit3A, %sign3A_13 : i32
    %sign3A_15 = arith.extui %sign3A_14 : i1 to i32
    %sign3A_16 = arith.constant 0 : i32
    %sign3A_17 = arith.cmpi slt, %jit3A, %sign3A_16 : i32
    %sign3A_18 = arith.extui %sign3A_17 : i1 to i32
    %sign3A_19 = arith.subi %sign3A_15, %sign3A_18 : i32
    %ne3A = vector.broadcast %sign3A_19 : i32 to vector<512x512xi32>
    %ne3A_20 = arith.cmpi ne, %sign3A_12, %ne3A : vector<512x512xi32>
    %rem3A = vector.broadcast %jit3A : i32 to vector<512x512xi32>
    %rem3A_21 = arith.remsi %iota3A, %rem3A : vector<512x512xi32>
    %ne3A_22 = arith.constant 0 : i32
    %ne3A_23 = vector.broadcast %ne3A_22 : i32 to vector<512x512xi32>
    %ne3A_24 = arith.cmpi ne, %rem3A_21, %ne3A_23 : vector<512x512xi32>
    %and3A = arith.andi %ne3A_20, %ne3A_24 : vector<512x512xi1>
    %sub3A = arith.constant 1 : i32
    %sub3A_25 = vector.broadcast %sub3A : i32 to vector<512x512xi32>
    %sub3A_26 = arith.subi %div3A_4, %sub3A_25 : vector<512x512xi32>
    %select_n3A = arith.select %and3A, %sub3A_26, %div3A_4 : vector<512x512xi1>, vector<512x512xi32>
    %jit3A_27 = arith.constant 64 : i32
    %div3A_28 = vector.broadcast %jit3A_27 : i32 to vector<512x512xi32>
    %div3A_29 = arith.divsi %iota3A_3, %div3A_28 : vector<512x512xi32>
    %sign3A_30 = arith.constant 0 : i32
    %sign3A_31 = vector.broadcast %sign3A_30 : i32 to vector<512x512xi32>
    %sign3A_32 = arith.cmpi sgt, %iota3A_3, %sign3A_31 : vector<512x512xi32>
    %sign3A_33 = arith.extui %sign3A_32 : vector<512x512xi1> to vector<512x512xi32>
    %sign3A_34 = arith.constant 0 : i32
    %sign3A_35 = vector.broadcast %sign3A_34 : i32 to vector<512x512xi32>
    %sign3A_36 = arith.cmpi slt, %iota3A_3, %sign3A_35 : vector<512x512xi32>
    %sign3A_37 = arith.extui %sign3A_36 : vector<512x512xi1> to vector<512x512xi32>
    %sign3A_38 = arith.subi %sign3A_33, %sign3A_37 : vector<512x512xi32>
    %sign3A_39 = arith.constant 0 : i32
    %sign3A_40 = arith.cmpi sgt, %jit3A_27, %sign3A_39 : i32
    %sign3A_41 = arith.extui %sign3A_40 : i1 to i32
    %sign3A_42 = arith.constant 0 : i32
    %sign3A_43 = arith.cmpi slt, %jit3A_27, %sign3A_42 : i32
    %sign3A_44 = arith.extui %sign3A_43 : i1 to i32
    %sign3A_45 = arith.subi %sign3A_41, %sign3A_44 : i32
    %ne3A_46 = vector.broadcast %sign3A_45 : i32 to vector<512x512xi32>
    %ne3A_47 = arith.cmpi ne, %sign3A_38, %ne3A_46 : vector<512x512xi32>
    %rem3A_48 = vector.broadcast %jit3A_27 : i32 to vector<512x512xi32>
    %rem3A_49 = arith.remsi %iota3A_3, %rem3A_48 : vector<512x512xi32>
    %ne3A_50 = arith.constant 0 : i32
    %ne3A_51 = vector.broadcast %ne3A_50 : i32 to vector<512x512xi32>
    %ne3A_52 = arith.cmpi ne, %rem3A_49, %ne3A_51 : vector<512x512xi32>
    %and3A_53 = arith.andi %ne3A_47, %ne3A_52 : vector<512x512xi1>
    %sub3A_54 = arith.constant 1 : i32
    %sub3A_55 = vector.broadcast %sub3A_54 : i32 to vector<512x512xi32>
    %sub3A_56 = arith.subi %div3A_29, %sub3A_55 : vector<512x512xi32>
    %select_n3A_57 = arith.select %and3A_53, %sub3A_56, %div3A_29 : vector<512x512xi1>, vector<512x512xi32>
    %eq3A = arith.cmpi eq, %select_n3A, %select_n3A_57 : vector<512x512xi32>
    %exp3A = math.exp %dot_general3A_2 : vector<512x512xf32>
    %jit3A_58 = arith.constant 0.000000e+00 : f32
    %broadcast_in_dim3A = vector.broadcast %jit3A_58 : f32 to vector<512x512xf32>
    %select_n3A_59 = arith.select %eq3A, %exp3A, %broadcast_in_dim3A : vector<512x512xi1>, vector<512x512xf32>
    %reduce_sum3A = arith.constant dense<0.000000e+00> : vector<512xf32>
    %reduce_sum3A_60 = vector.multi_reduction <add>, %select_n3A_59, %reduce_sum3A [1] : vector<512x512xf32> to vector<512xf32>
    %broadcast_in_dim3A_61 = vector.shape_cast %reduce_sum3A_60 : vector<512xf32> to vector<512x1xf32>
    %div3A_62 = arith.constant 1.000000e+00 : f32
    %div3A_63 = vector.broadcast %div3A_62 : f32 to vector<512x1xf32>
    %div3A_64 = arith.divf %div3A_63, %broadcast_in_dim3A_61 : vector<512x1xf32>
    %mul3A = arith.constant 64 : i32
    %mul3A_65 = vector.broadcast %mul3A : i32 to vector<512x512xi32>
    %mul3A_66 = arith.muli %select_n3A, %mul3A_65 : vector<512x512xi32>
    %eq3A_67 = arith.cmpi eq, %iota3A_3, %mul3A_66 : vector<512x512xi32>
    %convert_element_type3A_68 = arith.extui %eq3A_67 : vector<512x512xi1> to vector<512x512xi32>
    %convert_element_type3A_69 = arith.sitofp %convert_element_type3A_68 : vector<512x512xi32> to vector<512x512xf32>
    %mul3A_70 = vector.broadcast %div3A_64 : vector<512x1xf32> to vector<512x512xf32>
    %mul3A_71 = arith.mulf %select_n3A_59, %mul3A_70 : vector<512x512xf32>
    %sub3A_72 = arith.subf %mul3A_71, %convert_element_type3A_69 : vector<512x512xf32>
    %convert_element_type3A_73 = arith.truncf %sub3A_72 : vector<512x512xf32> to vector<512x512xbf16>
    %get3A_74 = arith.constant 0 : index
    %get3A_75 = arith.constant 0 : index
    %get3A_76 = vector.load %arg2[%get3A_74, %get3A_75] : memref<2048x512xbf16, #tpu.memory_space<vmem>>, vector<2048x512xbf16>
    %dot_general3A_77 = arith.constant dense<0.000000e+00> : vector<512x512xf32>
    %dot_general3A_78 = tpu.matmul %convert_element_type3A, %get3A_76, %dot_general3A_77 {dimension_numbers = #tpu.dot_dimension_numbers<[1], [0], [0], [1], [0, 0, 1, 1], [], []>, transpose_lhs_hint = false} : vector<512x2048xbf16>, vector<2048x512xbf16>, vector<512x512xf32> -> vector<512x512xf32>
    %get3A_79 = arith.constant 0 : index
    %get3A_80 = arith.constant 0 : index
    %get3A_81 = vector.load %arg3[%get3A_79, %get3A_80] : memref<2048x512xbf16, #tpu.memory_space<vmem>>, vector<2048x512xbf16>
    %dot_general3A_82 = arith.constant dense<0.000000e+00> : vector<512x512xf32>
    %dot_general3A_83 = tpu.matmul %convert_element_type3A, %get3A_81, %dot_general3A_82 {dimension_numbers = #tpu.dot_dimension_numbers<[1], [0], [0], [1], [0, 0, 1, 1], [], []>, transpose_lhs_hint = false} : vector<512x2048xbf16>, vector<2048x512xbf16>, vector<512x512xf32> -> vector<512x512xf32>
    %convert_element_type3A_84 = arith.truncf %dot_general3A_83 : vector<512x512xf32> to vector<512x512xbf16>
    %dot_general3A_85 = arith.constant dense<0.000000e+00> : vector<512x512xf32>
    %dot_general3A_86 = tpu.matmul %convert_element_type3A_73, %convert_element_type3A_84, %dot_general3A_85 {dimension_numbers = #tpu.dot_dimension_numbers<[1], [0], [0], [1], [0, 0, 1, 1], [], []>, transpose_lhs_hint = false} : vector<512x512xbf16>, vector<512x512xbf16>, vector<512x512xf32> -> vector<512x512xf32>
    %slice3A = vector.extract_strided_slice %dot_general3A_78 {offsets = [0, 0], sizes = [1, 512], strides = [1, 1]} : vector<512x512xf32> to vector<1x512xf32>
    %broadcast_in_dim3A_87 = vector.shape_cast %slice3A : vector<1x512xf32> to vector<1x512xf32>
    %broadcast_in_dim3A_88 = vector.broadcast %broadcast_in_dim3A_87 : vector<1x512xf32> to vector<64x512xf32>
    %slice3A_89 = vector.extract_strided_slice %dot_general3A_78 {offsets = [64, 0], sizes = [1, 512], strides = [1, 1]} : vector<512x512xf32> to vector<1x512xf32>
    %broadcast_in_dim3A_90 = vector.shape_cast %slice3A_89 : vector<1x512xf32> to vector<1x512xf32>
    %broadcast_in_dim3A_91 = vector.broadcast %broadcast_in_dim3A_90 : vector<1x512xf32> to vector<64x512xf32>
    %slice3A_92 = vector.extract_strided_slice %dot_general3A_78 {offsets = [128, 0], sizes = [1, 512], strides = [1, 1]} : vector<512x512xf32> to vector<1x512xf32>
    %broadcast_in_dim3A_93 = vector.shape_cast %slice3A_92 : vector<1x512xf32> to vector<1x512xf32>
    %broadcast_in_dim3A_94 = vector.broadcast %broadcast_in_dim3A_93 : vector<1x512xf32> to vector<64x512xf32>
    %slice3A_95 = vector.extract_strided_slice %dot_general3A_78 {offsets = [192, 0], sizes = [1, 512], strides = [1, 1]} : vector<512x512xf32> to vector<1x512xf32>
    %broadcast_in_dim3A_96 = vector.shape_cast %slice3A_95 : vector<1x512xf32> to vector<1x512xf32>
    %broadcast_in_dim3A_97 = vector.broadcast %broadcast_in_dim3A_96 : vector<1x512xf32> to vector<64x512xf32>
    %slice3A_98 = vector.extract_strided_slice %dot_general3A_78 {offsets = [256, 0], sizes = [1, 512], strides = [1, 1]} : vector<512x512xf32> to vector<1x512xf32>
    %broadcast_in_dim3A_99 = vector.shape_cast %slice3A_98 : vector<1x512xf32> to vector<1x512xf32>
    %broadcast_in_dim3A_100 = vector.broadcast %broadcast_in_dim3A_99 : vector<1x512xf32> to vector<64x512xf32>
    %slice3A_101 = vector.extract_strided_slice %dot_general3A_78 {offsets = [320, 0], sizes = [1, 512], strides = [1, 1]} : vector<512x512xf32> to vector<1x512xf32>
    %broadcast_in_dim3A_102 = vector.shape_cast %slice3A_101 : vector<1x512xf32> to vector<1x512xf32>
    %broadcast_in_dim3A_103 = vector.broadcast %broadcast_in_dim3A_102 : vector<1x512xf32> to vector<64x512xf32>
    %slice3A_104 = vector.extract_strided_slice %dot_general3A_78 {offsets = [384, 0], sizes = [1, 512], strides = [1, 1]} : vector<512x512xf32> to vector<1x512xf32>
    %broadcast_in_dim3A_105 = vector.shape_cast %slice3A_104 : vector<1x512xf32> to vector<1x512xf32>
    %broadcast_in_dim3A_106 = vector.broadcast %broadcast_in_dim3A_105 : vector<1x512xf32> to vector<64x512xf32>
    %slice3A_107 = vector.extract_strided_slice %dot_general3A_78 {offsets = [448, 0], sizes = [1, 512], strides = [1, 1]} : vector<512x512xf32> to vector<1x512xf32>
    %broadcast_in_dim3A_108 = vector.shape_cast %slice3A_107 : vector<1x512xf32> to vector<1x512xf32>
    %broadcast_in_dim3A_109 = vector.broadcast %broadcast_in_dim3A_108 : vector<1x512xf32> to vector<64x512xf32>
    %concatenate3A = tpu.concatenate %broadcast_in_dim3A_88, %broadcast_in_dim3A_91, %broadcast_in_dim3A_94, %broadcast_in_dim3A_97, %broadcast_in_dim3A_100, %broadcast_in_dim3A_103, %broadcast_in_dim3A_106, %broadcast_in_dim3A_109 in 0 : vector<64x512xf32>, vector<64x512xf32>, vector<64x512xf32>, vector<64x512xf32>, vector<64x512xf32>, vector<64x512xf32>, vector<64x512xf32>, vector<64x512xf32> -> vector<512x512xf32>
    %sub3A_110 = arith.subf %dot_general3A_78, %concatenate3A : vector<512x512xf32>
    %add3A = arith.addf %sub3A_110, %dot_general3A_86 : vector<512x512xf32>
    %get3A_111 = arith.constant 0 : index
    %get3A_112 = arith.constant 0 : index
    %get3A_113 = vector.load %arg5[%get3A_111, %get3A_112] : memref<1x512xf32, #tpu.memory_space<vmem>>, vector<1x512xf32>
    %add3A_114 = vector.broadcast %get3A_113 : vector<1x512xf32> to vector<512x512xf32>
    %add3A_115 = arith.addf %add3A, %add3A_114 : vector<512x512xf32>
    %max3A = arith.constant 0.000000e+00 : f32
    %max3A_116 = vector.broadcast %max3A : f32 to vector<512x512xf32>
    %max3A_117 = arith.maximumf %add3A_115, %max3A_116 : vector<512x512xf32>
    %convert_element_type3A_118 = arith.truncf %max3A_117 : vector<512x512xf32> to vector<512x512xbf16>
    %get3A_119 = arith.constant 0 : index
    %get3A_120 = arith.constant 0 : index
    %get3A_121 = vector.load %arg4[%get3A_119, %get3A_120] : memref<512x512xbf16, #tpu.memory_space<vmem>>, vector<512x512xbf16>
    %dot_general3A_122 = arith.constant dense<0.000000e+00> : vector<512x512xf32>
    %dot_general3A_123 = tpu.matmul %convert_element_type3A_118, %get3A_121, %dot_general3A_122 {dimension_numbers = #tpu.dot_dimension_numbers<[1], [0], [0], [1], [0, 0, 1, 1], [], []>, transpose_lhs_hint = false} : vector<512x512xbf16>, vector<512x512xbf16>, vector<512x512xf32> -> vector<512x512xf32>
    %get3A_124 = arith.constant 0 : index
    %get3A_125 = arith.constant 0 : index
    %get3A_126 = vector.load %arg6[%get3A_124, %get3A_125] : memref<1x512xf32, #tpu.memory_space<vmem>>, vector<1x512xf32>
    %add3A_127 = vector.broadcast %get3A_126 : vector<1x512xf32> to vector<512x512xf32>
    %add3A_128 = arith.addf %dot_general3A_123, %add3A_127 : vector<512x512xf32>
    %max3A_129 = arith.constant 0.000000e+00 : f32
    %max3A_130 = vector.broadcast %max3A_129 : f32 to vector<512x512xf32>
    %max3A_131 = arith.maximumf %add3A_128, %max3A_130 : vector<512x512xf32>
    %get3A_132 = arith.constant 0 : index
    %get3A_133 = arith.constant 0 : index
    %get3A_134 = vector.load %arg7[%get3A_132, %get3A_133] : memref<1x512xf32, #tpu.memory_space<vmem>>, vector<1x512xf32>
    %min3A = arith.constant 0.000000e+00 : f32
    %min3A_135 = vector.broadcast %min3A : f32 to vector<512x512xf32>
    %min3A_136 = arith.minimumf %add3A_128, %min3A_135 : vector<512x512xf32>
    %mul3A_137 = vector.broadcast %get3A_134 : vector<1x512xf32> to vector<512x512xf32>
    %mul3A_138 = arith.mulf %mul3A_137, %min3A_136 : vector<512x512xf32>
    %add3A_139 = arith.addf %max3A_131, %mul3A_138 : vector<512x512xf32>
    %get3A_140 = arith.constant 0 : index
    %get3A_141 = arith.constant 0 : index
    %get3A_142 = vector.load %arg8[%get3A_140, %get3A_141] : memref<1x512xf32, #tpu.memory_space<vmem>>, vector<1x512xf32>
    %mul3A_143 = vector.broadcast %get3A_142 : vector<1x512xf32> to vector<512x512xf32>
    %mul3A_144 = arith.mulf %add3A_139, %mul3A_143 : vector<512x512xf32>
    %reduce_sum3A_145 = arith.constant dense<0.000000e+00> : vector<512xf32>
    %reduce_sum3A_146 = vector.multi_reduction <add>, %mul3A_144, %reduce_sum3A_145 [1] : vector<512x512xf32> to vector<512xf32>
    %broadcast_in_dim3A_147 = vector.shape_cast %reduce_sum3A_146 : vector<512xf32> to vector<512x1xf32>
    %get3A_148 = arith.constant 0 : index
    %get3A_149 = arith.constant 0 : index
    %get3A_150 = memref.load %arg10[%get3A_148, %get3A_149] : memref<1x1xf32, #tpu.memory_space<smem>>
    %add3A_151 = vector.broadcast %get3A_150 : f32 to vector<512x1xf32>
    %add3A_152 = arith.addf %broadcast_in_dim3A_147, %add3A_151 : vector<512x1xf32>
    %get3A_153 = arith.constant 0 : index
    %get3A_154 = arith.constant 0 : index
    %get3A_155 = vector.load %arg9[%get3A_153, %get3A_154] : memref<512x1xf32, #tpu.memory_space<vmem>>, vector<512x1xf32>
    %mul3A_156 = arith.mulf %get3A_155, %add3A_152 : vector<512x1xf32>
    %max3A_157 = arith.constant 0.000000e+00 : f32
    %max3A_158 = vector.broadcast %max3A_157 : f32 to vector<512x1xf32>
    %max3A_159 = arith.maximumf %mul3A_156, %max3A_158 : vector<512x1xf32>
    %abs3A = math.absf %mul3A_156 : vector<512x1xf32>
    %neg3A = arith.constant 0.000000e+00 : f32
    %neg3A_160 = vector.broadcast %neg3A : f32 to vector<512x1xf32>
    %neg3A_161 = arith.subf %neg3A_160, %abs3A : vector<512x1xf32>
    %exp3A_162 = math.exp %neg3A_161 : vector<512x1xf32>
    %add3A_163 = arith.constant 1.000000e+00 : f32
    %add3A_164 = vector.broadcast %add3A_163 : f32 to vector<512x1xf32>
    %add3A_165 = arith.addf %add3A_164, %exp3A_162 : vector<512x1xf32>
    %log3A = math.log %add3A_165 : vector<512x1xf32>
    %add3A_166 = arith.addf %max3A_159, %log3A : vector<512x1xf32>
    %reduce_sum3A_167 = vector.shape_cast %add3A_166 : vector<512x1xf32> to vector<1x512x1xf32>
    %reduce_sum3A_168 = arith.constant dense<0.000000e+00> : vector<1xf32>
    %reduce_sum3A_169 = vector.multi_reduction <add>, %reduce_sum3A_167, %reduce_sum3A_168 [1, 2] : vector<1x512x1xf32> to vector<1xf32>
    %reduce_sum3A_170 = vector.shape_cast %reduce_sum3A_169 : vector<1xf32> to vector<1x1x1xf32>
    %reduce_sum3A_171 = vector.extract %reduce_sum3A_170[0, 0, 0] : f32 from vector<1x1x1xf32>
    %eq3A_172 = arith.constant 0 : i32
    %eq3A_173 = arith.cmpi eq, %arg0, %eq3A_172 : i32
    %convert_element_type3A_174 = arith.extui %eq3A_173 : i1 to i32
    %cond3A = arith.constant 0 : i32
    %cond3A_175 = arith.cmpi ne, %convert_element_type3A_174, %cond3A : i32
    scf.if %cond3A_175 {
      %swap3A = arith.constant 0 : index
      %swap3A_181 = arith.constant 0 : index
      %swap3A_182 = memref.load %arg11[%swap3A, %swap3A_181] : memref<1x1xf32, #tpu.memory_space<smem>>
      memref.store %reduce_sum3A_171, %arg11[%swap3A, %swap3A_181] : memref<1x1xf32, #tpu.memory_space<smem>>
    } else {
    }
    %ne3A_176 = arith.constant 0 : i32
    %ne3A_177 = arith.cmpi ne, %arg0, %ne3A_176 : i32
    %convert_element_type3A_178 = arith.extui %ne3A_177 : i1 to i32
    %cond3A_179 = arith.constant 0 : i32
    %cond3A_180 = arith.cmpi ne, %convert_element_type3A_178, %cond3A_179 : i32
    scf.if %cond3A_180 {
      %get3A_181 = arith.constant 0 : index
      %get3A_182 = arith.constant 0 : index
      %get3A_183 = memref.load %arg11[%get3A_181, %get3A_182] : memref<1x1xf32, #tpu.memory_space<smem>>
      %add3A_184 = arith.addf %get3A_183, %reduce_sum3A_171 : f32
      %swap3A = arith.constant 0 : index
      %swap3A_185 = arith.constant 0 : index
      %swap3A_186 = memref.load %arg11[%swap3A, %swap3A_185] : memref<1x1xf32, #tpu.memory_space<smem>>
      memref.store %add3A_184, %arg11[%swap3A, %swap3A_185] : memref<1x1xf32, #tpu.memory_space<smem>>
    } else {
    }
    return
  }
  func.func @transform_0(%arg0: i32) -> (i32, i32) {
    %c0_i32 = arith.constant 0 : i32
    %c0_i32_0 = arith.constant 0 : i32
    return %arg0, %c0_i32 : i32, i32
  }
  func.func @transform_1(%arg0: i32) -> (i32, i32) {
    %c0_i32 = arith.constant 0 : i32
    %c0_i32_0 = arith.constant 0 : i32
    %c0_i32_1 = arith.constant 0 : i32
    return %c0_i32, %c0_i32_0 : i32, i32
  }
  func.func @transform_2(%arg0: i32) -> (i32, i32) {
    %c0_i32 = arith.constant 0 : i32
    %c0_i32_0 = arith.constant 0 : i32
    %c0_i32_1 = arith.constant 0 : i32
    return %c0_i32, %c0_i32_0 : i32, i32
  }
  func.func @transform_3(%arg0: i32) -> (i32, i32) {
    %c0_i32 = arith.constant 0 : i32
    %c0_i32_0 = arith.constant 0 : i32
    %c0_i32_1 = arith.constant 0 : i32
    return %c0_i32, %c0_i32_0 : i32, i32
  }
  func.func @transform_4(%arg0: i32) -> (i32, i32) {
    %c0_i32 = arith.constant 0 : i32
    %c0_i32_0 = arith.constant 0 : i32
    %c0_i32_1 = arith.constant 0 : i32
    return %c0_i32, %c0_i32_0 : i32, i32
  }
  func.func @transform_5(%arg0: i32) -> (i32, i32) {
    %c0_i32 = arith.constant 0 : i32
    %c0_i32_0 = arith.constant 0 : i32
    %c0_i32_1 = arith.constant 0 : i32
    return %c0_i32, %c0_i32_0 : i32, i32
  }
  func.func @transform_6(%arg0: i32) -> (i32, i32) {
    %c0_i32 = arith.constant 0 : i32
    %c0_i32_0 = arith.constant 0 : i32
    %c0_i32_1 = arith.constant 0 : i32
    return %c0_i32, %c0_i32_0 : i32, i32
  }
  func.func @transform_7(%arg0: i32) -> (i32, i32) {
    %c0_i32 = arith.constant 0 : i32
    %c0_i32_0 = arith.constant 0 : i32
    %c0_i32_1 = arith.constant 0 : i32
    return %c0_i32, %c0_i32_0 : i32, i32
  }
  func.func @transform_8(%arg0: i32) -> (i32, i32) {
    %c0_i32 = arith.constant 0 : i32
    %c0_i32_0 = arith.constant 0 : i32
    return %arg0, %c0_i32 : i32, i32
  }
  func.func @transform_9(%arg0: i32) -> (i32, i32) {
    %c0_i32 = arith.constant 0 : i32
    %c0_i32_0 = arith.constant 0 : i32
    %c0_i32_1 = arith.constant 0 : i32
    return %c0_i32, %c0_i32_0 : i32, i32
  }
  func.func @transform_10(%arg0: i32) -> (i32, i32) {
    %c0_i32 = arith.constant 0 : i32
    %c0_i32_0 = arith.constant 0 : i32
    %c0_i32_1 = arith.constant 0 : i32
    return %c0_i32, %c0_i32_0 : i32, i32
  }
}

module attributes {stable_mosaic.version = 14 : i64} {
  func.func @_tc_body(%arg0: i32, %arg1: memref<512x2048xf32, #tpu.memory_space<vmem>>, %arg2: memref<2048x512xbf16, #tpu.memory_space<vmem>>, %arg3: memref<2048x512xbf16, #tpu.memory_space<vmem>>, %arg4: memref<512x512xbf16, #tpu.memory_space<vmem>>, %arg5: memref<1x512xf32, #tpu.memory_space<vmem>>, %arg6: memref<1x512xf32, #tpu.memory_space<vmem>>, %arg7: memref<1x512xf32, #tpu.memory_space<vmem>>, %arg8: memref<1x512xf32, #tpu.memory_space<vmem>>, %arg9: memref<512x1xf32, #tpu.memory_space<vmem>>, %arg10: memref<1x1xf32, #tpu.memory_space<smem>>, %arg11: memref<1x1xf32, #tpu.memory_space<smem>>) attributes {dimension_semantics = [#tpu.dimension_semantics<arbitrary>], iteration_bounds = array<i64: 22>, scalar_prefetch = 0 : i64, scratch_operands = 0 : i64, tpu.core_type = #tpu.core_type<tc>, window_params = [{transform_indices = @transform_0, window_bounds = array<i64: 512, 2048>}, {pipeline_mode = #tpu.pipeline_mode<synchronous>, transform_indices = @transform_1, window_bounds = array<i64: 2048, 512>}, {pipeline_mode = #tpu.pipeline_mode<synchronous>, transform_indices = @transform_2, window_bounds = array<i64: 2048, 512>}, {pipeline_mode = #tpu.pipeline_mode<synchronous>, transform_indices = @transform_3, window_bounds = array<i64: 512, 512>}, {pipeline_mode = #tpu.pipeline_mode<synchronous>, transform_indices = @transform_4, window_bounds = array<i64: 1, 512>}, {pipeline_mode = #tpu.pipeline_mode<synchronous>, transform_indices = @transform_5, window_bounds = array<i64: 1, 512>}, {pipeline_mode = #tpu.pipeline_mode<synchronous>, transform_indices = @transform_6, window_bounds = array<i64: 1, 512>}, {pipeline_mode = #tpu.pipeline_mode<synchronous>, transform_indices = @transform_7, window_bounds = array<i64: 1, 512>}, {transform_indices = @transform_8, window_bounds = array<i64: 512, 1>}, {transform_indices = @transform_9, window_bounds = array<i64: 1, 1>}, {transform_indices = @transform_10, window_bounds = array<i64: 1, 1>}]} {
    %get3A = arith.constant 0 : index
    %get3A_0 = arith.constant 0 : index
    %get3A_1 = vector.load %arg1[%get3A, %get3A_0] : memref<512x2048xf32, #tpu.memory_space<vmem>>, vector<512x2048xf32>
    %convert_element_type3A = arith.truncf %get3A_1 : vector<512x2048xf32> to vector<512x2048xbf16>
    %dot_general3A = arith.constant dense<0.000000e+00> : vector<512x512xf32>
    %dot_general3A_2 = tpu.matmul %convert_element_type3A, %convert_element_type3A, %dot_general3A {dimension_numbers = #tpu.dot_dimension_numbers<[1], [1], [0], [0], [0, 0, 1, 0], [], []>, transpose_lhs_hint = false} : vector<512x2048xbf16>, vector<512x2048xbf16>, vector<512x512xf32> -> vector<512x512xf32>
    %iota3A = tpu.iota {dimensions = array<i32: 0>} : vector<512x512xi32>
    %iota3A_3 = tpu.iota {dimensions = array<i32: 1>} : vector<512x512xi32>
    %jit3A = arith.constant 64 : i32
    %div3A = vector.broadcast %jit3A : i32 to vector<512x512xi32>
    %div3A_4 = arith.divsi %iota3A, %div3A : vector<512x512xi32>
    %sign3A = arith.constant 0 : i32
    %sign3A_5 = vector.broadcast %sign3A : i32 to vector<512x512xi32>
    %sign3A_6 = arith.cmpi sgt, %iota3A, %sign3A_5 : vector<512x512xi32>
    %sign3A_7 = arith.extui %sign3A_6 : vector<512x512xi1> to vector<512x512xi32>
    %sign3A_8 = arith.constant 0 : i32
    %sign3A_9 = vector.broadcast %sign3A_8 : i32 to vector<512x512xi32>
    %sign3A_10 = arith.cmpi slt, %iota3A, %sign3A_9 : vector<512x512xi32>
    %sign3A_11 = arith.extui %sign3A_10 : vector<512x512xi1> to vector<512x512xi32>
    %sign3A_12 = arith.subi %sign3A_7, %sign3A_11 : vector<512x512xi32>
    %sign3A_13 = arith.constant 0 : i32
    %sign3A_14 = arith.cmpi sgt, %jit3A, %sign3A_13 : i32
    %sign3A_15 = arith.extui %sign3A_14 : i1 to i32
    %sign3A_16 = arith.constant 0 : i32
    %sign3A_17 = arith.cmpi slt, %jit3A, %sign3A_16 : i32
    %sign3A_18 = arith.extui %sign3A_17 : i1 to i32
    %sign3A_19 = arith.subi %sign3A_15, %sign3A_18 : i32
    %ne3A = vector.broadcast %sign3A_19 : i32 to vector<512x512xi32>
    %ne3A_20 = arith.cmpi ne, %sign3A_12, %ne3A : vector<512x512xi32>
    %rem3A = vector.broadcast %jit3A : i32 to vector<512x512xi32>
    %rem3A_21 = arith.remsi %iota3A, %rem3A : vector<512x512xi32>
    %ne3A_22 = arith.constant 0 : i32
    %ne3A_23 = vector.broadcast %ne3A_22 : i32 to vector<512x512xi32>
    %ne3A_24 = arith.cmpi ne, %rem3A_21, %ne3A_23 : vector<512x512xi32>
    %and3A = arith.andi %ne3A_20, %ne3A_24 : vector<512x512xi1>
    %sub3A = arith.constant 1 : i32
    %sub3A_25 = vector.broadcast %sub3A : i32 to vector<512x512xi32>
    %sub3A_26 = arith.subi %div3A_4, %sub3A_25 : vector<512x512xi32>
    %select_n3A = arith.select %and3A, %sub3A_26, %div3A_4 : vector<512x512xi1>, vector<512x512xi32>
    %jit3A_27 = arith.constant 64 : i32
    %div3A_28 = vector.broadcast %jit3A_27 : i32 to vector<512x512xi32>
    %div3A_29 = arith.divsi %iota3A_3, %div3A_28 : vector<512x512xi32>
    %sign3A_30 = arith.constant 0 : i32
    %sign3A_31 = vector.broadcast %sign3A_30 : i32 to vector<512x512xi32>
    %sign3A_32 = arith.cmpi sgt, %iota3A_3, %sign3A_31 : vector<512x512xi32>
    %sign3A_33 = arith.extui %sign3A_32 : vector<512x512xi1> to vector<512x512xi32>
    %sign3A_34 = arith.constant 0 : i32
    %sign3A_35 = vector.broadcast %sign3A_34 : i32 to vector<512x512xi32>
    %sign3A_36 = arith.cmpi slt, %iota3A_3, %sign3A_35 : vector<512x512xi32>
    %sign3A_37 = arith.extui %sign3A_36 : vector<512x512xi1> to vector<512x512xi32>
    %sign3A_38 = arith.subi %sign3A_33, %sign3A_37 : vector<512x512xi32>
    %sign3A_39 = arith.constant 0 : i32
    %sign3A_40 = arith.cmpi sgt, %jit3A_27, %sign3A_39 : i32
    %sign3A_41 = arith.extui %sign3A_40 : i1 to i32
    %sign3A_42 = arith.constant 0 : i32
    %sign3A_43 = arith.cmpi slt, %jit3A_27, %sign3A_42 : i32
    %sign3A_44 = arith.extui %sign3A_43 : i1 to i32
    %sign3A_45 = arith.subi %sign3A_41, %sign3A_44 : i32
    %ne3A_46 = vector.broadcast %sign3A_45 : i32 to vector<512x512xi32>
    %ne3A_47 = arith.cmpi ne, %sign3A_38, %ne3A_46 : vector<512x512xi32>
    %rem3A_48 = vector.broadcast %jit3A_27 : i32 to vector<512x512xi32>
    %rem3A_49 = arith.remsi %iota3A_3, %rem3A_48 : vector<512x512xi32>
    %ne3A_50 = arith.constant 0 : i32
    %ne3A_51 = vector.broadcast %ne3A_50 : i32 to vector<512x512xi32>
    %ne3A_52 = arith.cmpi ne, %rem3A_49, %ne3A_51 : vector<512x512xi32>
    %and3A_53 = arith.andi %ne3A_47, %ne3A_52 : vector<512x512xi1>
    %sub3A_54 = arith.constant 1 : i32
    %sub3A_55 = vector.broadcast %sub3A_54 : i32 to vector<512x512xi32>
    %sub3A_56 = arith.subi %div3A_29, %sub3A_55 : vector<512x512xi32>
    %select_n3A_57 = arith.select %and3A_53, %sub3A_56, %div3A_29 : vector<512x512xi1>, vector<512x512xi32>
    %eq3A = arith.cmpi eq, %select_n3A, %select_n3A_57 : vector<512x512xi32>
    %exp3A = math.exp %dot_general3A_2 : vector<512x512xf32>
    %jit3A_58 = arith.constant 0.000000e+00 : f32
    %broadcast_in_dim3A = vector.broadcast %jit3A_58 : f32 to vector<512x512xf32>
    %select_n3A_59 = arith.select %eq3A, %exp3A, %broadcast_in_dim3A : vector<512x512xi1>, vector<512x512xf32>
    %reduce_sum3A = arith.constant dense<0.000000e+00> : vector<512xf32>
    %reduce_sum3A_60 = vector.multi_reduction <add>, %select_n3A_59, %reduce_sum3A [1] : vector<512x512xf32> to vector<512xf32>
    %broadcast_in_dim3A_61 = vector.shape_cast %reduce_sum3A_60 : vector<512xf32> to vector<512x1xf32>
    %div3A_62 = arith.constant 1.000000e+00 : f32
    %div3A_63 = vector.broadcast %div3A_62 : f32 to vector<512x1xf32>
    %div3A_64 = arith.divf %div3A_63, %broadcast_in_dim3A_61 : vector<512x1xf32>
    %mul3A = arith.constant 64 : i32
    %mul3A_65 = vector.broadcast %mul3A : i32 to vector<512x512xi32>
    %mul3A_66 = arith.muli %select_n3A, %mul3A_65 : vector<512x512xi32>
    %eq3A_67 = arith.cmpi eq, %iota3A_3, %mul3A_66 : vector<512x512xi32>
    %convert_element_type3A_68 = arith.extui %eq3A_67 : vector<512x512xi1> to vector<512x512xi32>
    %convert_element_type3A_69 = arith.sitofp %convert_element_type3A_68 : vector<512x512xi32> to vector<512x512xf32>
    %mul3A_70 = vector.broadcast %div3A_64 : vector<512x1xf32> to vector<512x512xf32>
    %mul3A_71 = arith.mulf %select_n3A_59, %mul3A_70 : vector<512x512xf32>
    %sub3A_72 = arith.subf %mul3A_71, %convert_element_type3A_69 : vector<512x512xf32>
    %convert_element_type3A_73 = arith.truncf %sub3A_72 : vector<512x512xf32> to vector<512x512xbf16>
    %get3A_74 = arith.constant 0 : index
    %get3A_75 = arith.constant 0 : index
    %get3A_76 = vector.load %arg2[%get3A_74, %get3A_75] : memref<2048x512xbf16, #tpu.memory_space<vmem>>, vector<2048x512xbf16>
    %dot_general3A_77 = arith.constant dense<0.000000e+00> : vector<512x512xf32>
    %dot_general3A_78 = tpu.matmul %convert_element_type3A, %get3A_76, %dot_general3A_77 {dimension_numbers = #tpu.dot_dimension_numbers<[1], [0], [0], [1], [0, 0, 1, 1], [], []>, transpose_lhs_hint = false} : vector<512x2048xbf16>, vector<2048x512xbf16>, vector<512x512xf32> -> vector<512x512xf32>
    %get3A_79 = arith.constant 0 : index
    %get3A_80 = arith.constant 0 : index
    %get3A_81 = vector.load %arg3[%get3A_79, %get3A_80] : memref<2048x512xbf16, #tpu.memory_space<vmem>>, vector<2048x512xbf16>
    %dot_general3A_82 = arith.constant dense<0.000000e+00> : vector<512x512xf32>
    %dot_general3A_83 = tpu.matmul %convert_element_type3A, %get3A_81, %dot_general3A_82 {dimension_numbers = #tpu.dot_dimension_numbers<[1], [0], [0], [1], [0, 0, 1, 1], [], []>, transpose_lhs_hint = false} : vector<512x2048xbf16>, vector<2048x512xbf16>, vector<512x512xf32> -> vector<512x512xf32>
    %convert_element_type3A_84 = arith.truncf %dot_general3A_83 : vector<512x512xf32> to vector<512x512xbf16>
    %dot_general3A_85 = arith.constant dense<0.000000e+00> : vector<512x512xf32>
    %dot_general3A_86 = tpu.matmul %convert_element_type3A_73, %convert_element_type3A_84, %dot_general3A_85 {dimension_numbers = #tpu.dot_dimension_numbers<[1], [0], [0], [1], [0, 0, 1, 1], [], []>, transpose_lhs_hint = false} : vector<512x512xbf16>, vector<512x512xbf16>, vector<512x512xf32> -> vector<512x512xf32>
    %slice3A = vector.extract_strided_slice %dot_general3A_78 {offsets = [0, 0], sizes = [1, 512], strides = [1, 1]} : vector<512x512xf32> to vector<1x512xf32>
    %broadcast_in_dim3A_87 = vector.shape_cast %slice3A : vector<1x512xf32> to vector<1x512xf32>
    %broadcast_in_dim3A_88 = vector.broadcast %broadcast_in_dim3A_87 : vector<1x512xf32> to vector<64x512xf32>
    %slice3A_89 = vector.extract_strided_slice %dot_general3A_78 {offsets = [64, 0], sizes = [1, 512], strides = [1, 1]} : vector<512x512xf32> to vector<1x512xf32>
    %broadcast_in_dim3A_90 = vector.shape_cast %slice3A_89 : vector<1x512xf32> to vector<1x512xf32>
    %broadcast_in_dim3A_91 = vector.broadcast %broadcast_in_dim3A_90 : vector<1x512xf32> to vector<64x512xf32>
    %slice3A_92 = vector.extract_strided_slice %dot_general3A_78 {offsets = [128, 0], sizes = [1, 512], strides = [1, 1]} : vector<512x512xf32> to vector<1x512xf32>
    %broadcast_in_dim3A_93 = vector.shape_cast %slice3A_92 : vector<1x512xf32> to vector<1x512xf32>
    %broadcast_in_dim3A_94 = vector.broadcast %broadcast_in_dim3A_93 : vector<1x512xf32> to vector<64x512xf32>
    %slice3A_95 = vector.extract_strided_slice %dot_general3A_78 {offsets = [192, 0], sizes = [1, 512], strides = [1, 1]} : vector<512x512xf32> to vector<1x512xf32>
    %broadcast_in_dim3A_96 = vector.shape_cast %slice3A_95 : vector<1x512xf32> to vector<1x512xf32>
    %broadcast_in_dim3A_97 = vector.broadcast %broadcast_in_dim3A_96 : vector<1x512xf32> to vector<64x512xf32>
    %slice3A_98 = vector.extract_strided_slice %dot_general3A_78 {offsets = [256, 0], sizes = [1, 512], strides = [1, 1]} : vector<512x512xf32> to vector<1x512xf32>
    %broadcast_in_dim3A_99 = vector.shape_cast %slice3A_98 : vector<1x512xf32> to vector<1x512xf32>
    %broadcast_in_dim3A_100 = vector.broadcast %broadcast_in_dim3A_99 : vector<1x512xf32> to vector<64x512xf32>
    %slice3A_101 = vector.extract_strided_slice %dot_general3A_78 {offsets = [320, 0], sizes = [1, 512], strides = [1, 1]} : vector<512x512xf32> to vector<1x512xf32>
    %broadcast_in_dim3A_102 = vector.shape_cast %slice3A_101 : vector<1x512xf32> to vector<1x512xf32>
    %broadcast_in_dim3A_103 = vector.broadcast %broadcast_in_dim3A_102 : vector<1x512xf32> to vector<64x512xf32>
    %slice3A_104 = vector.extract_strided_slice %dot_general3A_78 {offsets = [384, 0], sizes = [1, 512], strides = [1, 1]} : vector<512x512xf32> to vector<1x512xf32>
    %broadcast_in_dim3A_105 = vector.shape_cast %slice3A_104 : vector<1x512xf32> to vector<1x512xf32>
    %broadcast_in_dim3A_106 = vector.broadcast %broadcast_in_dim3A_105 : vector<1x512xf32> to vector<64x512xf32>
    %slice3A_107 = vector.extract_strided_slice %dot_general3A_78 {offsets = [448, 0], sizes = [1, 512], strides = [1, 1]} : vector<512x512xf32> to vector<1x512xf32>
    %broadcast_in_dim3A_108 = vector.shape_cast %slice3A_107 : vector<1x512xf32> to vector<1x512xf32>
    %broadcast_in_dim3A_109 = vector.broadcast %broadcast_in_dim3A_108 : vector<1x512xf32> to vector<64x512xf32>
    %concatenate3A = tpu.concatenate %broadcast_in_dim3A_88, %broadcast_in_dim3A_91, %broadcast_in_dim3A_94, %broadcast_in_dim3A_97, %broadcast_in_dim3A_100, %broadcast_in_dim3A_103, %broadcast_in_dim3A_106, %broadcast_in_dim3A_109 in 0 : vector<64x512xf32>, vector<64x512xf32>, vector<64x512xf32>, vector<64x512xf32>, vector<64x512xf32>, vector<64x512xf32>, vector<64x512xf32>, vector<64x512xf32> -> vector<512x512xf32>
    %sub3A_110 = arith.subf %dot_general3A_78, %concatenate3A : vector<512x512xf32>
    %add3A = arith.addf %sub3A_110, %dot_general3A_86 : vector<512x512xf32>
    %get3A_111 = arith.constant 0 : index
    %get3A_112 = arith.constant 0 : index
    %get3A_113 = vector.load %arg5[%get3A_111, %get3A_112] : memref<1x512xf32, #tpu.memory_space<vmem>>, vector<1x512xf32>
    %add3A_114 = vector.broadcast %get3A_113 : vector<1x512xf32> to vector<512x512xf32>
    %add3A_115 = arith.addf %add3A, %add3A_114 : vector<512x512xf32>
    %max3A = arith.constant 0.000000e+00 : f32
    %max3A_116 = vector.broadcast %max3A : f32 to vector<512x512xf32>
    %max3A_117 = arith.maximumf %add3A_115, %max3A_116 : vector<512x512xf32>
    %convert_element_type3A_118 = arith.truncf %max3A_117 : vector<512x512xf32> to vector<512x512xbf16>
    %get3A_119 = arith.constant 0 : index
    %get3A_120 = arith.constant 0 : index
    %get3A_121 = vector.load %arg4[%get3A_119, %get3A_120] : memref<512x512xbf16, #tpu.memory_space<vmem>>, vector<512x512xbf16>
    %dot_general3A_122 = arith.constant dense<0.000000e+00> : vector<512x512xf32>
    %dot_general3A_123 = tpu.matmul %convert_element_type3A_118, %get3A_121, %dot_general3A_122 {dimension_numbers = #tpu.dot_dimension_numbers<[1], [0], [0], [1], [0, 0, 1, 1], [], []>, transpose_lhs_hint = false} : vector<512x512xbf16>, vector<512x512xbf16>, vector<512x512xf32> -> vector<512x512xf32>
    %get3A_124 = arith.constant 0 : index
    %get3A_125 = arith.constant 0 : index
    %get3A_126 = vector.load %arg6[%get3A_124, %get3A_125] : memref<1x512xf32, #tpu.memory_space<vmem>>, vector<1x512xf32>
    %add3A_127 = vector.broadcast %get3A_126 : vector<1x512xf32> to vector<512x512xf32>
    %add3A_128 = arith.addf %dot_general3A_123, %add3A_127 : vector<512x512xf32>
    %max3A_129 = arith.constant 0.000000e+00 : f32
    %max3A_130 = vector.broadcast %max3A_129 : f32 to vector<512x512xf32>
    %max3A_131 = arith.maximumf %add3A_128, %max3A_130 : vector<512x512xf32>
    %get3A_132 = arith.constant 0 : index
    %get3A_133 = arith.constant 0 : index
    %get3A_134 = vector.load %arg7[%get3A_132, %get3A_133] : memref<1x512xf32, #tpu.memory_space<vmem>>, vector<1x512xf32>
    %min3A = arith.constant 0.000000e+00 : f32
    %min3A_135 = vector.broadcast %min3A : f32 to vector<512x512xf32>
    %min3A_136 = arith.minimumf %add3A_128, %min3A_135 : vector<512x512xf32>
    %mul3A_137 = vector.broadcast %get3A_134 : vector<1x512xf32> to vector<512x512xf32>
    %mul3A_138 = arith.mulf %mul3A_137, %min3A_136 : vector<512x512xf32>
    %add3A_139 = arith.addf %max3A_131, %mul3A_138 : vector<512x512xf32>
    %get3A_140 = arith.constant 0 : index
    %get3A_141 = arith.constant 0 : index
    %get3A_142 = vector.load %arg8[%get3A_140, %get3A_141] : memref<1x512xf32, #tpu.memory_space<vmem>>, vector<1x512xf32>
    %mul3A_143 = vector.broadcast %get3A_142 : vector<1x512xf32> to vector<512x512xf32>
    %mul3A_144 = arith.mulf %add3A_139, %mul3A_143 : vector<512x512xf32>
    %reduce_sum3A_145 = arith.constant dense<0.000000e+00> : vector<512xf32>
    %reduce_sum3A_146 = vector.multi_reduction <add>, %mul3A_144, %reduce_sum3A_145 [1] : vector<512x512xf32> to vector<512xf32>
    %broadcast_in_dim3A_147 = vector.shape_cast %reduce_sum3A_146 : vector<512xf32> to vector<512x1xf32>
    %get3A_148 = arith.constant 0 : index
    %get3A_149 = arith.constant 0 : index
    %get3A_150 = memref.load %arg10[%get3A_148, %get3A_149] : memref<1x1xf32, #tpu.memory_space<smem>>
    %add3A_151 = vector.broadcast %get3A_150 : f32 to vector<512x1xf32>
    %add3A_152 = arith.addf %broadcast_in_dim3A_147, %add3A_151 : vector<512x1xf32>
    %get3A_153 = arith.constant 0 : index
    %get3A_154 = arith.constant 0 : index
    %get3A_155 = vector.load %arg9[%get3A_153, %get3A_154] : memref<512x1xf32, #tpu.memory_space<vmem>>, vector<512x1xf32>
    %mul3A_156 = arith.mulf %get3A_155, %add3A_152 : vector<512x1xf32>
    %max3A_157 = arith.constant 0.000000e+00 : f32
    %max3A_158 = vector.broadcast %max3A_157 : f32 to vector<512x1xf32>
    %max3A_159 = arith.maximumf %mul3A_156, %max3A_158 : vector<512x1xf32>
    %abs3A = math.absf %mul3A_156 : vector<512x1xf32>
    %neg3A = arith.constant 0.000000e+00 : f32
    %neg3A_160 = vector.broadcast %neg3A : f32 to vector<512x1xf32>
    %neg3A_161 = arith.subf %neg3A_160, %abs3A : vector<512x1xf32>
    %exp3A_162 = math.exp %neg3A_161 : vector<512x1xf32>
    %add3A_163 = arith.constant 1.000000e+00 : f32
    %add3A_164 = vector.broadcast %add3A_163 : f32 to vector<512x1xf32>
    %add3A_165 = arith.addf %add3A_164, %exp3A_162 : vector<512x1xf32>
    %log3A = math.log %add3A_165 : vector<512x1xf32>
    %add3A_166 = arith.addf %max3A_159, %log3A : vector<512x1xf32>
    %reduce_sum3A_167 = vector.shape_cast %add3A_166 : vector<512x1xf32> to vector<1x512x1xf32>
    %reduce_sum3A_168 = arith.constant dense<0.000000e+00> : vector<1xf32>
    %reduce_sum3A_169 = vector.multi_reduction <add>, %reduce_sum3A_167, %reduce_sum3A_168 [1, 2] : vector<1x512x1xf32> to vector<1xf32>
    %reduce_sum3A_170 = vector.shape_cast %reduce_sum3A_169 : vector<1xf32> to vector<1x1x1xf32>
    %reduce_sum3A_171 = vector.extract %reduce_sum3A_170[0, 0, 0] : f32 from vector<1x1x1xf32>
    %eq3A_172 = arith.constant 0 : i32
    %eq3A_173 = arith.cmpi eq, %arg0, %eq3A_172 : i32
    %convert_element_type3A_174 = arith.extui %eq3A_173 : i1 to i32
    %cond3A = arith.constant 0 : i32
    %cond3A_175 = arith.cmpi ne, %convert_element_type3A_174, %cond3A : i32
    scf.if %cond3A_175 {
      %swap3A = arith.constant 0 : index
      %swap3A_181 = arith.constant 0 : index
      %swap3A_182 = memref.load %arg11[%swap3A, %swap3A_181] : memref<1x1xf32, #tpu.memory_space<smem>>
      memref.store %reduce_sum3A_171, %arg11[%swap3A, %swap3A_181] : memref<1x1xf32, #tpu.memory_space<smem>>
    } else {
    }
    %ne3A_176 = arith.constant 0 : i32
    %ne3A_177 = arith.cmpi ne, %arg0, %ne3A_176 : i32
    %convert_element_type3A_178 = arith.extui %ne3A_177 : i1 to i32
    %cond3A_179 = arith.constant 0 : i32
    %cond3A_180 = arith.cmpi ne, %convert_element_type3A_178, %cond3A_179 : i32
    scf.if %cond3A_180 {
      %get3A_181 = arith.constant 0 : index
      %get3A_182 = arith.constant 0 : index
      %get3A_183 = memref.load %arg11[%get3A_181, %get3A_182] : memref<1x1xf32, #tpu.memory_space<smem>>
      %add3A_184 = arith.addf %get3A_183, %reduce_sum3A_171 : f32
      %swap3A = arith.constant 0 : index
      %swap3A_185 = arith.constant 0 : index
      %swap3A_186 = memref.load %arg11[%swap3A, %swap3A_185] : memref<1x1xf32, #tpu.memory_space<smem>>
      memref.store %add3A_184, %arg11[%swap3A, %swap3A_185] : memref<1x1xf32, #tpu.memory_space<smem>>
    } else {
    }
    return
  }
  func.func @transform_0(%arg0: i32) -> (i32, i32) {
    %c0_i32 = arith.constant 0 : i32
    %c0_i32_0 = arith.constant 0 : i32
    return %arg0, %c0_i32 : i32, i32
  }
  func.func @transform_1(%arg0: i32) -> (i32, i32) {
    %c0_i32 = arith.constant 0 : i32
    %c0_i32_0 = arith.constant 0 : i32
    %c0_i32_1 = arith.constant 0 : i32
    return %c0_i32, %c0_i32_0 : i32, i32
  }
  func.func @transform_2(%arg0: i32) -> (i32, i32) {
    %c0_i32 = arith.constant 0 : i32
    %c0_i32_0 = arith.constant 0 : i32
    %c0_i32_1 = arith.constant 0 : i32
    return %c0_i32, %c0_i32_0 : i32, i32
  }
  func.func @transform_3(%arg0: i32) -> (i32, i32) {
    %c0_i32 = arith.constant 0 : i32
    %c0_i32_0 = arith.constant 0 : i32
    %c0_i32_1 = arith.constant 0 : i32
    return %c0_i32, %c0_i32_0 : i32, i32
  }
  func.func @transform_4(%arg0: i32) -> (i32, i32) {
    %c0_i32 = arith.constant 0 : i32
    %c0_i32_0 = arith.constant 0 : i32
    %c0_i32_1 = arith.constant 0 : i32
    return %c0_i32, %c0_i32_0 : i32, i32
  }
  func.func @transform_5(%arg0: i32) -> (i32, i32) {
    %c0_i32 = arith.constant 0 : i32
    %c0_i32_0 = arith.constant 0 : i32
    %c0_i32_1 = arith.constant 0 : i32
    return %c0_i32, %c0_i32_0 : i32, i32
  }
  func.func @transform_6(%arg0: i32) -> (i32, i32) {
    %c0_i32 = arith.constant 0 : i32
    %c0_i32_0 = arith.constant 0 : i32
    %c0_i32_1 = arith.constant 0 : i32
    return %c0_i32, %c0_i32_0 : i32, i32
  }
  func.func @transform_7(%arg0: i32) -> (i32, i32) {
    %c0_i32 = arith.constant 0 : i32
    %c0_i32_0 = arith.constant 0 : i32
    %c0_i32_1 = arith.constant 0 : i32
    return %c0_i32, %c0_i32_0 : i32, i32
  }
  func.func @transform_8(%arg0: i32) -> (i32, i32) {
    %c0_i32 = arith.constant 0 : i32
    %c0_i32_0 = arith.constant 0 : i32
    return %arg0, %c0_i32 : i32, i32
  }
  func.func @transform_9(%arg0: i32) -> (i32, i32) {
    %c0_i32 = arith.constant 0 : i32
    %c0_i32_0 = arith.constant 0 : i32
    %c0_i32_1 = arith.constant 0 : i32
    return %c0_i32, %c0_i32_0 : i32, i32
  }
  func.func @transform_10(%arg0: i32) -> (i32, i32) {
    %c0_i32 = arith.constant 0 : i32
    %c0_i32_0 = arith.constant 0 : i32
    %c0_i32_1 = arith.constant 0 : i32
    return %c0_i32, %c0_i32_0 : i32, i32
  }
}

</mosaic_0001>

<sc_bundles>
// kernel: kernel.6.cloned.1.call-start
scs
__scs_entry_jumppad:
0x0: {  	(pc) =	sbr.rel $0x88, $3  }
0x1: {  	(tag) =	ssettag $0x0;
	lr =	simm.s32 $0x1  }
0x2: {  	[smem:$0x3F97] =	sst lr;
	_ =	strace $0xD0000000  }
0x3: {  	_ = 	snop  }
0x4: {  	_ = 	snop  }
0x5: {  	_ = 	snop  }
0x6: {  	_ = 	snop  }
0x7: {  	_ = 	snop  }
__scs_overlays_trampoline_lowered:
0x8: {  	[smem:$0x3FA6] =	sst s0  }
0x9: {  	[smem:$0x3FA7] =	sst s1  }
0xa: {  	[smem:$0x3FA8] =	sst s2  }
0xb: {  	[smem:$0x3FA9] =	sst s3  }
0xc: {  	[smem:$0x3FAA] =	sst s4  }
0xd: {  	[smem:$0x3FAB] =	sst s5  }
0xe: {  	[smem:$0x3FAC] =	sst s6  }
0xf: {  	[smem:$0x3FAD] =	sst s7  }
0x10: {  	[smem:$0x3FAE] =	sst s8  }
0x11: {  	[smem:$0x3FAF] =	sst s9;
	s0 =	simm.s32 @!p0 $0x0  }
0x12: {  	s1 =	sld [smem:$0x3F95];
	s0 =	simm.s32 @p0 $0x1  }
0x13: {  	[smem:$0x3FB0] =	sst s0;
	s0 =	simm.s32 @!p1 $0x0  }
0x14: {  	s2 =	sld [smem:$0x3F94];
	s0 =	simm.s32 @p1 $0x1  }
0x15: {  	[smem:$0x3FB1] =	sst s0;
	s0 =	simm.s32 @!p2 $0x0  }
0x16: {  	s3 =	sld [smem:$0x3FDB];
	s0 =	simm.s32 @p2 $0x1  }
0x17: {  	s4 =	simm.s32 $0x1BF5;
	[smem:$0x3FB3] =	sst s0  }
0x18: {  	s0 =	sld [smem:$0x3F96];
	_ =	swait.ge [sflag:s4], $0x0  }
0x19: {  	s7 =	sld [smem:$0x3F97]  }
0x1a: {  	s8 =	sadd.s32 $0xFFFFE003, lr  }
0x1b: {  	s9 =	sadd.s32 $0xFFFFFEF7, lr;
	s5 =	simm.s32 $0xFFFFFFFF;
	p2 =	slt.u32 s8, $0xFFFFF086  }
0x1c: {  	p1 =	slt.u32 s9, $0xF7A;
	s5 =	simm.s32 @!p2 $0x0  }
0x1d: {  	s5 =	simm.s32 @p1 $0x1;
	p0 =	seq.s32 s7, s2  }
0x1e: {  	s7 =	smul.u32 @!p0 $0xF7A, s2;
	p2 =	seq.s32 @!p0 s5, $0x0  }
0x1f: {  	s9 =	smul.u32 $0xF7A, s1;
	s8 =	simm.s32 @!p0 $0x1BF5;
	p2 =	por !p2, p0  }
0x20: {  	[sflag:s8] =	ssyncset.s32 @!p0 $0xFFFFF086;
	s6 =	sadd.s32 @!p0 s3, s7;
	s7 =	simm.s32 @!p0 $0x108  }
0x21: {  	s3 =	sadd.s32 s3, s9;
	s6 =	sadd.s32 @!p0 $0x88, s6;
	s7 =	simm.s32 @p2 $0x1082  }
0x22: {  	[simem:s7], [sflag:s8] =	dma.local @!p0 [hbm:s6], $0xF7A  }
0x23: {  	s9 =	sor.u32 $0xD0000000, s2;
	s6 =	simm.s32 $0x108;
	_ =	swait.ge @!p0 [sflag:s8], $0x0  }
0x24: {  	s3 =	sadd.s32 $0x88, s3;
	s6 =	simm.s32 @!p1 $0x1082;
	[sflag:s4] =	ssyncset.s32 $0xFFFFF086  }
0x25: {  	[simem:s6], [sflag:s4] =	dma.local [hbm:s3], $0xF7A  }
0x26: {  	[smem:$0x3F97] =	sst s1;
	(tag) =	ssettag s2;
	_ =	strace s9  }
0x27: {  	s1 =	sld [smem:$0x3FA7]  }
0x28: {  	s2 =	sld [smem:$0x3FA8]  }
0x29: {  	s4 =	sld [smem:$0x3FAA]  }
0x2a: {  	p0 =	seq.s32 s5, $0x0;
	s5 =	sld [smem:$0x3FAB]  }
0x2b: {  	s6 =	sld [smem:$0x3FAC]  }
0x2c: {  	s7 =	sld [smem:$0x3FAD]  }
0x2d: {  	s3 =	simm.s32 $0x108;
	s8 =	sld [smem:$0x3FAE]  }
0x2e: {  	s3 =	simm.s32 @!p0 $0x1082;
	s9 =	sld [smem:$0x3FAF]  }
0x2f: {  	lr =	sadd.s32 s0, s3;
	s0 =	sld [smem:$0x3FA6]  }
0x30: {  	s3 =	sld [smem:$0x3FA9]  }
0x31: {  	[smem:$0x3FB2] =	sst s10  }
0x32: {  	s10 =	sld [smem:$0x3FB0];
	_ =	sdelay $0x3  }
0x33: {  	p0 =	seq.s32 s10, $0x1;
	s10 =	sld [smem:$0x3FB2];
	_ =	sdelay $0x3  }
0x34: {  	[smem:$0x3FB2] =	sst s10  }
0x35: {  	s10 =	sld [smem:$0x3FB1];
	_ =	sdelay $0x3  }
0x36: {  	p1 =	seq.s32 s10, $0x1;
	s10 =	sld [smem:$0x3FB2];
	_ =	sdelay $0x3  }
0x37: {  	[smem:$0x3FB2] =	sst s10  }
0x38: {  	s10 =	sld [smem:$0x3FB3]  }
0x39: {  	_ = 	snop;
	(pc) =	sbr.ind lr, $3  }
0x3a: {  	_ = 	snop  }
0x3b: {  	_ = 	snop  }
0x3c: {  	p2 =	seq.s32 s10, $0x1;
	s10 =	sld [smem:$0x3FB2]  }
0x3d: {  	_ =	shalt  }
0x3e: {  	_ =	shalt  }
0x3f: {  	_ =	shalt  }
0x40: {  	_ =	shalt  }
0x41: {  	_ =	shalt  }
0x42: {  	_ =	shalt  }
0x43: {  	_ =	shalt  }
0x44: {  	_ =	shalt  }
0x45: {  	_ =	shalt  }
0x46: {  	_ =	shalt  }
0x47: {  	_ =	shalt  }
0x48: {  	_ =	shalt  }
0x49: {  	_ =	shalt  }
0x4a: {  	_ =	shalt  }
0x4b: {  	_ =	shalt  }
0x4c: {  	_ =	shalt  }
0x4d: {  	_ =	shalt  }
0x4e: {  	_ =	shalt  }
0x4f: {  	_ =	shalt  }
0x50: {  	_ =	shalt  }
0x51: {  	_ =	shalt  }
0x52: {  	_ =	shalt  }
0x53: {  	_ =	shalt  }
0x54: {  	_ =	shalt  }
0x55: {  	_ =	shalt  }
0x56: {  	_ =	shalt  }
0x57: {  	_ =	shalt  }
0x58: {  	_ =	shalt  }
0x59: {  	_ =	shalt  }
0x5a: {  	_ =	shalt  }
0x5b: {  	_ =	shalt  }
0x5c: {  	_ =	shalt  }
0x5d: {  	_ =	shalt  }
0x5e: {  	_ =	shalt  }
0x5f: {  	_ =	shalt  }
0x60: {  	_ =	shalt  }
0x61: {  	_ =	shalt  }
0x62: {  	_ =	shalt  }
0x63: {  	_ =	shalt  }
0x64: {  	_ =	shalt  }
0x65: {  	_ =	shalt  }
0x66: {  	_ =	shalt  }
0x67: {  	_ =	shalt  }
0x68: {  	_ =	shalt  }
0x69: {  	_ =	shalt  }
0x6a: {  	_ =	shalt  }
0x6b: {  	_ =	shalt  }
0x6c: {  	_ =	shalt  }
0x6d: {  	_ =	shalt  }
0x6e: {  	_ =	shalt  }
0x6f: {  	_ =	shalt  }
0x70: {  	_ =	shalt  }
0x71: {  	_ =	shalt  }
0x72: {  	_ =	shalt  }
0x73: {  	_ =	shalt  }
0x74: {  	_ =	shalt  }
0x75: {  	_ =	shalt  }
0x76: {  	_ =	shalt  }
0x77: {  	_ =	shalt  }
0x78: {  	_ =	shalt  }
0x79: {  	_ =	shalt  }
0x7a: {  	_ =	shalt  }
0x7b: {  	_ =	shalt  }
0x7c: {  	_ =	shalt  }
0x7d: {  	_ =	shalt  }
0x7e: {  	_ =	shalt  }
0x7f: {  	_ =	shalt  }
0x80: {  	_ =	shalt  }
0x81: {  	_ =	shalt  }
0x82: {  	_ =	shalt  }
0x83: {  	_ =	shalt  }
0x84: {  	_ =	shalt  }
0x85: {  	_ =	shalt  }
0x86: {  	_ =	shalt  }
0x87: {  	_ =	shalt  }
.Lfunc_end0:
.L_simem_size_0:
called_computation_lowered:
.L_overlay_start_0:
0x88: {  	s2 =	sld [smem:$0x3FD9]  }
0x89: {  	s3 =	sld [smem:$0x3FFE];
	_ =	sdelay $0x1  }
0x8a: {  	s1 =	srdreg.scid  }
0x8b: {  	s0 =	sand.u32 $0x1, s1  }
0x8c: {  	s17 =	sshll.u32 s0, $0xA;
	s2 =	sadd.s32 s3, s2  }
0x8d: {  	s2 =	sadd.s32 s2, s17  }
0x8e: {  	[smem:$0x3FBE] =	sst s2  }
0x8f: {  	_ = 	snop  }
0x90: {  	s2 =	sld [smem:$0x3FC9];
	(tm) =	ssettm $0x1  }
0x91: {  	s18 =	sld [smem:$0x3FFB];
	_ =	sdelay $0x3  }
0x92: {  	_ =	strace s18  }
0x93: {  	s3 =	sld [smem:$0x3FFC];
	_ =	sdelay $0x3  }
0x94: {  	_ =	strace s3  }
0x95: {  	s3 =	sld [smem:$0x3FFD];
	_ =	sdelay $0x3  }
0x96: {  	_ =	strace s3  }
0x97: {  	_ =	strace $0x8FFFFFFF  }
0x98: {  	s19 =	sld [smem:$0x3FDB];
	_ =	sdelay $0x1  }
0x99: {  	s4 =	simm.s32 $_scs_section_size  }
0x9a: {  	s5 =	simm.s32 $_size__tile_overlayer_lowered;
	s6 =	simm.s32 $_tile_overlayer_lowered  }
0x9b: {  	s22 =	simm.s32 $0x1BFF;
	s21 =	sshll.u32 s6, $0x1;
	s3 =	sadd.s32 s4, s19  }
0x9c: {  	s7 =	simm.s32 $0x0;
	s20 =	sshll.u32 s5, $0x1;
	s5 =	sadd.s32 s21, s3  }
0x9d: {  	[timem:s7], [sflag:s22] =	dma.local [hbm:s5], s20  }
0x9e: {  	_ =	swait.ge [sflag:s22], s20  }
0x9f: {  	s4 =	ssub.s32 $0x0, s20;
	[sflag:s22] =	ssyncset.done $0x0  }
0xa0: {  	[sflag:s22] =	ssyncadd.s32 s4;
	_ =	sdelay $0x1  }
0xa1: {  	s23 =	simm.s32 $0x1B8B  }
0xa2: {  	_ =	swait.ge [sflag:s23], $0x1  }
0xa3: {  	[sflag:s23] =	ssyncset.done $0x0  }
0xa4: {  	s25 =	simm.s32 $0x1B8E;
	s24 =	sld [smem:$0x3FFE];
	[sflag:s23] =	ssyncadd.s32 $0xFFFFFFFF  }
0xa5: {  	s26 =	simm.s32 $execute0_lowered;
	[smem:$0x3FD2] =	sst s25  }
0xa6: {  	s5 =	sshll.u32 s26, $0x1;
	_ =	strace $0x80000046;
	[dreg:$0x1] =	wrdreg $0xFFFFFFFF  }
0xa7: {  	s28 =	simm.s32 $_size_execute0_lowered;
	s3 =	sadd.s32 s3, s5;
	[dreg:$0x0] =	wrdreg $0x0  }
0xa8: {  	s5 =	sshll.u32 s28, $0x1;
	[dreg:$0x2] =	wrdreg s3  }
0xa9: {  	[dreg:$0x3] =	wrdreg s5  }
0xaa: {  	[dreg:$0x4] =	wrdreg $0xC0  }
0xab: {  	_ =	task [dreg:s7], $0x5FFFF  }
0xac: {  	[dreg:$0x1] =	wrdreg $0xFFFFFFFF  }
0xad: {  	[dreg:$0x0] =	wrdreg $0x60  }
0xae: {  	[dreg:$0x2] =	wrdreg s2  }
0xaf: {  	[dreg:$0x3] =	wrdreg s24  }
0xb0: {  	[dreg:$0x4] =	wrdreg $0x9  }
0xb1: {  	_ =	task.clear_ibuf [dreg:s7], $0x5FFFF;
	_ =	strace $0x90000046  }
0xb2: {  	s29 =	simm.s32 $0x9;
	_ =	strace $0x80000048  }
0xb3: {  	_ =	swait.ge [sflag:s29], $0x1  }
0xb4: {  	[sflag:s29] =	ssyncadd.s32 $0xFFFFFFFF  }
0xb5: {  	_ =	strace $0x90000048  }
0xb6: {  	_ =	sfence  }
0xb7: {  	s30 =	sld [smem:$0x0];
	_ =	sdelay $0x2  }
0xb8: {  	s31 =	sshll.u32 s1, $0xD;
	s1 =	sshrl.u32 s1, $0x2  }
0xb9: {  	s3 =	sand.u32 $0x4000, s31;
	s1 =	sadd.s32 s1, s30  }
0xba: {  	s0 =	sor.u32 s3, s0;
	s1 =	sshll.u32 s1, $0x11  }
0xbb: {  	s0 =	sor.u32 s1, s0  }
0xbc: {  	s0 =	sadd.s32 $0x8F2B, s0  }
0xbd: {  	[sflag:s0] =	ssyncadd.remote.s32 $0x1  }
0xbe: {  	_ =	sfence.sel $0xFFFF  }
0xbf: {  	[dreg:$0x0] =	wrdreg $0xFFFFFFFF;
	(pc) =	sbr.abs _section_cstart, $3  }
0xc0: {  	[dreg:$0x1] =	wrdreg $0xFFFFFFFF  }
0xc1: {  	_ =	task.clear_ibuf [dreg:s7], $0x2FFFF;
	_ =	strace $0x9FFFFFFF  }
0xc2: {  	(tm) =	ssettm $0x7FFFFFFF  }
0xc3: {  	_ =	shalt  }
tec
execute0_lowered:
.L_overlay_start_1:
0x0: {  	(tag) =	ssettag $0x1  }
0x1: {  	s0 =	srdreg.scid;
	s2 =	rddreg [dreg:$0x0]  }
0x2: {  	s1 =	stileid.u32;
	s4 =	rddreg [dreg:$0x1]  }
0x3: {  	s3 =	simm.s32 $0x0;
	s13 =	simm.s32 $0x3;
	s31 =	simm.s32 $0x8800  }
0x4: {  	s28 =	simm.s32 $0x1;
	s0 =	sand.u32 $0x1, s0;
	s1 =	sshll.u32 s1, $0x1  }
0x5: {  	s29 =	simm.s32 $0x2;
	[smem:$0x7FF] =	sst s3;
	s1 =	sor.u32 s0, s1  }
0x6: {  	s7 =	sadd.s32 $0x300, s2;
	s5 =	smul.u32 $0xA000, s1;
	s6 =	sshll.u32 s1, $0x8  }
0x7: {  	s8 =	sadd.s32 $0x400, s2;
	s1 =	smul.u32 $0x50000, s1;
	s6 =	sadd.s32 s6, s4  }
0x8: {  	_ =	strace $0x80000047;
	s4 =	sadd.s32 $0x3C00, s4;
	s6 =	sadd.s32 $0x1C00, s6  }
0x9: {  	s5 =	sadd.s32 s4, s5;
	s1 =	sshrl.u32 s1, $0x3;
	[dreg:$0x3] =	wrdreg s6  }
0xa: {  	[dreg:$0xd] =	wrdreg s5;
	s5 =	sadd.s32 $0x1000, s5;
	s1 =	sadd.s32 s4, s1  }
0xb: {  	s9 =	sadd.s32 $0x500, s2;
	[dreg:$0x4] =	wrdreg s5;
	s4 =	sadd.s32 $0x2000, s1  }
0xc: {  	s10 =	sadd.s32 $0x600, s2;
	s22 =	sadd.s32 $0x3000, s1;
	[dreg:$0x5] =	wrdreg s4  }
0xd: {  	s11 =	sadd.s32 $0x700, s2;
	s23 =	sadd.s32 $0x4000, s1;
	[dreg:$0x6] =	wrdreg s22  }
0xe: {  	s0 =	ssub.s32 $0x2, s0;
	s24 =	sadd.s32 $0x5000, s1;
	[dreg:$0x7] =	wrdreg s23  }
0xf: {  	s21 =	sshrl.u32 s0, $0x1;
	s25 =	sadd.s32 $0x6000, s1;
	[dreg:$0x8] =	wrdreg s24  }
0x10: {  	s0 =	ssub.s32 s0, s21;
	s26 =	sadd.s32 $0x7000, s1;
	[dreg:$0x9] =	wrdreg s25  }
0x11: {  	v2 =	vlaneseq.u32;
	s12 =	smax.u32 s0, $0x1;
	s30 =	sadd.s32 $0x8000, s1;
	[dreg:$0xa] =	wrdreg s26  }
0x12: {  	vm0 =	vmmov $0xffff;
	v1 =	vshrl.u32 v2, $0x3;
	s6 =	sadd.s32 $0x200, s2;
	s1 =	sadd.s32 $0x9000, s1;
	[dreg:$0xb] =	wrdreg s30  }
0x13: {  	v0 =	vand.u32 $0x7, v2;
	v2 =	vor.u32 $0x8, v2;
	v1 =	vmul.u32 $0x8, v1;
	s5 =	sadd.s32 $0x100, s2;
	[dreg:$0xc] =	wrdreg s1;
	s26 =	simm.s32 $0x800  }
.LBB2_1:
0x14: {  	s30 =	rddreg [dreg:$0x3]  }
0x15: {  	[tilespmem:s3], [sflag:$0x3] =	stream.linear.gather [hbm4b:s30+s3], $0x500, $0x38;
	[tilespmem:$0x10800] =	vst v63  }
0x16: {  	_ =	swait.ge [sflag:s13], $0x500  }
0x17: {  	[sflag:s13] =	ssyncset.done $0x0  }
0x18: {  	[sflag:s13] =	ssyncadd.s32 $0xFFFFFB00  }
0x19: {  	v3 =	vld [tilespmem:$0x0];
	_ =	sdelay $0x4  }
0x1a: {  	v4 =	vshll.u32 v3, $0x4  }
0x1b: {  	v3 =	vand.u32 $0x7, v3;
	v4 =	vand.u32 $0xFFFFFF80, v4  }
0x1c: {  	v3 =	vor.u32 v3, v4  }
0x1d: {  	v4 =	vperm.xlane v3, v0;
	_ =	sdelay $0x1  }
0x1e: {  	v4 =	vadd.s32 v1, v4;
	_ =	sdelay $0x4  }
0x1f: {  	[tilespmem:s26], [sflag:$0x1] =	stream.indirect_vreg.gather [hbm4b:s2+s3], $0x80, v4, vm0, $0xb8;
	[tilespmem:$0x10800] =	vst v63  }
0x20: {  	s0 =	simm.s32 $0x1000  }
0x21: {  	[tilespmem:s0], [sflag:$0x1] =	stream.indirect_vreg.gather [hbm4b:s5+s3], $0x80, v4, vm0, $0xb8;
	[tilespmem:$0x10800] =	vst v63  }
0x22: {  	s18 =	simm.s32 $0x1800  }
0x23: {  	[tilespmem:s18], [sflag:$0x1] =	stream.indirect_vreg.gather [hbm4b:s6+s3], $0x80, v4, vm0, $0xb8;
	[tilespmem:$0x10800] =	vst v63  }
0x24: {  	s19 =	simm.s32 $0x2000  }
0x25: {  	[tilespmem:s19], [sflag:$0x1] =	stream.indirect_vreg.gather [hbm4b:s7+s3], $0x80, v4, vm0, $0xb8;
	[tilespmem:$0x10800] =	vst v63  }
0x26: {  	s20 =	simm.s32 $0x2800  }
0x27: {  	[tilespmem:s20], [sflag:$0x1] =	stream.indirect_vreg.gather [hbm4b:s8+s3], $0x80, v4, vm0, $0xb8;
	[tilespmem:$0x10800] =	vst v63  }
0x28: {  	s21 =	simm.s32 $0x3000;
	v3 =	vperm.xlane v3, v2  }
0x29: {  	[tilespmem:s21], [sflag:$0x1] =	stream.indirect_vreg.gather [hbm4b:s9+s3], $0x80, v4, vm0, $0xb8;
	[tilespmem:$0x10800] =	vst v63  }
0x2a: {  	s22 =	simm.s32 $0x3800;
	v3 =	vadd.s32 v1, v3  }
0x2b: {  	[tilespmem:s22], [sflag:$0x1] =	stream.indirect_vreg.gather [hbm4b:s10+s3], $0x80, v4, vm0, $0xb8;
	[tilespmem:$0x10800] =	vst v63  }
0x2c: {  	s23 =	simm.s32 $0x4000  }
0x2d: {  	[tilespmem:s23], [sflag:$0x1] =	stream.indirect_vreg.gather [hbm4b:s11+s3], $0x80, v4, vm0, $0xb8;
	[tilespmem:$0x10800] =	vst v63  }
0x2e: {  	s24 =	simm.s32 $0x4800  }
0x2f: {  	[tilespmem:s24], [sflag:$0x1] =	stream.indirect_vreg.gather [hbm4b:s2+s3], $0x80, v3, vm0, $0xb8;
	[tilespmem:$0x10800] =	vst v63  }
0x30: {  	s25 =	simm.s32 $0x5000  }
0x31: {  	[tilespmem:s25], [sflag:$0x1] =	stream.indirect_vreg.gather [hbm4b:s5+s3], $0x80, v3, vm0, $0xb8;
	[tilespmem:$0x10800] =	vst v63  }
0x32: {  	s30 =	simm.s32 $0x5800  }
0x33: {  	[tilespmem:s30], [sflag:$0x1] =	stream.indirect_vreg.gather [hbm4b:s6+s3], $0x80, v3, vm0, $0xb8;
	[tilespmem:$0x10800] =	vst v63  }
0x34: {  	s1 =	simm.s32 $0x6000  }
0x35: {  	[tilespmem:s1], [sflag:$0x1] =	stream.indirect_vreg.gather [hbm4b:s7+s3], $0x80, v3, vm0, $0xb8;
	[tilespmem:$0x10800] =	vst v63  }
0x36: {  	s4 =	simm.s32 $0x6800  }
0x37: {  	[tilespmem:s4], [sflag:$0x1] =	stream.indirect_vreg.gather [hbm4b:s8+s3], $0x80, v3, vm0, $0xb8;
	[tilespmem:$0x10800] =	vst v63  }
0x38: {  	s16 =	simm.s32 $0x7000  }
0x39: {  	[tilespmem:s16], [sflag:$0x1] =	stream.indirect_vreg.gather [hbm4b:s9+s3], $0x80, v3, vm0, $0xb8;
	[tilespmem:$0x10800] =	vst v63  }
0x3a: {  	s17 =	simm.s32 $0x7800  }
0x3b: {  	[tilespmem:s17], [sflag:$0x1] =	stream.indirect_vreg.gather [hbm4b:s10+s3], $0x80, v3, vm0, $0xb8;
	[tilespmem:$0x10800] =	vst v63  }
0x3c: {  	s18 =	simm.s32 $0x8000  }
0x3d: {  	[tilespmem:s18], [sflag:$0x1] =	stream.indirect_vreg.gather [hbm4b:s11+s3], $0x80, v3, vm0, $0xb8;
	[tilespmem:$0x10800] =	vst v63  }
0x3e: {  	v3 =	vld [tilespmem:$0x80];
	_ =	sdelay $0x4  }
0x3f: {  	v55 =	vshll.u32 v3, $0x4  }
0x40: {  	v3 =	vand.u32 $0x7, v3;
	v4 =	vand.u32 $0xFFFFFF80, v55  }
0x41: {  	v3 =	vor.u32 v3, v4  }
0x42: {  	v4 =	vperm.xlane v3, v0;
	_ =	sdelay $0x1  }
0x43: {  	v4 =	vadd.s32 v1, v4;
	_ =	sdelay $0x4  }
0x44: {  	[tilespmem:s31], [sflag:$0x2] =	stream.indirect_vreg.gather [hbm4b:s2+s3], $0x80, v4, vm0, $0xb8;
	[tilespmem:$0x10800] =	vst v63  }
0x45: {  	s19 =	simm.s32 $0x9000  }
0x46: {  	[tilespmem:s19], [sflag:$0x2] =	stream.indirect_vreg.gather [hbm4b:s5+s3], $0x80, v4, vm0, $0xb8;
	[tilespmem:$0x10800] =	vst v63  }
0x47: {  	s20 =	simm.s32 $0x9800  }
0x48: {  	[tilespmem:s20], [sflag:$0x2] =	stream.indirect_vreg.gather [hbm4b:s6+s3], $0x80, v4, vm0, $0xb8;
	[tilespmem:$0x10800] =	vst v63  }
0x49: {  	s21 =	simm.s32 $0xA000  }
0x4a: {  	[tilespmem:s21], [sflag:$0x2] =	stream.indirect_vreg.gather [hbm4b:s7+s3], $0x80, v4, vm0, $0xb8;
	[tilespmem:$0x10800] =	vst v63  }
0x4b: {  	s22 =	simm.s32 $0xA800  }
0x4c: {  	[tilespmem:s22], [sflag:$0x2] =	stream.indirect_vreg.gather [hbm4b:s8+s3], $0x80, v4, vm0, $0xb8;
	[tilespmem:$0x10800] =	vst v63  }
0x4d: {  	s24 =	simm.s32 $0xB000;
	v3 =	vperm.xlane v3, v2  }
0x4e: {  	[tilespmem:s24], [sflag:$0x2] =	stream.indirect_vreg.gather [hbm4b:s9+s3], $0x80, v4, vm0, $0xb8;
	[tilespmem:$0x10800] =	vst v63  }
0x4f: {  	s25 =	simm.s32 $0xB800;
	v3 =	vadd.s32 v1, v3  }
0x50: {  	[tilespmem:s25], [sflag:$0x2] =	stream.indirect_vreg.gather [hbm4b:s10+s3], $0x80, v4, vm0, $0xb8;
	[tilespmem:$0x10800] =	vst v63  }
0x51: {  	s0 =	simm.s32 $0xC000  }
0x52: {  	[tilespmem:s0], [sflag:$0x2] =	stream.indirect_vreg.gather [hbm4b:s11+s3], $0x80, v4, vm0, $0xb8;
	[tilespmem:$0x10800] =	vst v63  }
0x53: {  	s1 =	simm.s32 $0xC800  }
0x54: {  	[tilespmem:s1], [sflag:$0x2] =	stream.indirect_vreg.gather [hbm4b:s2+s3], $0x80, v3, vm0, $0xb8;
	[tilespmem:$0x10800] =	vst v63  }
0x55: {  	s4 =	simm.s32 $0xD000  }
0x56: {  	[tilespmem:s4], [sflag:$0x2] =	stream.indirect_vreg.gather [hbm4b:s5+s3], $0x80, v3, vm0, $0xb8;
	[tilespmem:$0x10800] =	vst v63  }
0x57: {  	s16 =	simm.s32 $0xD800  }
0x58: {  	[tilespmem:s16], [sflag:$0x2] =	stream.indirect_vreg.gather [hbm4b:s6+s3], $0x80, v3, vm0, $0xb8;
	[tilespmem:$0x10800] =	vst v63  }
0x59: {  	s17 =	simm.s32 $0xE000  }
0x5a: {  	[tilespmem:s17], [sflag:$0x2] =	stream.indirect_vreg.gather [hbm4b:s7+s3], $0x80, v3, vm0, $0xb8;
	[tilespmem:$0x10800] =	vst v63  }
0x5b: {  	s18 =	simm.s32 $0xE800  }
0x5c: {  	[tilespmem:s18], [sflag:$0x2] =	stream.indirect_vreg.gather [hbm4b:s8+s3], $0x80, v3, vm0, $0xb8;
	[tilespmem:$0x10800] =	vst v63  }
0x5d: {  	s19 =	simm.s32 $0xF000  }
0x5e: {  	[tilespmem:s19], [sflag:$0x2] =	stream.indirect_vreg.gather [hbm4b:s9+s3], $0x80, v3, vm0, $0xb8;
	[tilespmem:$0x10800] =	vst v63  }
0x5f: {  	s20 =	simm.s32 $0xF800  }
0x60: {  	[tilespmem:s20], [sflag:$0x2] =	stream.indirect_vreg.gather [hbm4b:s10+s3], $0x80, v3, vm0, $0xb8;
	[tilespmem:$0x10800] =	vst v63  }
0x61: {  	s21 =	simm.s32 $0x10000  }
0x62: {  	[tilespmem:s21], [sflag:$0x2] =	stream.indirect_vreg.gather [hbm4b:s11+s3], $0x80, v3, vm0, $0xb8;
	[tilespmem:$0x10800] =	vst v63  }
0x63: {  	_ =	swait.ge [sflag:s28], $0x8000  }
0x64: {  	[sflag:s28] =	ssyncset.done $0x0  }
0x65: {  	s22 =	rddreg [dreg:$0xd];
	[sflag:s28] =	ssyncadd.s32 $0xFFFF8000  }
0x66: {  	[hbm4b:s22+s3] =	stream.linear.scatter [tilespmem:s26], [sflag:$0x3], $0x8000, $0x38;
	[tilespmem:$0x10800] =	vst v63  }
0x67: {  	_ =	swait.ge [sflag:s13], $0x8000  }
0x68: {  	[sflag:s13] =	ssyncset.done $0x0  }
0x69: {  	[sflag:s13] =	ssyncadd.s32 $0xFFFF8000  }
0x6a: {  	v3 =	vld [tilespmem:$0x100];
	_ =	sdelay $0x4  }
0x6b: {  	v56 =	vshll.u32 v3, $0x4  }
0x6c: {  	v3 =	vand.u32 $0x7, v3;
	v4 =	vand.u32 $0xFFFFFF80, v56  }
0x6d: {  	v3 =	vor.u32 v3, v4  }
0x6e: {  	v4 =	vperm.xlane v3, v0;
	_ =	sdelay $0x1  }
0x6f: {  	v4 =	vadd.s32 v1, v4;
	_ =	sdelay $0x4  }
0x70: {  	[tilespmem:s26], [sflag:$0x1] =	stream.indirect_vreg.gather [hbm4b:s2+s3], $0x80, v4, vm0, $0xb8;
	[tilespmem:$0x10800] =	vst v63  }
0x71: {  	s0 =	simm.s32 $0x1000  }
0x72: {  	[tilespmem:s0], [sflag:$0x1] =	stream.indirect_vreg.gather [hbm4b:s5+s3], $0x80, v4, vm0, $0xb8;
	[tilespmem:$0x10800] =	vst v63  }
0x73: {  	s1 =	simm.s32 $0x1800  }
0x74: {  	[tilespmem:s1], [sflag:$0x1] =	stream.indirect_vreg.gather [hbm4b:s6+s3], $0x80, v4, vm0, $0xb8;
	[tilespmem:$0x10800] =	vst v63  }
0x75: {  	s4 =	simm.s32 $0x2000  }
0x76: {  	[tilespmem:s4], [sflag:$0x1] =	stream.indirect_vreg.gather [hbm4b:s7+s3], $0x80, v4, vm0, $0xb8;
	[tilespmem:$0x10800] =	vst v63  }
0x77: {  	s14 =	simm.s32 $0x2800  }
0x78: {  	[tilespmem:s14], [sflag:$0x1] =	stream.indirect_vreg.gather [hbm4b:s8+s3], $0x80, v4, vm0, $0xb8;
	[tilespmem:$0x10800] =	vst v63  }
0x79: {  	s15 =	simm.s32 $0x3000;
	v3 =	vperm.xlane v3, v2  }
0x7a: {  	[tilespmem:s15], [sflag:$0x1] =	stream.indirect_vreg.gather [hbm4b:s9+s3], $0x80, v4, vm0, $0xb8;
	[tilespmem:$0x10800] =	vst v63  }
0x7b: {  	v3 =	vadd.s32 v1, v3;
	s14 =	simm.s32 $0x3800  }
0x7c: {  	[tilespmem:s14], [sflag:$0x1] =	stream.indirect_vreg.gather [hbm4b:s10+s3], $0x80, v4, vm0, $0xb8;
	[tilespmem:$0x10800] =	vst v63  }
0x7d: {  	s15 =	simm.s32 $0x4000  }
0x7e: {  	[tilespmem:s15], [sflag:$0x1] =	stream.indirect_vreg.gather [hbm4b:s11+s3], $0x80, v4, vm0, $0xb8;
	[tilespmem:$0x10800] =	vst v63  }
0x7f: {  	s16 =	simm.s32 $0x4800  }
0x80: {  	[tilespmem:s16], [sflag:$0x1] =	stream.indirect_vreg.gather [hbm4b:s2+s3], $0x80, v3, vm0, $0xb8;
	[tilespmem:$0x10800] =	vst v63  }
0x81: {  	s17 =	simm.s32 $0x5000  }
0x82: {  	[tilespmem:s17], [sflag:$0x1] =	stream.indirect_vreg.gather [hbm4b:s5+s3], $0x80, v3, vm0, $0xb8;
	[tilespmem:$0x10800] =	vst v63  }
0x83: {  	s18 =	simm.s32 $0x5800  }
0x84: {  	[tilespmem:s18], [sflag:$0x1] =	stream.indirect_vreg.gather [hbm4b:s6+s3], $0x80, v3, vm0, $0xb8;
	[tilespmem:$0x10800] =	vst v63  }
0x85: {  	s19 =	simm.s32 $0x6000  }
0x86: {  	[tilespmem:s19], [sflag:$0x1] =	stream.indirect_vreg.gather [hbm4b:s7+s3], $0x80, v3, vm0, $0xb8;
	[tilespmem:$0x10800] =	vst v63  }
0x87: {  	s20 =	simm.s32 $0x6800  }
0x88: {  	[tilespmem:s20], [sflag:$0x1] =	stream.indirect_vreg.gather [hbm4b:s8+s3], $0x80, v3, vm0, $0xb8;
	[tilespmem:$0x10800] =	vst v63  }
0x89: {  	s21 =	simm.s32 $0x7000  }
0x8a: {  	[tilespmem:s21], [sflag:$0x1] =	stream.indirect_vreg.gather [hbm4b:s9+s3], $0x80, v3, vm0, $0xb8;
	[tilespmem:$0x10800] =	vst v63  }
0x8b: {  	s22 =	simm.s32 $0x7800  }
0x8c: {  	[tilespmem:s22], [sflag:$0x1] =	stream.indirect_vreg.gather [hbm4b:s10+s3], $0x80, v3, vm0, $0xb8;
	[tilespmem:$0x10800] =	vst v63  }
0x8d: {  	s23 =	simm.s32 $0x8000  }
0x8e: {  	[tilespmem:s23], [sflag:$0x1] =	stream.indirect_vreg.gather [hbm4b:s11+s3], $0x80, v3, vm0, $0xb8;
	[tilespmem:$0x10800] =	vst v63  }
0x8f: {  	_ =	swait.ge [sflag:s29], $0x8000  }
0x90: {  	[sflag:s29] =	ssyncset.done $0x0  }
0x91: {  	s23 =	rddreg [dreg:$0x4];
	[sflag:s29] =	ssyncadd.s32 $0xFFFF8000  }
0x92: {  	[hbm4b:s23+s3] =	stream.linear.scatter [tilespmem:s31], [sflag:$0x3], $0x8000, $0x38;
	[tilespmem:$0x10800] =	vst v63  }
0x93: {  	_ =	swait.ge [sflag:s13], $0x8000  }
0x94: {  	[sflag:s13] =	ssyncset.done $0x0  }
0x95: {  	[sflag:s13] =	ssyncadd.s32 $0xFFFF8000  }
0x96: {  	v3 =	vld [tilespmem:$0x180];
	_ =	sdelay $0x4  }
0x97: {  	v57 =	vshll.u32 v3, $0x4  }
0x98: {  	v3 =	vand.u32 $0x7, v3;
	v4 =	vand.u32 $0xFFFFFF80, v57  }
0x99: {  	v3 =	vor.u32 v3, v4  }
0x9a: {  	v4 =	vperm.xlane v3, v0;
	_ =	sdelay $0x1  }
0x9b: {  	v4 =	vadd.s32 v1, v4;
	_ =	sdelay $0x4  }
0x9c: {  	[tilespmem:s31], [sflag:$0x2] =	stream.indirect_vreg.gather [hbm4b:s2+s3], $0x80, v4, vm0, $0xb8;
	[tilespmem:$0x10800] =	vst v63  }
0x9d: {  	s30 =	simm.s32 $0x9000  }
0x9e: {  	[tilespmem:s30], [sflag:$0x2] =	stream.indirect_vreg.gather [hbm4b:s5+s3], $0x80, v4, vm0, $0xb8;
	[tilespmem:$0x10800] =	vst v63  }
0x9f: {  	s30 =	simm.s32 $0x9800  }
0xa0: {  	[tilespmem:s30], [sflag:$0x2] =	stream.indirect_vreg.gather [hbm4b:s6+s3], $0x80, v4, vm0, $0xb8;
	[tilespmem:$0x10800] =	vst v63  }
0xa1: {  	s30 =	simm.s32 $0xA000  }
0xa2: {  	[tilespmem:s30], [sflag:$0x2] =	stream.indirect_vreg.gather [hbm4b:s7+s3], $0x80, v4, vm0, $0xb8;
	[tilespmem:$0x10800] =	vst v63  }
0xa3: {  	s30 =	simm.s32 $0xA800  }
0xa4: {  	[tilespmem:s30], [sflag:$0x2] =	stream.indirect_vreg.gather [hbm4b:s8+s3], $0x80, v4, vm0, $0xb8;
	[tilespmem:$0x10800] =	vst v63  }
0xa5: {  	s24 =	simm.s32 $0xB000;
	v3 =	vperm.xlane v3, v2  }
0xa6: {  	[tilespmem:s24], [sflag:$0x2] =	stream.indirect_vreg.gather [hbm4b:s9+s3], $0x80, v4, vm0, $0xb8;
	[tilespmem:$0x10800] =	vst v63  }
0xa7: {  	v3 =	vadd.s32 v1, v3;
	s30 =	simm.s32 $0xB800  }
0xa8: {  	[tilespmem:s30], [sflag:$0x2] =	stream.indirect_vreg.gather [hbm4b:s10+s3], $0x80, v4, vm0, $0xb8;
	[tilespmem:$0x10800] =	vst v63  }
0xa9: {  	s30 =	simm.s32 $0xC000  }
0xaa: {  	[tilespmem:s30], [sflag:$0x2] =	stream.indirect_vreg.gather [hbm4b:s11+s3], $0x80, v4, vm0, $0xb8;
	[tilespmem:$0x10800] =	vst v63  }
0xab: {  	s30 =	simm.s32 $0xC800  }
0xac: {  	[tilespmem:s30], [sflag:$0x2] =	stream.indirect_vreg.gather [hbm4b:s2+s3], $0x80, v3, vm0, $0xb8;
	[tilespmem:$0x10800] =	vst v63  }
0xad: {  	s30 =	simm.s32 $0xD000  }
0xae: {  	[tilespmem:s30], [sflag:$0x2] =	stream.indirect_vreg.gather [hbm4b:s5+s3], $0x80, v3, vm0, $0xb8;
	[tilespmem:$0x10800] =	vst v63  }
0xaf: {  	s30 =	simm.s32 $0xD800  }
0xb0: {  	[tilespmem:s30], [sflag:$0x2] =	stream.indirect_vreg.gather [hbm4b:s6+s3], $0x80, v3, vm0, $0xb8;
	[tilespmem:$0x10800] =	vst v63  }
0xb1: {  	s30 =	simm.s32 $0xE000  }
0xb2: {  	[tilespmem:s30], [sflag:$0x2] =	stream.indirect_vreg.gather [hbm4b:s7+s3], $0x80, v3, vm0, $0xb8;
	[tilespmem:$0x10800] =	vst v63  }
0xb3: {  	s30 =	simm.s32 $0xE800  }
0xb4: {  	[tilespmem:s30], [sflag:$0x2] =	stream.indirect_vreg.gather [hbm4b:s8+s3], $0x80, v3, vm0, $0xb8;
	[tilespmem:$0x10800] =	vst v63  }
0xb5: {  	s30 =	simm.s32 $0xF000  }
0xb6: {  	[tilespmem:s30], [sflag:$0x2] =	stream.indirect_vreg.gather [hbm4b:s9+s3], $0x80, v3, vm0, $0xb8;
	[tilespmem:$0x10800] =	vst v63  }
0xb7: {  	s30 =	simm.s32 $0xF800  }
0xb8: {  	[tilespmem:s30], [sflag:$0x2] =	stream.indirect_vreg.gather [hbm4b:s10+s3], $0x80, v3, vm0, $0xb8;
	[tilespmem:$0x10800] =	vst v63  }
0xb9: {  	s25 =	simm.s32 $0x10000  }
0xba: {  	[tilespmem:s25], [sflag:$0x2] =	stream.indirect_vreg.gather [hbm4b:s11+s3], $0x80, v3, vm0, $0xb8;
	[tilespmem:$0x10800] =	vst v63  }
0xbb: {  	_ =	swait.ge [sflag:s28], $0x8000  }
0xbc: {  	[sflag:s28] =	ssyncset.done $0x0  }
0xbd: {  	s30 =	rddreg [dreg:$0x5];
	[sflag:s28] =	ssyncadd.s32 $0xFFFF8000  }
0xbe: {  	[hbm4b:s30+s3] =	stream.linear.scatter [tilespmem:s26], [sflag:$0x3], $0x8000, $0x38;
	[tilespmem:$0x10800] =	vst v63  }
0xbf: {  	_ =	swait.ge [sflag:s13], $0x8000  }
0xc0: {  	[sflag:s13] =	ssyncset.done $0x0  }
0xc1: {  	[sflag:s13] =	ssyncadd.s32 $0xFFFF8000  }
0xc2: {  	v3 =	vld [tilespmem:$0x200];
	_ =	sdelay $0x4  }
0xc3: {  	v58 =	vshll.u32 v3, $0x4  }
0xc4: {  	v3 =	vand.u32 $0x7, v3;
	v4 =	vand.u32 $0xFFFFFF80, v58  }
0xc5: {  	v3 =	vor.u32 v3, v4  }
0xc6: {  	v4 =	vperm.xlane v3, v0;
	_ =	sdelay $0x1  }
0xc7: {  	v4 =	vadd.s32 v1, v4;
	_ =	sdelay $0x4  }
0xc8: {  	[tilespmem:s26], [sflag:$0x1] =	stream.indirect_vreg.gather [hbm4b:s2+s3], $0x80, v4, vm0, $0xb8;
	[tilespmem:$0x10800] =	vst v63  }
0xc9: {  	_ = 	snop  }
0xca: {  	[tilespmem:s0], [sflag:$0x1] =	stream.indirect_vreg.gather [hbm4b:s5+s3], $0x80, v4, vm0, $0xb8;
	[tilespmem:$0x10800] =	vst v63  }
0xcb: {  	_ = 	snop  }
0xcc: {  	[tilespmem:s1], [sflag:$0x1] =	stream.indirect_vreg.gather [hbm4b:s6+s3], $0x80, v4, vm0, $0xb8;
	[tilespmem:$0x10800] =	vst v63  }
0xcd: {  	_ = 	snop  }
0xce: {  	[tilespmem:s4], [sflag:$0x1] =	stream.indirect_vreg.gather [hbm4b:s7+s3], $0x80, v4, vm0, $0xb8;
	[tilespmem:$0x10800] =	vst v63  }
0xcf: {  	s30 =	simm.s32 $0x2800  }
0xd0: {  	[tilespmem:s30], [sflag:$0x1] =	stream.indirect_vreg.gather [hbm4b:s8+s3], $0x80, v4, vm0, $0xb8;
	[tilespmem:$0x10800] =	vst v63  }
0xd1: {  	v3 =	vperm.xlane v3, v2;
	s30 =	simm.s32 $0x3000  }
0xd2: {  	[tilespmem:s30], [sflag:$0x1] =	stream.indirect_vreg.gather [hbm4b:s9+s3], $0x80, v4, vm0, $0xb8;
	[tilespmem:$0x10800] =	vst v63  }
0xd3: {  	v3 =	vadd.s32 v1, v3  }
0xd4: {  	[tilespmem:s14], [sflag:$0x1] =	stream.indirect_vreg.gather [hbm4b:s10+s3], $0x80, v4, vm0, $0xb8;
	[tilespmem:$0x10800] =	vst v63  }
0xd5: {  	_ = 	snop  }
0xd6: {  	[tilespmem:s15], [sflag:$0x1] =	stream.indirect_vreg.gather [hbm4b:s11+s3], $0x80, v4, vm0, $0xb8;
	[tilespmem:$0x10800] =	vst v63  }
0xd7: {  	_ = 	snop  }
0xd8: {  	[tilespmem:s16], [sflag:$0x1] =	stream.indirect_vreg.gather [hbm4b:s2+s3], $0x80, v3, vm0, $0xb8;
	[tilespmem:$0x10800] =	vst v63  }
0xd9: {  	_ = 	snop  }
0xda: {  	[tilespmem:s17], [sflag:$0x1] =	stream.indirect_vreg.gather [hbm4b:s5+s3], $0x80, v3, vm0, $0xb8;
	[tilespmem:$0x10800] =	vst v63  }
0xdb: {  	_ = 	snop  }
0xdc: {  	[tilespmem:s18], [sflag:$0x1] =	stream.indirect_vreg.gather [hbm4b:s6+s3], $0x80, v3, vm0, $0xb8;
	[tilespmem:$0x10800] =	vst v63  }
0xdd: {  	_ = 	snop  }
0xde: {  	[tilespmem:s19], [sflag:$0x1] =	stream.indirect_vreg.gather [hbm4b:s7+s3], $0x80, v3, vm0, $0xb8;
	[tilespmem:$0x10800] =	vst v63  }
0xdf: {  	_ = 	snop  }
0xe0: {  	[tilespmem:s20], [sflag:$0x1] =	stream.indirect_vreg.gather [hbm4b:s8+s3], $0x80, v3, vm0, $0xb8;
	[tilespmem:$0x10800] =	vst v63  }
0xe1: {  	_ = 	snop  }
0xe2: {  	[tilespmem:s21], [sflag:$0x1] =	stream.indirect_vreg.gather [hbm4b:s9+s3], $0x80, v3, vm0, $0xb8;
	[tilespmem:$0x10800] =	vst v63  }
0xe3: {  	_ = 	snop  }
0xe4: {  	[tilespmem:s22], [sflag:$0x1] =	stream.indirect_vreg.gather [hbm4b:s10+s3], $0x80, v3, vm0, $0xb8;
	[tilespmem:$0x10800] =	vst v63  }
0xe5: {  	s30 =	simm.s32 $0x8000  }
0xe6: {  	[tilespmem:s30], [sflag:$0x1] =	stream.indirect_vreg.gather [hbm4b:s11+s3], $0x80, v3, vm0, $0xb8;
	[tilespmem:$0x10800] =	vst v63  }
0xe7: {  	_ =	swait.ge [sflag:s29], $0x8000  }
0xe8: {  	[sflag:s29] =	ssyncset.done $0x0  }
0xe9: {  	s30 =	rddreg [dreg:$0x6];
	[sflag:s29] =	ssyncadd.s32 $0xFFFF8000  }
0xea: {  	[hbm4b:s30+s3] =	stream.linear.scatter [tilespmem:s31], [sflag:$0x3], $0x8000, $0x38;
	[tilespmem:$0x10800] =	vst v63  }
0xeb: {  	_ =	swait.ge [sflag:s13], $0x8000  }
0xec: {  	[sflag:s13] =	ssyncset.done $0x0  }
0xed: {  	[sflag:s13] =	ssyncadd.s32 $0xFFFF8000  }
0xee: {  	v3 =	vld [tilespmem:$0x280];
	_ =	sdelay $0x4  }
0xef: {  	v59 =	vshll.u32 v3, $0x4  }
0xf0: {  	v3 =	vand.u32 $0x7, v3;
	v4 =	vand.u32 $0xFFFFFF80, v59  }
0xf1: {  	v3 =	vor.u32 v3, v4  }
0xf2: {  	v4 =	vperm.xlane v3, v0;
	_ =	sdelay $0x1  }
0xf3: {  	v4 =	vadd.s32 v1, v4;
	_ =	sdelay $0x4  }
0xf4: {  	[tilespmem:s31], [sflag:$0x2] =	stream.indirect_vreg.gather [hbm4b:s2+s3], $0x80, v4, vm0, $0xb8;
	[tilespmem:$0x10800] =	vst v63  }
0xf5: {  	s23 =	simm.s32 $0x9000  }
0xf6: {  	[tilespmem:s23], [sflag:$0x2] =	stream.indirect_vreg.gather [hbm4b:s5+s3], $0x80, v4, vm0, $0xb8;
	[tilespmem:$0x10800] =	vst v63  }
0xf7: {  	s30 =	simm.s32 $0x9800  }
0xf8: {  	[tilespmem:s30], [sflag:$0x2] =	stream.indirect_vreg.gather [hbm4b:s6+s3], $0x80, v4, vm0, $0xb8;
	[tilespmem:$0x10800] =	vst v63  }
0xf9: {  	s30 =	simm.s32 $0xA000  }
0xfa: {  	[tilespmem:s30], [sflag:$0x2] =	stream.indirect_vreg.gather [hbm4b:s7+s3], $0x80, v4, vm0, $0xb8;
	[tilespmem:$0x10800] =	vst v63  }
0xfb: {  	s30 =	simm.s32 $0xA800  }
0xfc: {  	[tilespmem:s30], [sflag:$0x2] =	stream.indirect_vreg.gather [hbm4b:s8+s3], $0x80, v4, vm0, $0xb8;
	[tilespmem:$0x10800] =	vst v63  }
0xfd: {  	v3 =	vperm.xlane v3, v2;
	s30 =	simm.s32 $0xB000  }
0xfe: {  	[tilespmem:s30], [sflag:$0x2] =	stream.indirect_vreg.gather [hbm4b:s9+s3], $0x80, v4, vm0, $0xb8;
	[tilespmem:$0x10800] =	vst v63  }
0xff: {  	s24 =	simm.s32 $0xB800;
	v3 =	vadd.s32 v1, v3  }
0x100: {  	[tilespmem:s24], [sflag:$0x2] =	stream.indirect_vreg.gather [hbm4b:s10+s3], $0x80, v4, vm0, $0xb8;
	[tilespmem:$0x10800] =	vst v63  }
0x101: {  	s30 =	simm.s32 $0xC000  }
0x102: {  	[tilespmem:s30], [sflag:$0x2] =	stream.indirect_vreg.gather [hbm4b:s11+s3], $0x80, v4, vm0, $0xb8;
	[tilespmem:$0x10800] =	vst v63  }
0x103: {  	s30 =	simm.s32 $0xC800  }
0x104: {  	[tilespmem:s30], [sflag:$0x2] =	stream.indirect_vreg.gather [hbm4b:s2+s3], $0x80, v3, vm0, $0xb8;
	[tilespmem:$0x10800] =	vst v63  }
0x105: {  	s30 =	simm.s32 $0xD000  }
0x106: {  	[tilespmem:s30], [sflag:$0x2] =	stream.indirect_vreg.gather [hbm4b:s5+s3], $0x80, v3, vm0, $0xb8;
	[tilespmem:$0x10800] =	vst v63  }
0x107: {  	s30 =	simm.s32 $0xD800  }
0x108: {  	[tilespmem:s30], [sflag:$0x2] =	stream.indirect_vreg.gather [hbm4b:s6+s3], $0x80, v3, vm0, $0xb8;
	[tilespmem:$0x10800] =	vst v63  }
0x109: {  	s30 =	simm.s32 $0xE000  }
0x10a: {  	[tilespmem:s30], [sflag:$0x2] =	stream.indirect_vreg.gather [hbm4b:s7+s3], $0x80, v3, vm0, $0xb8;
	[tilespmem:$0x10800] =	vst v63  }
0x10b: {  	s30 =	simm.s32 $0xE800  }
0x10c: {  	[tilespmem:s30], [sflag:$0x2] =	stream.indirect_vreg.gather [hbm4b:s8+s3], $0x80, v3, vm0, $0xb8;
	[tilespmem:$0x10800] =	vst v63  }
0x10d: {  	s30 =	simm.s32 $0xF000  }
0x10e: {  	[tilespmem:s30], [sflag:$0x2] =	stream.indirect_vreg.gather [hbm4b:s9+s3], $0x80, v3, vm0, $0xb8;
	[tilespmem:$0x10800] =	vst v63  }
0x10f: {  	s30 =	simm.s32 $0xF800  }
0x110: {  	[tilespmem:s30], [sflag:$0x2] =	stream.indirect_vreg.gather [hbm4b:s10+s3], $0x80, v3, vm0, $0xb8;
	[tilespmem:$0x10800] =	vst v63  }
0x111: {  	s25 =	simm.s32 $0x10000  }
0x112: {  	[tilespmem:s25], [sflag:$0x2] =	stream.indirect_vreg.gather [hbm4b:s11+s3], $0x80, v3, vm0, $0xb8;
	[tilespmem:$0x10800] =	vst v63  }
0x113: {  	_ =	swait.ge [sflag:s28], $0x8000  }
0x114: {  	[sflag:s28] =	ssyncset.done $0x0  }
0x115: {  	s25 =	rddreg [dreg:$0x7];
	[sflag:s28] =	ssyncadd.s32 $0xFFFF8000  }
0x116: {  	[hbm4b:s25+s3] =	stream.linear.scatter [tilespmem:s26], [sflag:$0x3], $0x8000, $0x38;
	[tilespmem:$0x10800] =	vst v63  }
0x117: {  	_ =	swait.ge [sflag:s13], $0x8000  }
0x118: {  	[sflag:s13] =	ssyncset.done $0x0  }
0x119: {  	[sflag:s13] =	ssyncadd.s32 $0xFFFF8000  }
0x11a: {  	v3 =	vld [tilespmem:$0x300];
	_ =	sdelay $0x4  }
0x11b: {  	v60 =	vshll.u32 v3, $0x4  }
0x11c: {  	v3 =	vand.u32 $0x7, v3;
	v4 =	vand.u32 $0xFFFFFF80, v60  }
0x11d: {  	v3 =	vor.u32 v3, v4  }
0x11e: {  	v4 =	vperm.xlane v3, v0;
	_ =	sdelay $0x1  }
0x11f: {  	v4 =	vadd.s32 v1, v4;
	_ =	sdelay $0x4  }
0x120: {  	[tilespmem:s26], [sflag:$0x1] =	stream.indirect_vreg.gather [hbm4b:s2+s3], $0x80, v4, vm0, $0xb8;
	[tilespmem:$0x10800] =	vst v63  }
0x121: {  	s0 =	simm.s32 $0x1000  }
0x122: {  	[tilespmem:s0], [sflag:$0x1] =	stream.indirect_vreg.gather [hbm4b:s5+s3], $0x80, v4, vm0, $0xb8;
	[tilespmem:$0x10800] =	vst v63  }
0x123: {  	s1 =	simm.s32 $0x1800  }
0x124: {  	[tilespmem:s1], [sflag:$0x1] =	stream.indirect_vreg.gather [hbm4b:s6+s3], $0x80, v4, vm0, $0xb8;
	[tilespmem:$0x10800] =	vst v63  }
0x125: {  	s4 =	simm.s32 $0x2000  }
0x126: {  	[tilespmem:s4], [sflag:$0x1] =	stream.indirect_vreg.gather [hbm4b:s7+s3], $0x80, v4, vm0, $0xb8;
	[tilespmem:$0x10800] =	vst v63  }
0x127: {  	s30 =	simm.s32 $0x2800  }
0x128: {  	[tilespmem:s30], [sflag:$0x1] =	stream.indirect_vreg.gather [hbm4b:s8+s3], $0x80, v4, vm0, $0xb8;
	[tilespmem:$0x10800] =	vst v63  }
0x129: {  	s24 =	simm.s32 $0x3000;
	v3 =	vperm.xlane v3, v2  }
0x12a: {  	[tilespmem:s24], [sflag:$0x1] =	stream.indirect_vreg.gather [hbm4b:s9+s3], $0x80, v4, vm0, $0xb8;
	[tilespmem:$0x10800] =	vst v63  }
0x12b: {  	s14 =	simm.s32 $0x3800;
	v3 =	vadd.s32 v1, v3  }
0x12c: {  	[tilespmem:s14], [sflag:$0x1] =	stream.indirect_vreg.gather [hbm4b:s10+s3], $0x80, v4, vm0, $0xb8;
	[tilespmem:$0x10800] =	vst v63  }
0x12d: {  	s15 =	simm.s32 $0x4000  }
0x12e: {  	[tilespmem:s15], [sflag:$0x1] =	stream.indirect_vreg.gather [hbm4b:s11+s3], $0x80, v4, vm0, $0xb8;
	[tilespmem:$0x10800] =	vst v63  }
0x12f: {  	s16 =	simm.s32 $0x4800  }
0x130: {  	[tilespmem:s16], [sflag:$0x1] =	stream.indirect_vreg.gather [hbm4b:s2+s3], $0x80, v3, vm0, $0xb8;
	[tilespmem:$0x10800] =	vst v63  }
0x131: {  	s17 =	simm.s32 $0x5000  }
0x132: {  	[tilespmem:s17], [sflag:$0x1] =	stream.indirect_vreg.gather [hbm4b:s5+s3], $0x80, v3, vm0, $0xb8;
	[tilespmem:$0x10800] =	vst v63  }
0x133: {  	s18 =	simm.s32 $0x5800  }
0x134: {  	[tilespmem:s18], [sflag:$0x1] =	stream.indirect_vreg.gather [hbm4b:s6+s3], $0x80, v3, vm0, $0xb8;
	[tilespmem:$0x10800] =	vst v63  }
0x135: {  	s19 =	simm.s32 $0x6000  }
0x136: {  	[tilespmem:s19], [sflag:$0x1] =	stream.indirect_vreg.gather [hbm4b:s7+s3], $0x80, v3, vm0, $0xb8;
	[tilespmem:$0x10800] =	vst v63  }
0x137: {  	s20 =	simm.s32 $0x6800  }
0x138: {  	[tilespmem:s20], [sflag:$0x1] =	stream.indirect_vreg.gather [hbm4b:s8+s3], $0x80, v3, vm0, $0xb8;
	[tilespmem:$0x10800] =	vst v63  }
0x139: {  	s21 =	simm.s32 $0x7000  }
0x13a: {  	[tilespmem:s21], [sflag:$0x1] =	stream.indirect_vreg.gather [hbm4b:s9+s3], $0x80, v3, vm0, $0xb8;
	[tilespmem:$0x10800] =	vst v63  }
0x13b: {  	s22 =	simm.s32 $0x7800  }
0x13c: {  	[tilespmem:s22], [sflag:$0x1] =	stream.indirect_vreg.gather [hbm4b:s10+s3], $0x80, v3, vm0, $0xb8;
	[tilespmem:$0x10800] =	vst v63  }
0x13d: {  	s30 =	simm.s32 $0x8000  }
0x13e: {  	[tilespmem:s30], [sflag:$0x1] =	stream.indirect_vreg.gather [hbm4b:s11+s3], $0x80, v3, vm0, $0xb8;
	[tilespmem:$0x10800] =	vst v63  }
0x13f: {  	_ =	swait.ge [sflag:s29], $0x8000  }
0x140: {  	[sflag:s29] =	ssyncset.done $0x0  }
0x141: {  	s22 =	rddreg [dreg:$0x8];
	[sflag:s29] =	ssyncadd.s32 $0xFFFF8000  }
0x142: {  	[hbm4b:s22+s3] =	stream.linear.scatter [tilespmem:s31], [sflag:$0x3], $0x8000, $0x38;
	[tilespmem:$0x10800] =	vst v63  }
0x143: {  	_ =	swait.ge [sflag:s13], $0x8000  }
0x144: {  	[sflag:s13] =	ssyncset.done $0x0  }
0x145: {  	[sflag:s13] =	ssyncadd.s32 $0xFFFF8000  }
0x146: {  	v3 =	vld [tilespmem:$0x380];
	_ =	sdelay $0x4  }
0x147: {  	v61 =	vshll.u32 v3, $0x4  }
0x148: {  	v3 =	vand.u32 $0x7, v3;
	v4 =	vand.u32 $0xFFFFFF80, v61  }
0x149: {  	v3 =	vor.u32 v3, v4  }
0x14a: {  	v4 =	vperm.xlane v3, v0;
	_ =	sdelay $0x1  }
0x14b: {  	v4 =	vadd.s32 v1, v4;
	_ =	sdelay $0x4  }
0x14c: {  	[tilespmem:s31], [sflag:$0x2] =	stream.indirect_vreg.gather [hbm4b:s2+s3], $0x80, v4, vm0, $0xb8;
	[tilespmem:$0x10800] =	vst v63  }
0x14d: {  	s23 =	simm.s32 $0x9000  }
0x14e: {  	[tilespmem:s23], [sflag:$0x2] =	stream.indirect_vreg.gather [hbm4b:s5+s3], $0x80, v4, vm0, $0xb8;
	[tilespmem:$0x10800] =	vst v63  }
0x14f: {  	s24 =	simm.s32 $0x9800  }
0x150: {  	[tilespmem:s24], [sflag:$0x2] =	stream.indirect_vreg.gather [hbm4b:s6+s3], $0x80, v4, vm0, $0xb8;
	[tilespmem:$0x10800] =	vst v63  }
0x151: {  	s30 =	simm.s32 $0xA000  }
0x152: {  	[tilespmem:s30], [sflag:$0x2] =	stream.indirect_vreg.gather [hbm4b:s7+s3], $0x80, v4, vm0, $0xb8;
	[tilespmem:$0x10800] =	vst v63  }
0x153: {  	s30 =	simm.s32 $0xA800  }
0x154: {  	[tilespmem:s30], [sflag:$0x2] =	stream.indirect_vreg.gather [hbm4b:s8+s3], $0x80, v4, vm0, $0xb8;
	[tilespmem:$0x10800] =	vst v63  }
0x155: {  	v3 =	vperm.xlane v3, v2;
	s30 =	simm.s32 $0xB000  }
0x156: {  	[tilespmem:s30], [sflag:$0x2] =	stream.indirect_vreg.gather [hbm4b:s9+s3], $0x80, v4, vm0, $0xb8;
	[tilespmem:$0x10800] =	vst v63  }
0x157: {  	v3 =	vadd.s32 v1, v3;
	s30 =	simm.s32 $0xB800  }
0x158: {  	[tilespmem:s30], [sflag:$0x2] =	stream.indirect_vreg.gather [hbm4b:s10+s3], $0x80, v4, vm0, $0xb8;
	[tilespmem:$0x10800] =	vst v63  }
0x159: {  	s30 =	simm.s32 $0xC000  }
0x15a: {  	[tilespmem:s30], [sflag:$0x2] =	stream.indirect_vreg.gather [hbm4b:s11+s3], $0x80, v4, vm0, $0xb8;
	[tilespmem:$0x10800] =	vst v63  }
0x15b: {  	s30 =	simm.s32 $0xC800  }
0x15c: {  	[tilespmem:s30], [sflag:$0x2] =	stream.indirect_vreg.gather [hbm4b:s2+s3], $0x80, v3, vm0, $0xb8;
	[tilespmem:$0x10800] =	vst v63  }
0x15d: {  	s30 =	simm.s32 $0xD000  }
0x15e: {  	[tilespmem:s30], [sflag:$0x2] =	stream.indirect_vreg.gather [hbm4b:s5+s3], $0x80, v3, vm0, $0xb8;
	[tilespmem:$0x10800] =	vst v63  }
0x15f: {  	s30 =	simm.s32 $0xD800  }
0x160: {  	[tilespmem:s30], [sflag:$0x2] =	stream.indirect_vreg.gather [hbm4b:s6+s3], $0x80, v3, vm0, $0xb8;
	[tilespmem:$0x10800] =	vst v63  }
0x161: {  	s30 =	simm.s32 $0xE000  }
0x162: {  	[tilespmem:s30], [sflag:$0x2] =	stream.indirect_vreg.gather [hbm4b:s7+s3], $0x80, v3, vm0, $0xb8;
	[tilespmem:$0x10800] =	vst v63  }
0x163: {  	s30 =	simm.s32 $0xE800  }
0x164: {  	[tilespmem:s30], [sflag:$0x2] =	stream.indirect_vreg.gather [hbm4b:s8+s3], $0x80, v3, vm0, $0xb8;
	[tilespmem:$0x10800] =	vst v63  }
0x165: {  	s30 =	simm.s32 $0xF000  }
0x166: {  	[tilespmem:s30], [sflag:$0x2] =	stream.indirect_vreg.gather [hbm4b:s9+s3], $0x80, v3, vm0, $0xb8;
	[tilespmem:$0x10800] =	vst v63  }
0x167: {  	s30 =	simm.s32 $0xF800  }
0x168: {  	[tilespmem:s30], [sflag:$0x2] =	stream.indirect_vreg.gather [hbm4b:s10+s3], $0x80, v3, vm0, $0xb8;
	[tilespmem:$0x10800] =	vst v63  }
0x169: {  	s30 =	simm.s32 $0x10000  }
0x16a: {  	[tilespmem:s30], [sflag:$0x2] =	stream.indirect_vreg.gather [hbm4b:s11+s3], $0x80, v3, vm0, $0xb8;
	[tilespmem:$0x10800] =	vst v63  }
0x16b: {  	_ =	swait.ge [sflag:s28], $0x8000  }
0x16c: {  	[sflag:s28] =	ssyncset.done $0x0  }
0x16d: {  	s30 =	rddreg [dreg:$0x9];
	[sflag:s28] =	ssyncadd.s32 $0xFFFF8000  }
0x16e: {  	[hbm4b:s30+s3] =	stream.linear.scatter [tilespmem:s26], [sflag:$0x3], $0x8000, $0x38;
	[tilespmem:$0x10800] =	vst v63  }
0x16f: {  	_ =	swait.ge [sflag:s13], $0x8000  }
0x170: {  	[sflag:s13] =	ssyncset.done $0x0  }
0x171: {  	[sflag:s13] =	ssyncadd.s32 $0xFFFF8000  }
0x172: {  	v3 =	vld [tilespmem:$0x400];
	_ =	sdelay $0x4  }
0x173: {  	v62 =	vshll.u32 v3, $0x4  }
0x174: {  	v3 =	vand.u32 $0x7, v3;
	v4 =	vand.u32 $0xFFFFFF80, v62  }
0x175: {  	v3 =	vor.u32 v3, v4  }
0x176: {  	v4 =	vperm.xlane v3, v0;
	_ =	sdelay $0x1  }
0x177: {  	v4 =	vadd.s32 v1, v4;
	_ =	sdelay $0x4  }
0x178: {  	[tilespmem:s26], [sflag:$0x1] =	stream.indirect_vreg.gather [hbm4b:s2+s3], $0x80, v4, vm0, $0xb8;
	[tilespmem:$0x10800] =	vst v63  }
0x179: {  	s25 =	simm.s32 $0x1000  }
0x17a: {  	[tilespmem:s25], [sflag:$0x1] =	stream.indirect_vreg.gather [hbm4b:s5+s3], $0x80, v4, vm0, $0xb8;
	[tilespmem:$0x10800] =	vst v63  }
0x17b: {  	s0 =	simm.s32 $0x1800  }
0x17c: {  	[tilespmem:s0], [sflag:$0x1] =	stream.indirect_vreg.gather [hbm4b:s6+s3], $0x80, v4, vm0, $0xb8;
	[tilespmem:$0x10800] =	vst v63  }
0x17d: {  	s1 =	simm.s32 $0x2000  }
0x17e: {  	[tilespmem:s1], [sflag:$0x1] =	stream.indirect_vreg.gather [hbm4b:s7+s3], $0x80, v4, vm0, $0xb8;
	[tilespmem:$0x10800] =	vst v63  }
0x17f: {  	s1 =	simm.s32 $0x2800  }
0x180: {  	[tilespmem:s1], [sflag:$0x1] =	stream.indirect_vreg.gather [hbm4b:s8+s3], $0x80, v4, vm0, $0xb8;
	[tilespmem:$0x10800] =	vst v63  }
0x181: {  	v3 =	vperm.xlane v3, v2;
	s25 =	simm.s32 $0x3000  }
0x182: {  	[tilespmem:s25], [sflag:$0x1] =	stream.indirect_vreg.gather [hbm4b:s9+s3], $0x80, v4, vm0, $0xb8;
	[tilespmem:$0x10800] =	vst v63  }
0x183: {  	s4 =	simm.s32 $0x3800;
	v3 =	vadd.s32 v1, v3  }
0x184: {  	[tilespmem:s4], [sflag:$0x1] =	stream.indirect_vreg.gather [hbm4b:s10+s3], $0x80, v4, vm0, $0xb8;
	[tilespmem:$0x10800] =	vst v63  }
0x185: {  	s14 =	simm.s32 $0x4000  }
0x186: {  	[tilespmem:s14], [sflag:$0x1] =	stream.indirect_vreg.gather [hbm4b:s11+s3], $0x80, v4, vm0, $0xb8;
	[tilespmem:$0x10800] =	vst v63  }
0x187: {  	s15 =	simm.s32 $0x4800  }
0x188: {  	[tilespmem:s15], [sflag:$0x1] =	stream.indirect_vreg.gather [hbm4b:s2+s3], $0x80, v3, vm0, $0xb8;
	[tilespmem:$0x10800] =	vst v63  }
0x189: {  	s16 =	simm.s32 $0x5000  }
0x18a: {  	[tilespmem:s16], [sflag:$0x1] =	stream.indirect_vreg.gather [hbm4b:s5+s3], $0x80, v3, vm0, $0xb8;
	[tilespmem:$0x10800] =	vst v63  }
0x18b: {  	s17 =	simm.s32 $0x5800  }
0x18c: {  	[tilespmem:s17], [sflag:$0x1] =	stream.indirect_vreg.gather [hbm4b:s6+s3], $0x80, v3, vm0, $0xb8;
	[tilespmem:$0x10800] =	vst v63  }
0x18d: {  	s18 =	simm.s32 $0x6000  }
0x18e: {  	[tilespmem:s18], [sflag:$0x1] =	stream.indirect_vreg.gather [hbm4b:s7+s3], $0x80, v3, vm0, $0xb8;
	[tilespmem:$0x10800] =	vst v63  }
0x18f: {  	s19 =	simm.s32 $0x6800  }
0x190: {  	[tilespmem:s19], [sflag:$0x1] =	stream.indirect_vreg.gather [hbm4b:s8+s3], $0x80, v3, vm0, $0xb8;
	[tilespmem:$0x10800] =	vst v63  }
0x191: {  	s20 =	simm.s32 $0x7000  }
0x192: {  	[tilespmem:s20], [sflag:$0x1] =	stream.indirect_vreg.gather [hbm4b:s9+s3], $0x80, v3, vm0, $0xb8;
	[tilespmem:$0x10800] =	vst v63  }
0x193: {  	s21 =	simm.s32 $0x7800  }
0x194: {  	[tilespmem:s21], [sflag:$0x1] =	stream.indirect_vreg.gather [hbm4b:s10+s3], $0x80, v3, vm0, $0xb8;
	[tilespmem:$0x10800] =	vst v63  }
0x195: {  	s30 =	simm.s32 $0x8000  }
0x196: {  	[tilespmem:s30], [sflag:$0x1] =	stream.indirect_vreg.gather [hbm4b:s11+s3], $0x80, v3, vm0, $0xb8;
	[tilespmem:$0x10800] =	vst v63  }
0x197: {  	_ =	swait.ge [sflag:s29], $0x8000  }
0x198: {  	[sflag:s29] =	ssyncset.done $0x0  }
0x199: {  	s0 =	rddreg [dreg:$0xa];
	[sflag:s29] =	ssyncadd.s32 $0xFFFF8000  }
0x19a: {  	[hbm4b:s0+s3] =	stream.linear.scatter [tilespmem:s31], [sflag:$0x3], $0x8000, $0x38;
	[tilespmem:$0x10800] =	vst v63  }
0x19b: {  	_ =	swait.ge [sflag:s13], $0x8000  }
0x19c: {  	[sflag:s13] =	ssyncset.done $0x0  }
0x19d: {  	[sflag:s13] =	ssyncadd.s32 $0xFFFF8000  }
0x19e: {  	v3 =	vld [tilespmem:$0x480];
	_ =	sdelay $0x4  }
0x19f: {  	v63 =	vshll.u32 v3, $0x4  }
0x1a0: {  	v3 =	vand.u32 $0x7, v3;
	v4 =	vand.u32 $0xFFFFFF80, v63  }
0x1a1: {  	v3 =	vor.u32 v3, v4  }
0x1a2: {  	v4 =	vperm.xlane v3, v0;
	_ =	sdelay $0x1  }
0x1a3: {  	v4 =	vadd.s32 v1, v4;
	_ =	sdelay $0x4  }
0x1a4: {  	[tilespmem:s31], [sflag:$0x2] =	stream.indirect_vreg.gather [hbm4b:s2+s3], $0x80, v4, vm0, $0xb8;
	[tilespmem:$0x10800] =	vst v63  }
0x1a5: {  	s22 =	simm.s32 $0x9000  }
0x1a6: {  	[tilespmem:s22], [sflag:$0x2] =	stream.indirect_vreg.gather [hbm4b:s5+s3], $0x80, v4, vm0, $0xb8;
	[tilespmem:$0x10800] =	vst v63  }
0x1a7: {  	s23 =	simm.s32 $0x9800  }
0x1a8: {  	[tilespmem:s23], [sflag:$0x2] =	stream.indirect_vreg.gather [hbm4b:s6+s3], $0x80, v4, vm0, $0xb8;
	[tilespmem:$0x10800] =	vst v63  }
0x1a9: {  	s24 =	simm.s32 $0xA000  }
0x1aa: {  	[tilespmem:s24], [sflag:$0x2] =	stream.indirect_vreg.gather [hbm4b:s7+s3], $0x80, v4, vm0, $0xb8;
	[tilespmem:$0x10800] =	vst v63  }
0x1ab: {  	s1 =	simm.s32 $0xA800  }
0x1ac: {  	[tilespmem:s1], [sflag:$0x2] =	stream.indirect_vreg.gather [hbm4b:s8+s3], $0x80, v4, vm0, $0xb8;
	[tilespmem:$0x10800] =	vst v63  }
0x1ad: {  	s4 =	simm.s32 $0xB000;
	v3 =	vperm.xlane v3, v2  }
0x1ae: {  	[tilespmem:s4], [sflag:$0x2] =	stream.indirect_vreg.gather [hbm4b:s9+s3], $0x80, v4, vm0, $0xb8;
	[tilespmem:$0x10800] =	vst v63  }
0x1af: {  	s14 =	simm.s32 $0xB800;
	v3 =	vadd.s32 v1, v3  }
0x1b0: {  	[tilespmem:s14], [sflag:$0x2] =	stream.indirect_vreg.gather [hbm4b:s10+s3], $0x80, v4, vm0, $0xb8;
	[tilespmem:$0x10800] =	vst v63  }
0x1b1: {  	s15 =	simm.s32 $0xC000  }
0x1b2: {  	[tilespmem:s15], [sflag:$0x2] =	stream.indirect_vreg.gather [hbm4b:s11+s3], $0x80, v4, vm0, $0xb8;
	[tilespmem:$0x10800] =	vst v63  }
0x1b3: {  	s16 =	simm.s32 $0xC800  }
0x1b4: {  	[tilespmem:s16], [sflag:$0x2] =	stream.indirect_vreg.gather [hbm4b:s2+s3], $0x80, v3, vm0, $0xb8;
	[tilespmem:$0x10800] =	vst v63  }
0x1b5: {  	s17 =	simm.s32 $0xD000  }
0x1b6: {  	[tilespmem:s17], [sflag:$0x2] =	stream.indirect_vreg.gather [hbm4b:s5+s3], $0x80, v3, vm0, $0xb8;
	[tilespmem:$0x10800] =	vst v63  }
0x1b7: {  	s18 =	simm.s32 $0xD800  }
0x1b8: {  	[tilespmem:s18], [sflag:$0x2] =	stream.indirect_vreg.gather [hbm4b:s6+s3], $0x80, v3, vm0, $0xb8;
	[tilespmem:$0x10800] =	vst v63  }
0x1b9: {  	s19 =	simm.s32 $0xE000  }
0x1ba: {  	[tilespmem:s19], [sflag:$0x2] =	stream.indirect_vreg.gather [hbm4b:s7+s3], $0x80, v3, vm0, $0xb8;
	[tilespmem:$0x10800] =	vst v63  }
0x1bb: {  	s20 =	simm.s32 $0xE800  }
0x1bc: {  	[tilespmem:s20], [sflag:$0x2] =	stream.indirect_vreg.gather [hbm4b:s8+s3], $0x80, v3, vm0, $0xb8;
	[tilespmem:$0x10800] =	vst v63  }
0x1bd: {  	s21 =	simm.s32 $0xF000  }
0x1be: {  	[tilespmem:s21], [sflag:$0x2] =	stream.indirect_vreg.gather [hbm4b:s9+s3], $0x80, v3, vm0, $0xb8;
	[tilespmem:$0x10800] =	vst v63  }
0x1bf: {  	s22 =	simm.s32 $0xF800  }
0x1c0: {  	[tilespmem:s22], [sflag:$0x2] =	stream.indirect_vreg.gather [hbm4b:s10+s3], $0x80, v3, vm0, $0xb8;
	[tilespmem:$0x10800] =	vst v63  }
0x1c1: {  	s23 =	simm.s32 $0x10000  }
0x1c2: {  	[tilespmem:s23], [sflag:$0x2] =	stream.indirect_vreg.gather [hbm4b:s11+s3], $0x80, v3, vm0, $0xb8;
	[tilespmem:$0x10800] =	vst v63  }
0x1c3: {  	_ =	swait.ge [sflag:s28], $0x8000  }
0x1c4: {  	[sflag:s28] =	ssyncset.done $0x0  }
0x1c5: {  	s24 =	rddreg [dreg:$0xb];
	[sflag:s28] =	ssyncadd.s32 $0xFFFF8000  }
0x1c6: {  	[hbm4b:s24+s3] =	stream.linear.scatter [tilespmem:s26], [sflag:$0x3], $0x8000, $0x38;
	[tilespmem:$0x10800] =	vst v63  }
0x1c7: {  	_ =	swait.ge [sflag:s13], $0x8000  }
0x1c8: {  	[sflag:s13] =	ssyncset.done $0x0  }
0x1c9: {  	[sflag:s13] =	ssyncadd.s32 $0xFFFF8000  }
0x1ca: {  	_ =	swait.ge [sflag:s29], $0x8000  }
0x1cb: {  	p0 =	sne.s32 s12, $0x1;
	[sflag:s29] =	ssyncset.done $0x0  }
.Ltmp0:
0x1cc: {  	s25 =	rddreg [dreg:$0xc];
	[sflag:s29] =	ssyncadd.s32 $0xFFFF8000;
	(pc) =	sbr.rel @p0 .LBB2_1-.Ltmp0, $4  }
0x1cd: {  	[hbm4b:s25+s3] =	stream.linear.scatter [tilespmem:s31], [sflag:$0x3], $0x8000, $0x38;
	[tilespmem:$0x10800] =	vst v63  }
0x1ce: {  	_ =	swait.ge [sflag:s13], $0x8000  }
0x1cf: {  	[sflag:s13] =	ssyncset.done $0x0  }
0x1d0: {  	s12 =	sadd.s32 $0xFFFFFFFF, s12;
	[sflag:s13] =	ssyncadd.s32 $0xFFFF8000  }
0x1d1: {  	_ =	sfence.sel $0x180000  }
0x1d2: {  	[bflag:$0x0] =	sbarrier.arrive $0xFFFF  }
0x1d3: {  	_ =	strace $0x90000047  }
0x1d4: {  	s0 =	stileid.u32;
	[bflag:$0x2] =	sbarrier.arrive $0xFFFF  }
0x1d5: {  	p0 =	sne.s32 s0, $0x0;
	s0 =	rddreg [dreg:$0x2]  }
0x1d6: {  	s0 =	sadd.s32 @!p0 $0x100000, s0  }
0x1d7: {  	[sflag:s0] =	ssyncadd.tile.s32 @!p0 $0x1;
	_ =	shalt  }
.Lfunc_end2:
_tile_overlayer_lowered:
.L_overlay_start_2:
0x1d8: {  	(tag) =	ssettag $0x2  }
0x1d9: {  	s0 =	rddreg [dreg:$0x0];
	s2 =	stileid.u32  }
0x1da: {  	s1 =	rddreg [dreg:$0x1];
	p0 =	sne.s32 s2, $0x0  }
0x1db: {  	s3 =	rddreg [dreg:$0x2];
	[bflag:$0x3] =	sbarrier.arrive $0xFFFF;
	s2 =	simm.s32 @!p0 $0x1C03  }
0x1dc: {  	[timem:s3], [sflag:s2] =	dma.local @!p0 [hbm:s0], s1  }
0x1dd: {  	s0 =	simm.s32 @!p0 $0x3  }
0x1de: {  	_ =	swait.ge @!p0 [sflag:s0], s1  }
0x1df: {  	s1 =	ssub.s32 @!p0 $0x0, s1;
	[sflag:s0] =	ssyncset.done @!p0 $0x0  }
0x1e0: {  	[sflag:s0] =	ssyncadd.s32 @!p0 s1  }
0x1e1: {  	[bflag:$0x3] =	sbarrier.arrive $0xFFFF  }
0x1e2: {  	_ =	shalt  }

// kernel: kernel.9.cloned.1.call-start
scs
__scs_entry_jumppad:
0x0: {  	(pc) =	sbr.rel $0x88, $3  }
0x1: {  	(tag) =	ssettag $0x0;
	lr =	simm.s32 $0x1  }
0x2: {  	[smem:$0x3F97] =	sst lr;
	_ =	strace $0xD0000000  }
0x3: {  	_ = 	snop  }
0x4: {  	_ = 	snop  }
0x5: {  	_ = 	snop  }
0x6: {  	_ = 	snop  }
0x7: {  	_ = 	snop  }
__scs_overlays_trampoline_lowered:
0x8: {  	[smem:$0x3FA6] =	sst s0  }
0x9: {  	[smem:$0x3FA7] =	sst s1  }
0xa: {  	[smem:$0x3FA8] =	sst s2  }
0xb: {  	[smem:$0x3FA9] =	sst s3  }
0xc: {  	[smem:$0x3FAA] =	sst s4  }
0xd: {  	[smem:$0x3FAB] =	sst s5  }
0xe: {  	[smem:$0x3FAC] =	sst s6  }
0xf: {  	[smem:$0x3FAD] =	sst s7  }
0x10: {  	[smem:$0x3FAE] =	sst s8  }
0x11: {  	[smem:$0x3FAF] =	sst s9;
	s0 =	simm.s32 @!p0 $0x0  }
0x12: {  	s1 =	sld [smem:$0x3F95];
	s0 =	simm.s32 @p0 $0x1  }
0x13: {  	[smem:$0x3FB0] =	sst s0;
	s0 =	simm.s32 @!p1 $0x0  }
0x14: {  	s2 =	sld [smem:$0x3F94];
	s0 =	simm.s32 @p1 $0x1  }
0x15: {  	[smem:$0x3FB1] =	sst s0;
	s0 =	simm.s32 @!p2 $0x0  }
0x16: {  	s3 =	sld [smem:$0x3FDB];
	s0 =	simm.s32 @p2 $0x1  }
0x17: {  	s4 =	simm.s32 $0x1BF5;
	[smem:$0x3FB3] =	sst s0  }
0x18: {  	s0 =	sld [smem:$0x3F96];
	_ =	swait.ge [sflag:s4], $0x0  }
0x19: {  	s7 =	sld [smem:$0x3F97]  }
0x1a: {  	s8 =	sadd.s32 $0xFFFFE003, lr  }
0x1b: {  	s9 =	sadd.s32 $0xFFFFFEF7, lr;
	s5 =	simm.s32 $0xFFFFFFFF;
	p2 =	slt.u32 s8, $0xFFFFF086  }
0x1c: {  	p1 =	slt.u32 s9, $0xF7A;
	s5 =	simm.s32 @!p2 $0x0  }
0x1d: {  	s5 =	simm.s32 @p1 $0x1;
	p0 =	seq.s32 s7, s2  }
0x1e: {  	s7 =	smul.u32 @!p0 $0xF7A, s2;
	p2 =	seq.s32 @!p0 s5, $0x0  }
0x1f: {  	s9 =	smul.u32 $0xF7A, s1;
	s8 =	simm.s32 @!p0 $0x1BF5;
	p2 =	por !p2, p0  }
0x20: {  	[sflag:s8] =	ssyncset.s32 @!p0 $0xFFFFF086;
	s6 =	sadd.s32 @!p0 s3, s7;
	s7 =	simm.s32 @!p0 $0x108  }
0x21: {  	s3 =	sadd.s32 s3, s9;
	s6 =	sadd.s32 @!p0 $0x88, s6;
	s7 =	simm.s32 @p2 $0x1082  }
0x22: {  	[simem:s7], [sflag:s8] =	dma.local @!p0 [hbm:s6], $0xF7A  }
0x23: {  	s9 =	sor.u32 $0xD0000000, s2;
	s6 =	simm.s32 $0x108;
	_ =	swait.ge @!p0 [sflag:s8], $0x0  }
0x24: {  	s3 =	sadd.s32 $0x88, s3;
	s6 =	simm.s32 @!p1 $0x1082;
	[sflag:s4] =	ssyncset.s32 $0xFFFFF086  }
0x25: {  	[simem:s6], [sflag:s4] =	dma.local [hbm:s3], $0xF7A  }
0x26: {  	[smem:$0x3F97] =	sst s1;
	(tag) =	ssettag s2;
	_ =	strace s9  }
0x27: {  	s1 =	sld [smem:$0x3FA7]  }
0x28: {  	s2 =	sld [smem:$0x3FA8]  }
0x29: {  	s4 =	sld [smem:$0x3FAA]  }
0x2a: {  	p0 =	seq.s32 s5, $0x0;
	s5 =	sld [smem:$0x3FAB]  }
0x2b: {  	s6 =	sld [smem:$0x3FAC]  }
0x2c: {  	s7 =	sld [smem:$0x3FAD]  }
0x2d: {  	s3 =	simm.s32 $0x108;
	s8 =	sld [smem:$0x3FAE]  }
0x2e: {  	s3 =	simm.s32 @!p0 $0x1082;
	s9 =	sld [smem:$0x3FAF]  }
0x2f: {  	lr =	sadd.s32 s0, s3;
	s0 =	sld [smem:$0x3FA6]  }
0x30: {  	s3 =	sld [smem:$0x3FA9]  }
0x31: {  	[smem:$0x3FB2] =	sst s10  }
0x32: {  	s10 =	sld [smem:$0x3FB0];
	_ =	sdelay $0x3  }
0x33: {  	p0 =	seq.s32 s10, $0x1;
	s10 =	sld [smem:$0x3FB2];
	_ =	sdelay $0x3  }
0x34: {  	[smem:$0x3FB2] =	sst s10  }
0x35: {  	s10 =	sld [smem:$0x3FB1];
	_ =	sdelay $0x3  }
0x36: {  	p1 =	seq.s32 s10, $0x1;
	s10 =	sld [smem:$0x3FB2];
	_ =	sdelay $0x3  }
0x37: {  	[smem:$0x3FB2] =	sst s10  }
0x38: {  	s10 =	sld [smem:$0x3FB3]  }
0x39: {  	_ = 	snop;
	(pc) =	sbr.ind lr, $3  }
0x3a: {  	_ = 	snop  }
0x3b: {  	_ = 	snop  }
0x3c: {  	p2 =	seq.s32 s10, $0x1;
	s10 =	sld [smem:$0x3FB2]  }
0x3d: {  	_ =	shalt  }
0x3e: {  	_ =	shalt  }
0x3f: {  	_ =	shalt  }
0x40: {  	_ =	shalt  }
0x41: {  	_ =	shalt  }
0x42: {  	_ =	shalt  }
0x43: {  	_ =	shalt  }
0x44: {  	_ =	shalt  }
0x45: {  	_ =	shalt  }
0x46: {  	_ =	shalt  }
0x47: {  	_ =	shalt  }
0x48: {  	_ =	shalt  }
0x49: {  	_ =	shalt  }
0x4a: {  	_ =	shalt  }
0x4b: {  	_ =	shalt  }
0x4c: {  	_ =	shalt  }
0x4d: {  	_ =	shalt  }
0x4e: {  	_ =	shalt  }
0x4f: {  	_ =	shalt  }
0x50: {  	_ =	shalt  }
0x51: {  	_ =	shalt  }
0x52: {  	_ =	shalt  }
0x53: {  	_ =	shalt  }
0x54: {  	_ =	shalt  }
0x55: {  	_ =	shalt  }
0x56: {  	_ =	shalt  }
0x57: {  	_ =	shalt  }
0x58: {  	_ =	shalt  }
0x59: {  	_ =	shalt  }
0x5a: {  	_ =	shalt  }
0x5b: {  	_ =	shalt  }
0x5c: {  	_ =	shalt  }
0x5d: {  	_ =	shalt  }
0x5e: {  	_ =	shalt  }
0x5f: {  	_ =	shalt  }
0x60: {  	_ =	shalt  }
0x61: {  	_ =	shalt  }
0x62: {  	_ =	shalt  }
0x63: {  	_ =	shalt  }
0x64: {  	_ =	shalt  }
0x65: {  	_ =	shalt  }
0x66: {  	_ =	shalt  }
0x67: {  	_ =	shalt  }
0x68: {  	_ =	shalt  }
0x69: {  	_ =	shalt  }
0x6a: {  	_ =	shalt  }
0x6b: {  	_ =	shalt  }
0x6c: {  	_ =	shalt  }
0x6d: {  	_ =	shalt  }
0x6e: {  	_ =	shalt  }
0x6f: {  	_ =	shalt  }
0x70: {  	_ =	shalt  }
0x71: {  	_ =	shalt  }
0x72: {  	_ =	shalt  }
0x73: {  	_ =	shalt  }
0x74: {  	_ =	shalt  }
0x75: {  	_ =	shalt  }
0x76: {  	_ =	shalt  }
0x77: {  	_ =	shalt  }
0x78: {  	_ =	shalt  }
0x79: {  	_ =	shalt  }
0x7a: {  	_ =	shalt  }
0x7b: {  	_ =	shalt  }
0x7c: {  	_ =	shalt  }
0x7d: {  	_ =	shalt  }
0x7e: {  	_ =	shalt  }
0x7f: {  	_ =	shalt  }
0x80: {  	_ =	shalt  }
0x81: {  	_ =	shalt  }
0x82: {  	_ =	shalt  }
0x83: {  	_ =	shalt  }
0x84: {  	_ =	shalt  }
0x85: {  	_ =	shalt  }
0x86: {  	_ =	shalt  }
0x87: {  	_ =	shalt  }
.Lfunc_end0:
.L_simem_size_0:
called_computation.1_lowered:
.L_overlay_start_0:
0x88: {  	s2 =	sld [smem:$0x3FD9]  }
0x89: {  	s3 =	sld [smem:$0x3FFE];
	_ =	sdelay $0x1  }
0x8a: {  	s1 =	srdreg.scid  }
0x8b: {  	s0 =	sand.u32 $0x1, s1  }
0x8c: {  	s17 =	sshll.u32 s0, $0xA;
	s2 =	sadd.s32 s3, s2  }
0x8d: {  	s2 =	sadd.s32 s2, s17  }
0x8e: {  	[smem:$0x3FBE] =	sst s2  }
0x8f: {  	_ = 	snop  }
0x90: {  	s18 =	sld [smem:$0x3FC9];
	(tm) =	ssettm $0x1  }
0x91: {  	s19 =	sld [smem:$0x3FFB];
	_ =	sdelay $0x3  }
0x92: {  	_ =	strace s19  }
0x93: {  	s2 =	sld [smem:$0x3FFC];
	_ =	sdelay $0x3  }
0x94: {  	_ =	strace s2  }
0x95: {  	s2 =	sld [smem:$0x3FFD];
	_ =	sdelay $0x3  }
0x96: {  	_ =	strace s2  }
0x97: {  	_ =	strace $0x8FFFFFFF  }
0x98: {  	s20 =	sld [smem:$0x3FDB];
	_ =	sdelay $0x1  }
0x99: {  	s4 =	simm.s32 $_scs_section_size  }
0x9a: {  	s5 =	simm.s32 $_size__tile_overlayer_lowered;
	s6 =	simm.s32 $_tile_overlayer_lowered  }
0x9b: {  	s7 =	simm.s32 $0x1BFF;
	s21 =	sshll.u32 s6, $0x1;
	s4 =	sadd.s32 s4, s20  }
0x9c: {  	s22 =	simm.s32 $0x0;
	s5 =	sshll.u32 s5, $0x1;
	s6 =	sadd.s32 s21, s4  }
0x9d: {  	[timem:s22], [sflag:s7] =	dma.local [hbm:s6], s5  }
0x9e: {  	_ =	swait.ge [sflag:s7], s5  }
0x9f: {  	s5 =	ssub.s32 $0x0, s5;
	[sflag:s7] =	ssyncset.done $0x0  }
0xa0: {  	[sflag:s7] =	ssyncadd.s32 s5;
	_ =	sdelay $0x1  }
0xa1: {  	s23 =	simm.s32 $0x1B8B  }
0xa2: {  	_ =	swait.ge [sflag:s23], $0x1  }
0xa3: {  	[sflag:s23] =	ssyncset.done $0x0  }
0xa4: {  	[sflag:s23] =	ssyncadd.s32 $0xFFFFFFFF  }
0xa5: {  	s5 =	sld [smem:$0x0]  }
0xa6: {  	s6 =	sand.u32 $0xFFFFFFFE, s1  }
0xa7: {  	p0 =	sne.s32 s1, s6  }
0xa8: {  	s6 =	sshll.u32 @p0 s6, $0xE  }
0xa9: {  	s6 =	sadd.s32 @p0 $0x11B8D, s6;
	s7 =	sshll.u32 @p0 s5, $0x11  }
0xaa: {  	s6 =	sor.u32 @p0 s7, s6  }
0xab: {  	[sflag:s6] =	ssyncadd.remote.s32 @p0 $0x1;
	_ =	sdelay $0x1  }
0xac: {  	s6 =	simm.s32 @p0 $0x1B8D  }
0xad: {  	_ =	swait.eq @p0 [sflag:s6], $0x1  }
0xae: {  	[sflag:s6] =	ssyncadd.s32 @p0 $0xFFFFFFFF  }
0xaf: {  	s7 =	sshll.u32 @!p0 s1, $0xE  }
0xb0: {  	s7 =	sor.u32 @!p0 $0x4000, s7;
	s6 =	simm.s32 @!p0 $0x1B8D  }
0xb1: {  	s5 =	sshll.u32 @!p0 s5, $0x11;
	s7 =	sadd.s32 @!p0 $0x11B8D, s7;
	_ =	swait.eq @!p0 [sflag:s6], $0x1  }
0xb2: {  	s5 =	sor.u32 @!p0 s5, s7;
	[sflag:s6] =	ssyncadd.s32 @!p0 $0xFFFFFFFF  }
0xb3: {  	s25 =	simm.s32 $0x1B8E;
	s24 =	sld [smem:$0x3FFE];
	[sflag:s5] =	ssyncadd.remote.s32 @!p0 $0x1  }
0xb4: {  	s26 =	simm.s32 $execute0_lowered;
	[smem:$0x3FD2] =	sst s25  }
0xb5: {  	s6 =	sshll.u32 s26, $0x1;
	_ =	strace $0x80000049;
	[dreg:$0x1] =	wrdreg $0xFFFFFFFF  }
0xb6: {  	s28 =	simm.s32 $_size_execute0_lowered;
	s4 =	sadd.s32 s4, s6;
	[dreg:$0x0] =	wrdreg $0x0  }
0xb7: {  	s6 =	sshll.u32 s28, $0x1;
	[dreg:$0x2] =	wrdreg s4  }
0xb8: {  	[dreg:$0x3] =	wrdreg s6  }
0xb9: {  	[dreg:$0x4] =	wrdreg $0xC0  }
0xba: {  	_ =	task [dreg:s22], $0x5FFFF  }
0xbb: {  	[dreg:$0x1] =	wrdreg $0xFFFFFFFF  }
0xbc: {  	[dreg:$0x0] =	wrdreg $0x60  }
0xbd: {  	[dreg:$0x2] =	wrdreg s18  }
0xbe: {  	[dreg:$0x3] =	wrdreg s24  }
0xbf: {  	[dreg:$0x4] =	wrdreg $0xA  }
0xc0: {  	_ =	task.clear_ibuf [dreg:s22], $0x5FFFF;
	_ =	strace $0x90000049  }
0xc1: {  	s29 =	simm.s32 $0xA;
	_ =	strace $0x8000004B  }
0xc2: {  	_ =	swait.ge [sflag:s29], $0x1  }
0xc3: {  	[sflag:s29] =	ssyncadd.s32 $0xFFFFFFFF  }
0xc4: {  	_ =	strace $0x9000004B  }
0xc5: {  	_ =	sfence  }
0xc6: {  	s30 =	sld [smem:$0x0];
	_ =	sdelay $0x2  }
0xc7: {  	s31 =	sshll.u32 s1, $0xD;
	s1 =	sshrl.u32 s1, $0x2  }
0xc8: {  	s4 =	sand.u32 $0x4000, s31;
	s1 =	sadd.s32 s1, s30  }
0xc9: {  	s0 =	sor.u32 s4, s0;
	s1 =	sshll.u32 s1, $0x11  }
0xca: {  	s0 =	sor.u32 s1, s0  }
0xcb: {  	s0 =	sadd.s32 $0x8F2B, s0  }
0xcc: {  	[sflag:s0] =	ssyncadd.remote.s32 $0x1  }
0xcd: {  	_ =	sfence.sel $0xFFFF  }
0xce: {  	[dreg:$0x0] =	wrdreg $0xFFFFFFFF;
	(pc) =	sbr.abs _section_cstart, $3  }
0xcf: {  	[dreg:$0x1] =	wrdreg $0xFFFFFFFF  }
0xd0: {  	_ =	task.clear_ibuf [dreg:s22], $0x2FFFF;
	_ =	strace $0x9FFFFFFF  }
0xd1: {  	(tm) =	ssettm $0x7FFFFFFF  }
tec
execute0_lowered:
.L_overlay_start_1:
0x0: {  	(tag) =	ssettag $0x1  }
0x1: {  	s0 =	srdreg.scid;
	s1 =	stileid.u32  }
0x2: {  	s0 =	sand.u32 $0x1, s0;
	s1 =	sshll.u32 s1, $0x1  }
0x3: {  	s2 =	rddreg [dreg:$0x0];
	s1 =	sor.u32 s0, s1  }
0x4: {  	s4 =	rddreg [dreg:$0x1];
	s3 =	simm.s32 $0x0;
	s5 =	smul.u32 $0x180, s1  }
0x5: {  	[smem:$0x7FF] =	sst s3;
	s6 =	smul.u32 $0x16000, s1  }
0x6: {  	_ =	strace $0x8000004A;
	s1 =	smul.u32 $0xB0000, s1;
	s5 =	sadd.s32 s5, s4  }
0x7: {  	s4 =	sadd.s32 $0x146C00, s4;
	s5 =	sadd.s32 $0x143C00, s5  }
0x8: {  	s1 =	sshrl.u32 s1, $0x3;
	s6 =	sadd.s32 s4, s6;
	[dreg:$0x3] =	wrdreg s5  }
0x9: {  	s1 =	sadd.s32 s4, s1;
	[dreg:$0x19] =	wrdreg s6;
	s8 =	sadd.s32 $0x1000, s6  }
0xa: {  	s4 =	sadd.s32 $0x2000, s1;
	[dreg:$0x4] =	wrdreg s8  }
0xb: {  	s9 =	sadd.s32 $0x3000, s1;
	[dreg:$0x5] =	wrdreg s4  }
0xc: {  	s10 =	sadd.s32 $0x4000, s1;
	[dreg:$0x6] =	wrdreg s9  }
0xd: {  	s11 =	sadd.s32 $0x5000, s1;
	[dreg:$0x7] =	wrdreg s10  }
0xe: {  	s12 =	sadd.s32 $0x6000, s1;
	[dreg:$0x8] =	wrdreg s11  }
0xf: {  	s13 =	sadd.s32 $0x7000, s1;
	[dreg:$0x9] =	wrdreg s12  }
0x10: {  	s31 =	simm.s32 $0x8C00;
	s14 =	sadd.s32 $0x8000, s1;
	[dreg:$0xa] =	wrdreg s13  }
0x11: {  	s28 =	simm.s32 $0x1;
	s15 =	sadd.s32 $0x9000, s1;
	[dreg:$0xb] =	wrdreg s14  }
0x12: {  	s29 =	simm.s32 $0x2;
	s16 =	sadd.s32 $0xA000, s1;
	[dreg:$0xc] =	wrdreg s15  }
0x13: {  	s7 =	sadd.s32 $0x300, s2;
	s17 =	sadd.s32 $0xB000, s1;
	[dreg:$0xd] =	wrdreg s16  }
0x14: {  	s0 =	ssub.s32 $0x2, s0;
	s18 =	sadd.s32 $0xC000, s1;
	[dreg:$0xe] =	wrdreg s17  }
0x15: {  	s21 =	sshrl.u32 s0, $0x1;
	s19 =	sadd.s32 $0xD000, s1;
	[dreg:$0xf] =	wrdreg s18  }
0x16: {  	s0 =	ssub.s32 s0, s21;
	s20 =	sadd.s32 $0xE000, s1;
	[dreg:$0x10] =	wrdreg s19  }
0x17: {  	s0 =	smax.u32 s0, $0x1;
	s22 =	sadd.s32 $0xF000, s1;
	[dreg:$0x11] =	wrdreg s20  }
0x18: {  	s23 =	sadd.s32 $0x10000, s1;
	s5 =	sadd.s32 $0x100, s2;
	[dreg:$0x12] =	wrdreg s22  }
0x19: {  	s24 =	sadd.s32 $0x11000, s1;
	s6 =	sadd.s32 $0x200, s2;
	[dreg:$0x13] =	wrdreg s23  }
0x1a: {  	s25 =	sadd.s32 $0x12000, s1;
	s26 =	sadd.s32 $0x13000, s1;
	[dreg:$0x14] =	wrdreg s24  }
0x1b: {  	s30 =	sadd.s32 $0x14000, s1;
	s1 =	sadd.s32 $0x15000, s1;
	[dreg:$0x15] =	wrdreg s25  }
0x1c: {  	v2 =	vlaneseq.u32;
	s8 =	sadd.s32 $0x400, s2;
	[dreg:$0x16] =	wrdreg s26;
	s9 =	sadd.s32 $0x500, s2  }
0x1d: {  	vm0 =	vmmov $0xffff;
	v1 =	vshrl.u32 v2, $0x3;
	[dreg:$0x17] =	wrdreg s30;
	s10 =	sadd.s32 $0x600, s2;
	s11 =	sadd.s32 $0x700, s2  }
0x1e: {  	v0 =	vand.u32 $0x7, v2;
	v2 =	vor.u32 $0x8, v2;
	v1 =	vmul.u32 $0x8, v1;
	[dreg:$0x18] =	wrdreg s1;
	s13 =	simm.s32 $0x3;
	s22 =	simm.s32 $0xC00  }
.LBB2_1:
0x1f: {  	[dreg:$0x1a] =	wrdreg s0  }
0x20: {  	s30 =	rddreg [dreg:$0x3]  }
0x21: {  	[tilespmem:s3], [sflag:$0x3] =	stream.linear.gather [hbm4b:s30+s3], $0xB00, $0x38;
	[tilespmem:$0x10C00] =	vst v63  }
0x22: {  	_ =	swait.ge [sflag:s13], $0xB00  }
0x23: {  	[sflag:s13] =	ssyncset.done $0x0  }
0x24: {  	[sflag:s13] =	ssyncadd.s32 $0xFFFFF500  }
0x25: {  	v3 =	vld [tilespmem:$0x0];
	_ =	sdelay $0x4  }
0x26: {  	v4 =	vshll.u32 v3, $0x4  }
0x27: {  	v3 =	vand.u32 $0x7, v3;
	v4 =	vand.u32 $0xFFFFFF80, v4  }
0x28: {  	v3 =	vor.u32 v3, v4  }
0x29: {  	v4 =	vperm.xlane v3, v0;
	_ =	sdelay $0x1  }
0x2a: {  	v4 =	vadd.s32 v1, v4;
	_ =	sdelay $0x4  }
0x2b: {  	[tilespmem:s22], [sflag:$0x1] =	stream.indirect_vreg.gather [hbm4b:s2+s3], $0x80, v4, vm0, $0xb8;
	[tilespmem:$0x10C00] =	vst v63  }
0x2c: {  	s19 =	simm.s32 $0x1400  }
0x2d: {  	[tilespmem:s19], [sflag:$0x1] =	stream.indirect_vreg.gather [hbm4b:s5+s3], $0x80, v4, vm0, $0xb8;
	[tilespmem:$0x10C00] =	vst v63  }
0x2e: {  	s20 =	simm.s32 $0x1C00  }
0x2f: {  	[tilespmem:s20], [sflag:$0x1] =	stream.indirect_vreg.gather [hbm4b:s6+s3], $0x80, v4, vm0, $0xb8;
	[tilespmem:$0x10C00] =	vst v63  }
0x30: {  	s21 =	simm.s32 $0x2400  }
0x31: {  	[tilespmem:s21], [sflag:$0x1] =	stream.indirect_vreg.gather [hbm4b:s7+s3], $0x80, v4, vm0, $0xb8;
	[tilespmem:$0x10C00] =	vst v63  }
0x32: {  	s23 =	simm.s32 $0x2C00  }
0x33: {  	[tilespmem:s23], [sflag:$0x1] =	stream.indirect_vreg.gather [hbm4b:s8+s3], $0x80, v4, vm0, $0xb8;
	[tilespmem:$0x10C00] =	vst v63  }
0x34: {  	s24 =	simm.s32 $0x3400;
	v3 =	vperm.xlane v3, v2  }
0x35: {  	[tilespmem:s24], [sflag:$0x1] =	stream.indirect_vreg.gather [hbm4b:s9+s3], $0x80, v4, vm0, $0xb8;
	[tilespmem:$0x10C00] =	vst v63  }
0x36: {  	s25 =	simm.s32 $0x3C00;
	v3 =	vadd.s32 v1, v3  }
0x37: {  	[tilespmem:s25], [sflag:$0x1] =	stream.indirect_vreg.gather [hbm4b:s10+s3], $0x80, v4, vm0, $0xb8;
	[tilespmem:$0x10C00] =	vst v63  }
0x38: {  	s26 =	simm.s32 $0x4400  }
0x39: {  	[tilespmem:s26], [sflag:$0x1] =	stream.indirect_vreg.gather [hbm4b:s11+s3], $0x80, v4, vm0, $0xb8;
	[tilespmem:$0x10C00] =	vst v63  }
0x3a: {  	s30 =	simm.s32 $0x4C00  }
0x3b: {  	[tilespmem:s30], [sflag:$0x1] =	stream.indirect_vreg.gather [hbm4b:s2+s3], $0x80, v3, vm0, $0xb8;
	[tilespmem:$0x10C00] =	vst v63  }
0x3c: {  	s16 =	simm.s32 $0x5400  }
0x3d: {  	[tilespmem:s16], [sflag:$0x1] =	stream.indirect_vreg.gather [hbm4b:s5+s3], $0x80, v3, vm0, $0xb8;
	[tilespmem:$0x10C00] =	vst v63  }
0x3e: {  	s17 =	simm.s32 $0x5C00  }
0x3f: {  	[tilespmem:s17], [sflag:$0x1] =	stream.indirect_vreg.gather [hbm4b:s6+s3], $0x80, v3, vm0, $0xb8;
	[tilespmem:$0x10C00] =	vst v63  }
0x40: {  	s18 =	simm.s32 $0x6400  }
0x41: {  	[tilespmem:s18], [sflag:$0x1] =	stream.indirect_vreg.gather [hbm4b:s7+s3], $0x80, v3, vm0, $0xb8;
	[tilespmem:$0x10C00] =	vst v63  }
0x42: {  	s19 =	simm.s32 $0x6C00  }
0x43: {  	[tilespmem:s19], [sflag:$0x1] =	stream.indirect_vreg.gather [hbm4b:s8+s3], $0x80, v3, vm0, $0xb8;
	[tilespmem:$0x10C00] =	vst v63  }
0x44: {  	s20 =	simm.s32 $0x7400  }
0x45: {  	[tilespmem:s20], [sflag:$0x1] =	stream.indirect_vreg.gather [hbm4b:s9+s3], $0x80, v3, vm0, $0xb8;
	[tilespmem:$0x10C00] =	vst v63  }
0x46: {  	s21 =	simm.s32 $0x7C00  }
0x47: {  	[tilespmem:s21], [sflag:$0x1] =	stream.indirect_vreg.gather [hbm4b:s10+s3], $0x80, v3, vm0, $0xb8;
	[tilespmem:$0x10C00] =	vst v63  }
0x48: {  	s23 =	simm.s32 $0x8400  }
0x49: {  	[tilespmem:s23], [sflag:$0x1] =	stream.indirect_vreg.gather [hbm4b:s11+s3], $0x80, v3, vm0, $0xb8;
	[tilespmem:$0x10C00] =	vst v63  }
0x4a: {  	v3 =	vld [tilespmem:$0x80];
	_ =	sdelay $0x4  }
0x4b: {  	v43 =	vshll.u32 v3, $0x4  }
0x4c: {  	v3 =	vand.u32 $0x7, v3;
	v4 =	vand.u32 $0xFFFFFF80, v43  }
0x4d: {  	v3 =	vor.u32 v3, v4  }
0x4e: {  	v4 =	vperm.xlane v3, v0;
	_ =	sdelay $0x1  }
0x4f: {  	v4 =	vadd.s32 v1, v4;
	_ =	sdelay $0x4  }
0x50: {  	[tilespmem:s31], [sflag:$0x2] =	stream.indirect_vreg.gather [hbm4b:s2+s3], $0x80, v4, vm0, $0xb8;
	[tilespmem:$0x10C00] =	vst v63  }
0x51: {  	s24 =	simm.s32 $0x9400  }
0x52: {  	[tilespmem:s24], [sflag:$0x2] =	stream.indirect_vreg.gather [hbm4b:s5+s3], $0x80, v4, vm0, $0xb8;
	[tilespmem:$0x10C00] =	vst v63  }
0x53: {  	s25 =	simm.s32 $0x9C00  }
0x54: {  	[tilespmem:s25], [sflag:$0x2] =	stream.indirect_vreg.gather [hbm4b:s6+s3], $0x80, v4, vm0, $0xb8;
	[tilespmem:$0x10C00] =	vst v63  }
0x55: {  	s0 =	simm.s32 $0xA400  }
0x56: {  	[tilespmem:s0], [sflag:$0x2] =	stream.indirect_vreg.gather [hbm4b:s7+s3], $0x80, v4, vm0, $0xb8;
	[tilespmem:$0x10C00] =	vst v63  }
0x57: {  	s16 =	simm.s32 $0xAC00  }
0x58: {  	[tilespmem:s16], [sflag:$0x2] =	stream.indirect_vreg.gather [hbm4b:s8+s3], $0x80, v4, vm0, $0xb8;
	[tilespmem:$0x10C00] =	vst v63  }
0x59: {  	s17 =	simm.s32 $0xB400;
	v3 =	vperm.xlane v3, v2  }
0x5a: {  	[tilespmem:s17], [sflag:$0x2] =	stream.indirect_vreg.gather [hbm4b:s9+s3], $0x80, v4, vm0, $0xb8;
	[tilespmem:$0x10C00] =	vst v63  }
0x5b: {  	s18 =	simm.s32 $0xBC00;
	v3 =	vadd.s32 v1, v3  }
0x5c: {  	[tilespmem:s18], [sflag:$0x2] =	stream.indirect_vreg.gather [hbm4b:s10+s3], $0x80, v4, vm0, $0xb8;
	[tilespmem:$0x10C00] =	vst v63  }
0x5d: {  	s20 =	simm.s32 $0xC400  }
0x5e: {  	[tilespmem:s20], [sflag:$0x2] =	stream.indirect_vreg.gather [hbm4b:s11+s3], $0x80, v4, vm0, $0xb8;
	[tilespmem:$0x10C00] =	vst v63  }
0x5f: {  	s0 =	simm.s32 $0xCC00  }
0x60: {  	[tilespmem:s0], [sflag:$0x2] =	stream.indirect_vreg.gather [hbm4b:s2+s3], $0x80, v3, vm0, $0xb8;
	[tilespmem:$0x10C00] =	vst v63  }
0x61: {  	s16 =	simm.s32 $0xD400  }
0x62: {  	[tilespmem:s16], [sflag:$0x2] =	stream.indirect_vreg.gather [hbm4b:s5+s3], $0x80, v3, vm0, $0xb8;
	[tilespmem:$0x10C00] =	vst v63  }
0x63: {  	s17 =	simm.s32 $0xDC00  }
0x64: {  	[tilespmem:s17], [sflag:$0x2] =	stream.indirect_vreg.gather [hbm4b:s6+s3], $0x80, v3, vm0, $0xb8;
	[tilespmem:$0x10C00] =	vst v63  }
0x65: {  	s18 =	simm.s32 $0xE400  }
0x66: {  	[tilespmem:s18], [sflag:$0x2] =	stream.indirect_vreg.gather [hbm4b:s7+s3], $0x80, v3, vm0, $0xb8;
	[tilespmem:$0x10C00] =	vst v63  }
0x67: {  	s20 =	simm.s32 $0xEC00  }
0x68: {  	[tilespmem:s20], [sflag:$0x2] =	stream.indirect_vreg.gather [hbm4b:s8+s3], $0x80, v3, vm0, $0xb8;
	[tilespmem:$0x10C00] =	vst v63  }
0x69: {  	s0 =	simm.s32 $0xF400  }
0x6a: {  	[tilespmem:s0], [sflag:$0x2] =	stream.indirect_vreg.gather [hbm4b:s9+s3], $0x80, v3, vm0, $0xb8;
	[tilespmem:$0x10C00] =	vst v63  }
0x6b: {  	s16 =	simm.s32 $0xFC00  }
0x6c: {  	[tilespmem:s16], [sflag:$0x2] =	stream.indirect_vreg.gather [hbm4b:s10+s3], $0x80, v3, vm0, $0xb8;
	[tilespmem:$0x10C00] =	vst v63  }
0x6d: {  	s17 =	simm.s32 $0x10400  }
0x6e: {  	[tilespmem:s17], [sflag:$0x2] =	stream.indirect_vreg.gather [hbm4b:s11+s3], $0x80, v3, vm0, $0xb8;
	[tilespmem:$0x10C00] =	vst v63  }
0x6f: {  	_ =	swait.ge [sflag:s28], $0x8000  }
0x70: {  	[sflag:s28] =	ssyncset.done $0x0  }
0x71: {  	s18 =	rddreg [dreg:$0x19];
	[sflag:s28] =	ssyncadd.s32 $0xFFFF8000  }
0x72: {  	[hbm4b:s18+s3] =	stream.linear.scatter [tilespmem:s22], [sflag:$0x3], $0x8000, $0x38;
	[tilespmem:$0x10C00] =	vst v63  }
0x73: {  	_ =	swait.ge [sflag:s13], $0x8000  }
0x74: {  	[sflag:s13] =	ssyncset.done $0x0  }
0x75: {  	[sflag:s13] =	ssyncadd.s32 $0xFFFF8000  }
0x76: {  	v3 =	vld [tilespmem:$0x100];
	_ =	sdelay $0x4  }
0x77: {  	v44 =	vshll.u32 v3, $0x4  }
0x78: {  	v3 =	vand.u32 $0x7, v3;
	v4 =	vand.u32 $0xFFFFFF80, v44  }
0x79: {  	v3 =	vor.u32 v3, v4  }
0x7a: {  	v4 =	vperm.xlane v3, v0;
	_ =	sdelay $0x1  }
0x7b: {  	v4 =	vadd.s32 v1, v4;
	_ =	sdelay $0x4  }
0x7c: {  	[tilespmem:s22], [sflag:$0x1] =	stream.indirect_vreg.gather [hbm4b:s2+s3], $0x80, v4, vm0, $0xb8;
	[tilespmem:$0x10C00] =	vst v63  }
0x7d: {  	s1 =	simm.s32 $0x1400  }
0x7e: {  	[tilespmem:s1], [sflag:$0x1] =	stream.indirect_vreg.gather [hbm4b:s5+s3], $0x80, v4, vm0, $0xb8;
	[tilespmem:$0x10C00] =	vst v63  }
0x7f: {  	s12 =	simm.s32 $0x1C00  }
0x80: {  	[tilespmem:s12], [sflag:$0x1] =	stream.indirect_vreg.gather [hbm4b:s6+s3], $0x80, v4, vm0, $0xb8;
	[tilespmem:$0x10C00] =	vst v63  }
0x81: {  	s14 =	simm.s32 $0x2400  }
0x82: {  	[tilespmem:s14], [sflag:$0x1] =	stream.indirect_vreg.gather [hbm4b:s7+s3], $0x80, v4, vm0, $0xb8;
	[tilespmem:$0x10C00] =	vst v63  }
0x83: {  	s15 =	simm.s32 $0x2C00  }
0x84: {  	[tilespmem:s15], [sflag:$0x1] =	stream.indirect_vreg.gather [hbm4b:s8+s3], $0x80, v4, vm0, $0xb8;
	[tilespmem:$0x10C00] =	vst v63  }
0x85: {  	s4 =	simm.s32 $0x3400;
	v3 =	vperm.xlane v3, v2  }
0x86: {  	[tilespmem:s4], [sflag:$0x1] =	stream.indirect_vreg.gather [hbm4b:s9+s3], $0x80, v4, vm0, $0xb8;
	[tilespmem:$0x10C00] =	vst v63  }
0x87: {  	s0 =	simm.s32 $0x3C00;
	v3 =	vadd.s32 v1, v3  }
0x88: {  	[tilespmem:s0], [sflag:$0x1] =	stream.indirect_vreg.gather [hbm4b:s10+s3], $0x80, v4, vm0, $0xb8;
	[tilespmem:$0x10C00] =	vst v63  }
0x89: {  	s1 =	simm.s32 $0x4400  }
0x8a: {  	[tilespmem:s1], [sflag:$0x1] =	stream.indirect_vreg.gather [hbm4b:s11+s3], $0x80, v4, vm0, $0xb8;
	[tilespmem:$0x10C00] =	vst v63  }
0x8b: {  	s4 =	simm.s32 $0x4C00  }
0x8c: {  	[tilespmem:s4], [sflag:$0x1] =	stream.indirect_vreg.gather [hbm4b:s2+s3], $0x80, v3, vm0, $0xb8;
	[tilespmem:$0x10C00] =	vst v63  }
0x8d: {  	s12 =	simm.s32 $0x5400  }
0x8e: {  	[tilespmem:s12], [sflag:$0x1] =	stream.indirect_vreg.gather [hbm4b:s5+s3], $0x80, v3, vm0, $0xb8;
	[tilespmem:$0x10C00] =	vst v63  }
0x8f: {  	s14 =	simm.s32 $0x5C00  }
0x90: {  	[tilespmem:s14], [sflag:$0x1] =	stream.indirect_vreg.gather [hbm4b:s6+s3], $0x80, v3, vm0, $0xb8;
	[tilespmem:$0x10C00] =	vst v63  }
0x91: {  	s15 =	simm.s32 $0x6400  }
0x92: {  	[tilespmem:s15], [sflag:$0x1] =	stream.indirect_vreg.gather [hbm4b:s7+s3], $0x80, v3, vm0, $0xb8;
	[tilespmem:$0x10C00] =	vst v63  }
0x93: {  	s16 =	simm.s32 $0x6C00  }
0x94: {  	[tilespmem:s16], [sflag:$0x1] =	stream.indirect_vreg.gather [hbm4b:s8+s3], $0x80, v3, vm0, $0xb8;
	[tilespmem:$0x10C00] =	vst v63  }
0x95: {  	s17 =	simm.s32 $0x7400  }
0x96: {  	[tilespmem:s17], [sflag:$0x1] =	stream.indirect_vreg.gather [hbm4b:s9+s3], $0x80, v3, vm0, $0xb8;
	[tilespmem:$0x10C00] =	vst v63  }
0x97: {  	s18 =	simm.s32 $0x7C00  }
0x98: {  	[tilespmem:s18], [sflag:$0x1] =	stream.indirect_vreg.gather [hbm4b:s10+s3], $0x80, v3, vm0, $0xb8;
	[tilespmem:$0x10C00] =	vst v63  }
0x99: {  	s19 =	simm.s32 $0x8400  }
0x9a: {  	[tilespmem:s19], [sflag:$0x1] =	stream.indirect_vreg.gather [hbm4b:s11+s3], $0x80, v3, vm0, $0xb8;
	[tilespmem:$0x10C00] =	vst v63  }
0x9b: {  	_ =	swait.ge [sflag:s29], $0x8000  }
0x9c: {  	[sflag:s29] =	ssyncset.done $0x0  }
0x9d: {  	s19 =	rddreg [dreg:$0x4];
	[sflag:s29] =	ssyncadd.s32 $0xFFFF8000  }
0x9e: {  	[hbm4b:s19+s3] =	stream.linear.scatter [tilespmem:s31], [sflag:$0x3], $0x8000, $0x38;
	[tilespmem:$0x10C00] =	vst v63  }
0x9f: {  	_ =	swait.ge [sflag:s13], $0x8000  }
0xa0: {  	[sflag:s13] =	ssyncset.done $0x0  }
0xa1: {  	[sflag:s13] =	ssyncadd.s32 $0xFFFF8000  }
0xa2: {  	v3 =	vld [tilespmem:$0x180];
	_ =	sdelay $0x4  }
0xa3: {  	v45 =	vshll.u32 v3, $0x4  }
0xa4: {  	v3 =	vand.u32 $0x7, v3;
	v4 =	vand.u32 $0xFFFFFF80, v45  }
0xa5: {  	v3 =	vor.u32 v3, v4  }
0xa6: {  	v4 =	vperm.xlane v3, v0;
	_ =	sdelay $0x1  }
0xa7: {  	v4 =	vadd.s32 v1, v4;
	_ =	sdelay $0x4  }
0xa8: {  	[tilespmem:s31], [sflag:$0x2] =	stream.indirect_vreg.gather [hbm4b:s2+s3], $0x80, v4, vm0, $0xb8;
	[tilespmem:$0x10C00] =	vst v63  }
0xa9: {  	s26 =	simm.s32 $0x9400  }
0xaa: {  	[tilespmem:s26], [sflag:$0x2] =	stream.indirect_vreg.gather [hbm4b:s5+s3], $0x80, v4, vm0, $0xb8;
	[tilespmem:$0x10C00] =	vst v63  }
0xab: {  	s30 =	simm.s32 $0x9C00  }
0xac: {  	[tilespmem:s30], [sflag:$0x2] =	stream.indirect_vreg.gather [hbm4b:s6+s3], $0x80, v4, vm0, $0xb8;
	[tilespmem:$0x10C00] =	vst v63  }
0xad: {  	s24 =	simm.s32 $0xA400  }
0xae: {  	[tilespmem:s24], [sflag:$0x2] =	stream.indirect_vreg.gather [hbm4b:s7+s3], $0x80, v4, vm0, $0xb8;
	[tilespmem:$0x10C00] =	vst v63  }
0xaf: {  	s21 =	simm.s32 $0xAC00  }
0xb0: {  	[tilespmem:s21], [sflag:$0x2] =	stream.indirect_vreg.gather [hbm4b:s8+s3], $0x80, v4, vm0, $0xb8;
	[tilespmem:$0x10C00] =	vst v63  }
0xb1: {  	s23 =	simm.s32 $0xB400;
	v3 =	vperm.xlane v3, v2  }
0xb2: {  	[tilespmem:s23], [sflag:$0x2] =	stream.indirect_vreg.gather [hbm4b:s9+s3], $0x80, v4, vm0, $0xb8;
	[tilespmem:$0x10C00] =	vst v63  }
0xb3: {  	s25 =	simm.s32 $0xBC00;
	v3 =	vadd.s32 v1, v3  }
0xb4: {  	[tilespmem:s25], [sflag:$0x2] =	stream.indirect_vreg.gather [hbm4b:s10+s3], $0x80, v4, vm0, $0xb8;
	[tilespmem:$0x10C00] =	vst v63  }
0xb5: {  	s23 =	simm.s32 $0xC400  }
0xb6: {  	[tilespmem:s23], [sflag:$0x2] =	stream.indirect_vreg.gather [hbm4b:s11+s3], $0x80, v4, vm0, $0xb8;
	[tilespmem:$0x10C00] =	vst v63  }
0xb7: {  	s30 =	simm.s32 $0xCC00  }
0xb8: {  	[tilespmem:s30], [sflag:$0x2] =	stream.indirect_vreg.gather [hbm4b:s2+s3], $0x80, v3, vm0, $0xb8;
	[tilespmem:$0x10C00] =	vst v63  }
0xb9: {  	s30 =	simm.s32 $0xD400  }
0xba: {  	[tilespmem:s30], [sflag:$0x2] =	stream.indirect_vreg.gather [hbm4b:s5+s3], $0x80, v3, vm0, $0xb8;
	[tilespmem:$0x10C00] =	vst v63  }
0xbb: {  	s30 =	simm.s32 $0xDC00  }
0xbc: {  	[tilespmem:s30], [sflag:$0x2] =	stream.indirect_vreg.gather [hbm4b:s6+s3], $0x80, v3, vm0, $0xb8;
	[tilespmem:$0x10C00] =	vst v63  }
0xbd: {  	s30 =	simm.s32 $0xE400  }
0xbe: {  	[tilespmem:s30], [sflag:$0x2] =	stream.indirect_vreg.gather [hbm4b:s7+s3], $0x80, v3, vm0, $0xb8;
	[tilespmem:$0x10C00] =	vst v63  }
0xbf: {  	s30 =	simm.s32 $0xEC00  }
0xc0: {  	[tilespmem:s30], [sflag:$0x2] =	stream.indirect_vreg.gather [hbm4b:s8+s3], $0x80, v3, vm0, $0xb8;
	[tilespmem:$0x10C00] =	vst v63  }
0xc1: {  	s30 =	simm.s32 $0xF400  }
0xc2: {  	[tilespmem:s30], [sflag:$0x2] =	stream.indirect_vreg.gather [hbm4b:s9+s3], $0x80, v3, vm0, $0xb8;
	[tilespmem:$0x10C00] =	vst v63  }
0xc3: {  	s30 =	simm.s32 $0xFC00  }
0xc4: {  	[tilespmem:s30], [sflag:$0x2] =	stream.indirect_vreg.gather [hbm4b:s10+s3], $0x80, v3, vm0, $0xb8;
	[tilespmem:$0x10C00] =	vst v63  }
0xc5: {  	s20 =	simm.s32 $0x10400  }
0xc6: {  	[tilespmem:s20], [sflag:$0x2] =	stream.indirect_vreg.gather [hbm4b:s11+s3], $0x80, v3, vm0, $0xb8;
	[tilespmem:$0x10C00] =	vst v63  }
0xc7: {  	_ =	swait.ge [sflag:s28], $0x8000  }
0xc8: {  	[sflag:s28] =	ssyncset.done $0x0  }
0xc9: {  	s30 =	rddreg [dreg:$0x5];
	[sflag:s28] =	ssyncadd.s32 $0xFFFF8000  }
0xca: {  	[hbm4b:s30+s3] =	stream.linear.scatter [tilespmem:s22], [sflag:$0x3], $0x8000, $0x38;
	[tilespmem:$0x10C00] =	vst v63  }
0xcb: {  	_ =	swait.ge [sflag:s13], $0x8000  }
0xcc: {  	[sflag:s13] =	ssyncset.done $0x0  }
0xcd: {  	[sflag:s13] =	ssyncadd.s32 $0xFFFF8000  }
0xce: {  	v3 =	vld [tilespmem:$0x200];
	_ =	sdelay $0x4  }
0xcf: {  	v46 =	vshll.u32 v3, $0x4  }
0xd0: {  	v3 =	vand.u32 $0x7, v3;
	v4 =	vand.u32 $0xFFFFFF80, v46  }
0xd1: {  	v3 =	vor.u32 v3, v4  }
0xd2: {  	v4 =	vperm.xlane v3, v0;
	_ =	sdelay $0x1  }
0xd3: {  	v4 =	vadd.s32 v1, v4;
	_ =	sdelay $0x4  }
0xd4: {  	[tilespmem:s22], [sflag:$0x1] =	stream.indirect_vreg.gather [hbm4b:s2+s3], $0x80, v4, vm0, $0xb8;
	[tilespmem:$0x10C00] =	vst v63  }
0xd5: {  	s30 =	simm.s32 $0x1400  }
0xd6: {  	[tilespmem:s30], [sflag:$0x1] =	stream.indirect_vreg.gather [hbm4b:s5+s3], $0x80, v4, vm0, $0xb8;
	[tilespmem:$0x10C00] =	vst v63  }
0xd7: {  	s30 =	simm.s32 $0x1C00  }
0xd8: {  	[tilespmem:s30], [sflag:$0x1] =	stream.indirect_vreg.gather [hbm4b:s6+s3], $0x80, v4, vm0, $0xb8;
	[tilespmem:$0x10C00] =	vst v63  }
0xd9: {  	s30 =	simm.s32 $0x2400  }
0xda: {  	[tilespmem:s30], [sflag:$0x1] =	stream.indirect_vreg.gather [hbm4b:s7+s3], $0x80, v4, vm0, $0xb8;
	[tilespmem:$0x10C00] =	vst v63  }
0xdb: {  	s30 =	simm.s32 $0x2C00  }
0xdc: {  	[tilespmem:s30], [sflag:$0x1] =	stream.indirect_vreg.gather [hbm4b:s8+s3], $0x80, v4, vm0, $0xb8;
	[tilespmem:$0x10C00] =	vst v63  }
0xdd: {  	v3 =	vperm.xlane v3, v2;
	s30 =	simm.s32 $0x3400  }
0xde: {  	[tilespmem:s30], [sflag:$0x1] =	stream.indirect_vreg.gather [hbm4b:s9+s3], $0x80, v4, vm0, $0xb8;
	[tilespmem:$0x10C00] =	vst v63  }
0xdf: {  	v3 =	vadd.s32 v1, v3  }
0xe0: {  	[tilespmem:s0], [sflag:$0x1] =	stream.indirect_vreg.gather [hbm4b:s10+s3], $0x80, v4, vm0, $0xb8;
	[tilespmem:$0x10C00] =	vst v63  }
0xe1: {  	_ = 	snop  }
0xe2: {  	[tilespmem:s1], [sflag:$0x1] =	stream.indirect_vreg.gather [hbm4b:s11+s3], $0x80, v4, vm0, $0xb8;
	[tilespmem:$0x10C00] =	vst v63  }
0xe3: {  	_ = 	snop  }
0xe4: {  	[tilespmem:s4], [sflag:$0x1] =	stream.indirect_vreg.gather [hbm4b:s2+s3], $0x80, v3, vm0, $0xb8;
	[tilespmem:$0x10C00] =	vst v63  }
0xe5: {  	_ = 	snop  }
0xe6: {  	[tilespmem:s12], [sflag:$0x1] =	stream.indirect_vreg.gather [hbm4b:s5+s3], $0x80, v3, vm0, $0xb8;
	[tilespmem:$0x10C00] =	vst v63  }
0xe7: {  	_ = 	snop  }
0xe8: {  	[tilespmem:s14], [sflag:$0x1] =	stream.indirect_vreg.gather [hbm4b:s6+s3], $0x80, v3, vm0, $0xb8;
	[tilespmem:$0x10C00] =	vst v63  }
0xe9: {  	_ = 	snop  }
0xea: {  	[tilespmem:s15], [sflag:$0x1] =	stream.indirect_vreg.gather [hbm4b:s7+s3], $0x80, v3, vm0, $0xb8;
	[tilespmem:$0x10C00] =	vst v63  }
0xeb: {  	_ = 	snop  }
0xec: {  	[tilespmem:s16], [sflag:$0x1] =	stream.indirect_vreg.gather [hbm4b:s8+s3], $0x80, v3, vm0, $0xb8;
	[tilespmem:$0x10C00] =	vst v63  }
0xed: {  	_ = 	snop  }
0xee: {  	[tilespmem:s17], [sflag:$0x1] =	stream.indirect_vreg.gather [hbm4b:s9+s3], $0x80, v3, vm0, $0xb8;
	[tilespmem:$0x10C00] =	vst v63  }
0xef: {  	_ = 	snop  }
0xf0: {  	[tilespmem:s18], [sflag:$0x1] =	stream.indirect_vreg.gather [hbm4b:s10+s3], $0x80, v3, vm0, $0xb8;
	[tilespmem:$0x10C00] =	vst v63  }
0xf1: {  	s30 =	simm.s32 $0x8400  }
0xf2: {  	[tilespmem:s30], [sflag:$0x1] =	stream.indirect_vreg.gather [hbm4b:s11+s3], $0x80, v3, vm0, $0xb8;
	[tilespmem:$0x10C00] =	vst v63  }
0xf3: {  	_ =	swait.ge [sflag:s29], $0x8000  }
0xf4: {  	[sflag:s29] =	ssyncset.done $0x0  }
0xf5: {  	s30 =	rddreg [dreg:$0x6];
	[sflag:s29] =	ssyncadd.s32 $0xFFFF8000  }
0xf6: {  	[hbm4b:s30+s3] =	stream.linear.scatter [tilespmem:s31], [sflag:$0x3], $0x8000, $0x38;
	[tilespmem:$0x10C00] =	vst v63  }
0xf7: {  	_ =	swait.ge [sflag:s13], $0x8000  }
0xf8: {  	[sflag:s13] =	ssyncset.done $0x0  }
0xf9: {  	[sflag:s13] =	ssyncadd.s32 $0xFFFF8000  }
0xfa: {  	v3 =	vld [tilespmem:$0x280];
	_ =	sdelay $0x4  }
0xfb: {  	v47 =	vshll.u32 v3, $0x4  }
0xfc: {  	v3 =	vand.u32 $0x7, v3;
	v4 =	vand.u32 $0xFFFFFF80, v47  }
0xfd: {  	v3 =	vor.u32 v3, v4  }
0xfe: {  	v4 =	vperm.xlane v3, v0;
	_ =	sdelay $0x1  }
0xff: {  	v4 =	vadd.s32 v1, v4;
	_ =	sdelay $0x4  }
0x100: {  	[tilespmem:s31], [sflag:$0x2] =	stream.indirect_vreg.gather [hbm4b:s2+s3], $0x80, v4, vm0, $0xb8;
	[tilespmem:$0x10C00] =	vst v63  }
0x101: {  	s19 =	simm.s32 $0x9400  }
0x102: {  	[tilespmem:s19], [sflag:$0x2] =	stream.indirect_vreg.gather [hbm4b:s5+s3], $0x80, v4, vm0, $0xb8;
	[tilespmem:$0x10C00] =	vst v63  }
0x103: {  	s26 =	simm.s32 $0x9C00  }
0x104: {  	[tilespmem:s26], [sflag:$0x2] =	stream.indirect_vreg.gather [hbm4b:s6+s3], $0x80, v4, vm0, $0xb8;
	[tilespmem:$0x10C00] =	vst v63  }
0x105: {  	s24 =	simm.s32 $0xA400  }
0x106: {  	[tilespmem:s24], [sflag:$0x2] =	stream.indirect_vreg.gather [hbm4b:s7+s3], $0x80, v4, vm0, $0xb8;
	[tilespmem:$0x10C00] =	vst v63  }
0x107: {  	s30 =	simm.s32 $0xAC00  }
0x108: {  	[tilespmem:s30], [sflag:$0x2] =	stream.indirect_vreg.gather [hbm4b:s8+s3], $0x80, v4, vm0, $0xb8;
	[tilespmem:$0x10C00] =	vst v63  }
0x109: {  	v3 =	vperm.xlane v3, v2;
	s30 =	simm.s32 $0xB400  }
0x10a: {  	[tilespmem:s30], [sflag:$0x2] =	stream.indirect_vreg.gather [hbm4b:s9+s3], $0x80, v4, vm0, $0xb8;
	[tilespmem:$0x10C00] =	vst v63  }
0x10b: {  	s25 =	simm.s32 $0xBC00;
	v3 =	vadd.s32 v1, v3  }
0x10c: {  	[tilespmem:s25], [sflag:$0x2] =	stream.indirect_vreg.gather [hbm4b:s10+s3], $0x80, v4, vm0, $0xb8;
	[tilespmem:$0x10C00] =	vst v63  }
0x10d: {  	s21 =	simm.s32 $0xC400  }
0x10e: {  	[tilespmem:s21], [sflag:$0x2] =	stream.indirect_vreg.gather [hbm4b:s11+s3], $0x80, v4, vm0, $0xb8;
	[tilespmem:$0x10C00] =	vst v63  }
0x10f: {  	s23 =	simm.s32 $0xCC00  }
0x110: {  	[tilespmem:s23], [sflag:$0x2] =	stream.indirect_vreg.gather [hbm4b:s2+s3], $0x80, v3, vm0, $0xb8;
	[tilespmem:$0x10C00] =	vst v63  }
0x111: {  	s30 =	simm.s32 $0xD400  }
0x112: {  	[tilespmem:s30], [sflag:$0x2] =	stream.indirect_vreg.gather [hbm4b:s5+s3], $0x80, v3, vm0, $0xb8;
	[tilespmem:$0x10C00] =	vst v63  }
0x113: {  	s30 =	simm.s32 $0xDC00  }
0x114: {  	[tilespmem:s30], [sflag:$0x2] =	stream.indirect_vreg.gather [hbm4b:s6+s3], $0x80, v3, vm0, $0xb8;
	[tilespmem:$0x10C00] =	vst v63  }
0x115: {  	s30 =	simm.s32 $0xE400  }
0x116: {  	[tilespmem:s30], [sflag:$0x2] =	stream.indirect_vreg.gather [hbm4b:s7+s3], $0x80, v3, vm0, $0xb8;
	[tilespmem:$0x10C00] =	vst v63  }
0x117: {  	s30 =	simm.s32 $0xEC00  }
0x118: {  	[tilespmem:s30], [sflag:$0x2] =	stream.indirect_vreg.gather [hbm4b:s8+s3], $0x80, v3, vm0, $0xb8;
	[tilespmem:$0x10C00] =	vst v63  }
0x119: {  	s30 =	simm.s32 $0xF400  }
0x11a: {  	[tilespmem:s30], [sflag:$0x2] =	stream.indirect_vreg.gather [hbm4b:s9+s3], $0x80, v3, vm0, $0xb8;
	[tilespmem:$0x10C00] =	vst v63  }
0x11b: {  	s30 =	simm.s32 $0xFC00  }
0x11c: {  	[tilespmem:s30], [sflag:$0x2] =	stream.indirect_vreg.gather [hbm4b:s10+s3], $0x80, v3, vm0, $0xb8;
	[tilespmem:$0x10C00] =	vst v63  }
0x11d: {  	s20 =	simm.s32 $0x10400  }
0x11e: {  	[tilespmem:s20], [sflag:$0x2] =	stream.indirect_vreg.gather [hbm4b:s11+s3], $0x80, v3, vm0, $0xb8;
	[tilespmem:$0x10C00] =	vst v63  }
0x11f: {  	_ =	swait.ge [sflag:s28], $0x8000  }
0x120: {  	[sflag:s28] =	ssyncset.done $0x0  }
0x121: {  	s30 =	rddreg [dreg:$0x7];
	[sflag:s28] =	ssyncadd.s32 $0xFFFF8000  }
0x122: {  	[hbm4b:s30+s3] =	stream.linear.scatter [tilespmem:s22], [sflag:$0x3], $0x8000, $0x38;
	[tilespmem:$0x10C00] =	vst v63  }
0x123: {  	_ =	swait.ge [sflag:s13], $0x8000  }
0x124: {  	[sflag:s13] =	ssyncset.done $0x0  }
0x125: {  	[sflag:s13] =	ssyncadd.s32 $0xFFFF8000  }
0x126: {  	v3 =	vld [tilespmem:$0x300];
	_ =	sdelay $0x4  }
0x127: {  	v48 =	vshll.u32 v3, $0x4  }
0x128: {  	v3 =	vand.u32 $0x7, v3;
	v4 =	vand.u32 $0xFFFFFF80, v48  }
0x129: {  	v3 =	vor.u32 v3, v4  }
0x12a: {  	v4 =	vperm.xlane v3, v0;
	_ =	sdelay $0x1  }
0x12b: {  	v4 =	vadd.s32 v1, v4;
	_ =	sdelay $0x4  }
0x12c: {  	[tilespmem:s22], [sflag:$0x1] =	stream.indirect_vreg.gather [hbm4b:s2+s3], $0x80, v4, vm0, $0xb8;
	[tilespmem:$0x10C00] =	vst v63  }
0x12d: {  	s30 =	simm.s32 $0x1400  }
0x12e: {  	[tilespmem:s30], [sflag:$0x1] =	stream.indirect_vreg.gather [hbm4b:s5+s3], $0x80, v4, vm0, $0xb8;
	[tilespmem:$0x10C00] =	vst v63  }
0x12f: {  	s30 =	simm.s32 $0x1C00  }
0x130: {  	[tilespmem:s30], [sflag:$0x1] =	stream.indirect_vreg.gather [hbm4b:s6+s3], $0x80, v4, vm0, $0xb8;
	[tilespmem:$0x10C00] =	vst v63  }
0x131: {  	s30 =	simm.s32 $0x2400  }
0x132: {  	[tilespmem:s30], [sflag:$0x1] =	stream.indirect_vreg.gather [hbm4b:s7+s3], $0x80, v4, vm0, $0xb8;
	[tilespmem:$0x10C00] =	vst v63  }
0x133: {  	s30 =	simm.s32 $0x2C00  }
0x134: {  	[tilespmem:s30], [sflag:$0x1] =	stream.indirect_vreg.gather [hbm4b:s8+s3], $0x80, v4, vm0, $0xb8;
	[tilespmem:$0x10C00] =	vst v63  }
0x135: {  	v3 =	vperm.xlane v3, v2;
	s30 =	simm.s32 $0x3400  }
0x136: {  	[tilespmem:s30], [sflag:$0x1] =	stream.indirect_vreg.gather [hbm4b:s9+s3], $0x80, v4, vm0, $0xb8;
	[tilespmem:$0x10C00] =	vst v63  }
0x137: {  	s0 =	simm.s32 $0x3C00;
	v3 =	vadd.s32 v1, v3  }
0x138: {  	[tilespmem:s0], [sflag:$0x1] =	stream.indirect_vreg.gather [hbm4b:s10+s3], $0x80, v4, vm0, $0xb8;
	[tilespmem:$0x10C00] =	vst v63  }
0x139: {  	s1 =	simm.s32 $0x4400  }
0x13a: {  	[tilespmem:s1], [sflag:$0x1] =	stream.indirect_vreg.gather [hbm4b:s11+s3], $0x80, v4, vm0, $0xb8;
	[tilespmem:$0x10C00] =	vst v63  }
0x13b: {  	s4 =	simm.s32 $0x4C00  }
0x13c: {  	[tilespmem:s4], [sflag:$0x1] =	stream.indirect_vreg.gather [hbm4b:s2+s3], $0x80, v3, vm0, $0xb8;
	[tilespmem:$0x10C00] =	vst v63  }
0x13d: {  	s12 =	simm.s32 $0x5400  }
0x13e: {  	[tilespmem:s12], [sflag:$0x1] =	stream.indirect_vreg.gather [hbm4b:s5+s3], $0x80, v3, vm0, $0xb8;
	[tilespmem:$0x10C00] =	vst v63  }
0x13f: {  	s14 =	simm.s32 $0x5C00  }
0x140: {  	[tilespmem:s14], [sflag:$0x1] =	stream.indirect_vreg.gather [hbm4b:s6+s3], $0x80, v3, vm0, $0xb8;
	[tilespmem:$0x10C00] =	vst v63  }
0x141: {  	s15 =	simm.s32 $0x6400  }
0x142: {  	[tilespmem:s15], [sflag:$0x1] =	stream.indirect_vreg.gather [hbm4b:s7+s3], $0x80, v3, vm0, $0xb8;
	[tilespmem:$0x10C00] =	vst v63  }
0x143: {  	s16 =	simm.s32 $0x6C00  }
0x144: {  	[tilespmem:s16], [sflag:$0x1] =	stream.indirect_vreg.gather [hbm4b:s8+s3], $0x80, v3, vm0, $0xb8;
	[tilespmem:$0x10C00] =	vst v63  }
0x145: {  	s17 =	simm.s32 $0x7400  }
0x146: {  	[tilespmem:s17], [sflag:$0x1] =	stream.indirect_vreg.gather [hbm4b:s9+s3], $0x80, v3, vm0, $0xb8;
	[tilespmem:$0x10C00] =	vst v63  }
0x147: {  	s18 =	simm.s32 $0x7C00  }
0x148: {  	[tilespmem:s18], [sflag:$0x1] =	stream.indirect_vreg.gather [hbm4b:s10+s3], $0x80, v3, vm0, $0xb8;
	[tilespmem:$0x10C00] =	vst v63  }
0x149: {  	s30 =	simm.s32 $0x8400  }
0x14a: {  	[tilespmem:s30], [sflag:$0x1] =	stream.indirect_vreg.gather [hbm4b:s11+s3], $0x80, v3, vm0, $0xb8;
	[tilespmem:$0x10C00] =	vst v63  }
0x14b: {  	_ =	swait.ge [sflag:s29], $0x8000  }
0x14c: {  	[sflag:s29] =	ssyncset.done $0x0  }
0x14d: {  	s1 =	rddreg [dreg:$0x8];
	[sflag:s29] =	ssyncadd.s32 $0xFFFF8000  }
0x14e: {  	[hbm4b:s1+s3] =	stream.linear.scatter [tilespmem:s31], [sflag:$0x3], $0x8000, $0x38;
	[tilespmem:$0x10C00] =	vst v63  }
0x14f: {  	_ =	swait.ge [sflag:s13], $0x8000  }
0x150: {  	[sflag:s13] =	ssyncset.done $0x0  }
0x151: {  	[sflag:s13] =	ssyncadd.s32 $0xFFFF8000  }
0x152: {  	v3 =	vld [tilespmem:$0x380];
	_ =	sdelay $0x4  }
0x153: {  	v49 =	vshll.u32 v3, $0x4  }
0x154: {  	v3 =	vand.u32 $0x7, v3;
	v4 =	vand.u32 $0xFFFFFF80, v49  }
0x155: {  	v3 =	vor.u32 v3, v4  }
0x156: {  	v4 =	vperm.xlane v3, v0;
	_ =	sdelay $0x1  }
0x157: {  	v4 =	vadd.s32 v1, v4;
	_ =	sdelay $0x4  }
0x158: {  	[tilespmem:s31], [sflag:$0x2] =	stream.indirect_vreg.gather [hbm4b:s2+s3], $0x80, v4, vm0, $0xb8;
	[tilespmem:$0x10C00] =	vst v63  }
0x159: {  	s19 =	simm.s32 $0x9400  }
0x15a: {  	[tilespmem:s19], [sflag:$0x2] =	stream.indirect_vreg.gather [hbm4b:s5+s3], $0x80, v4, vm0, $0xb8;
	[tilespmem:$0x10C00] =	vst v63  }
0x15b: {  	s26 =	simm.s32 $0x9C00  }
0x15c: {  	[tilespmem:s26], [sflag:$0x2] =	stream.indirect_vreg.gather [hbm4b:s6+s3], $0x80, v4, vm0, $0xb8;
	[tilespmem:$0x10C00] =	vst v63  }
0x15d: {  	s24 =	simm.s32 $0xA400  }
0x15e: {  	[tilespmem:s24], [sflag:$0x2] =	stream.indirect_vreg.gather [hbm4b:s7+s3], $0x80, v4, vm0, $0xb8;
	[tilespmem:$0x10C00] =	vst v63  }
0x15f: {  	s30 =	simm.s32 $0xAC00  }
0x160: {  	[tilespmem:s30], [sflag:$0x2] =	stream.indirect_vreg.gather [hbm4b:s8+s3], $0x80, v4, vm0, $0xb8;
	[tilespmem:$0x10C00] =	vst v63  }
0x161: {  	v3 =	vperm.xlane v3, v2;
	s30 =	simm.s32 $0xB400  }
0x162: {  	[tilespmem:s30], [sflag:$0x2] =	stream.indirect_vreg.gather [hbm4b:s9+s3], $0x80, v4, vm0, $0xb8;
	[tilespmem:$0x10C00] =	vst v63  }
0x163: {  	s25 =	simm.s32 $0xBC00;
	v3 =	vadd.s32 v1, v3  }
0x164: {  	[tilespmem:s25], [sflag:$0x2] =	stream.indirect_vreg.gather [hbm4b:s10+s3], $0x80, v4, vm0, $0xb8;
	[tilespmem:$0x10C00] =	vst v63  }
0x165: {  	s21 =	simm.s32 $0xC400  }
0x166: {  	[tilespmem:s21], [sflag:$0x2] =	stream.indirect_vreg.gather [hbm4b:s11+s3], $0x80, v4, vm0, $0xb8;
	[tilespmem:$0x10C00] =	vst v63  }
0x167: {  	s23 =	simm.s32 $0xCC00  }
0x168: {  	[tilespmem:s23], [sflag:$0x2] =	stream.indirect_vreg.gather [hbm4b:s2+s3], $0x80, v3, vm0, $0xb8;
	[tilespmem:$0x10C00] =	vst v63  }
0x169: {  	s30 =	simm.s32 $0xD400  }
0x16a: {  	[tilespmem:s30], [sflag:$0x2] =	stream.indirect_vreg.gather [hbm4b:s5+s3], $0x80, v3, vm0, $0xb8;
	[tilespmem:$0x10C00] =	vst v63  }
0x16b: {  	s30 =	simm.s32 $0xDC00  }
0x16c: {  	[tilespmem:s30], [sflag:$0x2] =	stream.indirect_vreg.gather [hbm4b:s6+s3], $0x80, v3, vm0, $0xb8;
	[tilespmem:$0x10C00] =	vst v63  }
0x16d: {  	s30 =	simm.s32 $0xE400  }
0x16e: {  	[tilespmem:s30], [sflag:$0x2] =	stream.indirect_vreg.gather [hbm4b:s7+s3], $0x80, v3, vm0, $0xb8;
	[tilespmem:$0x10C00] =	vst v63  }
0x16f: {  	s30 =	simm.s32 $0xEC00  }
0x170: {  	[tilespmem:s30], [sflag:$0x2] =	stream.indirect_vreg.gather [hbm4b:s8+s3], $0x80, v3, vm0, $0xb8;
	[tilespmem:$0x10C00] =	vst v63  }
0x171: {  	s30 =	simm.s32 $0xF400  }
0x172: {  	[tilespmem:s30], [sflag:$0x2] =	stream.indirect_vreg.gather [hbm4b:s9+s3], $0x80, v3, vm0, $0xb8;
	[tilespmem:$0x10C00] =	vst v63  }
0x173: {  	s30 =	simm.s32 $0xFC00  }
0x174: {  	[tilespmem:s30], [sflag:$0x2] =	stream.indirect_vreg.gather [hbm4b:s10+s3], $0x80, v3, vm0, $0xb8;
	[tilespmem:$0x10C00] =	vst v63  }
0x175: {  	s20 =	simm.s32 $0x10400  }
0x176: {  	[tilespmem:s20], [sflag:$0x2] =	stream.indirect_vreg.gather [hbm4b:s11+s3], $0x80, v3, vm0, $0xb8;
	[tilespmem:$0x10C00] =	vst v63  }
0x177: {  	_ =	swait.ge [sflag:s28], $0x8000  }
0x178: {  	[sflag:s28] =	ssyncset.done $0x0  }
0x179: {  	s30 =	rddreg [dreg:$0x9];
	[sflag:s28] =	ssyncadd.s32 $0xFFFF8000  }
0x17a: {  	[hbm4b:s30+s3] =	stream.linear.scatter [tilespmem:s22], [sflag:$0x3], $0x8000, $0x38;
	[tilespmem:$0x10C00] =	vst v63  }
0x17b: {  	_ =	swait.ge [sflag:s13], $0x8000  }
0x17c: {  	[sflag:s13] =	ssyncset.done $0x0  }
0x17d: {  	[sflag:s13] =	ssyncadd.s32 $0xFFFF8000  }
0x17e: {  	v3 =	vld [tilespmem:$0x400];
	_ =	sdelay $0x4  }
0x17f: {  	v50 =	vshll.u32 v3, $0x4  }
0x180: {  	v3 =	vand.u32 $0x7, v3;
	v4 =	vand.u32 $0xFFFFFF80, v50  }
0x181: {  	v3 =	vor.u32 v3, v4  }
0x182: {  	v4 =	vperm.xlane v3, v0;
	_ =	sdelay $0x1  }
0x183: {  	v4 =	vadd.s32 v1, v4;
	_ =	sdelay $0x4  }
0x184: {  	[tilespmem:s22], [sflag:$0x1] =	stream.indirect_vreg.gather [hbm4b:s2+s3], $0x80, v4, vm0, $0xb8;
	[tilespmem:$0x10C00] =	vst v63  }
0x185: {  	s30 =	simm.s32 $0x1400  }
0x186: {  	[tilespmem:s30], [sflag:$0x1] =	stream.indirect_vreg.gather [hbm4b:s5+s3], $0x80, v4, vm0, $0xb8;
	[tilespmem:$0x10C00] =	vst v63  }
0x187: {  	s30 =	simm.s32 $0x1C00  }
0x188: {  	[tilespmem:s30], [sflag:$0x1] =	stream.indirect_vreg.gather [hbm4b:s6+s3], $0x80, v4, vm0, $0xb8;
	[tilespmem:$0x10C00] =	vst v63  }
0x189: {  	s30 =	simm.s32 $0x2400  }
0x18a: {  	[tilespmem:s30], [sflag:$0x1] =	stream.indirect_vreg.gather [hbm4b:s7+s3], $0x80, v4, vm0, $0xb8;
	[tilespmem:$0x10C00] =	vst v63  }
0x18b: {  	s30 =	simm.s32 $0x2C00  }
0x18c: {  	[tilespmem:s30], [sflag:$0x1] =	stream.indirect_vreg.gather [hbm4b:s8+s3], $0x80, v4, vm0, $0xb8;
	[tilespmem:$0x10C00] =	vst v63  }
0x18d: {  	v3 =	vperm.xlane v3, v2;
	s30 =	simm.s32 $0x3400  }
0x18e: {  	[tilespmem:s30], [sflag:$0x1] =	stream.indirect_vreg.gather [hbm4b:s9+s3], $0x80, v4, vm0, $0xb8;
	[tilespmem:$0x10C00] =	vst v63  }
0x18f: {  	s0 =	simm.s32 $0x3C00;
	v3 =	vadd.s32 v1, v3  }
0x190: {  	[tilespmem:s0], [sflag:$0x1] =	stream.indirect_vreg.gather [hbm4b:s10+s3], $0x80, v4, vm0, $0xb8;
	[tilespmem:$0x10C00] =	vst v63  }
0x191: {  	s30 =	simm.s32 $0x4400  }
0x192: {  	[tilespmem:s30], [sflag:$0x1] =	stream.indirect_vreg.gather [hbm4b:s11+s3], $0x80, v4, vm0, $0xb8;
	[tilespmem:$0x10C00] =	vst v63  }
0x193: {  	s4 =	simm.s32 $0x4C00  }
0x194: {  	[tilespmem:s4], [sflag:$0x1] =	stream.indirect_vreg.gather [hbm4b:s2+s3], $0x80, v3, vm0, $0xb8;
	[tilespmem:$0x10C00] =	vst v63  }
0x195: {  	s12 =	simm.s32 $0x5400  }
0x196: {  	[tilespmem:s12], [sflag:$0x1] =	stream.indirect_vreg.gather [hbm4b:s5+s3], $0x80, v3, vm0, $0xb8;
	[tilespmem:$0x10C00] =	vst v63  }
0x197: {  	s14 =	simm.s32 $0x5C00  }
0x198: {  	[tilespmem:s14], [sflag:$0x1] =	stream.indirect_vreg.gather [hbm4b:s6+s3], $0x80, v3, vm0, $0xb8;
	[tilespmem:$0x10C00] =	vst v63  }
0x199: {  	s15 =	simm.s32 $0x6400  }
0x19a: {  	[tilespmem:s15], [sflag:$0x1] =	stream.indirect_vreg.gather [hbm4b:s7+s3], $0x80, v3, vm0, $0xb8;
	[tilespmem:$0x10C00] =	vst v63  }
0x19b: {  	s16 =	simm.s32 $0x6C00  }
0x19c: {  	[tilespmem:s16], [sflag:$0x1] =	stream.indirect_vreg.gather [hbm4b:s8+s3], $0x80, v3, vm0, $0xb8;
	[tilespmem:$0x10C00] =	vst v63  }
0x19d: {  	s17 =	simm.s32 $0x7400  }
0x19e: {  	[tilespmem:s17], [sflag:$0x1] =	stream.indirect_vreg.gather [hbm4b:s9+s3], $0x80, v3, vm0, $0xb8;
	[tilespmem:$0x10C00] =	vst v63  }
0x19f: {  	s18 =	simm.s32 $0x7C00  }
0x1a0: {  	[tilespmem:s18], [sflag:$0x1] =	stream.indirect_vreg.gather [hbm4b:s10+s3], $0x80, v3, vm0, $0xb8;
	[tilespmem:$0x10C00] =	vst v63  }
0x1a1: {  	s30 =	simm.s32 $0x8400  }
0x1a2: {  	[tilespmem:s30], [sflag:$0x1] =	stream.indirect_vreg.gather [hbm4b:s11+s3], $0x80, v3, vm0, $0xb8;
	[tilespmem:$0x10C00] =	vst v63  }
0x1a3: {  	_ =	swait.ge [sflag:s29], $0x8000  }
0x1a4: {  	[sflag:s29] =	ssyncset.done $0x0  }
0x1a5: {  	s4 =	rddreg [dreg:$0xa];
	[sflag:s29] =	ssyncadd.s32 $0xFFFF8000  }
0x1a6: {  	[hbm4b:s4+s3] =	stream.linear.scatter [tilespmem:s31], [sflag:$0x3], $0x8000, $0x38;
	[tilespmem:$0x10C00] =	vst v63  }
0x1a7: {  	_ =	swait.ge [sflag:s13], $0x8000  }
0x1a8: {  	[sflag:s13] =	ssyncset.done $0x0  }
0x1a9: {  	[sflag:s13] =	ssyncadd.s32 $0xFFFF8000  }
0x1aa: {  	v3 =	vld [tilespmem:$0x480];
	_ =	sdelay $0x4  }
0x1ab: {  	v51 =	vshll.u32 v3, $0x4  }
0x1ac: {  	v3 =	vand.u32 $0x7, v3;
	v4 =	vand.u32 $0xFFFFFF80, v51  }
0x1ad: {  	v3 =	vor.u32 v3, v4  }
0x1ae: {  	v4 =	vperm.xlane v3, v0;
	_ =	sdelay $0x1  }
0x1af: {  	v4 =	vadd.s32 v1, v4;
	_ =	sdelay $0x4  }
0x1b0: {  	[tilespmem:s31], [sflag:$0x2] =	stream.indirect_vreg.gather [hbm4b:s2+s3], $0x80, v4, vm0, $0xb8;
	[tilespmem:$0x10C00] =	vst v63  }
0x1b1: {  	s19 =	simm.s32 $0x9400  }
0x1b2: {  	[tilespmem:s19], [sflag:$0x2] =	stream.indirect_vreg.gather [hbm4b:s5+s3], $0x80, v4, vm0, $0xb8;
	[tilespmem:$0x10C00] =	vst v63  }
0x1b3: {  	s1 =	simm.s32 $0x9C00  }
0x1b4: {  	[tilespmem:s1], [sflag:$0x2] =	stream.indirect_vreg.gather [hbm4b:s6+s3], $0x80, v4, vm0, $0xb8;
	[tilespmem:$0x10C00] =	vst v63  }
0x1b5: {  	s24 =	simm.s32 $0xA400  }
0x1b6: {  	[tilespmem:s24], [sflag:$0x2] =	stream.indirect_vreg.gather [hbm4b:s7+s3], $0x80, v4, vm0, $0xb8;
	[tilespmem:$0x10C00] =	vst v63  }
0x1b7: {  	s30 =	simm.s32 $0xAC00  }
0x1b8: {  	[tilespmem:s30], [sflag:$0x2] =	stream.indirect_vreg.gather [hbm4b:s8+s3], $0x80, v4, vm0, $0xb8;
	[tilespmem:$0x10C00] =	vst v63  }
0x1b9: {  	v3 =	vperm.xlane v3, v2;
	s30 =	simm.s32 $0xB400  }
0x1ba: {  	[tilespmem:s30], [sflag:$0x2] =	stream.indirect_vreg.gather [hbm4b:s9+s3], $0x80, v4, vm0, $0xb8;
	[tilespmem:$0x10C00] =	vst v63  }
0x1bb: {  	s26 =	simm.s32 $0xBC00;
	v3 =	vadd.s32 v1, v3  }
0x1bc: {  	[tilespmem:s26], [sflag:$0x2] =	stream.indirect_vreg.gather [hbm4b:s10+s3], $0x80, v4, vm0, $0xb8;
	[tilespmem:$0x10C00] =	vst v63  }
0x1bd: {  	s25 =	simm.s32 $0xC400  }
0x1be: {  	[tilespmem:s25], [sflag:$0x2] =	stream.indirect_vreg.gather [hbm4b:s11+s3], $0x80, v4, vm0, $0xb8;
	[tilespmem:$0x10C00] =	vst v63  }
0x1bf: {  	s21 =	simm.s32 $0xCC00  }
0x1c0: {  	[tilespmem:s21], [sflag:$0x2] =	stream.indirect_vreg.gather [hbm4b:s2+s3], $0x80, v3, vm0, $0xb8;
	[tilespmem:$0x10C00] =	vst v63  }
0x1c1: {  	s23 =	simm.s32 $0xD400  }
0x1c2: {  	[tilespmem:s23], [sflag:$0x2] =	stream.indirect_vreg.gather [hbm4b:s5+s3], $0x80, v3, vm0, $0xb8;
	[tilespmem:$0x10C00] =	vst v63  }
0x1c3: {  	s30 =	simm.s32 $0xDC00  }
0x1c4: {  	[tilespmem:s30], [sflag:$0x2] =	stream.indirect_vreg.gather [hbm4b:s6+s3], $0x80, v3, vm0, $0xb8;
	[tilespmem:$0x10C00] =	vst v63  }
0x1c5: {  	s30 =	simm.s32 $0xE400  }
0x1c6: {  	[tilespmem:s30], [sflag:$0x2] =	stream.indirect_vreg.gather [hbm4b:s7+s3], $0x80, v3, vm0, $0xb8;
	[tilespmem:$0x10C00] =	vst v63  }
0x1c7: {  	s30 =	simm.s32 $0xEC00  }
0x1c8: {  	[tilespmem:s30], [sflag:$0x2] =	stream.indirect_vreg.gather [hbm4b:s8+s3], $0x80, v3, vm0, $0xb8;
	[tilespmem:$0x10C00] =	vst v63  }
0x1c9: {  	s30 =	simm.s32 $0xF400  }
0x1ca: {  	[tilespmem:s30], [sflag:$0x2] =	stream.indirect_vreg.gather [hbm4b:s9+s3], $0x80, v3, vm0, $0xb8;
	[tilespmem:$0x10C00] =	vst v63  }
0x1cb: {  	s30 =	simm.s32 $0xFC00  }
0x1cc: {  	[tilespmem:s30], [sflag:$0x2] =	stream.indirect_vreg.gather [hbm4b:s10+s3], $0x80, v3, vm0, $0xb8;
	[tilespmem:$0x10C00] =	vst v63  }
0x1cd: {  	s20 =	simm.s32 $0x10400  }
0x1ce: {  	[tilespmem:s20], [sflag:$0x2] =	stream.indirect_vreg.gather [hbm4b:s11+s3], $0x80, v3, vm0, $0xb8;
	[tilespmem:$0x10C00] =	vst v63  }
0x1cf: {  	_ =	swait.ge [sflag:s28], $0x8000  }
0x1d0: {  	[sflag:s28] =	ssyncset.done $0x0  }
0x1d1: {  	s30 =	rddreg [dreg:$0xb];
	[sflag:s28] =	ssyncadd.s32 $0xFFFF8000  }
0x1d2: {  	[hbm4b:s30+s3] =	stream.linear.scatter [tilespmem:s22], [sflag:$0x3], $0x8000, $0x38;
	[tilespmem:$0x10C00] =	vst v63  }
0x1d3: {  	_ =	swait.ge [sflag:s13], $0x8000  }
0x1d4: {  	[sflag:s13] =	ssyncset.done $0x0  }
0x1d5: {  	[sflag:s13] =	ssyncadd.s32 $0xFFFF8000  }
0x1d6: {  	v3 =	vld [tilespmem:$0x500];
	_ =	sdelay $0x4  }
0x1d7: {  	v52 =	vshll.u32 v3, $0x4  }
0x1d8: {  	v3 =	vand.u32 $0x7, v3;
	v4 =	vand.u32 $0xFFFFFF80, v52  }
0x1d9: {  	v3 =	vor.u32 v3, v4  }
0x1da: {  	v4 =	vperm.xlane v3, v0;
	_ =	sdelay $0x1  }
0x1db: {  	v4 =	vadd.s32 v1, v4;
	_ =	sdelay $0x4  }
0x1dc: {  	[tilespmem:s22], [sflag:$0x1] =	stream.indirect_vreg.gather [hbm4b:s2+s3], $0x80, v4, vm0, $0xb8;
	[tilespmem:$0x10C00] =	vst v63  }
0x1dd: {  	s30 =	simm.s32 $0x1400  }
0x1de: {  	[tilespmem:s30], [sflag:$0x1] =	stream.indirect_vreg.gather [hbm4b:s5+s3], $0x80, v4, vm0, $0xb8;
	[tilespmem:$0x10C00] =	vst v63  }
0x1df: {  	s30 =	simm.s32 $0x1C00  }
0x1e0: {  	[tilespmem:s30], [sflag:$0x1] =	stream.indirect_vreg.gather [hbm4b:s6+s3], $0x80, v4, vm0, $0xb8;
	[tilespmem:$0x10C00] =	vst v63  }
0x1e1: {  	s30 =	simm.s32 $0x2400  }
0x1e2: {  	[tilespmem:s30], [sflag:$0x1] =	stream.indirect_vreg.gather [hbm4b:s7+s3], $0x80, v4, vm0, $0xb8;
	[tilespmem:$0x10C00] =	vst v63  }
0x1e3: {  	s30 =	simm.s32 $0x2C00  }
0x1e4: {  	[tilespmem:s30], [sflag:$0x1] =	stream.indirect_vreg.gather [hbm4b:s8+s3], $0x80, v4, vm0, $0xb8;
	[tilespmem:$0x10C00] =	vst v63  }
0x1e5: {  	v3 =	vperm.xlane v3, v2;
	s30 =	simm.s32 $0x3400  }
0x1e6: {  	[tilespmem:s30], [sflag:$0x1] =	stream.indirect_vreg.gather [hbm4b:s9+s3], $0x80, v4, vm0, $0xb8;
	[tilespmem:$0x10C00] =	vst v63  }
0x1e7: {  	s0 =	simm.s32 $0x3C00;
	v3 =	vadd.s32 v1, v3  }
0x1e8: {  	[tilespmem:s0], [sflag:$0x1] =	stream.indirect_vreg.gather [hbm4b:s10+s3], $0x80, v4, vm0, $0xb8;
	[tilespmem:$0x10C00] =	vst v63  }
0x1e9: {  	s30 =	simm.s32 $0x4400  }
0x1ea: {  	[tilespmem:s30], [sflag:$0x1] =	stream.indirect_vreg.gather [hbm4b:s11+s3], $0x80, v4, vm0, $0xb8;
	[tilespmem:$0x10C00] =	vst v63  }
0x1eb: {  	s30 =	simm.s32 $0x4C00  }
0x1ec: {  	[tilespmem:s30], [sflag:$0x1] =	stream.indirect_vreg.gather [hbm4b:s2+s3], $0x80, v3, vm0, $0xb8;
	[tilespmem:$0x10C00] =	vst v63  }
0x1ed: {  	s12 =	simm.s32 $0x5400  }
0x1ee: {  	[tilespmem:s12], [sflag:$0x1] =	stream.indirect_vreg.gather [hbm4b:s5+s3], $0x80, v3, vm0, $0xb8;
	[tilespmem:$0x10C00] =	vst v63  }
0x1ef: {  	s14 =	simm.s32 $0x5C00  }
0x1f0: {  	[tilespmem:s14], [sflag:$0x1] =	stream.indirect_vreg.gather [hbm4b:s6+s3], $0x80, v3, vm0, $0xb8;
	[tilespmem:$0x10C00] =	vst v63  }
0x1f1: {  	s15 =	simm.s32 $0x6400  }
0x1f2: {  	[tilespmem:s15], [sflag:$0x1] =	stream.indirect_vreg.gather [hbm4b:s7+s3], $0x80, v3, vm0, $0xb8;
	[tilespmem:$0x10C00] =	vst v63  }
0x1f3: {  	s16 =	simm.s32 $0x6C00  }
0x1f4: {  	[tilespmem:s16], [sflag:$0x1] =	stream.indirect_vreg.gather [hbm4b:s8+s3], $0x80, v3, vm0, $0xb8;
	[tilespmem:$0x10C00] =	vst v63  }
0x1f5: {  	s17 =	simm.s32 $0x7400  }
0x1f6: {  	[tilespmem:s17], [sflag:$0x1] =	stream.indirect_vreg.gather [hbm4b:s9+s3], $0x80, v3, vm0, $0xb8;
	[tilespmem:$0x10C00] =	vst v63  }
0x1f7: {  	s18 =	simm.s32 $0x7C00  }
0x1f8: {  	[tilespmem:s18], [sflag:$0x1] =	stream.indirect_vreg.gather [hbm4b:s10+s3], $0x80, v3, vm0, $0xb8;
	[tilespmem:$0x10C00] =	vst v63  }
0x1f9: {  	s30 =	simm.s32 $0x8400  }
0x1fa: {  	[tilespmem:s30], [sflag:$0x1] =	stream.indirect_vreg.gather [hbm4b:s11+s3], $0x80, v3, vm0, $0xb8;
	[tilespmem:$0x10C00] =	vst v63  }
0x1fb: {  	_ =	swait.ge [sflag:s29], $0x8000  }
0x1fc: {  	[sflag:s29] =	ssyncset.done $0x0  }
0x1fd: {  	s12 =	rddreg [dreg:$0xc];
	[sflag:s29] =	ssyncadd.s32 $0xFFFF8000  }
0x1fe: {  	[hbm4b:s12+s3] =	stream.linear.scatter [tilespmem:s31], [sflag:$0x3], $0x8000, $0x38;
	[tilespmem:$0x10C00] =	vst v63  }
0x1ff: {  	_ =	swait.ge [sflag:s13], $0x8000  }
0x200: {  	[sflag:s13] =	ssyncset.done $0x0  }
0x201: {  	[sflag:s13] =	ssyncadd.s32 $0xFFFF8000  }
0x202: {  	v3 =	vld [tilespmem:$0x580];
	_ =	sdelay $0x4  }
0x203: {  	v53 =	vshll.u32 v3, $0x4  }
0x204: {  	v3 =	vand.u32 $0x7, v3;
	v4 =	vand.u32 $0xFFFFFF80, v53  }
0x205: {  	v3 =	vor.u32 v3, v4  }
0x206: {  	v4 =	vperm.xlane v3, v0;
	_ =	sdelay $0x1  }
0x207: {  	v4 =	vadd.s32 v1, v4;
	_ =	sdelay $0x4  }
0x208: {  	[tilespmem:s31], [sflag:$0x2] =	stream.indirect_vreg.gather [hbm4b:s2+s3], $0x80, v4, vm0, $0xb8;
	[tilespmem:$0x10C00] =	vst v63  }
0x209: {  	s19 =	simm.s32 $0x9400  }
0x20a: {  	[tilespmem:s19], [sflag:$0x2] =	stream.indirect_vreg.gather [hbm4b:s5+s3], $0x80, v4, vm0, $0xb8;
	[tilespmem:$0x10C00] =	vst v63  }
0x20b: {  	s4 =	simm.s32 $0x9C00  }
0x20c: {  	[tilespmem:s4], [sflag:$0x2] =	stream.indirect_vreg.gather [hbm4b:s6+s3], $0x80, v4, vm0, $0xb8;
	[tilespmem:$0x10C00] =	vst v63  }
0x20d: {  	s24 =	simm.s32 $0xA400  }
0x20e: {  	[tilespmem:s24], [sflag:$0x2] =	stream.indirect_vreg.gather [hbm4b:s7+s3], $0x80, v4, vm0, $0xb8;
	[tilespmem:$0x10C00] =	vst v63  }
0x20f: {  	s30 =	simm.s32 $0xAC00  }
0x210: {  	[tilespmem:s30], [sflag:$0x2] =	stream.indirect_vreg.gather [hbm4b:s8+s3], $0x80, v4, vm0, $0xb8;
	[tilespmem:$0x10C00] =	vst v63  }
0x211: {  	v3 =	vperm.xlane v3, v2;
	s30 =	simm.s32 $0xB400  }
0x212: {  	[tilespmem:s30], [sflag:$0x2] =	stream.indirect_vreg.gather [hbm4b:s9+s3], $0x80, v4, vm0, $0xb8;
	[tilespmem:$0x10C00] =	vst v63  }
0x213: {  	s26 =	simm.s32 $0xBC00;
	v3 =	vadd.s32 v1, v3  }
0x214: {  	[tilespmem:s26], [sflag:$0x2] =	stream.indirect_vreg.gather [hbm4b:s10+s3], $0x80, v4, vm0, $0xb8;
	[tilespmem:$0x10C00] =	vst v63  }
0x215: {  	s25 =	simm.s32 $0xC400  }
0x216: {  	[tilespmem:s25], [sflag:$0x2] =	stream.indirect_vreg.gather [hbm4b:s11+s3], $0x80, v4, vm0, $0xb8;
	[tilespmem:$0x10C00] =	vst v63  }
0x217: {  	s1 =	simm.s32 $0xCC00  }
0x218: {  	[tilespmem:s1], [sflag:$0x2] =	stream.indirect_vreg.gather [hbm4b:s2+s3], $0x80, v3, vm0, $0xb8;
	[tilespmem:$0x10C00] =	vst v63  }
0x219: {  	s21 =	simm.s32 $0xD400  }
0x21a: {  	[tilespmem:s21], [sflag:$0x2] =	stream.indirect_vreg.gather [hbm4b:s5+s3], $0x80, v3, vm0, $0xb8;
	[tilespmem:$0x10C00] =	vst v63  }
0x21b: {  	s23 =	simm.s32 $0xDC00  }
0x21c: {  	[tilespmem:s23], [sflag:$0x2] =	stream.indirect_vreg.gather [hbm4b:s6+s3], $0x80, v3, vm0, $0xb8;
	[tilespmem:$0x10C00] =	vst v63  }
0x21d: {  	s30 =	simm.s32 $0xE400  }
0x21e: {  	[tilespmem:s30], [sflag:$0x2] =	stream.indirect_vreg.gather [hbm4b:s7+s3], $0x80, v3, vm0, $0xb8;
	[tilespmem:$0x10C00] =	vst v63  }
0x21f: {  	s30 =	simm.s32 $0xEC00  }
0x220: {  	[tilespmem:s30], [sflag:$0x2] =	stream.indirect_vreg.gather [hbm4b:s8+s3], $0x80, v3, vm0, $0xb8;
	[tilespmem:$0x10C00] =	vst v63  }
0x221: {  	s30 =	simm.s32 $0xF400  }
0x222: {  	[tilespmem:s30], [sflag:$0x2] =	stream.indirect_vreg.gather [hbm4b:s9+s3], $0x80, v3, vm0, $0xb8;
	[tilespmem:$0x10C00] =	vst v63  }
0x223: {  	s30 =	simm.s32 $0xFC00  }
0x224: {  	[tilespmem:s30], [sflag:$0x2] =	stream.indirect_vreg.gather [hbm4b:s10+s3], $0x80, v3, vm0, $0xb8;
	[tilespmem:$0x10C00] =	vst v63  }
0x225: {  	s20 =	simm.s32 $0x10400  }
0x226: {  	[tilespmem:s20], [sflag:$0x2] =	stream.indirect_vreg.gather [hbm4b:s11+s3], $0x80, v3, vm0, $0xb8;
	[tilespmem:$0x10C00] =	vst v63  }
0x227: {  	_ =	swait.ge [sflag:s28], $0x8000  }
0x228: {  	[sflag:s28] =	ssyncset.done $0x0  }
0x229: {  	s30 =	rddreg [dreg:$0xd];
	[sflag:s28] =	ssyncadd.s32 $0xFFFF8000  }
0x22a: {  	[hbm4b:s30+s3] =	stream.linear.scatter [tilespmem:s22], [sflag:$0x3], $0x8000, $0x38;
	[tilespmem:$0x10C00] =	vst v63  }
0x22b: {  	_ =	swait.ge [sflag:s13], $0x8000  }
0x22c: {  	[sflag:s13] =	ssyncset.done $0x0  }
0x22d: {  	[sflag:s13] =	ssyncadd.s32 $0xFFFF8000  }
0x22e: {  	v3 =	vld [tilespmem:$0x600];
	_ =	sdelay $0x4  }
0x22f: {  	v54 =	vshll.u32 v3, $0x4  }
0x230: {  	v3 =	vand.u32 $0x7, v3;
	v4 =	vand.u32 $0xFFFFFF80, v54  }
0x231: {  	v3 =	vor.u32 v3, v4  }
0x232: {  	v4 =	vperm.xlane v3, v0;
	_ =	sdelay $0x1  }
0x233: {  	v4 =	vadd.s32 v1, v4;
	_ =	sdelay $0x4  }
0x234: {  	[tilespmem:s22], [sflag:$0x1] =	stream.indirect_vreg.gather [hbm4b:s2+s3], $0x80, v4, vm0, $0xb8;
	[tilespmem:$0x10C00] =	vst v63  }
0x235: {  	s30 =	simm.s32 $0x1400  }
0x236: {  	[tilespmem:s30], [sflag:$0x1] =	stream.indirect_vreg.gather [hbm4b:s5+s3], $0x80, v4, vm0, $0xb8;
	[tilespmem:$0x10C00] =	vst v63  }
0x237: {  	s30 =	simm.s32 $0x1C00  }
0x238: {  	[tilespmem:s30], [sflag:$0x1] =	stream.indirect_vreg.gather [hbm4b:s6+s3], $0x80, v4, vm0, $0xb8;
	[tilespmem:$0x10C00] =	vst v63  }
0x239: {  	s30 =	simm.s32 $0x2400  }
0x23a: {  	[tilespmem:s30], [sflag:$0x1] =	stream.indirect_vreg.gather [hbm4b:s7+s3], $0x80, v4, vm0, $0xb8;
	[tilespmem:$0x10C00] =	vst v63  }
0x23b: {  	s30 =	simm.s32 $0x2C00  }
0x23c: {  	[tilespmem:s30], [sflag:$0x1] =	stream.indirect_vreg.gather [hbm4b:s8+s3], $0x80, v4, vm0, $0xb8;
	[tilespmem:$0x10C00] =	vst v63  }
0x23d: {  	v3 =	vperm.xlane v3, v2;
	s30 =	simm.s32 $0x3400  }
0x23e: {  	[tilespmem:s30], [sflag:$0x1] =	stream.indirect_vreg.gather [hbm4b:s9+s3], $0x80, v4, vm0, $0xb8;
	[tilespmem:$0x10C00] =	vst v63  }
0x23f: {  	s0 =	simm.s32 $0x3C00;
	v3 =	vadd.s32 v1, v3  }
0x240: {  	[tilespmem:s0], [sflag:$0x1] =	stream.indirect_vreg.gather [hbm4b:s10+s3], $0x80, v4, vm0, $0xb8;
	[tilespmem:$0x10C00] =	vst v63  }
0x241: {  	s30 =	simm.s32 $0x4400  }
0x242: {  	[tilespmem:s30], [sflag:$0x1] =	stream.indirect_vreg.gather [hbm4b:s11+s3], $0x80, v4, vm0, $0xb8;
	[tilespmem:$0x10C00] =	vst v63  }
0x243: {  	s30 =	simm.s32 $0x4C00  }
0x244: {  	[tilespmem:s30], [sflag:$0x1] =	stream.indirect_vreg.gather [hbm4b:s2+s3], $0x80, v3, vm0, $0xb8;
	[tilespmem:$0x10C00] =	vst v63  }
0x245: {  	s30 =	simm.s32 $0x5400  }
0x246: {  	[tilespmem:s30], [sflag:$0x1] =	stream.indirect_vreg.gather [hbm4b:s5+s3], $0x80, v3, vm0, $0xb8;
	[tilespmem:$0x10C00] =	vst v63  }
0x247: {  	s14 =	simm.s32 $0x5C00  }
0x248: {  	[tilespmem:s14], [sflag:$0x1] =	stream.indirect_vreg.gather [hbm4b:s6+s3], $0x80, v3, vm0, $0xb8;
	[tilespmem:$0x10C00] =	vst v63  }
0x249: {  	s15 =	simm.s32 $0x6400  }
0x24a: {  	[tilespmem:s15], [sflag:$0x1] =	stream.indirect_vreg.gather [hbm4b:s7+s3], $0x80, v3, vm0, $0xb8;
	[tilespmem:$0x10C00] =	vst v63  }
0x24b: {  	s16 =	simm.s32 $0x6C00  }
0x24c: {  	[tilespmem:s16], [sflag:$0x1] =	stream.indirect_vreg.gather [hbm4b:s8+s3], $0x80, v3, vm0, $0xb8;
	[tilespmem:$0x10C00] =	vst v63  }
0x24d: {  	s17 =	simm.s32 $0x7400  }
0x24e: {  	[tilespmem:s17], [sflag:$0x1] =	stream.indirect_vreg.gather [hbm4b:s9+s3], $0x80, v3, vm0, $0xb8;
	[tilespmem:$0x10C00] =	vst v63  }
0x24f: {  	s18 =	simm.s32 $0x7C00  }
0x250: {  	[tilespmem:s18], [sflag:$0x1] =	stream.indirect_vreg.gather [hbm4b:s10+s3], $0x80, v3, vm0, $0xb8;
	[tilespmem:$0x10C00] =	vst v63  }
0x251: {  	s30 =	simm.s32 $0x8400  }
0x252: {  	[tilespmem:s30], [sflag:$0x1] =	stream.indirect_vreg.gather [hbm4b:s11+s3], $0x80, v3, vm0, $0xb8;
	[tilespmem:$0x10C00] =	vst v63  }
0x253: {  	_ =	swait.ge [sflag:s29], $0x8000  }
0x254: {  	[sflag:s29] =	ssyncset.done $0x0  }
0x255: {  	s14 =	rddreg [dreg:$0xe];
	[sflag:s29] =	ssyncadd.s32 $0xFFFF8000  }
0x256: {  	[hbm4b:s14+s3] =	stream.linear.scatter [tilespmem:s31], [sflag:$0x3], $0x8000, $0x38;
	[tilespmem:$0x10C00] =	vst v63  }
0x257: {  	_ =	swait.ge [sflag:s13], $0x8000  }
0x258: {  	[sflag:s13] =	ssyncset.done $0x0  }
0x259: {  	[sflag:s13] =	ssyncadd.s32 $0xFFFF8000  }
0x25a: {  	v3 =	vld [tilespmem:$0x680];
	_ =	sdelay $0x4  }
0x25b: {  	v55 =	vshll.u32 v3, $0x4  }
0x25c: {  	v3 =	vand.u32 $0x7, v3;
	v4 =	vand.u32 $0xFFFFFF80, v55  }
0x25d: {  	v3 =	vor.u32 v3, v4  }
0x25e: {  	v4 =	vperm.xlane v3, v0;
	_ =	sdelay $0x1  }
0x25f: {  	v4 =	vadd.s32 v1, v4;
	_ =	sdelay $0x4  }
0x260: {  	[tilespmem:s31], [sflag:$0x2] =	stream.indirect_vreg.gather [hbm4b:s2+s3], $0x80, v4, vm0, $0xb8;
	[tilespmem:$0x10C00] =	vst v63  }
0x261: {  	s19 =	simm.s32 $0x9400  }
0x262: {  	[tilespmem:s19], [sflag:$0x2] =	stream.indirect_vreg.gather [hbm4b:s5+s3], $0x80, v4, vm0, $0xb8;
	[tilespmem:$0x10C00] =	vst v63  }
0x263: {  	s12 =	simm.s32 $0x9C00  }
0x264: {  	[tilespmem:s12], [sflag:$0x2] =	stream.indirect_vreg.gather [hbm4b:s6+s3], $0x80, v4, vm0, $0xb8;
	[tilespmem:$0x10C00] =	vst v63  }
0x265: {  	s4 =	simm.s32 $0xA400  }
0x266: {  	[tilespmem:s4], [sflag:$0x2] =	stream.indirect_vreg.gather [hbm4b:s7+s3], $0x80, v4, vm0, $0xb8;
	[tilespmem:$0x10C00] =	vst v63  }
0x267: {  	s30 =	simm.s32 $0xAC00  }
0x268: {  	[tilespmem:s30], [sflag:$0x2] =	stream.indirect_vreg.gather [hbm4b:s8+s3], $0x80, v4, vm0, $0xb8;
	[tilespmem:$0x10C00] =	vst v63  }
0x269: {  	v3 =	vperm.xlane v3, v2;
	s30 =	simm.s32 $0xB400  }
0x26a: {  	[tilespmem:s30], [sflag:$0x2] =	stream.indirect_vreg.gather [hbm4b:s9+s3], $0x80, v4, vm0, $0xb8;
	[tilespmem:$0x10C00] =	vst v63  }
0x26b: {  	s26 =	simm.s32 $0xBC00;
	v3 =	vadd.s32 v1, v3  }
0x26c: {  	[tilespmem:s26], [sflag:$0x2] =	stream.indirect_vreg.gather [hbm4b:s10+s3], $0x80, v4, vm0, $0xb8;
	[tilespmem:$0x10C00] =	vst v63  }
0x26d: {  	s24 =	simm.s32 $0xC400  }
0x26e: {  	[tilespmem:s24], [sflag:$0x2] =	stream.indirect_vreg.gather [hbm4b:s11+s3], $0x80, v4, vm0, $0xb8;
	[tilespmem:$0x10C00] =	vst v63  }
0x26f: {  	s1 =	simm.s32 $0xCC00  }
0x270: {  	[tilespmem:s1], [sflag:$0x2] =	stream.indirect_vreg.gather [hbm4b:s2+s3], $0x80, v3, vm0, $0xb8;
	[tilespmem:$0x10C00] =	vst v63  }
0x271: {  	s21 =	simm.s32 $0xD400  }
0x272: {  	[tilespmem:s21], [sflag:$0x2] =	stream.indirect_vreg.gather [hbm4b:s5+s3], $0x80, v3, vm0, $0xb8;
	[tilespmem:$0x10C00] =	vst v63  }
0x273: {  	s23 =	simm.s32 $0xDC00  }
0x274: {  	[tilespmem:s23], [sflag:$0x2] =	stream.indirect_vreg.gather [hbm4b:s6+s3], $0x80, v3, vm0, $0xb8;
	[tilespmem:$0x10C00] =	vst v63  }
0x275: {  	s25 =	simm.s32 $0xE400  }
0x276: {  	[tilespmem:s25], [sflag:$0x2] =	stream.indirect_vreg.gather [hbm4b:s7+s3], $0x80, v3, vm0, $0xb8;
	[tilespmem:$0x10C00] =	vst v63  }
0x277: {  	s30 =	simm.s32 $0xEC00  }
0x278: {  	[tilespmem:s30], [sflag:$0x2] =	stream.indirect_vreg.gather [hbm4b:s8+s3], $0x80, v3, vm0, $0xb8;
	[tilespmem:$0x10C00] =	vst v63  }
0x279: {  	s30 =	simm.s32 $0xF400  }
0x27a: {  	[tilespmem:s30], [sflag:$0x2] =	stream.indirect_vreg.gather [hbm4b:s9+s3], $0x80, v3, vm0, $0xb8;
	[tilespmem:$0x10C00] =	vst v63  }
0x27b: {  	s30 =	simm.s32 $0xFC00  }
0x27c: {  	[tilespmem:s30], [sflag:$0x2] =	stream.indirect_vreg.gather [hbm4b:s10+s3], $0x80, v3, vm0, $0xb8;
	[tilespmem:$0x10C00] =	vst v63  }
0x27d: {  	s20 =	simm.s32 $0x10400  }
0x27e: {  	[tilespmem:s20], [sflag:$0x2] =	stream.indirect_vreg.gather [hbm4b:s11+s3], $0x80, v3, vm0, $0xb8;
	[tilespmem:$0x10C00] =	vst v63  }
0x27f: {  	_ =	swait.ge [sflag:s28], $0x8000  }
0x280: {  	[sflag:s28] =	ssyncset.done $0x0  }
0x281: {  	s30 =	rddreg [dreg:$0xf];
	[sflag:s28] =	ssyncadd.s32 $0xFFFF8000  }
0x282: {  	[hbm4b:s30+s3] =	stream.linear.scatter [tilespmem:s22], [sflag:$0x3], $0x8000, $0x38;
	[tilespmem:$0x10C00] =	vst v63  }
0x283: {  	_ =	swait.ge [sflag:s13], $0x8000  }
0x284: {  	[sflag:s13] =	ssyncset.done $0x0  }
0x285: {  	[sflag:s13] =	ssyncadd.s32 $0xFFFF8000  }
0x286: {  	v3 =	vld [tilespmem:$0x700];
	_ =	sdelay $0x4  }
0x287: {  	v56 =	vshll.u32 v3, $0x4  }
0x288: {  	v3 =	vand.u32 $0x7, v3;
	v4 =	vand.u32 $0xFFFFFF80, v56  }
0x289: {  	v3 =	vor.u32 v3, v4  }
0x28a: {  	v4 =	vperm.xlane v3, v0;
	_ =	sdelay $0x1  }
0x28b: {  	v4 =	vadd.s32 v1, v4;
	_ =	sdelay $0x4  }
0x28c: {  	[tilespmem:s22], [sflag:$0x1] =	stream.indirect_vreg.gather [hbm4b:s2+s3], $0x80, v4, vm0, $0xb8;
	[tilespmem:$0x10C00] =	vst v63  }
0x28d: {  	s30 =	simm.s32 $0x1400  }
0x28e: {  	[tilespmem:s30], [sflag:$0x1] =	stream.indirect_vreg.gather [hbm4b:s5+s3], $0x80, v4, vm0, $0xb8;
	[tilespmem:$0x10C00] =	vst v63  }
0x28f: {  	s30 =	simm.s32 $0x1C00  }
0x290: {  	[tilespmem:s30], [sflag:$0x1] =	stream.indirect_vreg.gather [hbm4b:s6+s3], $0x80, v4, vm0, $0xb8;
	[tilespmem:$0x10C00] =	vst v63  }
0x291: {  	s30 =	simm.s32 $0x2400  }
0x292: {  	[tilespmem:s30], [sflag:$0x1] =	stream.indirect_vreg.gather [hbm4b:s7+s3], $0x80, v4, vm0, $0xb8;
	[tilespmem:$0x10C00] =	vst v63  }
0x293: {  	s30 =	simm.s32 $0x2C00  }
0x294: {  	[tilespmem:s30], [sflag:$0x1] =	stream.indirect_vreg.gather [hbm4b:s8+s3], $0x80, v4, vm0, $0xb8;
	[tilespmem:$0x10C00] =	vst v63  }
0x295: {  	v3 =	vperm.xlane v3, v2;
	s30 =	simm.s32 $0x3400  }
0x296: {  	[tilespmem:s30], [sflag:$0x1] =	stream.indirect_vreg.gather [hbm4b:s9+s3], $0x80, v4, vm0, $0xb8;
	[tilespmem:$0x10C00] =	vst v63  }
0x297: {  	s0 =	simm.s32 $0x3C00;
	v3 =	vadd.s32 v1, v3  }
0x298: {  	[tilespmem:s0], [sflag:$0x1] =	stream.indirect_vreg.gather [hbm4b:s10+s3], $0x80, v4, vm0, $0xb8;
	[tilespmem:$0x10C00] =	vst v63  }
0x299: {  	s30 =	simm.s32 $0x4400  }
0x29a: {  	[tilespmem:s30], [sflag:$0x1] =	stream.indirect_vreg.gather [hbm4b:s11+s3], $0x80, v4, vm0, $0xb8;
	[tilespmem:$0x10C00] =	vst v63  }
0x29b: {  	s30 =	simm.s32 $0x4C00  }
0x29c: {  	[tilespmem:s30], [sflag:$0x1] =	stream.indirect_vreg.gather [hbm4b:s2+s3], $0x80, v3, vm0, $0xb8;
	[tilespmem:$0x10C00] =	vst v63  }
0x29d: {  	s30 =	simm.s32 $0x5400  }
0x29e: {  	[tilespmem:s30], [sflag:$0x1] =	stream.indirect_vreg.gather [hbm4b:s5+s3], $0x80, v3, vm0, $0xb8;
	[tilespmem:$0x10C00] =	vst v63  }
0x29f: {  	s30 =	simm.s32 $0x5C00  }
0x2a0: {  	[tilespmem:s30], [sflag:$0x1] =	stream.indirect_vreg.gather [hbm4b:s6+s3], $0x80, v3, vm0, $0xb8;
	[tilespmem:$0x10C00] =	vst v63  }
0x2a1: {  	s15 =	simm.s32 $0x6400  }
0x2a2: {  	[tilespmem:s15], [sflag:$0x1] =	stream.indirect_vreg.gather [hbm4b:s7+s3], $0x80, v3, vm0, $0xb8;
	[tilespmem:$0x10C00] =	vst v63  }
0x2a3: {  	s16 =	simm.s32 $0x6C00  }
0x2a4: {  	[tilespmem:s16], [sflag:$0x1] =	stream.indirect_vreg.gather [hbm4b:s8+s3], $0x80, v3, vm0, $0xb8;
	[tilespmem:$0x10C00] =	vst v63  }
0x2a5: {  	s17 =	simm.s32 $0x7400  }
0x2a6: {  	[tilespmem:s17], [sflag:$0x1] =	stream.indirect_vreg.gather [hbm4b:s9+s3], $0x80, v3, vm0, $0xb8;
	[tilespmem:$0x10C00] =	vst v63  }
0x2a7: {  	s18 =	simm.s32 $0x7C00  }
0x2a8: {  	[tilespmem:s18], [sflag:$0x1] =	stream.indirect_vreg.gather [hbm4b:s10+s3], $0x80, v3, vm0, $0xb8;
	[tilespmem:$0x10C00] =	vst v63  }
0x2a9: {  	s30 =	simm.s32 $0x8400  }
0x2aa: {  	[tilespmem:s30], [sflag:$0x1] =	stream.indirect_vreg.gather [hbm4b:s11+s3], $0x80, v3, vm0, $0xb8;
	[tilespmem:$0x10C00] =	vst v63  }
0x2ab: {  	_ =	swait.ge [sflag:s29], $0x8000  }
0x2ac: {  	[sflag:s29] =	ssyncset.done $0x0  }
0x2ad: {  	s15 =	rddreg [dreg:$0x10];
	[sflag:s29] =	ssyncadd.s32 $0xFFFF8000  }
0x2ae: {  	[hbm4b:s15+s3] =	stream.linear.scatter [tilespmem:s31], [sflag:$0x3], $0x8000, $0x38;
	[tilespmem:$0x10C00] =	vst v63  }
0x2af: {  	_ =	swait.ge [sflag:s13], $0x8000  }
0x2b0: {  	[sflag:s13] =	ssyncset.done $0x0  }
0x2b1: {  	[sflag:s13] =	ssyncadd.s32 $0xFFFF8000  }
0x2b2: {  	v3 =	vld [tilespmem:$0x780];
	_ =	sdelay $0x4  }
0x2b3: {  	v57 =	vshll.u32 v3, $0x4  }
0x2b4: {  	v3 =	vand.u32 $0x7, v3;
	v4 =	vand.u32 $0xFFFFFF80, v57  }
0x2b5: {  	v3 =	vor.u32 v3, v4  }
0x2b6: {  	v4 =	vperm.xlane v3, v0;
	_ =	sdelay $0x1  }
0x2b7: {  	v4 =	vadd.s32 v1, v4;
	_ =	sdelay $0x4  }
0x2b8: {  	[tilespmem:s31], [sflag:$0x2] =	stream.indirect_vreg.gather [hbm4b:s2+s3], $0x80, v4, vm0, $0xb8;
	[tilespmem:$0x10C00] =	vst v63  }
0x2b9: {  	s19 =	simm.s32 $0x9400  }
0x2ba: {  	[tilespmem:s19], [sflag:$0x2] =	stream.indirect_vreg.gather [hbm4b:s5+s3], $0x80, v4, vm0, $0xb8;
	[tilespmem:$0x10C00] =	vst v63  }
0x2bb: {  	s14 =	simm.s32 $0x9C00  }
0x2bc: {  	[tilespmem:s14], [sflag:$0x2] =	stream.indirect_vreg.gather [hbm4b:s6+s3], $0x80, v4, vm0, $0xb8;
	[tilespmem:$0x10C00] =	vst v63  }
0x2bd: {  	s4 =	simm.s32 $0xA400  }
0x2be: {  	[tilespmem:s4], [sflag:$0x2] =	stream.indirect_vreg.gather [hbm4b:s7+s3], $0x80, v4, vm0, $0xb8;
	[tilespmem:$0x10C00] =	vst v63  }
0x2bf: {  	s30 =	simm.s32 $0xAC00  }
0x2c0: {  	[tilespmem:s30], [sflag:$0x2] =	stream.indirect_vreg.gather [hbm4b:s8+s3], $0x80, v4, vm0, $0xb8;
	[tilespmem:$0x10C00] =	vst v63  }
0x2c1: {  	v3 =	vperm.xlane v3, v2;
	s30 =	simm.s32 $0xB400  }
0x2c2: {  	[tilespmem:s30], [sflag:$0x2] =	stream.indirect_vreg.gather [hbm4b:s9+s3], $0x80, v4, vm0, $0xb8;
	[tilespmem:$0x10C00] =	vst v63  }
0x2c3: {  	s26 =	simm.s32 $0xBC00;
	v3 =	vadd.s32 v1, v3  }
0x2c4: {  	[tilespmem:s26], [sflag:$0x2] =	stream.indirect_vreg.gather [hbm4b:s10+s3], $0x80, v4, vm0, $0xb8;
	[tilespmem:$0x10C00] =	vst v63  }
0x2c5: {  	s12 =	simm.s32 $0xC400  }
0x2c6: {  	[tilespmem:s12], [sflag:$0x2] =	stream.indirect_vreg.gather [hbm4b:s11+s3], $0x80, v4, vm0, $0xb8;
	[tilespmem:$0x10C00] =	vst v63  }
0x2c7: {  	s1 =	simm.s32 $0xCC00  }
0x2c8: {  	[tilespmem:s1], [sflag:$0x2] =	stream.indirect_vreg.gather [hbm4b:s2+s3], $0x80, v3, vm0, $0xb8;
	[tilespmem:$0x10C00] =	vst v63  }
0x2c9: {  	s21 =	simm.s32 $0xD400  }
0x2ca: {  	[tilespmem:s21], [sflag:$0x2] =	stream.indirect_vreg.gather [hbm4b:s5+s3], $0x80, v3, vm0, $0xb8;
	[tilespmem:$0x10C00] =	vst v63  }
0x2cb: {  	s23 =	simm.s32 $0xDC00  }
0x2cc: {  	[tilespmem:s23], [sflag:$0x2] =	stream.indirect_vreg.gather [hbm4b:s6+s3], $0x80, v3, vm0, $0xb8;
	[tilespmem:$0x10C00] =	vst v63  }
0x2cd: {  	s24 =	simm.s32 $0xE400  }
0x2ce: {  	[tilespmem:s24], [sflag:$0x2] =	stream.indirect_vreg.gather [hbm4b:s7+s3], $0x80, v3, vm0, $0xb8;
	[tilespmem:$0x10C00] =	vst v63  }
0x2cf: {  	s25 =	simm.s32 $0xEC00  }
0x2d0: {  	[tilespmem:s25], [sflag:$0x2] =	stream.indirect_vreg.gather [hbm4b:s8+s3], $0x80, v3, vm0, $0xb8;
	[tilespmem:$0x10C00] =	vst v63  }
0x2d1: {  	s30 =	simm.s32 $0xF400  }
0x2d2: {  	[tilespmem:s30], [sflag:$0x2] =	stream.indirect_vreg.gather [hbm4b:s9+s3], $0x80, v3, vm0, $0xb8;
	[tilespmem:$0x10C00] =	vst v63  }
0x2d3: {  	s30 =	simm.s32 $0xFC00  }
0x2d4: {  	[tilespmem:s30], [sflag:$0x2] =	stream.indirect_vreg.gather [hbm4b:s10+s3], $0x80, v3, vm0, $0xb8;
	[tilespmem:$0x10C00] =	vst v63  }
0x2d5: {  	s20 =	simm.s32 $0x10400  }
0x2d6: {  	[tilespmem:s20], [sflag:$0x2] =	stream.indirect_vreg.gather [hbm4b:s11+s3], $0x80, v3, vm0, $0xb8;
	[tilespmem:$0x10C00] =	vst v63  }
0x2d7: {  	_ =	swait.ge [sflag:s28], $0x8000  }
0x2d8: {  	[sflag:s28] =	ssyncset.done $0x0  }
0x2d9: {  	s30 =	rddreg [dreg:$0x11];
	[sflag:s28] =	ssyncadd.s32 $0xFFFF8000  }
0x2da: {  	[hbm4b:s30+s3] =	stream.linear.scatter [tilespmem:s22], [sflag:$0x3], $0x8000, $0x38;
	[tilespmem:$0x10C00] =	vst v63  }
0x2db: {  	_ =	swait.ge [sflag:s13], $0x8000  }
0x2dc: {  	[sflag:s13] =	ssyncset.done $0x0  }
0x2dd: {  	[sflag:s13] =	ssyncadd.s32 $0xFFFF8000  }
0x2de: {  	v3 =	vld [tilespmem:$0x800];
	_ =	sdelay $0x4  }
0x2df: {  	v58 =	vshll.u32 v3, $0x4  }
0x2e0: {  	v3 =	vand.u32 $0x7, v3;
	v4 =	vand.u32 $0xFFFFFF80, v58  }
0x2e1: {  	v3 =	vor.u32 v3, v4  }
0x2e2: {  	v4 =	vperm.xlane v3, v0;
	_ =	sdelay $0x1  }
0x2e3: {  	v4 =	vadd.s32 v1, v4;
	_ =	sdelay $0x4  }
0x2e4: {  	[tilespmem:s22], [sflag:$0x1] =	stream.indirect_vreg.gather [hbm4b:s2+s3], $0x80, v4, vm0, $0xb8;
	[tilespmem:$0x10C00] =	vst v63  }
0x2e5: {  	s30 =	simm.s32 $0x1400  }
0x2e6: {  	[tilespmem:s30], [sflag:$0x1] =	stream.indirect_vreg.gather [hbm4b:s5+s3], $0x80, v4, vm0, $0xb8;
	[tilespmem:$0x10C00] =	vst v63  }
0x2e7: {  	s30 =	simm.s32 $0x1C00  }
0x2e8: {  	[tilespmem:s30], [sflag:$0x1] =	stream.indirect_vreg.gather [hbm4b:s6+s3], $0x80, v4, vm0, $0xb8;
	[tilespmem:$0x10C00] =	vst v63  }
0x2e9: {  	s30 =	simm.s32 $0x2400  }
0x2ea: {  	[tilespmem:s30], [sflag:$0x1] =	stream.indirect_vreg.gather [hbm4b:s7+s3], $0x80, v4, vm0, $0xb8;
	[tilespmem:$0x10C00] =	vst v63  }
0x2eb: {  	s30 =	simm.s32 $0x2C00  }
0x2ec: {  	[tilespmem:s30], [sflag:$0x1] =	stream.indirect_vreg.gather [hbm4b:s8+s3], $0x80, v4, vm0, $0xb8;
	[tilespmem:$0x10C00] =	vst v63  }
0x2ed: {  	v3 =	vperm.xlane v3, v2;
	s30 =	simm.s32 $0x3400  }
0x2ee: {  	[tilespmem:s30], [sflag:$0x1] =	stream.indirect_vreg.gather [hbm4b:s9+s3], $0x80, v4, vm0, $0xb8;
	[tilespmem:$0x10C00] =	vst v63  }
0x2ef: {  	s0 =	simm.s32 $0x3C00;
	v3 =	vadd.s32 v1, v3  }
0x2f0: {  	[tilespmem:s0], [sflag:$0x1] =	stream.indirect_vreg.gather [hbm4b:s10+s3], $0x80, v4, vm0, $0xb8;
	[tilespmem:$0x10C00] =	vst v63  }
0x2f1: {  	s30 =	simm.s32 $0x4400  }
0x2f2: {  	[tilespmem:s30], [sflag:$0x1] =	stream.indirect_vreg.gather [hbm4b:s11+s3], $0x80, v4, vm0, $0xb8;
	[tilespmem:$0x10C00] =	vst v63  }
0x2f3: {  	s30 =	simm.s32 $0x4C00  }
0x2f4: {  	[tilespmem:s30], [sflag:$0x1] =	stream.indirect_vreg.gather [hbm4b:s2+s3], $0x80, v3, vm0, $0xb8;
	[tilespmem:$0x10C00] =	vst v63  }
0x2f5: {  	s30 =	simm.s32 $0x5400  }
0x2f6: {  	[tilespmem:s30], [sflag:$0x1] =	stream.indirect_vreg.gather [hbm4b:s5+s3], $0x80, v3, vm0, $0xb8;
	[tilespmem:$0x10C00] =	vst v63  }
0x2f7: {  	s30 =	simm.s32 $0x5C00  }
0x2f8: {  	[tilespmem:s30], [sflag:$0x1] =	stream.indirect_vreg.gather [hbm4b:s6+s3], $0x80, v3, vm0, $0xb8;
	[tilespmem:$0x10C00] =	vst v63  }
0x2f9: {  	s30 =	simm.s32 $0x6400  }
0x2fa: {  	[tilespmem:s30], [sflag:$0x1] =	stream.indirect_vreg.gather [hbm4b:s7+s3], $0x80, v3, vm0, $0xb8;
	[tilespmem:$0x10C00] =	vst v63  }
0x2fb: {  	s16 =	simm.s32 $0x6C00  }
0x2fc: {  	[tilespmem:s16], [sflag:$0x1] =	stream.indirect_vreg.gather [hbm4b:s8+s3], $0x80, v3, vm0, $0xb8;
	[tilespmem:$0x10C00] =	vst v63  }
0x2fd: {  	s17 =	simm.s32 $0x7400  }
0x2fe: {  	[tilespmem:s17], [sflag:$0x1] =	stream.indirect_vreg.gather [hbm4b:s9+s3], $0x80, v3, vm0, $0xb8;
	[tilespmem:$0x10C00] =	vst v63  }
0x2ff: {  	s18 =	simm.s32 $0x7C00  }
0x300: {  	[tilespmem:s18], [sflag:$0x1] =	stream.indirect_vreg.gather [hbm4b:s10+s3], $0x80, v3, vm0, $0xb8;
	[tilespmem:$0x10C00] =	vst v63  }
0x301: {  	s30 =	simm.s32 $0x8400  }
0x302: {  	[tilespmem:s30], [sflag:$0x1] =	stream.indirect_vreg.gather [hbm4b:s11+s3], $0x80, v3, vm0, $0xb8;
	[tilespmem:$0x10C00] =	vst v63  }
0x303: {  	_ =	swait.ge [sflag:s29], $0x8000  }
0x304: {  	[sflag:s29] =	ssyncset.done $0x0  }
0x305: {  	s18 =	rddreg [dreg:$0x12];
	[sflag:s29] =	ssyncadd.s32 $0xFFFF8000  }
0x306: {  	[hbm4b:s18+s3] =	stream.linear.scatter [tilespmem:s31], [sflag:$0x3], $0x8000, $0x38;
	[tilespmem:$0x10C00] =	vst v63  }
0x307: {  	_ =	swait.ge [sflag:s13], $0x8000  }
0x308: {  	[sflag:s13] =	ssyncset.done $0x0  }
0x309: {  	[sflag:s13] =	ssyncadd.s32 $0xFFFF8000  }
0x30a: {  	v3 =	vld [tilespmem:$0x880];
	_ =	sdelay $0x4  }
0x30b: {  	v59 =	vshll.u32 v3, $0x4  }
0x30c: {  	v3 =	vand.u32 $0x7, v3;
	v4 =	vand.u32 $0xFFFFFF80, v59  }
0x30d: {  	v3 =	vor.u32 v3, v4  }
0x30e: {  	v4 =	vperm.xlane v3, v0;
	_ =	sdelay $0x1  }
0x30f: {  	v4 =	vadd.s32 v1, v4;
	_ =	sdelay $0x4  }
0x310: {  	[tilespmem:s31], [sflag:$0x2] =	stream.indirect_vreg.gather [hbm4b:s2+s3], $0x80, v4, vm0, $0xb8;
	[tilespmem:$0x10C00] =	vst v63  }
0x311: {  	s19 =	simm.s32 $0x9400  }
0x312: {  	[tilespmem:s19], [sflag:$0x2] =	stream.indirect_vreg.gather [hbm4b:s5+s3], $0x80, v4, vm0, $0xb8;
	[tilespmem:$0x10C00] =	vst v63  }
0x313: {  	s15 =	simm.s32 $0x9C00  }
0x314: {  	[tilespmem:s15], [sflag:$0x2] =	stream.indirect_vreg.gather [hbm4b:s6+s3], $0x80, v4, vm0, $0xb8;
	[tilespmem:$0x10C00] =	vst v63  }
0x315: {  	s4 =	simm.s32 $0xA400  }
0x316: {  	[tilespmem:s4], [sflag:$0x2] =	stream.indirect_vreg.gather [hbm4b:s7+s3], $0x80, v4, vm0, $0xb8;
	[tilespmem:$0x10C00] =	vst v63  }
0x317: {  	s15 =	simm.s32 $0xAC00  }
0x318: {  	[tilespmem:s15], [sflag:$0x2] =	stream.indirect_vreg.gather [hbm4b:s8+s3], $0x80, v4, vm0, $0xb8;
	[tilespmem:$0x10C00] =	vst v63  }
0x319: {  	s18 =	simm.s32 $0xB400;
	v3 =	vperm.xlane v3, v2  }
0x31a: {  	[tilespmem:s18], [sflag:$0x2] =	stream.indirect_vreg.gather [hbm4b:s9+s3], $0x80, v4, vm0, $0xb8;
	[tilespmem:$0x10C00] =	vst v63  }
0x31b: {  	s14 =	simm.s32 $0xBC00;
	v3 =	vadd.s32 v1, v3  }
0x31c: {  	[tilespmem:s14], [sflag:$0x2] =	stream.indirect_vreg.gather [hbm4b:s10+s3], $0x80, v4, vm0, $0xb8;
	[tilespmem:$0x10C00] =	vst v63  }
0x31d: {  	s12 =	simm.s32 $0xC400  }
0x31e: {  	[tilespmem:s12], [sflag:$0x2] =	stream.indirect_vreg.gather [hbm4b:s11+s3], $0x80, v4, vm0, $0xb8;
	[tilespmem:$0x10C00] =	vst v63  }
0x31f: {  	s1 =	simm.s32 $0xCC00  }
0x320: {  	[tilespmem:s1], [sflag:$0x2] =	stream.indirect_vreg.gather [hbm4b:s2+s3], $0x80, v3, vm0, $0xb8;
	[tilespmem:$0x10C00] =	vst v63  }
0x321: {  	s21 =	simm.s32 $0xD400  }
0x322: {  	[tilespmem:s21], [sflag:$0x2] =	stream.indirect_vreg.gather [hbm4b:s5+s3], $0x80, v3, vm0, $0xb8;
	[tilespmem:$0x10C00] =	vst v63  }
0x323: {  	s23 =	simm.s32 $0xDC00  }
0x324: {  	[tilespmem:s23], [sflag:$0x2] =	stream.indirect_vreg.gather [hbm4b:s6+s3], $0x80, v3, vm0, $0xb8;
	[tilespmem:$0x10C00] =	vst v63  }
0x325: {  	s24 =	simm.s32 $0xE400  }
0x326: {  	[tilespmem:s24], [sflag:$0x2] =	stream.indirect_vreg.gather [hbm4b:s7+s3], $0x80, v3, vm0, $0xb8;
	[tilespmem:$0x10C00] =	vst v63  }
0x327: {  	s25 =	simm.s32 $0xEC00  }
0x328: {  	[tilespmem:s25], [sflag:$0x2] =	stream.indirect_vreg.gather [hbm4b:s8+s3], $0x80, v3, vm0, $0xb8;
	[tilespmem:$0x10C00] =	vst v63  }
0x329: {  	s26 =	simm.s32 $0xF400  }
0x32a: {  	[tilespmem:s26], [sflag:$0x2] =	stream.indirect_vreg.gather [hbm4b:s9+s3], $0x80, v3, vm0, $0xb8;
	[tilespmem:$0x10C00] =	vst v63  }
0x32b: {  	s19 =	simm.s32 $0xFC00  }
0x32c: {  	[tilespmem:s19], [sflag:$0x2] =	stream.indirect_vreg.gather [hbm4b:s10+s3], $0x80, v3, vm0, $0xb8;
	[tilespmem:$0x10C00] =	vst v63  }
0x32d: {  	s20 =	simm.s32 $0x10400  }
0x32e: {  	[tilespmem:s20], [sflag:$0x2] =	stream.indirect_vreg.gather [hbm4b:s11+s3], $0x80, v3, vm0, $0xb8;
	[tilespmem:$0x10C00] =	vst v63  }
0x32f: {  	_ =	swait.ge [sflag:s28], $0x8000  }
0x330: {  	[sflag:s28] =	ssyncset.done $0x0  }
0x331: {  	s21 =	rddreg [dreg:$0x13];
	[sflag:s28] =	ssyncadd.s32 $0xFFFF8000  }
0x332: {  	[hbm4b:s21+s3] =	stream.linear.scatter [tilespmem:s22], [sflag:$0x3], $0x8000, $0x38;
	[tilespmem:$0x10C00] =	vst v63  }
0x333: {  	_ =	swait.ge [sflag:s13], $0x8000  }
0x334: {  	[sflag:s13] =	ssyncset.done $0x0  }
0x335: {  	[sflag:s13] =	ssyncadd.s32 $0xFFFF8000  }
0x336: {  	v3 =	vld [tilespmem:$0x900];
	_ =	sdelay $0x4  }
0x337: {  	v60 =	vshll.u32 v3, $0x4  }
0x338: {  	v3 =	vand.u32 $0x7, v3;
	v4 =	vand.u32 $0xFFFFFF80, v60  }
0x339: {  	v3 =	vor.u32 v3, v4  }
0x33a: {  	v4 =	vperm.xlane v3, v0;
	_ =	sdelay $0x1  }
0x33b: {  	v4 =	vadd.s32 v1, v4;
	_ =	sdelay $0x4  }
0x33c: {  	[tilespmem:s22], [sflag:$0x1] =	stream.indirect_vreg.gather [hbm4b:s2+s3], $0x80, v4, vm0, $0xb8;
	[tilespmem:$0x10C00] =	vst v63  }
0x33d: {  	s23 =	simm.s32 $0x1400  }
0x33e: {  	[tilespmem:s23], [sflag:$0x1] =	stream.indirect_vreg.gather [hbm4b:s5+s3], $0x80, v4, vm0, $0xb8;
	[tilespmem:$0x10C00] =	vst v63  }
0x33f: {  	s24 =	simm.s32 $0x1C00  }
0x340: {  	[tilespmem:s24], [sflag:$0x1] =	stream.indirect_vreg.gather [hbm4b:s6+s3], $0x80, v4, vm0, $0xb8;
	[tilespmem:$0x10C00] =	vst v63  }
0x341: {  	s25 =	simm.s32 $0x2400  }
0x342: {  	[tilespmem:s25], [sflag:$0x1] =	stream.indirect_vreg.gather [hbm4b:s7+s3], $0x80, v4, vm0, $0xb8;
	[tilespmem:$0x10C00] =	vst v63  }
0x343: {  	s26 =	simm.s32 $0x2C00  }
0x344: {  	[tilespmem:s26], [sflag:$0x1] =	stream.indirect_vreg.gather [hbm4b:s8+s3], $0x80, v4, vm0, $0xb8;
	[tilespmem:$0x10C00] =	vst v63  }
0x345: {  	s30 =	simm.s32 $0x3400;
	v3 =	vperm.xlane v3, v2  }
0x346: {  	[tilespmem:s30], [sflag:$0x1] =	stream.indirect_vreg.gather [hbm4b:s9+s3], $0x80, v4, vm0, $0xb8;
	[tilespmem:$0x10C00] =	vst v63  }
0x347: {  	s0 =	simm.s32 $0x3C00;
	v3 =	vadd.s32 v1, v3  }
0x348: {  	[tilespmem:s0], [sflag:$0x1] =	stream.indirect_vreg.gather [hbm4b:s10+s3], $0x80, v4, vm0, $0xb8;
	[tilespmem:$0x10C00] =	vst v63  }
0x349: {  	s4 =	simm.s32 $0x4400  }
0x34a: {  	[tilespmem:s4], [sflag:$0x1] =	stream.indirect_vreg.gather [hbm4b:s11+s3], $0x80, v4, vm0, $0xb8;
	[tilespmem:$0x10C00] =	vst v63  }
0x34b: {  	s12 =	simm.s32 $0x4C00  }
0x34c: {  	[tilespmem:s12], [sflag:$0x1] =	stream.indirect_vreg.gather [hbm4b:s2+s3], $0x80, v3, vm0, $0xb8;
	[tilespmem:$0x10C00] =	vst v63  }
0x34d: {  	s14 =	simm.s32 $0x5400  }
0x34e: {  	[tilespmem:s14], [sflag:$0x1] =	stream.indirect_vreg.gather [hbm4b:s5+s3], $0x80, v3, vm0, $0xb8;
	[tilespmem:$0x10C00] =	vst v63  }
0x34f: {  	s15 =	simm.s32 $0x5C00  }
0x350: {  	[tilespmem:s15], [sflag:$0x1] =	stream.indirect_vreg.gather [hbm4b:s6+s3], $0x80, v3, vm0, $0xb8;
	[tilespmem:$0x10C00] =	vst v63  }
0x351: {  	s18 =	simm.s32 $0x6400  }
0x352: {  	[tilespmem:s18], [sflag:$0x1] =	stream.indirect_vreg.gather [hbm4b:s7+s3], $0x80, v3, vm0, $0xb8;
	[tilespmem:$0x10C00] =	vst v63  }
0x353: {  	s16 =	simm.s32 $0x6C00  }
0x354: {  	[tilespmem:s16], [sflag:$0x1] =	stream.indirect_vreg.gather [hbm4b:s8+s3], $0x80, v3, vm0, $0xb8;
	[tilespmem:$0x10C00] =	vst v63  }
0x355: {  	s19 =	simm.s32 $0x7400  }
0x356: {  	[tilespmem:s19], [sflag:$0x1] =	stream.indirect_vreg.gather [hbm4b:s9+s3], $0x80, v3, vm0, $0xb8;
	[tilespmem:$0x10C00] =	vst v63  }
0x357: {  	s21 =	simm.s32 $0x7C00  }
0x358: {  	[tilespmem:s21], [sflag:$0x1] =	stream.indirect_vreg.gather [hbm4b:s10+s3], $0x80, v3, vm0, $0xb8;
	[tilespmem:$0x10C00] =	vst v63  }
0x359: {  	s23 =	simm.s32 $0x8400  }
0x35a: {  	[tilespmem:s23], [sflag:$0x1] =	stream.indirect_vreg.gather [hbm4b:s11+s3], $0x80, v3, vm0, $0xb8;
	[tilespmem:$0x10C00] =	vst v63  }
0x35b: {  	_ =	swait.ge [sflag:s29], $0x8000  }
0x35c: {  	[sflag:s29] =	ssyncset.done $0x0  }
0x35d: {  	s24 =	rddreg [dreg:$0x14];
	[sflag:s29] =	ssyncadd.s32 $0xFFFF8000  }
0x35e: {  	[hbm4b:s24+s3] =	stream.linear.scatter [tilespmem:s31], [sflag:$0x3], $0x8000, $0x38;
	[tilespmem:$0x10C00] =	vst v63  }
0x35f: {  	_ =	swait.ge [sflag:s13], $0x8000  }
0x360: {  	[sflag:s13] =	ssyncset.done $0x0  }
0x361: {  	[sflag:s13] =	ssyncadd.s32 $0xFFFF8000  }
0x362: {  	v3 =	vld [tilespmem:$0x980];
	_ =	sdelay $0x4  }
0x363: {  	v61 =	vshll.u32 v3, $0x4  }
0x364: {  	v3 =	vand.u32 $0x7, v3;
	v4 =	vand.u32 $0xFFFFFF80, v61  }
0x365: {  	v3 =	vor.u32 v3, v4  }
0x366: {  	v4 =	vperm.xlane v3, v0;
	_ =	sdelay $0x1  }
0x367: {  	v4 =	vadd.s32 v1, v4;
	_ =	sdelay $0x4  }
0x368: {  	[tilespmem:s31], [sflag:$0x2] =	stream.indirect_vreg.gather [hbm4b:s2+s3], $0x80, v4, vm0, $0xb8;
	[tilespmem:$0x10C00] =	vst v63  }
0x369: {  	s25 =	simm.s32 $0x9400  }
0x36a: {  	[tilespmem:s25], [sflag:$0x2] =	stream.indirect_vreg.gather [hbm4b:s5+s3], $0x80, v4, vm0, $0xb8;
	[tilespmem:$0x10C00] =	vst v63  }
0x36b: {  	s17 =	simm.s32 $0x9C00  }
0x36c: {  	[tilespmem:s17], [sflag:$0x2] =	stream.indirect_vreg.gather [hbm4b:s6+s3], $0x80, v4, vm0, $0xb8;
	[tilespmem:$0x10C00] =	vst v63  }
0x36d: {  	s30 =	simm.s32 $0xA400  }
0x36e: {  	[tilespmem:s30], [sflag:$0x2] =	stream.indirect_vreg.gather [hbm4b:s7+s3], $0x80, v4, vm0, $0xb8;
	[tilespmem:$0x10C00] =	vst v63  }
0x36f: {  	s17 =	simm.s32 $0xAC00  }
0x370: {  	[tilespmem:s17], [sflag:$0x2] =	stream.indirect_vreg.gather [hbm4b:s8+s3], $0x80, v4, vm0, $0xb8;
	[tilespmem:$0x10C00] =	vst v63  }
0x371: {  	s24 =	simm.s32 $0xB400;
	v3 =	vperm.xlane v3, v2  }
0x372: {  	[tilespmem:s24], [sflag:$0x2] =	stream.indirect_vreg.gather [hbm4b:s9+s3], $0x80, v4, vm0, $0xb8;
	[tilespmem:$0x10C00] =	vst v63  }
0x373: {  	v3 =	vadd.s32 v1, v3;
	s25 =	simm.s32 $0xBC00  }
0x374: {  	[tilespmem:s25], [sflag:$0x2] =	stream.indirect_vreg.gather [hbm4b:s10+s3], $0x80, v4, vm0, $0xb8;
	[tilespmem:$0x10C00] =	vst v63  }
0x375: {  	s30 =	simm.s32 $0xC400  }
0x376: {  	[tilespmem:s30], [sflag:$0x2] =	stream.indirect_vreg.gather [hbm4b:s11+s3], $0x80, v4, vm0, $0xb8;
	[tilespmem:$0x10C00] =	vst v63  }
0x377: {  	s17 =	simm.s32 $0xCC00  }
0x378: {  	[tilespmem:s17], [sflag:$0x2] =	stream.indirect_vreg.gather [hbm4b:s2+s3], $0x80, v3, vm0, $0xb8;
	[tilespmem:$0x10C00] =	vst v63  }
0x379: {  	s24 =	simm.s32 $0xD400  }
0x37a: {  	[tilespmem:s24], [sflag:$0x2] =	stream.indirect_vreg.gather [hbm4b:s5+s3], $0x80, v3, vm0, $0xb8;
	[tilespmem:$0x10C00] =	vst v63  }
0x37b: {  	s25 =	simm.s32 $0xDC00  }
0x37c: {  	[tilespmem:s25], [sflag:$0x2] =	stream.indirect_vreg.gather [hbm4b:s6+s3], $0x80, v3, vm0, $0xb8;
	[tilespmem:$0x10C00] =	vst v63  }
0x37d: {  	s30 =	simm.s32 $0xE400  }
0x37e: {  	[tilespmem:s30], [sflag:$0x2] =	stream.indirect_vreg.gather [hbm4b:s7+s3], $0x80, v3, vm0, $0xb8;
	[tilespmem:$0x10C00] =	vst v63  }
0x37f: {  	s30 =	simm.s32 $0xEC00  }
0x380: {  	[tilespmem:s30], [sflag:$0x2] =	stream.indirect_vreg.gather [hbm4b:s8+s3], $0x80, v3, vm0, $0xb8;
	[tilespmem:$0x10C00] =	vst v63  }
0x381: {  	s30 =	simm.s32 $0xF400  }
0x382: {  	[tilespmem:s30], [sflag:$0x2] =	stream.indirect_vreg.gather [hbm4b:s9+s3], $0x80, v3, vm0, $0xb8;
	[tilespmem:$0x10C00] =	vst v63  }
0x383: {  	s30 =	simm.s32 $0xFC00  }
0x384: {  	[tilespmem:s30], [sflag:$0x2] =	stream.indirect_vreg.gather [hbm4b:s10+s3], $0x80, v3, vm0, $0xb8;
	[tilespmem:$0x10C00] =	vst v63  }
0x385: {  	s30 =	simm.s32 $0x10400  }
0x386: {  	[tilespmem:s30], [sflag:$0x2] =	stream.indirect_vreg.gather [hbm4b:s11+s3], $0x80, v3, vm0, $0xb8;
	[tilespmem:$0x10C00] =	vst v63  }
0x387: {  	_ =	swait.ge [sflag:s28], $0x8000  }
0x388: {  	[sflag:s28] =	ssyncset.done $0x0  }
0x389: {  	s0 =	rddreg [dreg:$0x15];
	[sflag:s28] =	ssyncadd.s32 $0xFFFF8000  }
0x38a: {  	[hbm4b:s0+s3] =	stream.linear.scatter [tilespmem:s22], [sflag:$0x3], $0x8000, $0x38;
	[tilespmem:$0x10C00] =	vst v63  }
0x38b: {  	_ =	swait.ge [sflag:s13], $0x8000  }
0x38c: {  	[sflag:s13] =	ssyncset.done $0x0  }
0x38d: {  	[sflag:s13] =	ssyncadd.s32 $0xFFFF8000  }
0x38e: {  	v3 =	vld [tilespmem:$0xA00];
	_ =	sdelay $0x4  }
0x38f: {  	v62 =	vshll.u32 v3, $0x4  }
0x390: {  	v3 =	vand.u32 $0x7, v3;
	v4 =	vand.u32 $0xFFFFFF80, v62  }
0x391: {  	v3 =	vor.u32 v3, v4  }
0x392: {  	v4 =	vperm.xlane v3, v0;
	_ =	sdelay $0x1  }
0x393: {  	v4 =	vadd.s32 v1, v4;
	_ =	sdelay $0x4  }
0x394: {  	[tilespmem:s22], [sflag:$0x1] =	stream.indirect_vreg.gather [hbm4b:s2+s3], $0x80, v4, vm0, $0xb8;
	[tilespmem:$0x10C00] =	vst v63  }
0x395: {  	s30 =	simm.s32 $0x1400  }
0x396: {  	[tilespmem:s30], [sflag:$0x1] =	stream.indirect_vreg.gather [hbm4b:s5+s3], $0x80, v4, vm0, $0xb8;
	[tilespmem:$0x10C00] =	vst v63  }
0x397: {  	s30 =	simm.s32 $0x1C00  }
0x398: {  	[tilespmem:s30], [sflag:$0x1] =	stream.indirect_vreg.gather [hbm4b:s6+s3], $0x80, v4, vm0, $0xb8;
	[tilespmem:$0x10C00] =	vst v63  }
0x399: {  	s30 =	simm.s32 $0x2400  }
0x39a: {  	[tilespmem:s30], [sflag:$0x1] =	stream.indirect_vreg.gather [hbm4b:s7+s3], $0x80, v4, vm0, $0xb8;
	[tilespmem:$0x10C00] =	vst v63  }
0x39b: {  	s30 =	simm.s32 $0x2C00  }
0x39c: {  	[tilespmem:s30], [sflag:$0x1] =	stream.indirect_vreg.gather [hbm4b:s8+s3], $0x80, v4, vm0, $0xb8;
	[tilespmem:$0x10C00] =	vst v63  }
0x39d: {  	v3 =	vperm.xlane v3, v2;
	s30 =	simm.s32 $0x3400  }
0x39e: {  	[tilespmem:s30], [sflag:$0x1] =	stream.indirect_vreg.gather [hbm4b:s9+s3], $0x80, v4, vm0, $0xb8;
	[tilespmem:$0x10C00] =	vst v63  }
0x39f: {  	s20 =	simm.s32 $0x3C00;
	v3 =	vadd.s32 v1, v3  }
0x3a0: {  	[tilespmem:s20], [sflag:$0x1] =	stream.indirect_vreg.gather [hbm4b:s10+s3], $0x80, v4, vm0, $0xb8;
	[tilespmem:$0x10C00] =	vst v63  }
0x3a1: {  	s26 =	simm.s32 $0x4400  }
0x3a2: {  	[tilespmem:s26], [sflag:$0x1] =	stream.indirect_vreg.gather [hbm4b:s11+s3], $0x80, v4, vm0, $0xb8;
	[tilespmem:$0x10C00] =	vst v63  }
0x3a3: {  	s1 =	simm.s32 $0x4C00  }
0x3a4: {  	[tilespmem:s1], [sflag:$0x1] =	stream.indirect_vreg.gather [hbm4b:s2+s3], $0x80, v3, vm0, $0xb8;
	[tilespmem:$0x10C00] =	vst v63  }
0x3a5: {  	s4 =	simm.s32 $0x5400  }
0x3a6: {  	[tilespmem:s4], [sflag:$0x1] =	stream.indirect_vreg.gather [hbm4b:s5+s3], $0x80, v3, vm0, $0xb8;
	[tilespmem:$0x10C00] =	vst v63  }
0x3a7: {  	s12 =	simm.s32 $0x5C00  }
0x3a8: {  	[tilespmem:s12], [sflag:$0x1] =	stream.indirect_vreg.gather [hbm4b:s6+s3], $0x80, v3, vm0, $0xb8;
	[tilespmem:$0x10C00] =	vst v63  }
0x3a9: {  	s14 =	simm.s32 $0x6400  }
0x3aa: {  	[tilespmem:s14], [sflag:$0x1] =	stream.indirect_vreg.gather [hbm4b:s7+s3], $0x80, v3, vm0, $0xb8;
	[tilespmem:$0x10C00] =	vst v63  }
0x3ab: {  	s15 =	simm.s32 $0x6C00  }
0x3ac: {  	[tilespmem:s15], [sflag:$0x1] =	stream.indirect_vreg.gather [hbm4b:s8+s3], $0x80, v3, vm0, $0xb8;
	[tilespmem:$0x10C00] =	vst v63  }
0x3ad: {  	s18 =	simm.s32 $0x7400  }
0x3ae: {  	[tilespmem:s18], [sflag:$0x1] =	stream.indirect_vreg.gather [hbm4b:s9+s3], $0x80, v3, vm0, $0xb8;
	[tilespmem:$0x10C00] =	vst v63  }
0x3af: {  	s19 =	simm.s32 $0x7C00  }
0x3b0: {  	[tilespmem:s19], [sflag:$0x1] =	stream.indirect_vreg.gather [hbm4b:s10+s3], $0x80, v3, vm0, $0xb8;
	[tilespmem:$0x10C00] =	vst v63  }
0x3b1: {  	s4 =	simm.s32 $0x8400  }
0x3b2: {  	[tilespmem:s4], [sflag:$0x1] =	stream.indirect_vreg.gather [hbm4b:s11+s3], $0x80, v3, vm0, $0xb8;
	[tilespmem:$0x10C00] =	vst v63  }
0x3b3: {  	s0 =	rddreg [dreg:$0x1a];
	_ =	swait.ge [sflag:s29], $0x8000  }
0x3b4: {  	[sflag:s29] =	ssyncset.done $0x0  }
0x3b5: {  	s12 =	rddreg [dreg:$0x16];
	[sflag:s29] =	ssyncadd.s32 $0xFFFF8000  }
0x3b6: {  	[hbm4b:s12+s3] =	stream.linear.scatter [tilespmem:s31], [sflag:$0x3], $0x8000, $0x38;
	[tilespmem:$0x10C00] =	vst v63  }
0x3b7: {  	_ =	swait.ge [sflag:s13], $0x8000  }
0x3b8: {  	[sflag:s13] =	ssyncset.done $0x0  }
0x3b9: {  	[sflag:s13] =	ssyncadd.s32 $0xFFFF8000  }
0x3ba: {  	v3 =	vld [tilespmem:$0xA80];
	_ =	sdelay $0x4  }
0x3bb: {  	v63 =	vshll.u32 v3, $0x4  }
0x3bc: {  	v3 =	vand.u32 $0x7, v3;
	v4 =	vand.u32 $0xFFFFFF80, v63  }
0x3bd: {  	v3 =	vor.u32 v3, v4  }
0x3be: {  	v4 =	vperm.xlane v3, v0;
	_ =	sdelay $0x1  }
0x3bf: {  	v4 =	vadd.s32 v1, v4;
	_ =	sdelay $0x4  }
0x3c0: {  	[tilespmem:s31], [sflag:$0x2] =	stream.indirect_vreg.gather [hbm4b:s2+s3], $0x80, v4, vm0, $0xb8;
	[tilespmem:$0x10C00] =	vst v63  }
0x3c1: {  	s21 =	simm.s32 $0x9400  }
0x3c2: {  	[tilespmem:s21], [sflag:$0x2] =	stream.indirect_vreg.gather [hbm4b:s5+s3], $0x80, v4, vm0, $0xb8;
	[tilespmem:$0x10C00] =	vst v63  }
0x3c3: {  	s16 =	simm.s32 $0x9C00  }
0x3c4: {  	[tilespmem:s16], [sflag:$0x2] =	stream.indirect_vreg.gather [hbm4b:s6+s3], $0x80, v4, vm0, $0xb8;
	[tilespmem:$0x10C00] =	vst v63  }
0x3c5: {  	s23 =	simm.s32 $0xA400  }
0x3c6: {  	[tilespmem:s23], [sflag:$0x2] =	stream.indirect_vreg.gather [hbm4b:s7+s3], $0x80, v4, vm0, $0xb8;
	[tilespmem:$0x10C00] =	vst v63  }
0x3c7: {  	s14 =	simm.s32 $0xAC00  }
0x3c8: {  	[tilespmem:s14], [sflag:$0x2] =	stream.indirect_vreg.gather [hbm4b:s8+s3], $0x80, v4, vm0, $0xb8;
	[tilespmem:$0x10C00] =	vst v63  }
0x3c9: {  	s15 =	simm.s32 $0xB400;
	v3 =	vperm.xlane v3, v2  }
0x3ca: {  	[tilespmem:s15], [sflag:$0x2] =	stream.indirect_vreg.gather [hbm4b:s9+s3], $0x80, v4, vm0, $0xb8;
	[tilespmem:$0x10C00] =	vst v63  }
0x3cb: {  	v3 =	vadd.s32 v1, v3;
	s16 =	simm.s32 $0xBC00  }
0x3cc: {  	[tilespmem:s16], [sflag:$0x2] =	stream.indirect_vreg.gather [hbm4b:s10+s3], $0x80, v4, vm0, $0xb8;
	[tilespmem:$0x10C00] =	vst v63  }
0x3cd: {  	s18 =	simm.s32 $0xC400  }
0x3ce: {  	[tilespmem:s18], [sflag:$0x2] =	stream.indirect_vreg.gather [hbm4b:s11+s3], $0x80, v4, vm0, $0xb8;
	[tilespmem:$0x10C00] =	vst v63  }
0x3cf: {  	s17 =	simm.s32 $0xCC00  }
0x3d0: {  	[tilespmem:s17], [sflag:$0x2] =	stream.indirect_vreg.gather [hbm4b:s2+s3], $0x80, v3, vm0, $0xb8;
	[tilespmem:$0x10C00] =	vst v63  }
0x3d1: {  	s24 =	simm.s32 $0xD400  }
0x3d2: {  	[tilespmem:s24], [sflag:$0x2] =	stream.indirect_vreg.gather [hbm4b:s5+s3], $0x80, v3, vm0, $0xb8;
	[tilespmem:$0x10C00] =	vst v63  }
0x3d3: {  	s25 =	simm.s32 $0xDC00  }
0x3d4: {  	[tilespmem:s25], [sflag:$0x2] =	stream.indirect_vreg.gather [hbm4b:s6+s3], $0x80, v3, vm0, $0xb8;
	[tilespmem:$0x10C00] =	vst v63  }
0x3d5: {  	s19 =	simm.s32 $0xE400  }
0x3d6: {  	[tilespmem:s19], [sflag:$0x2] =	stream.indirect_vreg.gather [hbm4b:s7+s3], $0x80, v3, vm0, $0xb8;
	[tilespmem:$0x10C00] =	vst v63  }
0x3d7: {  	s20 =	simm.s32 $0xEC00  }
0x3d8: {  	[tilespmem:s20], [sflag:$0x2] =	stream.indirect_vreg.gather [hbm4b:s8+s3], $0x80, v3, vm0, $0xb8;
	[tilespmem:$0x10C00] =	vst v63  }
0x3d9: {  	s21 =	simm.s32 $0xF400  }
0x3da: {  	[tilespmem:s21], [sflag:$0x2] =	stream.indirect_vreg.gather [hbm4b:s9+s3], $0x80, v3, vm0, $0xb8;
	[tilespmem:$0x10C00] =	vst v63  }
0x3db: {  	s23 =	simm.s32 $0xFC00  }
0x3dc: {  	[tilespmem:s23], [sflag:$0x2] =	stream.indirect_vreg.gather [hbm4b:s10+s3], $0x80, v3, vm0, $0xb8;
	[tilespmem:$0x10C00] =	vst v63  }
0x3dd: {  	s24 =	simm.s32 $0x10400  }
0x3de: {  	[tilespmem:s24], [sflag:$0x2] =	stream.indirect_vreg.gather [hbm4b:s11+s3], $0x80, v3, vm0, $0xb8;
	[tilespmem:$0x10C00] =	vst v63  }
0x3df: {  	_ =	swait.ge [sflag:s28], $0x8000  }
0x3e0: {  	[sflag:s28] =	ssyncset.done $0x0  }
0x3e1: {  	s25 =	rddreg [dreg:$0x17];
	[sflag:s28] =	ssyncadd.s32 $0xFFFF8000  }
0x3e2: {  	[hbm4b:s25+s3] =	stream.linear.scatter [tilespmem:s22], [sflag:$0x3], $0x8000, $0x38;
	[tilespmem:$0x10C00] =	vst v63  }
0x3e3: {  	_ =	swait.ge [sflag:s13], $0x8000  }
0x3e4: {  	[sflag:s13] =	ssyncset.done $0x0  }
0x3e5: {  	[sflag:s13] =	ssyncadd.s32 $0xFFFF8000  }
0x3e6: {  	_ =	swait.ge [sflag:s29], $0x8000  }
0x3e7: {  	p0 =	sne.s32 s0, $0x1;
	[sflag:s29] =	ssyncset.done $0x0  }
.Ltmp0:
0x3e8: {  	s26 =	rddreg [dreg:$0x18];
	[sflag:s29] =	ssyncadd.s32 $0xFFFF8000;
	(pc) =	sbr.rel @p0 .LBB2_1-.Ltmp0, $4  }
0x3e9: {  	[hbm4b:s26+s3] =	stream.linear.scatter [tilespmem:s31], [sflag:$0x3], $0x8000, $0x38;
	[tilespmem:$0x10C00] =	vst v63  }
0x3ea: {  	_ =	swait.ge [sflag:s13], $0x8000  }
0x3eb: {  	[sflag:s13] =	ssyncset.done $0x0  }
0x3ec: {  	s0 =	sadd.s32 $0xFFFFFFFF, s0;
	[sflag:s13] =	ssyncadd.s32 $0xFFFF8000  }
0x3ed: {  	_ =	sfence.sel $0x180000  }
0x3ee: {  	[bflag:$0x0] =	sbarrier.arrive $0xFFFF  }
0x3ef: {  	_ =	strace $0x9000004A  }
0x3f0: {  	s0 =	stileid.u32;
	[bflag:$0x2] =	sbarrier.arrive $0xFFFF  }
0x3f1: {  	p0 =	sne.s32 s0, $0x0;
	s0 =	rddreg [dreg:$0x2]  }
0x3f2: {  	s0 =	sadd.s32 @!p0 $0x100000, s0  }
0x3f3: {  	[sflag:s0] =	ssyncadd.tile.s32 @!p0 $0x1;
	_ =	shalt  }
.Lfunc_end2:
_tile_overlayer_lowered:
.L_overlay_start_2:
0x3f4: {  	(tag) =	ssettag $0x2  }
0x3f5: {  	s0 =	rddreg [dreg:$0x0];
	s2 =	stileid.u32  }
0x3f6: {  	s1 =	rddreg [dreg:$0x1];
	p0 =	sne.s32 s2, $0x0  }
0x3f7: {  	s3 =	rddreg [dreg:$0x2];
	[bflag:$0x3] =	sbarrier.arrive $0xFFFF;
	s2 =	simm.s32 @!p0 $0x1C03  }
0x3f8: {  	[timem:s3], [sflag:s2] =	dma.local @!p0 [hbm:s0], s1  }
0x3f9: {  	s0 =	simm.s32 @!p0 $0x3  }
0x3fa: {  	_ =	swait.ge @!p0 [sflag:s0], s1  }
0x3fb: {  	s1 =	ssub.s32 @!p0 $0x0, s1;
	[sflag:s0] =	ssyncset.done @!p0 $0x0  }
0x3fc: {  	[sflag:s0] =	ssyncadd.s32 @!p0 s1  }
0x3fd: {  	[bflag:$0x3] =	sbarrier.arrive $0xFFFF  }
0x3fe: {  	_ =	shalt  }

</sc_bundles>
